<compile_context>
chip_gen: v7x
topology: tpu7x:2x2x1
jax: 0.10.2.dev20260603
libtpu: 0.0.44.dev20260713+nightly
codegen_flags: <defaults>
</compile_context>

<pallas_src>
import functools

import jax
import jax.numpy as jnp
from jax import lax
from jax.experimental import pallas as pl
from jax.experimental.pallas import tpu as pltpu
from jax.experimental.pallas import tpu_sc as plsc

_Q, _K, _D = 1024, 16384, 256
_T, _H = 8, 16
_KOUT = 100
_OPAD = 112
_CAP = 256
_ROW = _CAP + 16
_NSUB = 32

_NEG = -1e9
_NINF = -3.0e38



def _codes_body(x_ref, wf_ref, bf_ref, p2_ref, code_ref):
    x = x_ref[...]
    proj = jnp.dot(x, wf_ref[...], preferred_element_type=jnp.float32)
    proj = proj + bf_ref[...]
    bits = (proj > 0).astype(jnp.float32)
    codef = jnp.dot(bits, p2_ref[...], preferred_element_type=jnp.float32)
    code_ref[...] = codef.astype(jnp.int32)


def _sims_body(q_ref, k_ref, o_ref):
    q = q_ref[...]
    for j in range(8):
        kb = k_ref[pl.ds(j * 128, 128), :]
        o_ref[:, j, :] = lax.dot_general(
            q, kb, (((1,), (1,)), ((), ())),
            preferred_element_type=jnp.float32)



def _iota16():
    return lax.iota(jnp.int32, 16)


def _scount(mask):
    return plsc.all_reduce_population_count(mask)[0]


def _sload(ref, i):
    return ref[pl.ds(i, 16)][0]


def _sstore(ref, i, val):
    old = ref[pl.ds(i, 16)]
    vv = jnp.full((16,), val)
    ref[pl.ds(i, 16)] = jnp.where(lax.iota(jnp.int32, 16) == 0, vv, old)


def _compact(m, payload):
    _, sv, _ = plsc.sort_key_val(lax.iota(jnp.int32, 16), payload, mask=m)
    return sv


def _match_body(cq_ref, ck_ref, pp_ref,
                qtab, nxt, qc, kc, hits, pp, sem):
    wid = lax.axis_index("s") * 2 + lax.axis_index("c")
    t = wid // 4
    quarter = wid % 4
    i16 = _iota16()
    neg16 = jnp.full((16,), -1, jnp.int32)

    pltpu.async_copy(cq_ref.at[pl.ds(t * _Q, _Q)],
                     qc.at[pl.ds(0, _Q)], sem).wait()
    pltpu.async_copy(ck_ref.at[pl.ds(t * _K + quarter * 4096, 4096)],
                     kc.at[pl.ds(0, 4096)], sem).wait()

    def zq(i, _):
        qtab[pl.ds(i * 16, 16)] = neg16
        return 0
    lax.fori_loop(0, 4096, zq, 0, unroll=8)

    def zpair(i, _):
        pp[pl.ds(i * 16, 16)] = neg16
        return 0
    lax.fori_loop(0, _ROW // 16, zpair, 0)

    def setbit(i, _):
        c = _sload(qc, i)
        _sstore(nxt, i, _sload(qtab, c))
        _sstore(qtab, c, i)
        return 0
    lax.fori_loop(0, _Q, setbit, 0)

    def scan(i, nh):
        k16 = kc[pl.ds(i * 16, 16)]
        wv = plsc.load_gather(qtab, [k16])
        hit = wv >= 0
        cnt = _scount(hit)

        @pl.when(cnt > 0)
        def _():
            hits[pl.ds(nh, 16)] = _compact(hit, i16 + i * 16)
        return nh + cnt
    nh = lax.fori_loop(0, 256, scan, 0)

    def per_hit(j, np_):
        hk = _sload(hits, j)
        ck = _sload(kc, hk)
        kg = hk + quarter * 4096

        def chain_cond(st):
            q, _n = st
            return q >= 0

        def chain_body(st):
            q, n = st
            _sstore(pp, jnp.minimum(n, _CAP), q * _K + kg)
            return _sload(nxt, q), n + 1
        _, np2 = lax.while_loop(chain_cond, chain_body,
                                (_sload(qtab, ck), np_))
        return np2
    lax.fori_loop(0, nh, per_hit, 0)

    pltpu.async_copy(pp, pp_ref.at[pl.ds(wid * _ROW, _ROW)], sem).wait()


def _select_body(pp_ref, sims_ref, ov_ref, oi_ref,
                 ap, myp, vals, rowidx, rows, buf2d, vbuf, cnt, shv, shp,
                 fl, fb, ovb, oib, sem):
    wid = lax.axis_index("s") * 2 + lax.axis_index("c")
    lo = wid * 32
    i16 = _iota16()
    zero16 = jnp.zeros((16,), jnp.int32)
    neg16 = jnp.full((16,), -1, jnp.int32)
    ninf16 = jnp.full((16,), _NINF, jnp.float32)
    negv16 = jnp.full((16,), _NEG, jnp.float32)

    with jax.named_scope("b_dma"):
        pltpu.async_copy(pp_ref, ap, sem).wait()

    def zinit(i, _):
        myp[pl.ds(i * 16, 16)] = neg16
        rowidx[pl.ds(i * 16, 16)] = i16 + i * 16
        return 0
    lax.fori_loop(0, _ROW // 16, zinit, 0)

    plo = lo * _K
    phi = (lo + 32) * _K

    def filt(c, np_):
        ps = ap[pl.ds(c * 16, 16)]
        m = (ps >= plo) & (ps < phi)
        myp[pl.ds(jnp.minimum(np_, _CAP), 16)] = _compact(m, ps)
        return np_ + _scount(m)
    with jax.named_scope("b_filt"):
        np_ = lax.fori_loop(0, _NSUB * _ROW // 16, filt, 0, unroll=4)
    tail = jnp.minimum(np_, _CAP)
    myp[pl.ds(tail, 16)] = neg16
    nch = (tail + 15) // 16

    def rowix(c, _):
        ps = myp[pl.ds(c * 16, 16)]
        r = jnp.where(ps >= 0, (ps >> 14) * 128 + ((ps & 16383) >> 7),
                      i16 + c * 16)
        rowidx[pl.ds(c * 16, 16)] = r
        return 0

    with jax.named_scope("b_rowix"):
        lax.fori_loop(0, nch, rowix, 0)
    for j in range(_CAP // 16):
        @pl.when(j * 16 < tail)
        def _issue(j=j):
            pltpu.async_copy(
                sims_ref.at[rowidx.at[pl.ds(j * 16, 16)]],
                rows.at[pl.ds(j * 16, 16)], sem)
    with jax.named_scope("b_gather"):
        for j in range(_CAP // 16):
            @pl.when(j * 16 < tail)
            def _drain(j=j):
                pltpu.make_async_copy(
                    sims_ref.at[rowidx.at[pl.ds(j * 16, 16)]],
                    rows.at[pl.ds(j * 16, 16)], sem).wait()

    def getval(c, _):
        pi = i16 + c * 16
        ps = myp[pl.ds(c * 16, 16)]
        v = plsc.load_gather(rows, [pi, ps & 127])
        vals[pl.ds(c * 16, 16)] = jnp.where(ps >= 0, v, ninf16)
        return 0
    lax.fori_loop(0, nch, getval, 0)

    def zcnt(i, _):
        cnt[pl.ds(i * 16, 16)] = zero16
        return 0
    lax.fori_loop(0, 3, zcnt, 0)

    def bpass(i, _):
        p = _sload(myp, i)
        lq = (p >> 14) - lo
        cv = _sload(cnt, lq)
        slot = lq * 16 + jnp.minimum(cv, 15)
        _sstore(buf2d, slot, p)
        _sstore(vbuf, slot, _sload(vals, i))
        _sstore(cnt, lq, cv + 1)
        return 0
    with jax.named_scope("b_bpass"):
        lax.fori_loop(0, jnp.minimum(np_, _CAP), bpass, 0)

    def per_query(lq, _):
        gq = lo + lq
        base = lq * _OPAD
        qlo = gq * _K
        qhi = qlo + _K

        c0 = _sload(cnt, lq)
        kv = buf2d[pl.ds(lq * 16, 16)]
        vv = vbuf[pl.ds(lq * 16, 16)]
        valid = i16 < c0
        sk, sp, _om = plsc.sort_key_val(vv, kv, mask=valid, descending=True)
        shv[pl.ds(0, 16)] = jnp.full((16,), 3.0e38, jnp.float32)
        shv[pl.ds(1, 16)] = sk
        shp[pl.ds(0, 16)] = neg16
        shp[pl.ds(1, 16)] = sp
        prevv = shv[pl.ds(0, 16)]
        prevp = shp[pl.ds(0, 16)]
        tie = valid & (sk == prevv) & (sp != prevp)
        dup = valid & (sp == prevp)
        keep = valid & (~dup)
        kk16 = sp & 16383
        anytie = _scount(tie) > 0
        anysmall = _scount(keep & (kk16 < 256)) > 0
        fastok = (c0 <= 16) & (~anytie) & (~anysmall)

        @pl.when(fastok)
        def _fast_q():
            e = _scount(keep)
            oib[pl.ds(base, 16)] = _compact(keep, kk16)
            ovb[pl.ds(base, 16)] = _compact(keep, sk)
            need = _KOUT - e
            for c2 in range(7):
                sl = i16 + c2 * 16
                m = sl < need
                dst = base + e + c2 * 16
                oldi = oib[pl.ds(dst, 16)]
                oldv = ovb[pl.ds(dst, 16)]
                oib[pl.ds(dst, 16)] = jnp.where(m, sl, oldi)
                ovb[pl.ds(dst, 16)] = jnp.where(m, negv16, oldv)

        @pl.when(~fastok)
        def _slow_q():
            _slow_query(lq)
        return 0

    def _slow_query(lq):
        gq = lo + lq
        base = lq * _OPAD
        qlo = gq * _K
        qhi = qlo + _K

        def sel_cond(st):
            e, bkmin, bv, bk = st
            return (e < _KOUT) & (bv > jnp.float32(-1e30))

        def find_best(_ignored):
            def cmax(c, acc):
                ps = myp[pl.ds(c * 16, 16)]
                vs = vals[pl.ds(c * 16, 16)]
                m = (ps >= qlo) & (ps < qhi)
                return jnp.maximum(acc, jnp.where(m, vs, ninf16))
            bvv = lax.fori_loop(0, nch, cmax, ninf16)
            bv = lax.reduce_max_p.bind(bvv, axes=(0,))
            bvx = jnp.full((16,), bv, jnp.float32)

            def cmin(c, acc):
                ps = myp[pl.ds(c * 16, 16)]
                vs = vals[pl.ds(c * 16, 16)]
                m = (ps >= qlo) & (ps < qhi) & (vs == bvx)
                return jnp.minimum(acc, jnp.where(m, ps, 1 << 30))
            bpv = lax.fori_loop(0, nch, cmin, jnp.full((16,), 1 << 30, jnp.int32))
            bp = lax.reduce_min_p.bind(bpv, axes=(0,))
            return bv, bp

        def sel_body(st):
            e, bkmin, bv, bp = st
            bk = bp & 16383
            _sstore(oib, base + e, bk)
            _sstore(ovb, base + e, bv)
            bkmin = jnp.minimum(bkmin, bk)
            bpx = jnp.full((16,), bp, jnp.int32)

            def consume(c, _c):
                m = myp[pl.ds(c * 16, 16)] == bpx
                vc = vals[pl.ds(c * 16, 16)]
                vals[pl.ds(c * 16, 16)] = jnp.where(m, ninf16, vc)
                return 0
            lax.fori_loop(0, nch, consume, 0)
            nbv, nbp = find_best(0)
            return e + 1, bkmin, nbv, nbp

        bv0, bp0 = find_best(0)
        e, bkmin, _, _ = lax.while_loop(
            sel_cond, sel_body, (0, 1 << 30, bv0, bp0))

        @pl.when(e < _KOUT)
        def _fill():
            need = _KOUT - e

            @pl.when(bkmin >= 256)
            def _fast():
                def fout(c, _c):
                    sl = i16 + c * 16
                    m = sl < need
                    dst = base + e + c * 16
                    oldi = oib[pl.ds(dst, 16)]
                    oldv = ovb[pl.ds(dst, 16)]
                    oib[pl.ds(dst, 16)] = jnp.where(m, sl, oldi)
                    ovb[pl.ds(dst, 16)] = jnp.where(m, negv16, oldv)
                    return 0
                lax.fori_loop(0, (need + 15) // 16, fout, 0)

            @pl.when(bkmin < 256)
            def _slow():
                def zfl(c, _c):
                    fl[pl.ds(c * 16, 16)] = zero16
                    return 0
                lax.fori_loop(0, 16, zfl, 0)

                def setfl(j, _c):
                    kk = _sload(oib, base + j)

                    @pl.when(kk < 256)
                    def _s():
                        _sstore(fl, kk, 1)
                    return 0
                lax.fori_loop(0, e, setfl, 0)

                def fcomp(c, nf):
                    m = fl[pl.ds(c * 16, 16)] == 0
                    fb[pl.ds(nf, 16)] = _compact(m, i16 + c * 16)
                    return nf + _scount(m)
                lax.fori_loop(0, 16, fcomp, 0)

                def fout(c, _c):
                    sl = i16 + c * 16
                    m = sl < need
                    dst = base + e + c * 16
                    oldi = oib[pl.ds(dst, 16)]
                    oldv = ovb[pl.ds(dst, 16)]
                    oib[pl.ds(dst, 16)] = jnp.where(m, fb[pl.ds(c * 16, 16)],
                                                    oldi)
                    ovb[pl.ds(dst, 16)] = jnp.where(m, negv16, oldv)
                    return 0
                lax.fori_loop(0, (need + 15) // 16, fout, 0)
        return 0
    with jax.named_scope("b_pq"):
        lax.fori_loop(0, 32, per_query, 0)

    pltpu.async_copy(ovb.at[pl.ds(0, 32 * _OPAD)],
                     ov_ref.at[pl.ds(lo * _OPAD, 32 * _OPAD)], sem).wait()
    pltpu.async_copy(oib.at[pl.ds(0, 32 * _OPAD)],
                     oi_ref.at[pl.ds(lo * _OPAD, 32 * _OPAD)], sem).wait()



def kernel(queries, keys, W, b, max_candidates=100):
    del max_candidates
    wf = W.transpose(1, 0, 2).reshape(_D, _T * _H)
    bf = b.reshape(1, _T * _H)
    row = lax.broadcasted_iota(jnp.int32, (_T * _H, _T), 0)
    col = lax.broadcasted_iota(jnp.int32, (_T * _H, _T), 1)
    p2 = jnp.where(row // _H == col,
                   (2.0 ** (row % _H).astype(jnp.float32)), 0.0)
    x = jnp.concatenate([queries, keys], axis=0)
    n = _Q + _K

    codes = pl.pallas_call(
        _codes_body,
        grid=(n // 1024,),
        in_specs=[
            pl.BlockSpec((1024, _D), lambda i: (i, 0)),
            pl.BlockSpec((_D, _T * _H), lambda i: (0, 0)),
            pl.BlockSpec((1, _T * _H), lambda i: (0, 0)),
            pl.BlockSpec((_T * _H, _T), lambda i: (0, 0)),
        ],
        out_specs=pl.BlockSpec((1024, _T), lambda i: (i, 0)),
        out_shape=jax.ShapeDtypeStruct((n, _T), jnp.int32),
    )(x, wf, bf, p2)

    sims = pl.pallas_call(
        _sims_body,
        grid=(_K // 1024,),
        in_specs=[
            pl.BlockSpec((_Q, _D), lambda i: (0, 0)),
            pl.BlockSpec((1024, _D), lambda i: (i, 0)),
        ],
        out_specs=pl.BlockSpec((_Q, 8, 128), lambda i: (0, i, 0)),
        out_shape=jax.ShapeDtypeStruct((_Q, 128, 128), jnp.float32),
    )(queries, keys)

    code_q = codes[:_Q].T.reshape(_T * _Q)
    code_k = codes[_Q:].T.reshape(_T * _K)

    mesh = plsc.VectorSubcoreMesh(core_axis_name="c", subcore_axis_name="s")

    (pairs_p,) = pl.kernel(
        _match_body,
        mesh=mesh,
        compiler_params=pltpu.CompilerParams(needs_layout_passes=False),
        out_type=[
            jax.ShapeDtypeStruct((_NSUB * _ROW,), jnp.int32),
        ],
        scratch_types=[
            pltpu.VMEM((65536 + 16,), jnp.int32),
            pltpu.VMEM((_Q + 16,), jnp.int32),
            pltpu.VMEM((_Q + 16,), jnp.int32),
            pltpu.VMEM((4096 + 16,), jnp.int32),
            pltpu.VMEM((4096 + 16,), jnp.int32),
            pltpu.VMEM((_ROW,), jnp.int32),
            pltpu.SemaphoreType.DMA,
        ],
    )(code_q, code_k)

    simsv = sims.reshape(_Q * _K // 128, 128)

    ov, oi = pl.kernel(
        _select_body,
        mesh=mesh,
        compiler_params=pltpu.CompilerParams(needs_layout_passes=False),
        out_type=[
            jax.ShapeDtypeStruct((_Q * _OPAD,), jnp.float32),
            jax.ShapeDtypeStruct((_Q * _OPAD,), jnp.int32),
        ],
        scratch_types=[
            pltpu.VMEM((_NSUB * _ROW,), jnp.int32),
            pltpu.VMEM((_ROW,), jnp.int32),
            pltpu.VMEM((_ROW,), jnp.float32),
            pltpu.VMEM((_ROW,), jnp.int32),
            pltpu.VMEM((_CAP, 128), jnp.float32),
            pltpu.VMEM((512 + 16,), jnp.int32),
            pltpu.VMEM((512 + 16,), jnp.float32),
            pltpu.VMEM((48,), jnp.int32),
            pltpu.VMEM((48,), jnp.float32),
            pltpu.VMEM((48,), jnp.int32),
            pltpu.VMEM((256 + 16,), jnp.int32),
            pltpu.VMEM((256 + 16,), jnp.int32),
            pltpu.VMEM((32 * _OPAD + 16,), jnp.float32),
            pltpu.VMEM((32 * _OPAD + 16,), jnp.int32),
            pltpu.SemaphoreType.DMA,
        ],
    )(pairs_p, simsv)

    vals = ov.reshape(_Q, _OPAD)[:, :_KOUT]
    idx = oi.reshape(_Q, _OPAD)[:, :_KOUT]
    return vals, idx

# --- scband reference (transcript-rebuilt; emitter-appended) ---
"""Pipeline reference for scband-pattern-index-45681272160868 (READ-ONLY COPY).

The authoritative reference and input builder live on the scoring server;
editing this copy changes nothing except your own understanding.
"""

import jax, jax.numpy as jnp
import numpy as np

Q, K, D = 1024, 16384, 256
T, H = 8, 16
MAX_CANDIDATES = 100


def setup_inputs(seed: int = 0) -> dict:
    key = jax.random.key(seed)
    k1, k2, k3, k4 = jax.random.split(key, 4)
    queries = jax.random.normal(k1, (Q, D), dtype=jnp.float32)
    keys = jax.random.normal(k2, (K, D), dtype=jnp.float32)
    # learned hash projections: T separate Linear(pattern_dim -> hash_dim)
    W = jax.random.normal(k3, (T, D, H), dtype=jnp.float32) / np.sqrt(D)
    b = jax.random.normal(k4, (T, H), dtype=jnp.float32) * 0.01
    return {"queries": queries, "keys": keys, "W": W, "b": b, "max_candidates": MAX_CANDIDATES}


def _hash_codes(x, W, b):
    # batched version of PatternIndex.compute_hash: linear projection, sign binarize,
    # pack bits into an integer code: sum(b_i * 2**i)
    proj = jnp.einsum('nd,tdh->tnh', x, W) + b[:, None, :]  # [T, N, H]
    bits = (proj > 0).astype(jnp.int32)
    powers = (2 ** jnp.arange(H, dtype=jnp.int32))
    return jnp.sum(bits * powers, axis=-1)  # [T, N]


def reference(queries, keys, W, b, max_candidates=MAX_CANDIDATES):
    # hash codes for queries and all indexed patterns (insert + query paths)
    code_q = _hash_codes(queries, W, b)  # [T, Q]
    code_k = _hash_codes(keys, W, b)     # [T, K]
    # a key is a candidate for a query if any hash table bucket matches
    match = jnp.any(code_q[:, :, None] == code_k[:, None, :], axis=0)  # [Q, K] bool
    # rank candidates by inner-product similarity, take top max_candidates
    sims = queries @ keys.T  # [Q, K]
    masked = jnp.where(match, sims, jnp.float32(-1e9))
    masked = masked + jnp.asarray(max_candidates, jnp.float32) * jnp.float32(0)
    vals, idx = jax.lax.top_k(masked, MAX_CANDIDATES)  # [Q, max_candidates]
    return vals, idx

if __name__ == "__main__":
    import jax
    _d = setup_inputs()
    print(jax.jit(kernel)(*tuple(_d.values())))

</pallas_src>

<mosaic_0001>
#map = affine_map<(d0, d1) -> (0)>
#map1 = affine_map<(d0, d1) -> (0, 0)>
module attributes {stable_mosaic.version = 14 : i64} {
  func.func @_select_body(%arg0: i32, %arg1: i32, %arg2: memref<8704xi32, #tpu.memory_space<hbm>>, %arg3: memref<131072x128xf32, #tpu.memory_space<hbm>>, %arg4: memref<114688xf32, #tpu.memory_space<hbm>>, %arg5: memref<114688xi32, #tpu.memory_space<hbm>>, %arg6: memref<8704xi32, #tpu.memory_space<vmem>>, %arg7: memref<272xi32, #tpu.memory_space<vmem>>, %arg8: memref<272xf32, #tpu.memory_space<vmem>>, %arg9: memref<272xi32, #tpu.memory_space<vmem>>, %arg10: memref<256x128xf32, #tpu.memory_space<vmem>>, %arg11: memref<528xi32, #tpu.memory_space<vmem>>, %arg12: memref<528xf32, #tpu.memory_space<vmem>>, %arg13: memref<48xi32, #tpu.memory_space<vmem>>, %arg14: memref<48xf32, #tpu.memory_space<vmem>>, %arg15: memref<48xi32, #tpu.memory_space<vmem>>, %arg16: memref<272xi32, #tpu.memory_space<vmem>>, %arg17: memref<272xi32, #tpu.memory_space<vmem>>, %arg18: memref<3600xf32, #tpu.memory_space<vmem>>, %arg19: memref<3600xi32, #tpu.memory_space<vmem>>, %arg20: memref<!tpu.dma_semaphore, #tpu.memory_space<semaphore_mem>>) attributes {dimension_semantics = [#tpu.dimension_semantics<core_parallel>, #tpu.dimension_semantics<subcore_parallel>], iteration_bounds = array<i64: 2, 16>, scalar_prefetch = 0 : i64, scratch_operands = 15 : i64, tpu.core_type = #tpu.core_type<sc_vector_subcore>, window_params = [{transform_indices = #map}, {transform_indices = #map1}, {transform_indices = #map}, {transform_indices = #map}]} {
    %mul3A = arith.constant 2 : i32
    %mul3A_0 = arith.muli %arg1, %mul3A : i32
    %add3A = arith.addi %mul3A_0, %arg0 : i32
    %mul3A_1 = arith.constant 32 : i32
    %mul3A_2 = arith.muli %add3A, %mul3A_1 : i32
    %iota3A = tpu.iota {dimensions = array<i32: 0>} : vector<16xi32>
    %broadcast_in_dim3A = arith.constant 0 : i32
    %broadcast_in_dim3A_3 = vector.broadcast %broadcast_in_dim3A : i32 to vector<16xi32>
    %broadcast_in_dim3A_4 = arith.constant -1 : i32
    %broadcast_in_dim3A_5 = vector.broadcast %broadcast_in_dim3A_4 : i32 to vector<16xi32>
    %broadcast_in_dim3A_6 = arith.constant -3.000000e+38 : f32
    %broadcast_in_dim3A_7 = vector.broadcast %broadcast_in_dim3A_6 : f32 to vector<16xf32>
    %broadcast_in_dim3A_8 = arith.constant -1.000000e+09 : f32
    %broadcast_in_dim3A_9 = vector.broadcast %broadcast_in_dim3A_8 : f32 to vector<16xf32>
    "tpu.trace_start"() <{level = 10 : i32, message = "b_dma"}> : () -> ()
    tpu.enqueue_dma source(%arg2 : memref<8704xi32, #tpu.memory_space<hbm>>) target(%arg6 : memref<8704xi32, #tpu.memory_space<vmem>>) target_semaphore(%arg20 : memref<!tpu.dma_semaphore, #tpu.memory_space<semaphore_mem>>)
    tpu.wait_dma2 semaphore(%arg20 : memref<!tpu.dma_semaphore, #tpu.memory_space<semaphore_mem>>) src(%arg2 : memref<8704xi32, #tpu.memory_space<hbm>>) dst(%arg6 : memref<8704xi32, #tpu.memory_space<vmem>>)
    "tpu.trace_stop"() : () -> ()
    %scan3A = arith.constant 0 : i32
    %scan3A_10 = arith.constant 0 : i32
    %scan3A_11 = arith.constant 17 : i32
    %scan3A_12 = arith.addi %scan3A_10, %scan3A_11 : i32
    %scan3A_13 = arith.constant 1 : i32
    %scan3A_14 = scf.for %scan3A_283 = %scan3A_10 to %scan3A_12 step %scan3A_13 iter_args(%scan3A_284 = %scan3A) -> (i32)  : i32 {
      %mul3A_285 = arith.constant 16 : i32
      %mul3A_286 = arith.muli %scan3A_283, %mul3A_285 : i32
      %swap3A_287 = arith.index_cast %mul3A_286 : i32 to index
      %swap3A_288 = tpu.vector_load %arg7[%swap3A_287] {strides = array<i32>} : memref<272xi32, #tpu.memory_space<vmem>>, vector<16xi32>,
      tpu.vector_store %arg7[%swap3A_287], %broadcast_in_dim3A_5 {strides = array<i32>} : memref<272xi32, #tpu.memory_space<vmem>>, vector<16xi32>,
      %mul3A_289 = arith.constant 16 : i32
      %mul3A_290 = arith.muli %scan3A_283, %mul3A_289 : i32
      %add3A_291 = vector.broadcast %mul3A_290 : i32 to vector<16xi32>
      %add3A_292 = arith.addi %iota3A, %add3A_291 : vector<16xi32>
      %mul3A_293 = arith.constant 16 : i32
      %mul3A_294 = arith.muli %scan3A_283, %mul3A_293 : i32
      %swap3A_295 = arith.index_cast %mul3A_294 : i32 to index
      %swap3A_296 = tpu.vector_load %arg9[%swap3A_295] {strides = array<i32>} : memref<272xi32, #tpu.memory_space<vmem>>, vector<16xi32>,
      tpu.vector_store %arg9[%swap3A_295], %add3A_292 {strides = array<i32>} : memref<272xi32, #tpu.memory_space<vmem>>, vector<16xi32>,
      %scan3A_297 = arith.constant 0 : i32
      scf.yield %scan3A_297 : i32
    }
    %scan3A_15 = arith.constant 17 : i32
    %mul3A_16 = arith.constant 16384 : i32
    %mul3A_17 = arith.muli %mul3A_2, %mul3A_16 : i32
    %add3A_18 = arith.constant 32 : i32
    %add3A_19 = arith.addi %mul3A_2, %add3A_18 : i32
    %mul3A_20 = arith.constant 16384 : i32
    %mul3A_21 = arith.muli %add3A_19, %mul3A_20 : i32
    "tpu.trace_start"() <{level = 10 : i32, message = "b_filt"}> : () -> ()
    %scan3A_22 = arith.constant 0 : i32
    %scan3A_23 = arith.constant 0 : i32
    %scan3A_24 = arith.constant 544 : i32
    %scan3A_25 = arith.addi %scan3A_23, %scan3A_24 : i32
    %scan3A_26 = arith.constant 4 : i32
    %scan3A_27 = scf.for %scan3A_283 = %scan3A_23 to %scan3A_25 step %scan3A_26 iter_args(%scan3A_284 = %scan3A_22) -> (i32)  : i32 {
      %mul3A_285 = arith.constant 16 : i32
      %mul3A_286 = arith.muli %scan3A_283, %mul3A_285 : i32
      %get3A = arith.index_cast %mul3A_286 : i32 to index
      %get3A_287 = tpu.vector_load %arg6[%get3A] {strides = array<i32>} : memref<8704xi32, #tpu.memory_space<vmem>>, vector<16xi32>,
      %ge3A = vector.broadcast %mul3A_17 : i32 to vector<16xi32>
      %ge3A_288 = arith.cmpi sge, %get3A_287, %ge3A : vector<16xi32>
      %lt3A = vector.broadcast %mul3A_21 : i32 to vector<16xi32>
      %lt3A_289 = arith.cmpi slt, %get3A_287, %lt3A : vector<16xi32>
      %and3A_290 = arith.andi %ge3A_288, %lt3A_289 : vector<16xi1>
      %iota3A_291 = tpu.iota {dimensions = array<i32: 0>} : vector<16xi32>
      %masked_sort3A = arith.constant -2147483648 : i32
      %masked_sort3A_292 = vector.broadcast %masked_sort3A : i32 to vector<16xi32>
      %masked_sort3A_293 = arith.xori %iota3A_291, %masked_sort3A_292 : vector<16xi32>
      %masked_sort3A_294, %masked_sort3A_295, %masked_sort3A_296 = tpu.sort %masked_sort3A_293, %get3A_287 masked %and3A_290 : (vector<16xi32>, vector<16xi32>, vector<16xi1>) -> (vector<16xi1>, vector<16xi32>, vector<16xi32>)
      %masked_sort3A_297 = arith.xori %masked_sort3A_295, %masked_sort3A_292 : vector<16xi32>
      %min3A_298 = arith.constant 256 : i32
      %min3A_299 = arith.minsi %scan3A_284, %min3A_298 : i32
      %swap3A_300 = arith.index_cast %min3A_299 : i32 to index
      %swap3A_301 = tpu.vector_load %arg7[%swap3A_300] {strides = array<i32>} : memref<272xi32, #tpu.memory_space<vmem>>, vector<16xi32>,
      tpu.vector_store %arg7[%swap3A_300], %masked_sort3A_296 {strides = array<i32>} : memref<272xi32, #tpu.memory_space<vmem>>, vector<16xi32>,
      %all_reduce_population_count3A = tpu.all_reduce %and3A_290 {dim = 0 : i64, kind = #tpu.reduction_kind<sum>} : vector<16xi1> -> vector<16xi32>
      %slice3A = vector.extract_strided_slice %all_reduce_population_count3A {offsets = [0], sizes = [1], strides = [1]} : vector<16xi32> to vector<1xi32>
      %squeeze3A = vector.extract %slice3A[0] : i32 from vector<1xi32>
      %add3A_302 = arith.addi %scan3A_284, %squeeze3A : i32
      %scan3A_303 = arith.constant 1 : i32
      %scan3A_304 = arith.addi %scan3A_283, %scan3A_303 : i32
      %mul3A_305 = arith.constant 16 : i32
      %mul3A_306 = arith.muli %scan3A_304, %mul3A_305 : i32
      %get3A_307 = arith.index_cast %mul3A_306 : i32 to index
      %get3A_308 = tpu.vector_load %arg6[%get3A_307] {strides = array<i32>} : memref<8704xi32, #tpu.memory_space<vmem>>, vector<16xi32>,
      %ge3A_309 = vector.broadcast %mul3A_17 : i32 to vector<16xi32>
      %ge3A_310 = arith.cmpi sge, %get3A_308, %ge3A_309 : vector<16xi32>
      %lt3A_311 = vector.broadcast %mul3A_21 : i32 to vector<16xi32>
      %lt3A_312 = arith.cmpi slt, %get3A_308, %lt3A_311 : vector<16xi32>
      %and3A_313 = arith.andi %ge3A_310, %lt3A_312 : vector<16xi1>
      %iota3A_314 = tpu.iota {dimensions = array<i32: 0>} : vector<16xi32>
      %masked_sort3A_315 = arith.constant -2147483648 : i32
      %masked_sort3A_316 = vector.broadcast %masked_sort3A_315 : i32 to vector<16xi32>
      %masked_sort3A_317 = arith.xori %iota3A_314, %masked_sort3A_316 : vector<16xi32>
      %masked_sort3A_318, %masked_sort3A_319, %masked_sort3A_320 = tpu.sort %masked_sort3A_317, %get3A_308 masked %and3A_313 : (vector<16xi32>, vector<16xi32>, vector<16xi1>) -> (vector<16xi1>, vector<16xi32>, vector<16xi32>)
      %masked_sort3A_321 = arith.xori %masked_sort3A_319, %masked_sort3A_316 : vector<16xi32>
      %min3A_322 = arith.constant 256 : i32
      %min3A_323 = arith.minsi %add3A_302, %min3A_322 : i32
      %swap3A_324 = arith.index_cast %min3A_323 : i32 to index
      %swap3A_325 = tpu.vector_load %arg7[%swap3A_324] {strides = array<i32>} : memref<272xi32, #tpu.memory_space<vmem>>, vector<16xi32>,
      tpu.vector_store %arg7[%swap3A_324], %masked_sort3A_320 {strides = array<i32>} : memref<272xi32, #tpu.memory_space<vmem>>, vector<16xi32>,
      %all_reduce_population_count3A_326 = tpu.all_reduce %and3A_313 {dim = 0 : i64, kind = #tpu.reduction_kind<sum>} : vector<16xi1> -> vector<16xi32>
      %slice3A_327 = vector.extract_strided_slice %all_reduce_population_count3A_326 {offsets = [0], sizes = [1], strides = [1]} : vector<16xi32> to vector<1xi32>
      %squeeze3A_328 = vector.extract %slice3A_327[0] : i32 from vector<1xi32>
      %add3A_329 = arith.addi %add3A_302, %squeeze3A_328 : i32
      %scan3A_330 = arith.constant 2 : i32
      %scan3A_331 = arith.addi %scan3A_283, %scan3A_330 : i32
      %mul3A_332 = arith.constant 16 : i32
      %mul3A_333 = arith.muli %scan3A_331, %mul3A_332 : i32
      %get3A_334 = arith.index_cast %mul3A_333 : i32 to index
      %get3A_335 = tpu.vector_load %arg6[%get3A_334] {strides = array<i32>} : memref<8704xi32, #tpu.memory_space<vmem>>, vector<16xi32>,
      %ge3A_336 = vector.broadcast %mul3A_17 : i32 to vector<16xi32>
      %ge3A_337 = arith.cmpi sge, %get3A_335, %ge3A_336 : vector<16xi32>
      %lt3A_338 = vector.broadcast %mul3A_21 : i32 to vector<16xi32>
      %lt3A_339 = arith.cmpi slt, %get3A_335, %lt3A_338 : vector<16xi32>
      %and3A_340 = arith.andi %ge3A_337, %lt3A_339 : vector<16xi1>
      %iota3A_341 = tpu.iota {dimensions = array<i32: 0>} : vector<16xi32>
      %masked_sort3A_342 = arith.constant -2147483648 : i32
      %masked_sort3A_343 = vector.broadcast %masked_sort3A_342 : i32 to vector<16xi32>
      %masked_sort3A_344 = arith.xori %iota3A_341, %masked_sort3A_343 : vector<16xi32>
      %masked_sort3A_345, %masked_sort3A_346, %masked_sort3A_347 = tpu.sort %masked_sort3A_344, %get3A_335 masked %and3A_340 : (vector<16xi32>, vector<16xi32>, vector<16xi1>) -> (vector<16xi1>, vector<16xi32>, vector<16xi32>)
      %masked_sort3A_348 = arith.xori %masked_sort3A_346, %masked_sort3A_343 : vector<16xi32>
      %min3A_349 = arith.constant 256 : i32
      %min3A_350 = arith.minsi %add3A_329, %min3A_349 : i32
      %swap3A_351 = arith.index_cast %min3A_350 : i32 to index
      %swap3A_352 = tpu.vector_load %arg7[%swap3A_351] {strides = array<i32>} : memref<272xi32, #tpu.memory_space<vmem>>, vector<16xi32>,
      tpu.vector_store %arg7[%swap3A_351], %masked_sort3A_347 {strides = array<i32>} : memref<272xi32, #tpu.memory_space<vmem>>, vector<16xi32>,
      %all_reduce_population_count3A_353 = tpu.all_reduce %and3A_340 {dim = 0 : i64, kind = #tpu.reduction_kind<sum>} : vector<16xi1> -> vector<16xi32>
      %slice3A_354 = vector.extract_strided_slice %all_reduce_population_count3A_353 {offsets = [0], sizes = [1], strides = [1]} : vector<16xi32> to vector<1xi32>
      %squeeze3A_355 = vector.extract %slice3A_354[0] : i32 from vector<1xi32>
      %add3A_356 = arith.addi %add3A_329, %squeeze3A_355 : i32
      %scan3A_357 = arith.constant 3 : i32
      %scan3A_358 = arith.addi %scan3A_283, %scan3A_357 : i32
      %mul3A_359 = arith.constant 16 : i32
      %mul3A_360 = arith.muli %scan3A_358, %mul3A_359 : i32
      %get3A_361 = arith.index_cast %mul3A_360 : i32 to index
      %get3A_362 = tpu.vector_load %arg6[%get3A_361] {strides = array<i32>} : memref<8704xi32, #tpu.memory_space<vmem>>, vector<16xi32>,
      %ge3A_363 = vector.broadcast %mul3A_17 : i32 to vector<16xi32>
      %ge3A_364 = arith.cmpi sge, %get3A_362, %ge3A_363 : vector<16xi32>
      %lt3A_365 = vector.broadcast %mul3A_21 : i32 to vector<16xi32>
      %lt3A_366 = arith.cmpi slt, %get3A_362, %lt3A_365 : vector<16xi32>
      %and3A_367 = arith.andi %ge3A_364, %lt3A_366 : vector<16xi1>
      %iota3A_368 = tpu.iota {dimensions = array<i32: 0>} : vector<16xi32>
      %masked_sort3A_369 = arith.constant -2147483648 : i32
      %masked_sort3A_370 = vector.broadcast %masked_sort3A_369 : i32 to vector<16xi32>
      %masked_sort3A_371 = arith.xori %iota3A_368, %masked_sort3A_370 : vector<16xi32>
      %masked_sort3A_372, %masked_sort3A_373, %masked_sort3A_374 = tpu.sort %masked_sort3A_371, %get3A_362 masked %and3A_367 : (vector<16xi32>, vector<16xi32>, vector<16xi1>) -> (vector<16xi1>, vector<16xi32>, vector<16xi32>)
      %masked_sort3A_375 = arith.xori %masked_sort3A_373, %masked_sort3A_370 : vector<16xi32>
      %min3A_376 = arith.constant 256 : i32
      %min3A_377 = arith.minsi %add3A_356, %min3A_376 : i32
      %swap3A_378 = arith.index_cast %min3A_377 : i32 to index
      %swap3A_379 = tpu.vector_load %arg7[%swap3A_378] {strides = array<i32>} : memref<272xi32, #tpu.memory_space<vmem>>, vector<16xi32>,
      tpu.vector_store %arg7[%swap3A_378], %masked_sort3A_374 {strides = array<i32>} : memref<272xi32, #tpu.memory_space<vmem>>, vector<16xi32>,
      %all_reduce_population_count3A_380 = tpu.all_reduce %and3A_367 {dim = 0 : i64, kind = #tpu.reduction_kind<sum>} : vector<16xi1> -> vector<16xi32>
      %slice3A_381 = vector.extract_strided_slice %all_reduce_population_count3A_380 {offsets = [0], sizes = [1], strides = [1]} : vector<16xi32> to vector<1xi32>
      %squeeze3A_382 = vector.extract %slice3A_381[0] : i32 from vector<1xi32>
      %add3A_383 = arith.addi %add3A_356, %squeeze3A_382 : i32
      scf.yield %add3A_383 : i32
    }
    %scan3A_28 = arith.constant 544 : i32
    "tpu.trace_stop"() : () -> ()
    %min3A = arith.constant 256 : i32
    %min3A_29 = arith.minsi %scan3A_27, %min3A : i32
    %swap3A = arith.index_cast %min3A_29 : i32 to index
    %swap3A_30 = tpu.vector_load %arg7[%swap3A] {strides = array<i32>} : memref<272xi32, #tpu.memory_space<vmem>>, vector<16xi32>,
    tpu.vector_store %arg7[%swap3A], %broadcast_in_dim3A_5 {strides = array<i32>} : memref<272xi32, #tpu.memory_space<vmem>>, vector<16xi32>,
    %add3A_31 = arith.constant 15 : i32
    %add3A_32 = arith.addi %min3A_29, %add3A_31 : i32
    %jit3A = arith.constant 16 : i32
    %div3A = arith.divsi %add3A_32, %jit3A : i32
    %sign3A = arith.constant 0 : i32
    %sign3A_33 = arith.cmpi sgt, %add3A_32, %sign3A : i32
    %sign3A_34 = arith.extui %sign3A_33 : i1 to i32
    %sign3A_35 = arith.constant 0 : i32
    %sign3A_36 = arith.cmpi slt, %add3A_32, %sign3A_35 : i32
    %sign3A_37 = arith.extui %sign3A_36 : i1 to i32
    %sign3A_38 = arith.subi %sign3A_34, %sign3A_37 : i32
    %sign3A_39 = arith.constant 0 : i32
    %sign3A_40 = arith.cmpi sgt, %jit3A, %sign3A_39 : i32
    %sign3A_41 = arith.extui %sign3A_40 : i1 to i32
    %sign3A_42 = arith.constant 0 : i32
    %sign3A_43 = arith.cmpi slt, %jit3A, %sign3A_42 : i32
    %sign3A_44 = arith.extui %sign3A_43 : i1 to i32
    %sign3A_45 = arith.subi %sign3A_41, %sign3A_44 : i32
    %ne3A = arith.cmpi ne, %sign3A_38, %sign3A_45 : i32
    %rem3A = arith.remsi %add3A_32, %jit3A : i32
    %ne3A_46 = arith.constant 0 : i32
    %ne3A_47 = arith.cmpi ne, %rem3A, %ne3A_46 : i32
    %and3A = arith.andi %ne3A, %ne3A_47 : i1
    %sub3A = arith.constant 1 : i32
    %sub3A_48 = arith.subi %div3A, %sub3A : i32
    %select_n3A = arith.select %and3A, %sub3A_48, %div3A : i32
    %while3A = arith.constant 0 : i32
    %while3A_49 = arith.constant 0 : i32
    "tpu.trace_start"() <{level = 10 : i32, message = "b_rowix"}> : () -> ()
    %while3A_50 = arith.subi %select_n3A, %while3A : i32
    %while3A_51 = arith.addi %while3A, %while3A_50 : i32
    %while3A_52 = arith.constant 1 : i32
    %while3A_53 = arith.divsi %while3A_50, %while3A_52 : i32
    %while3A_54 = arith.muli %while3A_53, %while3A_52 : i32
    %while3A_55 = arith.addi %while3A, %while3A_54 : i32
    %while3A_56 = arith.constant 1 : i32
    %while3A_57 = scf.for %while3A_283 = %while3A to %while3A_55 step %while3A_56 iter_args(%while3A_284 = %while3A_49) -> (i32)  : i32 {
      %mul3A_285 = arith.constant 16 : i32
      %mul3A_286 = arith.muli %while3A_283, %mul3A_285 : i32
      %get3A = arith.index_cast %mul3A_286 : i32 to index
      %get3A_287 = tpu.vector_load %arg7[%get3A] {strides = array<i32>} : memref<272xi32, #tpu.memory_space<vmem>>, vector<16xi32>,
      %ge3A = arith.constant 0 : i32
      %ge3A_288 = vector.broadcast %ge3A : i32 to vector<16xi32>
      %ge3A_289 = arith.cmpi sge, %get3A_287, %ge3A_288 : vector<16xi32>
      %shift_right_arithmetic3A = arith.constant 14 : i32
      %shift_right_arithmetic3A_290 = vector.broadcast %shift_right_arithmetic3A : i32 to vector<16xi32>
      %shift_right_arithmetic3A_291 = arith.shrsi %get3A_287, %shift_right_arithmetic3A_290 : vector<16xi32>
      %mul3A_292 = arith.constant 128 : i32
      %mul3A_293 = vector.broadcast %mul3A_292 : i32 to vector<16xi32>
      %mul3A_294 = arith.muli %shift_right_arithmetic3A_291, %mul3A_293 : vector<16xi32>
      %and3A_295 = arith.constant 16383 : i32
      %and3A_296 = vector.broadcast %and3A_295 : i32 to vector<16xi32>
      %and3A_297 = arith.andi %get3A_287, %and3A_296 : vector<16xi32>
      %shift_right_arithmetic3A_298 = arith.constant 7 : i32
      %shift_right_arithmetic3A_299 = vector.broadcast %shift_right_arithmetic3A_298 : i32 to vector<16xi32>
      %shift_right_arithmetic3A_300 = arith.shrsi %and3A_297, %shift_right_arithmetic3A_299 : vector<16xi32>
      %add3A_301 = arith.addi %mul3A_294, %shift_right_arithmetic3A_300 : vector<16xi32>
      %mul3A_302 = arith.constant 16 : i32
      %mul3A_303 = arith.muli %while3A_283, %mul3A_302 : i32
      %add3A_304 = vector.broadcast %mul3A_303 : i32 to vector<16xi32>
      %add3A_305 = arith.addi %iota3A, %add3A_304 : vector<16xi32>
      %select_n3A_306 = arith.select %ge3A_289, %add3A_301, %add3A_305 : vector<16xi1>, vector<16xi32>
      %mul3A_307 = arith.constant 16 : i32
      %mul3A_308 = arith.muli %while3A_283, %mul3A_307 : i32
      %swap3A_309 = arith.index_cast %mul3A_308 : i32 to index
      %swap3A_310 = tpu.vector_load %arg9[%swap3A_309] {strides = array<i32>} : memref<272xi32, #tpu.memory_space<vmem>>, vector<16xi32>,
      tpu.vector_store %arg9[%swap3A_309], %select_n3A_306 {strides = array<i32>} : memref<272xi32, #tpu.memory_space<vmem>>, vector<16xi32>,
      %while3A_311 = arith.constant 0 : i32
      scf.yield %while3A_311 : i32
    }
    %while3A_58 = arith.constant 1 : i32
    %while3A_59 = scf.for %while3A_283 = %while3A_55 to %while3A_51 step %while3A_58 iter_args(%while3A_284 = %while3A_57) -> (i32)  : i32 {
      %mul3A_285 = arith.constant 16 : i32
      %mul3A_286 = arith.muli %while3A_283, %mul3A_285 : i32
      %get3A = arith.index_cast %mul3A_286 : i32 to index
      %get3A_287 = tpu.vector_load %arg7[%get3A] {strides = array<i32>} : memref<272xi32, #tpu.memory_space<vmem>>, vector<16xi32>,
      %ge3A = arith.constant 0 : i32
      %ge3A_288 = vector.broadcast %ge3A : i32 to vector<16xi32>
      %ge3A_289 = arith.cmpi sge, %get3A_287, %ge3A_288 : vector<16xi32>
      %shift_right_arithmetic3A = arith.constant 14 : i32
      %shift_right_arithmetic3A_290 = vector.broadcast %shift_right_arithmetic3A : i32 to vector<16xi32>
      %shift_right_arithmetic3A_291 = arith.shrsi %get3A_287, %shift_right_arithmetic3A_290 : vector<16xi32>
      %mul3A_292 = arith.constant 128 : i32
      %mul3A_293 = vector.broadcast %mul3A_292 : i32 to vector<16xi32>
      %mul3A_294 = arith.muli %shift_right_arithmetic3A_291, %mul3A_293 : vector<16xi32>
      %and3A_295 = arith.constant 16383 : i32
      %and3A_296 = vector.broadcast %and3A_295 : i32 to vector<16xi32>
      %and3A_297 = arith.andi %get3A_287, %and3A_296 : vector<16xi32>
      %shift_right_arithmetic3A_298 = arith.constant 7 : i32
      %shift_right_arithmetic3A_299 = vector.broadcast %shift_right_arithmetic3A_298 : i32 to vector<16xi32>
      %shift_right_arithmetic3A_300 = arith.shrsi %and3A_297, %shift_right_arithmetic3A_299 : vector<16xi32>
      %add3A_301 = arith.addi %mul3A_294, %shift_right_arithmetic3A_300 : vector<16xi32>
      %mul3A_302 = arith.constant 16 : i32
      %mul3A_303 = arith.muli %while3A_283, %mul3A_302 : i32
      %add3A_304 = vector.broadcast %mul3A_303 : i32 to vector<16xi32>
      %add3A_305 = arith.addi %iota3A, %add3A_304 : vector<16xi32>
      %select_n3A_306 = arith.select %ge3A_289, %add3A_301, %add3A_305 : vector<16xi1>, vector<16xi32>
      %mul3A_307 = arith.constant 16 : i32
      %mul3A_308 = arith.muli %while3A_283, %mul3A_307 : i32
      %swap3A_309 = arith.index_cast %mul3A_308 : i32 to index
      %swap3A_310 = tpu.vector_load %arg9[%swap3A_309] {strides = array<i32>} : memref<272xi32, #tpu.memory_space<vmem>>, vector<16xi32>,
      tpu.vector_store %arg9[%swap3A_309], %select_n3A_306 {strides = array<i32>} : memref<272xi32, #tpu.memory_space<vmem>>, vector<16xi32>,
      %while3A_311 = arith.constant 0 : i32
      scf.yield %while3A_311 : i32
    }
    %gt3A = arith.constant 0 : i32
    "tpu.trace_stop"() : () -> ()
    %gt3A_60 = arith.cmpi sgt, %min3A_29, %gt3A : i32
    %convert_element_type3A = arith.extui %gt3A_60 : i1 to i32
    %cond3A = arith.constant 0 : i32
    %cond3A_61 = arith.cmpi ne, %convert_element_type3A, %cond3A : i32
    scf.if %cond3A_61 {
      %dma_start3A_283 = arith.constant 0 : i32
      %dma_start3A_284 = arith.constant 0 : i32
      %dma_start3A_285 = tpu.memref_slice %arg10[%dma_start3A_283, %dma_start3A_284] : memref<256x128xf32, #tpu.memory_space<vmem>> -> memref<16x128xf32, #tpu.memory_space<vmem>>
      %dma_start3A_286 = arith.constant 0 : i32
      %dma_start3A_287 = tpu.memref_slice %arg9[%dma_start3A_286] : memref<272xi32, #tpu.memory_space<vmem>> -> memref<16xi32, #tpu.memory_space<vmem>>
      %dma_start3A_288 = arith.constant 0 : i32
      %dma_start3A_289 = arith.constant 0 : i32
      %dma_start3A_290 = tpu.memref_slice %arg3[%dma_start3A_288, %dma_start3A_289] : memref<131072x128xf32, #tpu.memory_space<hbm>> -> memref<131072x128xf32, #tpu.memory_space<hbm>>
      tpu.enqueue_indirect_dma source(%dma_start3A_290 : memref<131072x128xf32, #tpu.memory_space<hbm>>) target(%dma_start3A_285 : memref<16x128xf32, #tpu.memory_space<vmem>>) offsets(%dma_start3A_287 : memref<16xi32, #tpu.memory_space<vmem>>) semaphore(%arg20 : memref<!tpu.dma_semaphore, #tpu.memory_space<semaphore_mem>>)
    } else {
    }
    %gt3A_62 = arith.constant 16 : i32
    %gt3A_63 = arith.cmpi sgt, %min3A_29, %gt3A_62 : i32
    %convert_element_type3A_64 = arith.extui %gt3A_63 : i1 to i32
    %cond3A_65 = arith.constant 0 : i32
    %cond3A_66 = arith.cmpi ne, %convert_element_type3A_64, %cond3A_65 : i32
    scf.if %cond3A_66 {
      %dma_start3A_283 = arith.constant 16 : i32
      %dma_start3A_284 = arith.constant 0 : i32
      %dma_start3A_285 = tpu.memref_slice %arg10[%dma_start3A_283, %dma_start3A_284] : memref<256x128xf32, #tpu.memory_space<vmem>> -> memref<16x128xf32, #tpu.memory_space<vmem>>
      %dma_start3A_286 = arith.constant 16 : i32
      %dma_start3A_287 = tpu.memref_slice %arg9[%dma_start3A_286] : memref<272xi32, #tpu.memory_space<vmem>> -> memref<16xi32, #tpu.memory_space<vmem>>
      %dma_start3A_288 = arith.constant 0 : i32
      %dma_start3A_289 = arith.constant 0 : i32
      %dma_start3A_290 = tpu.memref_slice %arg3[%dma_start3A_288, %dma_start3A_289] : memref<131072x128xf32, #tpu.memory_space<hbm>> -> memref<131072x128xf32, #tpu.memory_space<hbm>>
      tpu.enqueue_indirect_dma source(%dma_start3A_290 : memref<131072x128xf32, #tpu.memory_space<hbm>>) target(%dma_start3A_285 : memref<16x128xf32, #tpu.memory_space<vmem>>) offsets(%dma_start3A_287 : memref<16xi32, #tpu.memory_space<vmem>>) semaphore(%arg20 : memref<!tpu.dma_semaphore, #tpu.memory_space<semaphore_mem>>)
    } else {
    }
    %gt3A_67 = arith.constant 32 : i32
    %gt3A_68 = arith.cmpi sgt, %min3A_29, %gt3A_67 : i32
    %convert_element_type3A_69 = arith.extui %gt3A_68 : i1 to i32
    %cond3A_70 = arith.constant 0 : i32
    %cond3A_71 = arith.cmpi ne, %convert_element_type3A_69, %cond3A_70 : i32
    scf.if %cond3A_71 {
      %dma_start3A_283 = arith.constant 32 : i32
      %dma_start3A_284 = arith.constant 0 : i32
      %dma_start3A_285 = tpu.memref_slice %arg10[%dma_start3A_283, %dma_start3A_284] : memref<256x128xf32, #tpu.memory_space<vmem>> -> memref<16x128xf32, #tpu.memory_space<vmem>>
      %dma_start3A_286 = arith.constant 32 : i32
      %dma_start3A_287 = tpu.memref_slice %arg9[%dma_start3A_286] : memref<272xi32, #tpu.memory_space<vmem>> -> memref<16xi32, #tpu.memory_space<vmem>>
      %dma_start3A_288 = arith.constant 0 : i32
      %dma_start3A_289 = arith.constant 0 : i32
      %dma_start3A_290 = tpu.memref_slice %arg3[%dma_start3A_288, %dma_start3A_289] : memref<131072x128xf32, #tpu.memory_space<hbm>> -> memref<131072x128xf32, #tpu.memory_space<hbm>>
      tpu.enqueue_indirect_dma source(%dma_start3A_290 : memref<131072x128xf32, #tpu.memory_space<hbm>>) target(%dma_start3A_285 : memref<16x128xf32, #tpu.memory_space<vmem>>) offsets(%dma_start3A_287 : memref<16xi32, #tpu.memory_space<vmem>>) semaphore(%arg20 : memref<!tpu.dma_semaphore, #tpu.memory_space<semaphore_mem>>)
    } else {
    }
    %gt3A_72 = arith.constant 48 : i32
    %gt3A_73 = arith.cmpi sgt, %min3A_29, %gt3A_72 : i32
    %convert_element_type3A_74 = arith.extui %gt3A_73 : i1 to i32
    %cond3A_75 = arith.constant 0 : i32
    %cond3A_76 = arith.cmpi ne, %convert_element_type3A_74, %cond3A_75 : i32
    scf.if %cond3A_76 {
      %dma_start3A_283 = arith.constant 48 : i32
      %dma_start3A_284 = arith.constant 0 : i32
      %dma_start3A_285 = tpu.memref_slice %arg10[%dma_start3A_283, %dma_start3A_284] : memref<256x128xf32, #tpu.memory_space<vmem>> -> memref<16x128xf32, #tpu.memory_space<vmem>>
      %dma_start3A_286 = arith.constant 48 : i32
      %dma_start3A_287 = tpu.memref_slice %arg9[%dma_start3A_286] : memref<272xi32, #tpu.memory_space<vmem>> -> memref<16xi32, #tpu.memory_space<vmem>>
      %dma_start3A_288 = arith.constant 0 : i32
      %dma_start3A_289 = arith.constant 0 : i32
      %dma_start3A_290 = tpu.memref_slice %arg3[%dma_start3A_288, %dma_start3A_289] : memref<131072x128xf32, #tpu.memory_space<hbm>> -> memref<131072x128xf32, #tpu.memory_space<hbm>>
      tpu.enqueue_indirect_dma source(%dma_start3A_290 : memref<131072x128xf32, #tpu.memory_space<hbm>>) target(%dma_start3A_285 : memref<16x128xf32, #tpu.memory_space<vmem>>) offsets(%dma_start3A_287 : memref<16xi32, #tpu.memory_space<vmem>>) semaphore(%arg20 : memref<!tpu.dma_semaphore, #tpu.memory_space<semaphore_mem>>)
    } else {
    }
    %gt3A_77 = arith.constant 64 : i32
    %gt3A_78 = arith.cmpi sgt, %min3A_29, %gt3A_77 : i32
    %convert_element_type3A_79 = arith.extui %gt3A_78 : i1 to i32
    %cond3A_80 = arith.constant 0 : i32
    %cond3A_81 = arith.cmpi ne, %convert_element_type3A_79, %cond3A_80 : i32
    scf.if %cond3A_81 {
      %dma_start3A_283 = arith.constant 64 : i32
      %dma_start3A_284 = arith.constant 0 : i32
      %dma_start3A_285 = tpu.memref_slice %arg10[%dma_start3A_283, %dma_start3A_284] : memref<256x128xf32, #tpu.memory_space<vmem>> -> memref<16x128xf32, #tpu.memory_space<vmem>>
      %dma_start3A_286 = arith.constant 64 : i32
      %dma_start3A_287 = tpu.memref_slice %arg9[%dma_start3A_286] : memref<272xi32, #tpu.memory_space<vmem>> -> memref<16xi32, #tpu.memory_space<vmem>>
      %dma_start3A_288 = arith.constant 0 : i32
      %dma_start3A_289 = arith.constant 0 : i32
      %dma_start3A_290 = tpu.memref_slice %arg3[%dma_start3A_288, %dma_start3A_289] : memref<131072x128xf32, #tpu.memory_space<hbm>> -> memref<131072x128xf32, #tpu.memory_space<hbm>>
      tpu.enqueue_indirect_dma source(%dma_start3A_290 : memref<131072x128xf32, #tpu.memory_space<hbm>>) target(%dma_start3A_285 : memref<16x128xf32, #tpu.memory_space<vmem>>) offsets(%dma_start3A_287 : memref<16xi32, #tpu.memory_space<vmem>>) semaphore(%arg20 : memref<!tpu.dma_semaphore, #tpu.memory_space<semaphore_mem>>)
    } else {
    }
    %gt3A_82 = arith.constant 80 : i32
    %gt3A_83 = arith.cmpi sgt, %min3A_29, %gt3A_82 : i32
    %convert_element_type3A_84 = arith.extui %gt3A_83 : i1 to i32
    %cond3A_85 = arith.constant 0 : i32
    %cond3A_86 = arith.cmpi ne, %convert_element_type3A_84, %cond3A_85 : i32
    scf.if %cond3A_86 {
      %dma_start3A_283 = arith.constant 80 : i32
      %dma_start3A_284 = arith.constant 0 : i32
      %dma_start3A_285 = tpu.memref_slice %arg10[%dma_start3A_283, %dma_start3A_284] : memref<256x128xf32, #tpu.memory_space<vmem>> -> memref<16x128xf32, #tpu.memory_space<vmem>>
      %dma_start3A_286 = arith.constant 80 : i32
      %dma_start3A_287 = tpu.memref_slice %arg9[%dma_start3A_286] : memref<272xi32, #tpu.memory_space<vmem>> -> memref<16xi32, #tpu.memory_space<vmem>>
      %dma_start3A_288 = arith.constant 0 : i32
      %dma_start3A_289 = arith.constant 0 : i32
      %dma_start3A_290 = tpu.memref_slice %arg3[%dma_start3A_288, %dma_start3A_289] : memref<131072x128xf32, #tpu.memory_space<hbm>> -> memref<131072x128xf32, #tpu.memory_space<hbm>>
      tpu.enqueue_indirect_dma source(%dma_start3A_290 : memref<131072x128xf32, #tpu.memory_space<hbm>>) target(%dma_start3A_285 : memref<16x128xf32, #tpu.memory_space<vmem>>) offsets(%dma_start3A_287 : memref<16xi32, #tpu.memory_space<vmem>>) semaphore(%arg20 : memref<!tpu.dma_semaphore, #tpu.memory_space<semaphore_mem>>)
    } else {
    }
    %gt3A_87 = arith.constant 96 : i32
    %gt3A_88 = arith.cmpi sgt, %min3A_29, %gt3A_87 : i32
    %convert_element_type3A_89 = arith.extui %gt3A_88 : i1 to i32
    %cond3A_90 = arith.constant 0 : i32
    %cond3A_91 = arith.cmpi ne, %convert_element_type3A_89, %cond3A_90 : i32
    scf.if %cond3A_91 {
      %dma_start3A_283 = arith.constant 96 : i32
      %dma_start3A_284 = arith.constant 0 : i32
      %dma_start3A_285 = tpu.memref_slice %arg10[%dma_start3A_283, %dma_start3A_284] : memref<256x128xf32, #tpu.memory_space<vmem>> -> memref<16x128xf32, #tpu.memory_space<vmem>>
      %dma_start3A_286 = arith.constant 96 : i32
      %dma_start3A_287 = tpu.memref_slice %arg9[%dma_start3A_286] : memref<272xi32, #tpu.memory_space<vmem>> -> memref<16xi32, #tpu.memory_space<vmem>>
      %dma_start3A_288 = arith.constant 0 : i32
      %dma_start3A_289 = arith.constant 0 : i32
      %dma_start3A_290 = tpu.memref_slice %arg3[%dma_start3A_288, %dma_start3A_289] : memref<131072x128xf32, #tpu.memory_space<hbm>> -> memref<131072x128xf32, #tpu.memory_space<hbm>>
      tpu.enqueue_indirect_dma source(%dma_start3A_290 : memref<131072x128xf32, #tpu.memory_space<hbm>>) target(%dma_start3A_285 : memref<16x128xf32, #tpu.memory_space<vmem>>) offsets(%dma_start3A_287 : memref<16xi32, #tpu.memory_space<vmem>>) semaphore(%arg20 : memref<!tpu.dma_semaphore, #tpu.memory_space<semaphore_mem>>)
    } else {
    }
    %gt3A_92 = arith.constant 112 : i32
    %gt3A_93 = arith.cmpi sgt, %min3A_29, %gt3A_92 : i32
    %convert_element_type3A_94 = arith.extui %gt3A_93 : i1 to i32
    %cond3A_95 = arith.constant 0 : i32
    %cond3A_96 = arith.cmpi ne, %convert_element_type3A_94, %cond3A_95 : i32
    scf.if %cond3A_96 {
      %dma_start3A_283 = arith.constant 112 : i32
      %dma_start3A_284 = arith.constant 0 : i32
      %dma_start3A_285 = tpu.memref_slice %arg10[%dma_start3A_283, %dma_start3A_284] : memref<256x128xf32, #tpu.memory_space<vmem>> -> memref<16x128xf32, #tpu.memory_space<vmem>>
      %dma_start3A_286 = arith.constant 112 : i32
      %dma_start3A_287 = tpu.memref_slice %arg9[%dma_start3A_286] : memref<272xi32, #tpu.memory_space<vmem>> -> memref<16xi32, #tpu.memory_space<vmem>>
      %dma_start3A_288 = arith.constant 0 : i32
      %dma_start3A_289 = arith.constant 0 : i32
      %dma_start3A_290 = tpu.memref_slice %arg3[%dma_start3A_288, %dma_start3A_289] : memref<131072x128xf32, #tpu.memory_space<hbm>> -> memref<131072x128xf32, #tpu.memory_space<hbm>>
      tpu.enqueue_indirect_dma source(%dma_start3A_290 : memref<131072x128xf32, #tpu.memory_space<hbm>>) target(%dma_start3A_285 : memref<16x128xf32, #tpu.memory_space<vmem>>) offsets(%dma_start3A_287 : memref<16xi32, #tpu.memory_space<vmem>>) semaphore(%arg20 : memref<!tpu.dma_semaphore, #tpu.memory_space<semaphore_mem>>)
    } else {
    }
    %gt3A_97 = arith.constant 128 : i32
    %gt3A_98 = arith.cmpi sgt, %min3A_29, %gt3A_97 : i32
    %convert_element_type3A_99 = arith.extui %gt3A_98 : i1 to i32
    %cond3A_100 = arith.constant 0 : i32
    %cond3A_101 = arith.cmpi ne, %convert_element_type3A_99, %cond3A_100 : i32
    scf.if %cond3A_101 {
      %dma_start3A_283 = arith.constant 128 : i32
      %dma_start3A_284 = arith.constant 0 : i32
      %dma_start3A_285 = tpu.memref_slice %arg10[%dma_start3A_283, %dma_start3A_284] : memref<256x128xf32, #tpu.memory_space<vmem>> -> memref<16x128xf32, #tpu.memory_space<vmem>>
      %dma_start3A_286 = arith.constant 128 : i32
      %dma_start3A_287 = tpu.memref_slice %arg9[%dma_start3A_286] : memref<272xi32, #tpu.memory_space<vmem>> -> memref<16xi32, #tpu.memory_space<vmem>>
      %dma_start3A_288 = arith.constant 0 : i32
      %dma_start3A_289 = arith.constant 0 : i32
      %dma_start3A_290 = tpu.memref_slice %arg3[%dma_start3A_288, %dma_start3A_289] : memref<131072x128xf32, #tpu.memory_space<hbm>> -> memref<131072x128xf32, #tpu.memory_space<hbm>>
      tpu.enqueue_indirect_dma source(%dma_start3A_290 : memref<131072x128xf32, #tpu.memory_space<hbm>>) target(%dma_start3A_285 : memref<16x128xf32, #tpu.memory_space<vmem>>) offsets(%dma_start3A_287 : memref<16xi32, #tpu.memory_space<vmem>>) semaphore(%arg20 : memref<!tpu.dma_semaphore, #tpu.memory_space<semaphore_mem>>)
    } else {
    }
    %gt3A_102 = arith.constant 144 : i32
    %gt3A_103 = arith.cmpi sgt, %min3A_29, %gt3A_102 : i32
    %convert_element_type3A_104 = arith.extui %gt3A_103 : i1 to i32
    %cond3A_105 = arith.constant 0 : i32
    %cond3A_106 = arith.cmpi ne, %convert_element_type3A_104, %cond3A_105 : i32
    scf.if %cond3A_106 {
      %dma_start3A_283 = arith.constant 144 : i32
      %dma_start3A_284 = arith.constant 0 : i32
      %dma_start3A_285 = tpu.memref_slice %arg10[%dma_start3A_283, %dma_start3A_284] : memref<256x128xf32, #tpu.memory_space<vmem>> -> memref<16x128xf32, #tpu.memory_space<vmem>>
      %dma_start3A_286 = arith.constant 144 : i32
      %dma_start3A_287 = tpu.memref_slice %arg9[%dma_start3A_286] : memref<272xi32, #tpu.memory_space<vmem>> -> memref<16xi32, #tpu.memory_space<vmem>>
      %dma_start3A_288 = arith.constant 0 : i32
      %dma_start3A_289 = arith.constant 0 : i32
      %dma_start3A_290 = tpu.memref_slice %arg3[%dma_start3A_288, %dma_start3A_289] : memref<131072x128xf32, #tpu.memory_space<hbm>> -> memref<131072x128xf32, #tpu.memory_space<hbm>>
      tpu.enqueue_indirect_dma source(%dma_start3A_290 : memref<131072x128xf32, #tpu.memory_space<hbm>>) target(%dma_start3A_285 : memref<16x128xf32, #tpu.memory_space<vmem>>) offsets(%dma_start3A_287 : memref<16xi32, #tpu.memory_space<vmem>>) semaphore(%arg20 : memref<!tpu.dma_semaphore, #tpu.memory_space<semaphore_mem>>)
    } else {
    }
    %gt3A_107 = arith.constant 160 : i32
    %gt3A_108 = arith.cmpi sgt, %min3A_29, %gt3A_107 : i32
    %convert_element_type3A_109 = arith.extui %gt3A_108 : i1 to i32
    %cond3A_110 = arith.constant 0 : i32
    %cond3A_111 = arith.cmpi ne, %convert_element_type3A_109, %cond3A_110 : i32
    scf.if %cond3A_111 {
      %dma_start3A_283 = arith.constant 160 : i32
      %dma_start3A_284 = arith.constant 0 : i32
      %dma_start3A_285 = tpu.memref_slice %arg10[%dma_start3A_283, %dma_start3A_284] : memref<256x128xf32, #tpu.memory_space<vmem>> -> memref<16x128xf32, #tpu.memory_space<vmem>>
      %dma_start3A_286 = arith.constant 160 : i32
      %dma_start3A_287 = tpu.memref_slice %arg9[%dma_start3A_286] : memref<272xi32, #tpu.memory_space<vmem>> -> memref<16xi32, #tpu.memory_space<vmem>>
      %dma_start3A_288 = arith.constant 0 : i32
      %dma_start3A_289 = arith.constant 0 : i32
      %dma_start3A_290 = tpu.memref_slice %arg3[%dma_start3A_288, %dma_start3A_289] : memref<131072x128xf32, #tpu.memory_space<hbm>> -> memref<131072x128xf32, #tpu.memory_space<hbm>>
      tpu.enqueue_indirect_dma source(%dma_start3A_290 : memref<131072x128xf32, #tpu.memory_space<hbm>>) target(%dma_start3A_285 : memref<16x128xf32, #tpu.memory_space<vmem>>) offsets(%dma_start3A_287 : memref<16xi32, #tpu.memory_space<vmem>>) semaphore(%arg20 : memref<!tpu.dma_semaphore, #tpu.memory_space<semaphore_mem>>)
    } else {
    }
    %gt3A_112 = arith.constant 176 : i32
    %gt3A_113 = arith.cmpi sgt, %min3A_29, %gt3A_112 : i32
    %convert_element_type3A_114 = arith.extui %gt3A_113 : i1 to i32
    %cond3A_115 = arith.constant 0 : i32
    %cond3A_116 = arith.cmpi ne, %convert_element_type3A_114, %cond3A_115 : i32
    scf.if %cond3A_116 {
      %dma_start3A_283 = arith.constant 176 : i32
      %dma_start3A_284 = arith.constant 0 : i32
      %dma_start3A_285 = tpu.memref_slice %arg10[%dma_start3A_283, %dma_start3A_284] : memref<256x128xf32, #tpu.memory_space<vmem>> -> memref<16x128xf32, #tpu.memory_space<vmem>>
      %dma_start3A_286 = arith.constant 176 : i32
      %dma_start3A_287 = tpu.memref_slice %arg9[%dma_start3A_286] : memref<272xi32, #tpu.memory_space<vmem>> -> memref<16xi32, #tpu.memory_space<vmem>>
      %dma_start3A_288 = arith.constant 0 : i32
      %dma_start3A_289 = arith.constant 0 : i32
      %dma_start3A_290 = tpu.memref_slice %arg3[%dma_start3A_288, %dma_start3A_289] : memref<131072x128xf32, #tpu.memory_space<hbm>> -> memref<131072x128xf32, #tpu.memory_space<hbm>>
      tpu.enqueue_indirect_dma source(%dma_start3A_290 : memref<131072x128xf32, #tpu.memory_space<hbm>>) target(%dma_start3A_285 : memref<16x128xf32, #tpu.memory_space<vmem>>) offsets(%dma_start3A_287 : memref<16xi32, #tpu.memory_space<vmem>>) semaphore(%arg20 : memref<!tpu.dma_semaphore, #tpu.memory_space<semaphore_mem>>)
    } else {
    }
    %gt3A_117 = arith.constant 192 : i32
    %gt3A_118 = arith.cmpi sgt, %min3A_29, %gt3A_117 : i32
    %convert_element_type3A_119 = arith.extui %gt3A_118 : i1 to i32
    %cond3A_120 = arith.constant 0 : i32
    %cond3A_121 = arith.cmpi ne, %convert_element_type3A_119, %cond3A_120 : i32
    scf.if %cond3A_121 {
      %dma_start3A_283 = arith.constant 192 : i32
      %dma_start3A_284 = arith.constant 0 : i32
      %dma_start3A_285 = tpu.memref_slice %arg10[%dma_start3A_283, %dma_start3A_284] : memref<256x128xf32, #tpu.memory_space<vmem>> -> memref<16x128xf32, #tpu.memory_space<vmem>>
      %dma_start3A_286 = arith.constant 192 : i32
      %dma_start3A_287 = tpu.memref_slice %arg9[%dma_start3A_286] : memref<272xi32, #tpu.memory_space<vmem>> -> memref<16xi32, #tpu.memory_space<vmem>>
      %dma_start3A_288 = arith.constant 0 : i32
      %dma_start3A_289 = arith.constant 0 : i32
      %dma_start3A_290 = tpu.memref_slice %arg3[%dma_start3A_288, %dma_start3A_289] : memref<131072x128xf32, #tpu.memory_space<hbm>> -> memref<131072x128xf32, #tpu.memory_space<hbm>>
      tpu.enqueue_indirect_dma source(%dma_start3A_290 : memref<131072x128xf32, #tpu.memory_space<hbm>>) target(%dma_start3A_285 : memref<16x128xf32, #tpu.memory_space<vmem>>) offsets(%dma_start3A_287 : memref<16xi32, #tpu.memory_space<vmem>>) semaphore(%arg20 : memref<!tpu.dma_semaphore, #tpu.memory_space<semaphore_mem>>)
    } else {
    }
    %gt3A_122 = arith.constant 208 : i32
    %gt3A_123 = arith.cmpi sgt, %min3A_29, %gt3A_122 : i32
    %convert_element_type3A_124 = arith.extui %gt3A_123 : i1 to i32
    %cond3A_125 = arith.constant 0 : i32
    %cond3A_126 = arith.cmpi ne, %convert_element_type3A_124, %cond3A_125 : i32
    scf.if %cond3A_126 {
      %dma_start3A_283 = arith.constant 208 : i32
      %dma_start3A_284 = arith.constant 0 : i32
      %dma_start3A_285 = tpu.memref_slice %arg10[%dma_start3A_283, %dma_start3A_284] : memref<256x128xf32, #tpu.memory_space<vmem>> -> memref<16x128xf32, #tpu.memory_space<vmem>>
      %dma_start3A_286 = arith.constant 208 : i32
      %dma_start3A_287 = tpu.memref_slice %arg9[%dma_start3A_286] : memref<272xi32, #tpu.memory_space<vmem>> -> memref<16xi32, #tpu.memory_space<vmem>>
      %dma_start3A_288 = arith.constant 0 : i32
      %dma_start3A_289 = arith.constant 0 : i32
      %dma_start3A_290 = tpu.memref_slice %arg3[%dma_start3A_288, %dma_start3A_289] : memref<131072x128xf32, #tpu.memory_space<hbm>> -> memref<131072x128xf32, #tpu.memory_space<hbm>>
      tpu.enqueue_indirect_dma source(%dma_start3A_290 : memref<131072x128xf32, #tpu.memory_space<hbm>>) target(%dma_start3A_285 : memref<16x128xf32, #tpu.memory_space<vmem>>) offsets(%dma_start3A_287 : memref<16xi32, #tpu.memory_space<vmem>>) semaphore(%arg20 : memref<!tpu.dma_semaphore, #tpu.memory_space<semaphore_mem>>)
    } else {
    }
    %gt3A_127 = arith.constant 224 : i32
    %gt3A_128 = arith.cmpi sgt, %min3A_29, %gt3A_127 : i32
    %convert_element_type3A_129 = arith.extui %gt3A_128 : i1 to i32
    %cond3A_130 = arith.constant 0 : i32
    %cond3A_131 = arith.cmpi ne, %convert_element_type3A_129, %cond3A_130 : i32
    scf.if %cond3A_131 {
      %dma_start3A_283 = arith.constant 224 : i32
      %dma_start3A_284 = arith.constant 0 : i32
      %dma_start3A_285 = tpu.memref_slice %arg10[%dma_start3A_283, %dma_start3A_284] : memref<256x128xf32, #tpu.memory_space<vmem>> -> memref<16x128xf32, #tpu.memory_space<vmem>>
      %dma_start3A_286 = arith.constant 224 : i32
      %dma_start3A_287 = tpu.memref_slice %arg9[%dma_start3A_286] : memref<272xi32, #tpu.memory_space<vmem>> -> memref<16xi32, #tpu.memory_space<vmem>>
      %dma_start3A_288 = arith.constant 0 : i32
      %dma_start3A_289 = arith.constant 0 : i32
      %dma_start3A_290 = tpu.memref_slice %arg3[%dma_start3A_288, %dma_start3A_289] : memref<131072x128xf32, #tpu.memory_space<hbm>> -> memref<131072x128xf32, #tpu.memory_space<hbm>>
      tpu.enqueue_indirect_dma source(%dma_start3A_290 : memref<131072x128xf32, #tpu.memory_space<hbm>>) target(%dma_start3A_285 : memref<16x128xf32, #tpu.memory_space<vmem>>) offsets(%dma_start3A_287 : memref<16xi32, #tpu.memory_space<vmem>>) semaphore(%arg20 : memref<!tpu.dma_semaphore, #tpu.memory_space<semaphore_mem>>)
    } else {
    }
    %gt3A_132 = arith.constant 240 : i32
    %gt3A_133 = arith.cmpi sgt, %min3A_29, %gt3A_132 : i32
    %convert_element_type3A_134 = arith.extui %gt3A_133 : i1 to i32
    %cond3A_135 = arith.constant 0 : i32
    %cond3A_136 = arith.cmpi ne, %convert_element_type3A_134, %cond3A_135 : i32
    scf.if %cond3A_136 {
      %dma_start3A_283 = arith.constant 240 : i32
      %dma_start3A_284 = arith.constant 0 : i32
      %dma_start3A_285 = tpu.memref_slice %arg10[%dma_start3A_283, %dma_start3A_284] : memref<256x128xf32, #tpu.memory_space<vmem>> -> memref<16x128xf32, #tpu.memory_space<vmem>>
      %dma_start3A_286 = arith.constant 240 : i32
      %dma_start3A_287 = tpu.memref_slice %arg9[%dma_start3A_286] : memref<272xi32, #tpu.memory_space<vmem>> -> memref<16xi32, #tpu.memory_space<vmem>>
      %dma_start3A_288 = arith.constant 0 : i32
      %dma_start3A_289 = arith.constant 0 : i32
      %dma_start3A_290 = tpu.memref_slice %arg3[%dma_start3A_288, %dma_start3A_289] : memref<131072x128xf32, #tpu.memory_space<hbm>> -> memref<131072x128xf32, #tpu.memory_space<hbm>>
      tpu.enqueue_indirect_dma source(%dma_start3A_290 : memref<131072x128xf32, #tpu.memory_space<hbm>>) target(%dma_start3A_285 : memref<16x128xf32, #tpu.memory_space<vmem>>) offsets(%dma_start3A_287 : memref<16xi32, #tpu.memory_space<vmem>>) semaphore(%arg20 : memref<!tpu.dma_semaphore, #tpu.memory_space<semaphore_mem>>)
    } else {
    }
    %gt3A_137 = arith.constant 0 : i32
    "tpu.trace_start"() <{level = 10 : i32, message = "b_gather"}> : () -> ()
    %gt3A_138 = arith.cmpi sgt, %min3A_29, %gt3A_137 : i32
    %convert_element_type3A_139 = arith.extui %gt3A_138 : i1 to i32
    %cond3A_140 = arith.constant 0 : i32
    %cond3A_141 = arith.cmpi ne, %convert_element_type3A_139, %cond3A_140 : i32
    scf.if %cond3A_141 {
      %dma_wait3A_283 = arith.constant 0 : i32
      %dma_wait3A_284 = arith.constant 0 : i32
      %dma_wait3A_285 = tpu.memref_slice %arg10[%dma_wait3A_283, %dma_wait3A_284] : memref<256x128xf32, #tpu.memory_space<vmem>> -> memref<16x128xf32, #tpu.memory_space<vmem>>
      %dma_wait3A_286 = arith.constant 0 : i32
      %dma_wait3A_287 = tpu.memref_slice %arg9[%dma_wait3A_286] : memref<272xi32, #tpu.memory_space<vmem>> -> memref<16xi32, #tpu.memory_space<vmem>>
      %dma_wait3A_288 = arith.constant 0 : i32
      %dma_wait3A_289 = arith.constant 0 : i32
      %dma_wait3A_290 = tpu.memref_slice %arg3[%dma_wait3A_288, %dma_wait3A_289] : memref<131072x128xf32, #tpu.memory_space<hbm>> -> memref<131072x128xf32, #tpu.memory_space<hbm>>
      tpu.wait_indirect_dma semaphore(%arg20 : memref<!tpu.dma_semaphore, #tpu.memory_space<semaphore_mem>>) src(%dma_wait3A_290 : memref<131072x128xf32, #tpu.memory_space<hbm>>) dst(%dma_wait3A_285 : memref<16x128xf32, #tpu.memory_space<vmem>>)
    } else {
    }
    %gt3A_142 = arith.constant 16 : i32
    %gt3A_143 = arith.cmpi sgt, %min3A_29, %gt3A_142 : i32
    %convert_element_type3A_144 = arith.extui %gt3A_143 : i1 to i32
    %cond3A_145 = arith.constant 0 : i32
    %cond3A_146 = arith.cmpi ne, %convert_element_type3A_144, %cond3A_145 : i32
    scf.if %cond3A_146 {
      %dma_wait3A_283 = arith.constant 16 : i32
      %dma_wait3A_284 = arith.constant 0 : i32
      %dma_wait3A_285 = tpu.memref_slice %arg10[%dma_wait3A_283, %dma_wait3A_284] : memref<256x128xf32, #tpu.memory_space<vmem>> -> memref<16x128xf32, #tpu.memory_space<vmem>>
      %dma_wait3A_286 = arith.constant 16 : i32
      %dma_wait3A_287 = tpu.memref_slice %arg9[%dma_wait3A_286] : memref<272xi32, #tpu.memory_space<vmem>> -> memref<16xi32, #tpu.memory_space<vmem>>
      %dma_wait3A_288 = arith.constant 0 : i32
      %dma_wait3A_289 = arith.constant 0 : i32
      %dma_wait3A_290 = tpu.memref_slice %arg3[%dma_wait3A_288, %dma_wait3A_289] : memref<131072x128xf32, #tpu.memory_space<hbm>> -> memref<131072x128xf32, #tpu.memory_space<hbm>>
      tpu.wait_indirect_dma semaphore(%arg20 : memref<!tpu.dma_semaphore, #tpu.memory_space<semaphore_mem>>) src(%dma_wait3A_290 : memref<131072x128xf32, #tpu.memory_space<hbm>>) dst(%dma_wait3A_285 : memref<16x128xf32, #tpu.memory_space<vmem>>)
    } else {
    }
    %gt3A_147 = arith.constant 32 : i32
    %gt3A_148 = arith.cmpi sgt, %min3A_29, %gt3A_147 : i32
    %convert_element_type3A_149 = arith.extui %gt3A_148 : i1 to i32
    %cond3A_150 = arith.constant 0 : i32
    %cond3A_151 = arith.cmpi ne, %convert_element_type3A_149, %cond3A_150 : i32
    scf.if %cond3A_151 {
      %dma_wait3A_283 = arith.constant 32 : i32
      %dma_wait3A_284 = arith.constant 0 : i32
      %dma_wait3A_285 = tpu.memref_slice %arg10[%dma_wait3A_283, %dma_wait3A_284] : memref<256x128xf32, #tpu.memory_space<vmem>> -> memref<16x128xf32, #tpu.memory_space<vmem>>
      %dma_wait3A_286 = arith.constant 32 : i32
      %dma_wait3A_287 = tpu.memref_slice %arg9[%dma_wait3A_286] : memref<272xi32, #tpu.memory_space<vmem>> -> memref<16xi32, #tpu.memory_space<vmem>>
      %dma_wait3A_288 = arith.constant 0 : i32
      %dma_wait3A_289 = arith.constant 0 : i32
      %dma_wait3A_290 = tpu.memref_slice %arg3[%dma_wait3A_288, %dma_wait3A_289] : memref<131072x128xf32, #tpu.memory_space<hbm>> -> memref<131072x128xf32, #tpu.memory_space<hbm>>
      tpu.wait_indirect_dma semaphore(%arg20 : memref<!tpu.dma_semaphore, #tpu.memory_space<semaphore_mem>>) src(%dma_wait3A_290 : memref<131072x128xf32, #tpu.memory_space<hbm>>) dst(%dma_wait3A_285 : memref<16x128xf32, #tpu.memory_space<vmem>>)
    } else {
    }
    %gt3A_152 = arith.constant 48 : i32
    %gt3A_153 = arith.cmpi sgt, %min3A_29, %gt3A_152 : i32
    %convert_element_type3A_154 = arith.extui %gt3A_153 : i1 to i32
    %cond3A_155 = arith.constant 0 : i32
    %cond3A_156 = arith.cmpi ne, %convert_element_type3A_154, %cond3A_155 : i32
    scf.if %cond3A_156 {
      %dma_wait3A_283 = arith.constant 48 : i32
      %dma_wait3A_284 = arith.constant 0 : i32
      %dma_wait3A_285 = tpu.memref_slice %arg10[%dma_wait3A_283, %dma_wait3A_284] : memref<256x128xf32, #tpu.memory_space<vmem>> -> memref<16x128xf32, #tpu.memory_space<vmem>>
      %dma_wait3A_286 = arith.constant 48 : i32
      %dma_wait3A_287 = tpu.memref_slice %arg9[%dma_wait3A_286] : memref<272xi32, #tpu.memory_space<vmem>> -> memref<16xi32, #tpu.memory_space<vmem>>
      %dma_wait3A_288 = arith.constant 0 : i32
      %dma_wait3A_289 = arith.constant 0 : i32
      %dma_wait3A_290 = tpu.memref_slice %arg3[%dma_wait3A_288, %dma_wait3A_289] : memref<131072x128xf32, #tpu.memory_space<hbm>> -> memref<131072x128xf32, #tpu.memory_space<hbm>>
      tpu.wait_indirect_dma semaphore(%arg20 : memref<!tpu.dma_semaphore, #tpu.memory_space<semaphore_mem>>) src(%dma_wait3A_290 : memref<131072x128xf32, #tpu.memory_space<hbm>>) dst(%dma_wait3A_285 : memref<16x128xf32, #tpu.memory_space<vmem>>)
    } else {
    }
    %gt3A_157 = arith.constant 64 : i32
    %gt3A_158 = arith.cmpi sgt, %min3A_29, %gt3A_157 : i32
    %convert_element_type3A_159 = arith.extui %gt3A_158 : i1 to i32
    %cond3A_160 = arith.constant 0 : i32
    %cond3A_161 = arith.cmpi ne, %convert_element_type3A_159, %cond3A_160 : i32
    scf.if %cond3A_161 {
      %dma_wait3A_283 = arith.constant 64 : i32
      %dma_wait3A_284 = arith.constant 0 : i32
      %dma_wait3A_285 = tpu.memref_slice %arg10[%dma_wait3A_283, %dma_wait3A_284] : memref<256x128xf32, #tpu.memory_space<vmem>> -> memref<16x128xf32, #tpu.memory_space<vmem>>
      %dma_wait3A_286 = arith.constant 64 : i32
      %dma_wait3A_287 = tpu.memref_slice %arg9[%dma_wait3A_286] : memref<272xi32, #tpu.memory_space<vmem>> -> memref<16xi32, #tpu.memory_space<vmem>>
      %dma_wait3A_288 = arith.constant 0 : i32
      %dma_wait3A_289 = arith.constant 0 : i32
      %dma_wait3A_290 = tpu.memref_slice %arg3[%dma_wait3A_288, %dma_wait3A_289] : memref<131072x128xf32, #tpu.memory_space<hbm>> -> memref<131072x128xf32, #tpu.memory_space<hbm>>
      tpu.wait_indirect_dma semaphore(%arg20 : memref<!tpu.dma_semaphore, #tpu.memory_space<semaphore_mem>>) src(%dma_wait3A_290 : memref<131072x128xf32, #tpu.memory_space<hbm>>) dst(%dma_wait3A_285 : memref<16x128xf32, #tpu.memory_space<vmem>>)
    } else {
    }
    %gt3A_162 = arith.constant 80 : i32
    %gt3A_163 = arith.cmpi sgt, %min3A_29, %gt3A_162 : i32
    %convert_element_type3A_164 = arith.extui %gt3A_163 : i1 to i32
    %cond3A_165 = arith.constant 0 : i32
    %cond3A_166 = arith.cmpi ne, %convert_element_type3A_164, %cond3A_165 : i32
    scf.if %cond3A_166 {
      %dma_wait3A_283 = arith.constant 80 : i32
      %dma_wait3A_284 = arith.constant 0 : i32
      %dma_wait3A_285 = tpu.memref_slice %arg10[%dma_wait3A_283, %dma_wait3A_284] : memref<256x128xf32, #tpu.memory_space<vmem>> -> memref<16x128xf32, #tpu.memory_space<vmem>>
      %dma_wait3A_286 = arith.constant 80 : i32
      %dma_wait3A_287 = tpu.memref_slice %arg9[%dma_wait3A_286] : memref<272xi32, #tpu.memory_space<vmem>> -> memref<16xi32, #tpu.memory_space<vmem>>
      %dma_wait3A_288 = arith.constant 0 : i32
      %dma_wait3A_289 = arith.constant 0 : i32
      %dma_wait3A_290 = tpu.memref_slice %arg3[%dma_wait3A_288, %dma_wait3A_289] : memref<131072x128xf32, #tpu.memory_space<hbm>> -> memref<131072x128xf32, #tpu.memory_space<hbm>>
      tpu.wait_indirect_dma semaphore(%arg20 : memref<!tpu.dma_semaphore, #tpu.memory_space<semaphore_mem>>) src(%dma_wait3A_290 : memref<131072x128xf32, #tpu.memory_space<hbm>>) dst(%dma_wait3A_285 : memref<16x128xf32, #tpu.memory_space<vmem>>)
    } else {
    }
    %gt3A_167 = arith.constant 96 : i32
    %gt3A_168 = arith.cmpi sgt, %min3A_29, %gt3A_167 : i32
    %convert_element_type3A_169 = arith.extui %gt3A_168 : i1 to i32
    %cond3A_170 = arith.constant 0 : i32
    %cond3A_171 = arith.cmpi ne, %convert_element_type3A_169, %cond3A_170 : i32
    scf.if %cond3A_171 {
      %dma_wait3A_283 = arith.constant 96 : i32
      %dma_wait3A_284 = arith.constant 0 : i32
      %dma_wait3A_285 = tpu.memref_slice %arg10[%dma_wait3A_283, %dma_wait3A_284] : memref<256x128xf32, #tpu.memory_space<vmem>> -> memref<16x128xf32, #tpu.memory_space<vmem>>
      %dma_wait3A_286 = arith.constant 96 : i32
      %dma_wait3A_287 = tpu.memref_slice %arg9[%dma_wait3A_286] : memref<272xi32, #tpu.memory_space<vmem>> -> memref<16xi32, #tpu.memory_space<vmem>>
      %dma_wait3A_288 = arith.constant 0 : i32
      %dma_wait3A_289 = arith.constant 0 : i32
      %dma_wait3A_290 = tpu.memref_slice %arg3[%dma_wait3A_288, %dma_wait3A_289] : memref<131072x128xf32, #tpu.memory_space<hbm>> -> memref<131072x128xf32, #tpu.memory_space<hbm>>
      tpu.wait_indirect_dma semaphore(%arg20 : memref<!tpu.dma_semaphore, #tpu.memory_space<semaphore_mem>>) src(%dma_wait3A_290 : memref<131072x128xf32, #tpu.memory_space<hbm>>) dst(%dma_wait3A_285 : memref<16x128xf32, #tpu.memory_space<vmem>>)
    } else {
    }
    %gt3A_172 = arith.constant 112 : i32
    %gt3A_173 = arith.cmpi sgt, %min3A_29, %gt3A_172 : i32
    %convert_element_type3A_174 = arith.extui %gt3A_173 : i1 to i32
    %cond3A_175 = arith.constant 0 : i32
    %cond3A_176 = arith.cmpi ne, %convert_element_type3A_174, %cond3A_175 : i32
    scf.if %cond3A_176 {
      %dma_wait3A_283 = arith.constant 112 : i32
      %dma_wait3A_284 = arith.constant 0 : i32
      %dma_wait3A_285 = tpu.memref_slice %arg10[%dma_wait3A_283, %dma_wait3A_284] : memref<256x128xf32, #tpu.memory_space<vmem>> -> memref<16x128xf32, #tpu.memory_space<vmem>>
      %dma_wait3A_286 = arith.constant 112 : i32
      %dma_wait3A_287 = tpu.memref_slice %arg9[%dma_wait3A_286] : memref<272xi32, #tpu.memory_space<vmem>> -> memref<16xi32, #tpu.memory_space<vmem>>
      %dma_wait3A_288 = arith.constant 0 : i32
      %dma_wait3A_289 = arith.constant 0 : i32
      %dma_wait3A_290 = tpu.memref_slice %arg3[%dma_wait3A_288, %dma_wait3A_289] : memref<131072x128xf32, #tpu.memory_space<hbm>> -> memref<131072x128xf32, #tpu.memory_space<hbm>>
      tpu.wait_indirect_dma semaphore(%arg20 : memref<!tpu.dma_semaphore, #tpu.memory_space<semaphore_mem>>) src(%dma_wait3A_290 : memref<131072x128xf32, #tpu.memory_space<hbm>>) dst(%dma_wait3A_285 : memref<16x128xf32, #tpu.memory_space<vmem>>)
    } else {
    }
    %gt3A_177 = arith.constant 128 : i32
    %gt3A_178 = arith.cmpi sgt, %min3A_29, %gt3A_177 : i32
    %convert_element_type3A_179 = arith.extui %gt3A_178 : i1 to i32
    %cond3A_180 = arith.constant 0 : i32
    %cond3A_181 = arith.cmpi ne, %convert_element_type3A_179, %cond3A_180 : i32
    scf.if %cond3A_181 {
      %dma_wait3A_283 = arith.constant 128 : i32
      %dma_wait3A_284 = arith.constant 0 : i32
      %dma_wait3A_285 = tpu.memref_slice %arg10[%dma_wait3A_283, %dma_wait3A_284] : memref<256x128xf32, #tpu.memory_space<vmem>> -> memref<16x128xf32, #tpu.memory_space<vmem>>
      %dma_wait3A_286 = arith.constant 128 : i32
      %dma_wait3A_287 = tpu.memref_slice %arg9[%dma_wait3A_286] : memref<272xi32, #tpu.memory_space<vmem>> -> memref<16xi32, #tpu.memory_space<vmem>>
      %dma_wait3A_288 = arith.constant 0 : i32
      %dma_wait3A_289 = arith.constant 0 : i32
      %dma_wait3A_290 = tpu.memref_slice %arg3[%dma_wait3A_288, %dma_wait3A_289] : memref<131072x128xf32, #tpu.memory_space<hbm>> -> memref<131072x128xf32, #tpu.memory_space<hbm>>
      tpu.wait_indirect_dma semaphore(%arg20 : memref<!tpu.dma_semaphore, #tpu.memory_space<semaphore_mem>>) src(%dma_wait3A_290 : memref<131072x128xf32, #tpu.memory_space<hbm>>) dst(%dma_wait3A_285 : memref<16x128xf32, #tpu.memory_space<vmem>>)
    } else {
    }
    %gt3A_182 = arith.constant 144 : i32
    %gt3A_183 = arith.cmpi sgt, %min3A_29, %gt3A_182 : i32
    %convert_element_type3A_184 = arith.extui %gt3A_183 : i1 to i32
    %cond3A_185 = arith.constant 0 : i32
    %cond3A_186 = arith.cmpi ne, %convert_element_type3A_184, %cond3A_185 : i32
    scf.if %cond3A_186 {
      %dma_wait3A_283 = arith.constant 144 : i32
      %dma_wait3A_284 = arith.constant 0 : i32
      %dma_wait3A_285 = tpu.memref_slice %arg10[%dma_wait3A_283, %dma_wait3A_284] : memref<256x128xf32, #tpu.memory_space<vmem>> -> memref<16x128xf32, #tpu.memory_space<vmem>>
      %dma_wait3A_286 = arith.constant 144 : i32
      %dma_wait3A_287 = tpu.memref_slice %arg9[%dma_wait3A_286] : memref<272xi32, #tpu.memory_space<vmem>> -> memref<16xi32, #tpu.memory_space<vmem>>
      %dma_wait3A_288 = arith.constant 0 : i32
      %dma_wait3A_289 = arith.constant 0 : i32
      %dma_wait3A_290 = tpu.memref_slice %arg3[%dma_wait3A_288, %dma_wait3A_289] : memref<131072x128xf32, #tpu.memory_space<hbm>> -> memref<131072x128xf32, #tpu.memory_space<hbm>>
      tpu.wait_indirect_dma semaphore(%arg20 : memref<!tpu.dma_semaphore, #tpu.memory_space<semaphore_mem>>) src(%dma_wait3A_290 : memref<131072x128xf32, #tpu.memory_space<hbm>>) dst(%dma_wait3A_285 : memref<16x128xf32, #tpu.memory_space<vmem>>)
    } else {
    }
    %gt3A_187 = arith.constant 160 : i32
    %gt3A_188 = arith.cmpi sgt, %min3A_29, %gt3A_187 : i32
    %convert_element_type3A_189 = arith.extui %gt3A_188 : i1 to i32
    %cond3A_190 = arith.constant 0 : i32
    %cond3A_191 = arith.cmpi ne, %convert_element_type3A_189, %cond3A_190 : i32
    scf.if %cond3A_191 {
      %dma_wait3A_283 = arith.constant 160 : i32
      %dma_wait3A_284 = arith.constant 0 : i32
      %dma_wait3A_285 = tpu.memref_slice %arg10[%dma_wait3A_283, %dma_wait3A_284] : memref<256x128xf32, #tpu.memory_space<vmem>> -> memref<16x128xf32, #tpu.memory_space<vmem>>
      %dma_wait3A_286 = arith.constant 160 : i32
      %dma_wait3A_287 = tpu.memref_slice %arg9[%dma_wait3A_286] : memref<272xi32, #tpu.memory_space<vmem>> -> memref<16xi32, #tpu.memory_space<vmem>>
      %dma_wait3A_288 = arith.constant 0 : i32
      %dma_wait3A_289 = arith.constant 0 : i32
      %dma_wait3A_290 = tpu.memref_slice %arg3[%dma_wait3A_288, %dma_wait3A_289] : memref<131072x128xf32, #tpu.memory_space<hbm>> -> memref<131072x128xf32, #tpu.memory_space<hbm>>
      tpu.wait_indirect_dma semaphore(%arg20 : memref<!tpu.dma_semaphore, #tpu.memory_space<semaphore_mem>>) src(%dma_wait3A_290 : memref<131072x128xf32, #tpu.memory_space<hbm>>) dst(%dma_wait3A_285 : memref<16x128xf32, #tpu.memory_space<vmem>>)
    } else {
    }
    %gt3A_192 = arith.constant 176 : i32
    %gt3A_193 = arith.cmpi sgt, %min3A_29, %gt3A_192 : i32
    %convert_element_type3A_194 = arith.extui %gt3A_193 : i1 to i32
    %cond3A_195 = arith.constant 0 : i32
    %cond3A_196 = arith.cmpi ne, %convert_element_type3A_194, %cond3A_195 : i32
    scf.if %cond3A_196 {
      %dma_wait3A_283 = arith.constant 176 : i32
      %dma_wait3A_284 = arith.constant 0 : i32
      %dma_wait3A_285 = tpu.memref_slice %arg10[%dma_wait3A_283, %dma_wait3A_284] : memref<256x128xf32, #tpu.memory_space<vmem>> -> memref<16x128xf32, #tpu.memory_space<vmem>>
      %dma_wait3A_286 = arith.constant 176 : i32
      %dma_wait3A_287 = tpu.memref_slice %arg9[%dma_wait3A_286] : memref<272xi32, #tpu.memory_space<vmem>> -> memref<16xi32, #tpu.memory_space<vmem>>
      %dma_wait3A_288 = arith.constant 0 : i32
      %dma_wait3A_289 = arith.constant 0 : i32
      %dma_wait3A_290 = tpu.memref_slice %arg3[%dma_wait3A_288, %dma_wait3A_289] : memref<131072x128xf32, #tpu.memory_space<hbm>> -> memref<131072x128xf32, #tpu.memory_space<hbm>>
      tpu.wait_indirect_dma semaphore(%arg20 : memref<!tpu.dma_semaphore, #tpu.memory_space<semaphore_mem>>) src(%dma_wait3A_290 : memref<131072x128xf32, #tpu.memory_space<hbm>>) dst(%dma_wait3A_285 : memref<16x128xf32, #tpu.memory_space<vmem>>)
    } else {
    }
    %gt3A_197 = arith.constant 192 : i32
    %gt3A_198 = arith.cmpi sgt, %min3A_29, %gt3A_197 : i32
    %convert_element_type3A_199 = arith.extui %gt3A_198 : i1 to i32
    %cond3A_200 = arith.constant 0 : i32
    %cond3A_201 = arith.cmpi ne, %convert_element_type3A_199, %cond3A_200 : i32
    scf.if %cond3A_201 {
      %dma_wait3A_283 = arith.constant 192 : i32
      %dma_wait3A_284 = arith.constant 0 : i32
      %dma_wait3A_285 = tpu.memref_slice %arg10[%dma_wait3A_283, %dma_wait3A_284] : memref<256x128xf32, #tpu.memory_space<vmem>> -> memref<16x128xf32, #tpu.memory_space<vmem>>
      %dma_wait3A_286 = arith.constant 192 : i32
      %dma_wait3A_287 = tpu.memref_slice %arg9[%dma_wait3A_286] : memref<272xi32, #tpu.memory_space<vmem>> -> memref<16xi32, #tpu.memory_space<vmem>>
      %dma_wait3A_288 = arith.constant 0 : i32
      %dma_wait3A_289 = arith.constant 0 : i32
      %dma_wait3A_290 = tpu.memref_slice %arg3[%dma_wait3A_288, %dma_wait3A_289] : memref<131072x128xf32, #tpu.memory_space<hbm>> -> memref<131072x128xf32, #tpu.memory_space<hbm>>
      tpu.wait_indirect_dma semaphore(%arg20 : memref<!tpu.dma_semaphore, #tpu.memory_space<semaphore_mem>>) src(%dma_wait3A_290 : memref<131072x128xf32, #tpu.memory_space<hbm>>) dst(%dma_wait3A_285 : memref<16x128xf32, #tpu.memory_space<vmem>>)
    } else {
    }
    %gt3A_202 = arith.constant 208 : i32
    %gt3A_203 = arith.cmpi sgt, %min3A_29, %gt3A_202 : i32
    %convert_element_type3A_204 = arith.extui %gt3A_203 : i1 to i32
    %cond3A_205 = arith.constant 0 : i32
    %cond3A_206 = arith.cmpi ne, %convert_element_type3A_204, %cond3A_205 : i32
    scf.if %cond3A_206 {
      %dma_wait3A_283 = arith.constant 208 : i32
      %dma_wait3A_284 = arith.constant 0 : i32
      %dma_wait3A_285 = tpu.memref_slice %arg10[%dma_wait3A_283, %dma_wait3A_284] : memref<256x128xf32, #tpu.memory_space<vmem>> -> memref<16x128xf32, #tpu.memory_space<vmem>>
      %dma_wait3A_286 = arith.constant 208 : i32
      %dma_wait3A_287 = tpu.memref_slice %arg9[%dma_wait3A_286] : memref<272xi32, #tpu.memory_space<vmem>> -> memref<16xi32, #tpu.memory_space<vmem>>
      %dma_wait3A_288 = arith.constant 0 : i32
      %dma_wait3A_289 = arith.constant 0 : i32
      %dma_wait3A_290 = tpu.memref_slice %arg3[%dma_wait3A_288, %dma_wait3A_289] : memref<131072x128xf32, #tpu.memory_space<hbm>> -> memref<131072x128xf32, #tpu.memory_space<hbm>>
      tpu.wait_indirect_dma semaphore(%arg20 : memref<!tpu.dma_semaphore, #tpu.memory_space<semaphore_mem>>) src(%dma_wait3A_290 : memref<131072x128xf32, #tpu.memory_space<hbm>>) dst(%dma_wait3A_285 : memref<16x128xf32, #tpu.memory_space<vmem>>)
    } else {
    }
    %gt3A_207 = arith.constant 224 : i32
    %gt3A_208 = arith.cmpi sgt, %min3A_29, %gt3A_207 : i32
    %convert_element_type3A_209 = arith.extui %gt3A_208 : i1 to i32
    %cond3A_210 = arith.constant 0 : i32
    %cond3A_211 = arith.cmpi ne, %convert_element_type3A_209, %cond3A_210 : i32
    scf.if %cond3A_211 {
      %dma_wait3A_283 = arith.constant 224 : i32
      %dma_wait3A_284 = arith.constant 0 : i32
      %dma_wait3A_285 = tpu.memref_slice %arg10[%dma_wait3A_283, %dma_wait3A_284] : memref<256x128xf32, #tpu.memory_space<vmem>> -> memref<16x128xf32, #tpu.memory_space<vmem>>
      %dma_wait3A_286 = arith.constant 224 : i32
      %dma_wait3A_287 = tpu.memref_slice %arg9[%dma_wait3A_286] : memref<272xi32, #tpu.memory_space<vmem>> -> memref<16xi32, #tpu.memory_space<vmem>>
      %dma_wait3A_288 = arith.constant 0 : i32
      %dma_wait3A_289 = arith.constant 0 : i32
      %dma_wait3A_290 = tpu.memref_slice %arg3[%dma_wait3A_288, %dma_wait3A_289] : memref<131072x128xf32, #tpu.memory_space<hbm>> -> memref<131072x128xf32, #tpu.memory_space<hbm>>
      tpu.wait_indirect_dma semaphore(%arg20 : memref<!tpu.dma_semaphore, #tpu.memory_space<semaphore_mem>>) src(%dma_wait3A_290 : memref<131072x128xf32, #tpu.memory_space<hbm>>) dst(%dma_wait3A_285 : memref<16x128xf32, #tpu.memory_space<vmem>>)
    } else {
    }
    %gt3A_212 = arith.constant 240 : i32
    %gt3A_213 = arith.cmpi sgt, %min3A_29, %gt3A_212 : i32
    %convert_element_type3A_214 = arith.extui %gt3A_213 : i1 to i32
    %cond3A_215 = arith.constant 0 : i32
    %cond3A_216 = arith.cmpi ne, %convert_element_type3A_214, %cond3A_215 : i32
    scf.if %cond3A_216 {
      %dma_wait3A_283 = arith.constant 240 : i32
      %dma_wait3A_284 = arith.constant 0 : i32
      %dma_wait3A_285 = tpu.memref_slice %arg10[%dma_wait3A_283, %dma_wait3A_284] : memref<256x128xf32, #tpu.memory_space<vmem>> -> memref<16x128xf32, #tpu.memory_space<vmem>>
      %dma_wait3A_286 = arith.constant 240 : i32
      %dma_wait3A_287 = tpu.memref_slice %arg9[%dma_wait3A_286] : memref<272xi32, #tpu.memory_space<vmem>> -> memref<16xi32, #tpu.memory_space<vmem>>
      %dma_wait3A_288 = arith.constant 0 : i32
      %dma_wait3A_289 = arith.constant 0 : i32
      %dma_wait3A_290 = tpu.memref_slice %arg3[%dma_wait3A_288, %dma_wait3A_289] : memref<131072x128xf32, #tpu.memory_space<hbm>> -> memref<131072x128xf32, #tpu.memory_space<hbm>>
      tpu.wait_indirect_dma semaphore(%arg20 : memref<!tpu.dma_semaphore, #tpu.memory_space<semaphore_mem>>) src(%dma_wait3A_290 : memref<131072x128xf32, #tpu.memory_space<hbm>>) dst(%dma_wait3A_285 : memref<16x128xf32, #tpu.memory_space<vmem>>)
    } else {
    }
    %while3A_217 = arith.constant 0 : i32
    %while3A_218 = arith.constant 0 : i32
    "tpu.trace_stop"() : () -> ()
    %while3A_219 = arith.subi %select_n3A, %while3A_217 : i32
    %while3A_220 = arith.addi %while3A_217, %while3A_219 : i32
    %while3A_221 = arith.constant 1 : i32
    %while3A_222 = arith.divsi %while3A_219, %while3A_221 : i32
    %while3A_223 = arith.muli %while3A_222, %while3A_221 : i32
    %while3A_224 = arith.addi %while3A_217, %while3A_223 : i32
    %while3A_225 = arith.constant 1 : i32
    %while3A_226 = scf.for %while3A_283 = %while3A_217 to %while3A_224 step %while3A_225 iter_args(%while3A_284 = %while3A_218) -> (i32)  : i32 {
      %mul3A_285 = arith.constant 16 : i32
      %mul3A_286 = arith.muli %while3A_283, %mul3A_285 : i32
      %add3A_287 = vector.broadcast %mul3A_286 : i32 to vector<16xi32>
      %add3A_288 = arith.addi %iota3A, %add3A_287 : vector<16xi32>
      %mul3A_289 = arith.constant 16 : i32
      %mul3A_290 = arith.muli %while3A_283, %mul3A_289 : i32
      %get3A = arith.index_cast %mul3A_290 : i32 to index
      %get3A_291 = tpu.vector_load %arg7[%get3A] {strides = array<i32>} : memref<272xi32, #tpu.memory_space<vmem>>, vector<16xi32>,
      %and3A_292 = arith.constant 127 : i32
      %and3A_293 = vector.broadcast %and3A_292 : i32 to vector<16xi32>
      %and3A_294 = arith.andi %get3A_291, %and3A_293 : vector<16xi32>
      %gather3A = tpu.vector_load_idx %arg10[%add3A_288, %and3A_294] : memref<256x128xf32, #tpu.memory_space<vmem>>[vector<16xi32>, vector<16xi32>], vector<16xf32>,
      %ge3A = arith.constant 0 : i32
      %ge3A_295 = vector.broadcast %ge3A : i32 to vector<16xi32>
      %ge3A_296 = arith.cmpi sge, %get3A_291, %ge3A_295 : vector<16xi32>
      %select_n3A_297 = arith.select %ge3A_296, %gather3A, %broadcast_in_dim3A_7 : vector<16xi1>, vector<16xf32>
      %mul3A_298 = arith.constant 16 : i32
      %mul3A_299 = arith.muli %while3A_283, %mul3A_298 : i32
      %swap3A_300 = arith.index_cast %mul3A_299 : i32 to index
      %swap3A_301 = tpu.vector_load %arg8[%swap3A_300] {strides = array<i32>} : memref<272xf32, #tpu.memory_space<vmem>>, vector<16xf32>,
      tpu.vector_store %arg8[%swap3A_300], %select_n3A_297 {strides = array<i32>} : memref<272xf32, #tpu.memory_space<vmem>>, vector<16xf32>,
      %while3A_302 = arith.constant 0 : i32
      scf.yield %while3A_302 : i32
    }
    %while3A_227 = arith.constant 1 : i32
    %while3A_228 = scf.for %while3A_283 = %while3A_224 to %while3A_220 step %while3A_227 iter_args(%while3A_284 = %while3A_226) -> (i32)  : i32 {
      %mul3A_285 = arith.constant 16 : i32
      %mul3A_286 = arith.muli %while3A_283, %mul3A_285 : i32
      %add3A_287 = vector.broadcast %mul3A_286 : i32 to vector<16xi32>
      %add3A_288 = arith.addi %iota3A, %add3A_287 : vector<16xi32>
      %mul3A_289 = arith.constant 16 : i32
      %mul3A_290 = arith.muli %while3A_283, %mul3A_289 : i32
      %get3A = arith.index_cast %mul3A_290 : i32 to index
      %get3A_291 = tpu.vector_load %arg7[%get3A] {strides = array<i32>} : memref<272xi32, #tpu.memory_space<vmem>>, vector<16xi32>,
      %and3A_292 = arith.constant 127 : i32
      %and3A_293 = vector.broadcast %and3A_292 : i32 to vector<16xi32>
      %and3A_294 = arith.andi %get3A_291, %and3A_293 : vector<16xi32>
      %gather3A = tpu.vector_load_idx %arg10[%add3A_288, %and3A_294] : memref<256x128xf32, #tpu.memory_space<vmem>>[vector<16xi32>, vector<16xi32>], vector<16xf32>,
      %ge3A = arith.constant 0 : i32
      %ge3A_295 = vector.broadcast %ge3A : i32 to vector<16xi32>
      %ge3A_296 = arith.cmpi sge, %get3A_291, %ge3A_295 : vector<16xi32>
      %select_n3A_297 = arith.select %ge3A_296, %gather3A, %broadcast_in_dim3A_7 : vector<16xi1>, vector<16xf32>
      %mul3A_298 = arith.constant 16 : i32
      %mul3A_299 = arith.muli %while3A_283, %mul3A_298 : i32
      %swap3A_300 = arith.index_cast %mul3A_299 : i32 to index
      %swap3A_301 = tpu.vector_load %arg8[%swap3A_300] {strides = array<i32>} : memref<272xf32, #tpu.memory_space<vmem>>, vector<16xf32>,
      tpu.vector_store %arg8[%swap3A_300], %select_n3A_297 {strides = array<i32>} : memref<272xf32, #tpu.memory_space<vmem>>, vector<16xf32>,
      %while3A_302 = arith.constant 0 : i32
      scf.yield %while3A_302 : i32
    }
    %scan3A_229 = arith.constant 0 : i32
    %scan3A_230 = arith.constant 0 : i32
    %scan3A_231 = arith.constant 3 : i32
    %scan3A_232 = arith.addi %scan3A_230, %scan3A_231 : i32
    %scan3A_233 = arith.constant 1 : i32
    %scan3A_234 = scf.for %scan3A_283 = %scan3A_230 to %scan3A_232 step %scan3A_233 iter_args(%scan3A_284 = %scan3A_229) -> (i32)  : i32 {
      %mul3A_285 = arith.constant 16 : i32
      %mul3A_286 = arith.muli %scan3A_283, %mul3A_285 : i32
      %swap3A_287 = arith.index_cast %mul3A_286 : i32 to index
      %swap3A_288 = tpu.vector_load %arg13[%swap3A_287] {strides = array<i32>} : memref<48xi32, #tpu.memory_space<vmem>>, vector<16xi32>,
      tpu.vector_store %arg13[%swap3A_287], %broadcast_in_dim3A_3 {strides = array<i32>} : memref<48xi32, #tpu.memory_space<vmem>>, vector<16xi32>,
      %scan3A_289 = arith.constant 0 : i32
      scf.yield %scan3A_289 : i32
    }
    %scan3A_235 = arith.constant 3 : i32
    "tpu.trace_start"() <{level = 10 : i32, message = "b_bpass"}> : () -> ()
    %min3A_236 = arith.constant 256 : i32
    %min3A_237 = arith.minsi %scan3A_27, %min3A_236 : i32
    %while3A_238 = arith.constant 0 : i32
    %while3A_239 = arith.constant 0 : i32
    %while3A_240 = arith.subi %min3A_237, %while3A_238 : i32
    %while3A_241 = arith.addi %while3A_238, %while3A_240 : i32
    %while3A_242 = arith.constant 1 : i32
    %while3A_243 = arith.divsi %while3A_240, %while3A_242 : i32
    %while3A_244 = arith.muli %while3A_243, %while3A_242 : i32
    %while3A_245 = arith.addi %while3A_238, %while3A_244 : i32
    %while3A_246 = arith.constant 1 : i32
    %while3A_247 = scf.for %while3A_283 = %while3A_238 to %while3A_245 step %while3A_246 iter_args(%while3A_284 = %while3A_239) -> (i32)  : i32 {
      %get3A = arith.index_cast %while3A_283 : i32 to index
      %get3A_285 = tpu.vector_load %arg7[%get3A] {strides = array<i32>} : memref<272xi32, #tpu.memory_space<vmem>>, vector<16xi32>,
      %slice3A = vector.extract_strided_slice %get3A_285 {offsets = [0], sizes = [1], strides = [1]} : vector<16xi32> to vector<1xi32>
      %squeeze3A = vector.extract %slice3A[0] : i32 from vector<1xi32>
      %shift_right_arithmetic3A = arith.constant 14 : i32
      %shift_right_arithmetic3A_286 = arith.shrsi %squeeze3A, %shift_right_arithmetic3A : i32
      %sub3A_287 = arith.subi %shift_right_arithmetic3A_286, %mul3A_2 : i32
      %get3A_288 = arith.index_cast %sub3A_287 : i32 to index
      %get3A_289 = tpu.vector_load %arg13[%get3A_288] {strides = array<i32>} : memref<48xi32, #tpu.memory_space<vmem>>, vector<16xi32>,
      %slice3A_290 = vector.extract_strided_slice %get3A_289 {offsets = [0], sizes = [1], strides = [1]} : vector<16xi32> to vector<1xi32>
      %squeeze3A_291 = vector.extract %slice3A_290[0] : i32 from vector<1xi32>
      %mul3A_292 = arith.constant 16 : i32
      %mul3A_293 = arith.muli %sub3A_287, %mul3A_292 : i32
      %min3A_294 = arith.constant 15 : i32
      %min3A_295 = arith.minsi %squeeze3A_291, %min3A_294 : i32
      %add3A_296 = arith.addi %mul3A_293, %min3A_295 : i32
      %get3A_297 = arith.index_cast %add3A_296 : i32 to index
      %get3A_298 = tpu.vector_load %arg11[%get3A_297] {strides = array<i32>} : memref<528xi32, #tpu.memory_space<vmem>>, vector<16xi32>,
      %broadcast_in_dim3A_299 = vector.broadcast %squeeze3A : i32 to vector<16xi32>
      %iota3A_300 = tpu.iota {dimensions = array<i32: 0>} : vector<16xi32>
      %eq3A = arith.constant 0 : i32
      %eq3A_301 = vector.broadcast %eq3A : i32 to vector<16xi32>
      %eq3A_302 = arith.cmpi eq, %iota3A_300, %eq3A_301 : vector<16xi32>
      %select_n3A_303 = arith.select %eq3A_302, %broadcast_in_dim3A_299, %get3A_298 : vector<16xi1>, vector<16xi32>
      %swap3A_304 = arith.index_cast %add3A_296 : i32 to index
      %swap3A_305 = tpu.vector_load %arg11[%swap3A_304] {strides = array<i32>} : memref<528xi32, #tpu.memory_space<vmem>>, vector<16xi32>,
      tpu.vector_store %arg11[%swap3A_304], %select_n3A_303 {strides = array<i32>} : memref<528xi32, #tpu.memory_space<vmem>>, vector<16xi32>,
      %get3A_306 = arith.index_cast %while3A_283 : i32 to index
      %get3A_307 = tpu.vector_load %arg8[%get3A_306] {strides = array<i32>} : memref<272xf32, #tpu.memory_space<vmem>>, vector<16xf32>,
      %slice3A_308 = vector.extract_strided_slice %get3A_307 {offsets = [0], sizes = [1], strides = [1]} : vector<16xf32> to vector<1xf32>
      %squeeze3A_309 = vector.extract %slice3A_308[0] : f32 from vector<1xf32>
      %get3A_310 = arith.index_cast %add3A_296 : i32 to index
      %get3A_311 = tpu.vector_load %arg12[%get3A_310] {strides = array<i32>} : memref<528xf32, #tpu.memory_space<vmem>>, vector<16xf32>,
      %broadcast_in_dim3A_312 = vector.broadcast %squeeze3A_309 : f32 to vector<16xf32>
      %iota3A_313 = tpu.iota {dimensions = array<i32: 0>} : vector<16xi32>
      %eq3A_314 = arith.constant 0 : i32
      %eq3A_315 = vector.broadcast %eq3A_314 : i32 to vector<16xi32>
      %eq3A_316 = arith.cmpi eq, %iota3A_313, %eq3A_315 : vector<16xi32>
      %select_n3A_317 = arith.select %eq3A_316, %broadcast_in_dim3A_312, %get3A_311 : vector<16xi1>, vector<16xf32>
      %swap3A_318 = arith.index_cast %add3A_296 : i32 to index
      %swap3A_319 = tpu.vector_load %arg12[%swap3A_318] {strides = array<i32>} : memref<528xf32, #tpu.memory_space<vmem>>, vector<16xf32>,
      tpu.vector_store %arg12[%swap3A_318], %select_n3A_317 {strides = array<i32>} : memref<528xf32, #tpu.memory_space<vmem>>, vector<16xf32>,
      %add3A_320 = arith.constant 1 : i32
      %add3A_321 = arith.addi %squeeze3A_291, %add3A_320 : i32
      %get3A_322 = arith.index_cast %sub3A_287 : i32 to index
      %get3A_323 = tpu.vector_load %arg13[%get3A_322] {strides = array<i32>} : memref<48xi32, #tpu.memory_space<vmem>>, vector<16xi32>,
      %broadcast_in_dim3A_324 = vector.broadcast %add3A_321 : i32 to vector<16xi32>
      %iota3A_325 = tpu.iota {dimensions = array<i32: 0>} : vector<16xi32>
      %eq3A_326 = arith.constant 0 : i32
      %eq3A_327 = vector.broadcast %eq3A_326 : i32 to vector<16xi32>
      %eq3A_328 = arith.cmpi eq, %iota3A_325, %eq3A_327 : vector<16xi32>
      %select_n3A_329 = arith.select %eq3A_328, %broadcast_in_dim3A_324, %get3A_323 : vector<16xi1>, vector<16xi32>
      %swap3A_330 = arith.index_cast %sub3A_287 : i32 to index
      %swap3A_331 = tpu.vector_load %arg13[%swap3A_330] {strides = array<i32>} : memref<48xi32, #tpu.memory_space<vmem>>, vector<16xi32>,
      tpu.vector_store %arg13[%swap3A_330], %select_n3A_329 {strides = array<i32>} : memref<48xi32, #tpu.memory_space<vmem>>, vector<16xi32>,
      %while3A_332 = arith.constant 0 : i32
      scf.yield %while3A_332 : i32
    }
    %while3A_248 = arith.constant 1 : i32
    %while3A_249 = scf.for %while3A_283 = %while3A_245 to %while3A_241 step %while3A_248 iter_args(%while3A_284 = %while3A_247) -> (i32)  : i32 {
      %get3A = arith.index_cast %while3A_283 : i32 to index
      %get3A_285 = tpu.vector_load %arg7[%get3A] {strides = array<i32>} : memref<272xi32, #tpu.memory_space<vmem>>, vector<16xi32>,
      %slice3A = vector.extract_strided_slice %get3A_285 {offsets = [0], sizes = [1], strides = [1]} : vector<16xi32> to vector<1xi32>
      %squeeze3A = vector.extract %slice3A[0] : i32 from vector<1xi32>
      %shift_right_arithmetic3A = arith.constant 14 : i32
      %shift_right_arithmetic3A_286 = arith.shrsi %squeeze3A, %shift_right_arithmetic3A : i32
      %sub3A_287 = arith.subi %shift_right_arithmetic3A_286, %mul3A_2 : i32
      %get3A_288 = arith.index_cast %sub3A_287 : i32 to index
      %get3A_289 = tpu.vector_load %arg13[%get3A_288] {strides = array<i32>} : memref<48xi32, #tpu.memory_space<vmem>>, vector<16xi32>,
      %slice3A_290 = vector.extract_strided_slice %get3A_289 {offsets = [0], sizes = [1], strides = [1]} : vector<16xi32> to vector<1xi32>
      %squeeze3A_291 = vector.extract %slice3A_290[0] : i32 from vector<1xi32>
      %mul3A_292 = arith.constant 16 : i32
      %mul3A_293 = arith.muli %sub3A_287, %mul3A_292 : i32
      %min3A_294 = arith.constant 15 : i32
      %min3A_295 = arith.minsi %squeeze3A_291, %min3A_294 : i32
      %add3A_296 = arith.addi %mul3A_293, %min3A_295 : i32
      %get3A_297 = arith.index_cast %add3A_296 : i32 to index
      %get3A_298 = tpu.vector_load %arg11[%get3A_297] {strides = array<i32>} : memref<528xi32, #tpu.memory_space<vmem>>, vector<16xi32>,
      %broadcast_in_dim3A_299 = vector.broadcast %squeeze3A : i32 to vector<16xi32>
      %iota3A_300 = tpu.iota {dimensions = array<i32: 0>} : vector<16xi32>
      %eq3A = arith.constant 0 : i32
      %eq3A_301 = vector.broadcast %eq3A : i32 to vector<16xi32>
      %eq3A_302 = arith.cmpi eq, %iota3A_300, %eq3A_301 : vector<16xi32>
      %select_n3A_303 = arith.select %eq3A_302, %broadcast_in_dim3A_299, %get3A_298 : vector<16xi1>, vector<16xi32>
      %swap3A_304 = arith.index_cast %add3A_296 : i32 to index
      %swap3A_305 = tpu.vector_load %arg11[%swap3A_304] {strides = array<i32>} : memref<528xi32, #tpu.memory_space<vmem>>, vector<16xi32>,
      tpu.vector_store %arg11[%swap3A_304], %select_n3A_303 {strides = array<i32>} : memref<528xi32, #tpu.memory_space<vmem>>, vector<16xi32>,
      %get3A_306 = arith.index_cast %while3A_283 : i32 to index
      %get3A_307 = tpu.vector_load %arg8[%get3A_306] {strides = array<i32>} : memref<272xf32, #tpu.memory_space<vmem>>, vector<16xf32>,
      %slice3A_308 = vector.extract_strided_slice %get3A_307 {offsets = [0], sizes = [1], strides = [1]} : vector<16xf32> to vector<1xf32>
      %squeeze3A_309 = vector.extract %slice3A_308[0] : f32 from vector<1xf32>
      %get3A_310 = arith.index_cast %add3A_296 : i32 to index
      %get3A_311 = tpu.vector_load %arg12[%get3A_310] {strides = array<i32>} : memref<528xf32, #tpu.memory_space<vmem>>, vector<16xf32>,
      %broadcast_in_dim3A_312 = vector.broadcast %squeeze3A_309 : f32 to vector<16xf32>
      %iota3A_313 = tpu.iota {dimensions = array<i32: 0>} : vector<16xi32>
      %eq3A_314 = arith.constant 0 : i32
      %eq3A_315 = vector.broadcast %eq3A_314 : i32 to vector<16xi32>
      %eq3A_316 = arith.cmpi eq, %iota3A_313, %eq3A_315 : vector<16xi32>
      %select_n3A_317 = arith.select %eq3A_316, %broadcast_in_dim3A_312, %get3A_311 : vector<16xi1>, vector<16xf32>
      %swap3A_318 = arith.index_cast %add3A_296 : i32 to index
      %swap3A_319 = tpu.vector_load %arg12[%swap3A_318] {strides = array<i32>} : memref<528xf32, #tpu.memory_space<vmem>>, vector<16xf32>,
      tpu.vector_store %arg12[%swap3A_318], %select_n3A_317 {strides = array<i32>} : memref<528xf32, #tpu.memory_space<vmem>>, vector<16xf32>,
      %add3A_320 = arith.constant 1 : i32
      %add3A_321 = arith.addi %squeeze3A_291, %add3A_320 : i32
      %get3A_322 = arith.index_cast %sub3A_287 : i32 to index
      %get3A_323 = tpu.vector_load %arg13[%get3A_322] {strides = array<i32>} : memref<48xi32, #tpu.memory_space<vmem>>, vector<16xi32>,
      %broadcast_in_dim3A_324 = vector.broadcast %add3A_321 : i32 to vector<16xi32>
      %iota3A_325 = tpu.iota {dimensions = array<i32: 0>} : vector<16xi32>
      %eq3A_326 = arith.constant 0 : i32
      %eq3A_327 = vector.broadcast %eq3A_326 : i32 to vector<16xi32>
      %eq3A_328 = arith.cmpi eq, %iota3A_325, %eq3A_327 : vector<16xi32>
      %select_n3A_329 = arith.select %eq3A_328, %broadcast_in_dim3A_324, %get3A_323 : vector<16xi1>, vector<16xi32>
      %swap3A_330 = arith.index_cast %sub3A_287 : i32 to index
      %swap3A_331 = tpu.vector_load %arg13[%swap3A_330] {strides = array<i32>} : memref<48xi32, #tpu.memory_space<vmem>>, vector<16xi32>,
      tpu.vector_store %arg13[%swap3A_330], %select_n3A_329 {strides = array<i32>} : memref<48xi32, #tpu.memory_space<vmem>>, vector<16xi32>,
      %while3A_332 = arith.constant 0 : i32
      scf.yield %while3A_332 : i32
    }
    "tpu.trace_stop"() : () -> ()
    "tpu.trace_start"() <{level = 10 : i32, message = "b_pq"}> : () -> ()
    %scan3A_250 = arith.constant 0 : i32
    %scan3A_251 = arith.constant 0 : i32
    %scan3A_252 = arith.constant 32 : i32
    %scan3A_253 = arith.addi %scan3A_251, %scan3A_252 : i32
    %scan3A_254 = arith.constant 1 : i32
    %scan3A_255 = scf.for %scan3A_283 = %scan3A_251 to %scan3A_253 step %scan3A_254 iter_args(%scan3A_284 = %scan3A_250) -> (i32)  : i32 {
      %add3A_285 = arith.addi %mul3A_2, %scan3A_283 : i32
      %mul3A_286 = arith.constant 112 : i32
      %mul3A_287 = arith.muli %scan3A_283, %mul3A_286 : i32
      %mul3A_288 = arith.constant 16384 : i32
      %mul3A_289 = arith.muli %add3A_285, %mul3A_288 : i32
      %add3A_290 = arith.constant 16384 : i32
      %add3A_291 = arith.addi %mul3A_289, %add3A_290 : i32
      %get3A = arith.index_cast %scan3A_283 : i32 to index
      %get3A_292 = tpu.vector_load %arg13[%get3A] {strides = array<i32>} : memref<48xi32, #tpu.memory_space<vmem>>, vector<16xi32>,
      %slice3A = vector.extract_strided_slice %get3A_292 {offsets = [0], sizes = [1], strides = [1]} : vector<16xi32> to vector<1xi32>
      %squeeze3A = vector.extract %slice3A[0] : i32 from vector<1xi32>
      %mul3A_293 = arith.constant 16 : i32
      %mul3A_294 = arith.muli %scan3A_283, %mul3A_293 : i32
      %get3A_295 = arith.index_cast %mul3A_294 : i32 to index
      %get3A_296 = tpu.vector_load %arg11[%get3A_295] {strides = array<i32>} : memref<528xi32, #tpu.memory_space<vmem>>, vector<16xi32>,
      %mul3A_297 = arith.constant 16 : i32
      %mul3A_298 = arith.muli %scan3A_283, %mul3A_297 : i32
      %get3A_299 = arith.index_cast %mul3A_298 : i32 to index
      %get3A_300 = tpu.vector_load %arg12[%get3A_299] {strides = array<i32>} : memref<528xf32, #tpu.memory_space<vmem>>, vector<16xf32>,
      %lt3A = vector.broadcast %squeeze3A : i32 to vector<16xi32>
      %lt3A_301 = arith.cmpi slt, %iota3A, %lt3A : vector<16xi32>
      %masked_sort3A, %masked_sort3A_302, %masked_sort3A_303 = tpu.sort %get3A_300, %get3A_296 masked %lt3A_301 {descending = true} : (vector<16xf32>, vector<16xi32>, vector<16xi1>) -> (vector<16xi1>, vector<16xf32>, vector<16xi32>)
      %broadcast_in_dim3A_304 = arith.constant 3.000000e+38 : f32
      %broadcast_in_dim3A_305 = vector.broadcast %broadcast_in_dim3A_304 : f32 to vector<16xf32>
      %swap3A_306 = arith.constant 0 : index
      %swap3A_307 = tpu.vector_load %arg14[%swap3A_306] {strides = array<i32>} : memref<48xf32, #tpu.memory_space<vmem>>, vector<16xf32>,
      tpu.vector_store %arg14[%swap3A_306], %broadcast_in_dim3A_305 {strides = array<i32>} : memref<48xf32, #tpu.memory_space<vmem>>, vector<16xf32>,
      %swap3A_308 = arith.constant 1 : index
      %swap3A_309 = tpu.vector_load %arg14[%swap3A_308] {strides = array<i32>} : memref<48xf32, #tpu.memory_space<vmem>>, vector<16xf32>,
      tpu.vector_store %arg14[%swap3A_308], %masked_sort3A_302 {strides = array<i32>} : memref<48xf32, #tpu.memory_space<vmem>>, vector<16xf32>,
      %swap3A_310 = arith.constant 0 : index
      %swap3A_311 = tpu.vector_load %arg15[%swap3A_310] {strides = array<i32>} : memref<48xi32, #tpu.memory_space<vmem>>, vector<16xi32>,
      tpu.vector_store %arg15[%swap3A_310], %broadcast_in_dim3A_5 {strides = array<i32>} : memref<48xi32, #tpu.memory_space<vmem>>, vector<16xi32>,
      %swap3A_312 = arith.constant 1 : index
      %swap3A_313 = tpu.vector_load %arg15[%swap3A_312] {strides = array<i32>} : memref<48xi32, #tpu.memory_space<vmem>>, vector<16xi32>,
      tpu.vector_store %arg15[%swap3A_312], %masked_sort3A_303 {strides = array<i32>} : memref<48xi32, #tpu.memory_space<vmem>>, vector<16xi32>,
      %get3A_314 = arith.constant 0 : index
      %get3A_315 = tpu.vector_load %arg14[%get3A_314] {strides = array<i32>} : memref<48xf32, #tpu.memory_space<vmem>>, vector<16xf32>,
      %get3A_316 = arith.constant 0 : index
      %get3A_317 = tpu.vector_load %arg15[%get3A_316] {strides = array<i32>} : memref<48xi32, #tpu.memory_space<vmem>>, vector<16xi32>,
      %eq3A = arith.cmpf oeq, %masked_sort3A_302, %get3A_315 : vector<16xf32>
      %and3A_318 = arith.andi %lt3A_301, %eq3A : vector<16xi1>
      %ne3A_319 = arith.cmpi ne, %masked_sort3A_303, %get3A_317 : vector<16xi32>
      %and3A_320 = arith.andi %and3A_318, %ne3A_319 : vector<16xi1>
      %eq3A_321 = arith.cmpi eq, %masked_sort3A_303, %get3A_317 : vector<16xi32>
      %and3A_322 = arith.andi %lt3A_301, %eq3A_321 : vector<16xi1>
      %not3A = arith.constant dense<true> : vector<16xi1>
      %not3A_323 = arith.xori %and3A_322, %not3A : vector<16xi1>
      %and3A_324 = arith.andi %lt3A_301, %not3A_323 : vector<16xi1>
      %and3A_325 = arith.constant 16383 : i32
      %and3A_326 = vector.broadcast %and3A_325 : i32 to vector<16xi32>
      %and3A_327 = arith.andi %masked_sort3A_303, %and3A_326 : vector<16xi32>
      %all_reduce_population_count3A = tpu.all_reduce %and3A_320 {dim = 0 : i64, kind = #tpu.reduction_kind<sum>} : vector<16xi1> -> vector<16xi32>
      %slice3A_328 = vector.extract_strided_slice %all_reduce_population_count3A {offsets = [0], sizes = [1], strides = [1]} : vector<16xi32> to vector<1xi32>
      %squeeze3A_329 = vector.extract %slice3A_328[0] : i32 from vector<1xi32>
      %gt3A_330 = arith.constant 0 : i32
      %gt3A_331 = arith.cmpi sgt, %squeeze3A_329, %gt3A_330 : i32
      %lt3A_332 = arith.constant 256 : i32
      %lt3A_333 = vector.broadcast %lt3A_332 : i32 to vector<16xi32>
      %lt3A_334 = arith.cmpi slt, %and3A_327, %lt3A_333 : vector<16xi32>
      %and3A_335 = arith.andi %and3A_324, %lt3A_334 : vector<16xi1>
      %all_reduce_population_count3A_336 = tpu.all_reduce %and3A_335 {dim = 0 : i64, kind = #tpu.reduction_kind<sum>} : vector<16xi1> -> vector<16xi32>
      %slice3A_337 = vector.extract_strided_slice %all_reduce_population_count3A_336 {offsets = [0], sizes = [1], strides = [1]} : vector<16xi32> to vector<1xi32>
      %squeeze3A_338 = vector.extract %slice3A_337[0] : i32 from vector<1xi32>
      %gt3A_339 = arith.constant 0 : i32
      %gt3A_340 = arith.cmpi sgt, %squeeze3A_338, %gt3A_339 : i32
      %le3A = arith.constant 16 : i32
      %le3A_341 = arith.cmpi sle, %squeeze3A, %le3A : i32
      %not3A_342 = arith.constant true
      %not3A_343 = arith.xori %gt3A_331, %not3A_342 : i1
      %and3A_344 = arith.andi %le3A_341, %not3A_343 : i1
      %not3A_345 = arith.constant true
      %not3A_346 = arith.xori %gt3A_340, %not3A_345 : i1
      %and3A_347 = arith.andi %and3A_344, %not3A_346 : i1
      %convert_element_type3A_348 = arith.extui %and3A_347 : i1 to i32
      %cond3A_349 = arith.constant 0 : i32
      %cond3A_350 = arith.cmpi ne, %convert_element_type3A_348, %cond3A_349 : i32
      scf.if %cond3A_350 {
        %all_reduce_population_count3A_357 = tpu.all_reduce %and3A_324 {dim = 0 : i64, kind = #tpu.reduction_kind<sum>} : vector<16xi1> -> vector<16xi32>
        %slice3A_358 = vector.extract_strided_slice %all_reduce_population_count3A_357 {offsets = [0], sizes = [1], strides = [1]} : vector<16xi32> to vector<1xi32>
        %squeeze3A_359 = vector.extract %slice3A_358[0] : i32 from vector<1xi32>
        %iota3A_360 = tpu.iota {dimensions = array<i32: 0>} : vector<16xi32>
        %masked_sort3A_361 = arith.constant -2147483648 : i32
        %masked_sort3A_362 = vector.broadcast %masked_sort3A_361 : i32 to vector<16xi32>
        %masked_sort3A_363 = arith.xori %iota3A_360, %masked_sort3A_362 : vector<16xi32>
        %masked_sort3A_364, %masked_sort3A_365, %masked_sort3A_366 = tpu.sort %masked_sort3A_363, %and3A_327 masked %and3A_324 : (vector<16xi32>, vector<16xi32>, vector<16xi1>) -> (vector<16xi1>, vector<16xi32>, vector<16xi32>)
        %masked_sort3A_367 = arith.xori %masked_sort3A_365, %masked_sort3A_362 : vector<16xi32>
        %swap3A_368 = arith.index_cast %mul3A_287 : i32 to index
        %swap3A_369 = tpu.vector_load %arg19[%swap3A_368] {strides = array<i32>} : memref<3600xi32, #tpu.memory_space<vmem>>, vector<16xi32>,
        tpu.vector_store %arg19[%swap3A_368], %masked_sort3A_366 {strides = array<i32>} : memref<3600xi32, #tpu.memory_space<vmem>>, vector<16xi32>,
        %iota3A_370 = tpu.iota {dimensions = array<i32: 0>} : vector<16xi32>
        %masked_sort3A_371 = arith.constant -2147483648 : i32
        %masked_sort3A_372 = vector.broadcast %masked_sort3A_371 : i32 to vector<16xi32>
        %masked_sort3A_373 = arith.xori %iota3A_370, %masked_sort3A_372 : vector<16xi32>
        %masked_sort3A_374, %masked_sort3A_375, %masked_sort3A_376 = tpu.sort %masked_sort3A_373, %masked_sort3A_302 masked %and3A_324 : (vector<16xi32>, vector<16xf32>, vector<16xi1>) -> (vector<16xi1>, vector<16xi32>, vector<16xf32>)
        %masked_sort3A_377 = arith.xori %masked_sort3A_375, %masked_sort3A_372 : vector<16xi32>
        %swap3A_378 = arith.index_cast %mul3A_287 : i32 to index
        %swap3A_379 = tpu.vector_load %arg18[%swap3A_378] {strides = array<i32>} : memref<3600xf32, #tpu.memory_space<vmem>>, vector<16xf32>,
        tpu.vector_store %arg18[%swap3A_378], %masked_sort3A_376 {strides = array<i32>} : memref<3600xf32, #tpu.memory_space<vmem>>, vector<16xf32>,
        %sub3A_380 = arith.constant 100 : i32
        %sub3A_381 = arith.subi %sub3A_380, %squeeze3A_359 : i32
        %add3A_382 = arith.constant 0 : i32
        %add3A_383 = vector.broadcast %add3A_382 : i32 to vector<16xi32>
        %add3A_384 = arith.addi %iota3A, %add3A_383 : vector<16xi32>
        %lt3A_385 = vector.broadcast %sub3A_381 : i32 to vector<16xi32>
        %lt3A_386 = arith.cmpi slt, %add3A_384, %lt3A_385 : vector<16xi32>
        %add3A_387 = arith.addi %mul3A_287, %squeeze3A_359 : i32
        %add3A_388 = arith.constant 0 : i32
        %add3A_389 = arith.addi %add3A_387, %add3A_388 : i32
        %get3A_390 = arith.index_cast %add3A_389 : i32 to index
        %get3A_391 = tpu.vector_load %arg19[%get3A_390] {strides = array<i32>} : memref<3600xi32, #tpu.memory_space<vmem>>, vector<16xi32>,
        %get3A_392 = arith.index_cast %add3A_389 : i32 to index
        %get3A_393 = tpu.vector_load %arg18[%get3A_392] {strides = array<i32>} : memref<3600xf32, #tpu.memory_space<vmem>>, vector<16xf32>,
        %select_n3A_394 = arith.select %lt3A_386, %add3A_384, %get3A_391 : vector<16xi1>, vector<16xi32>
        %swap3A_395 = arith.index_cast %add3A_389 : i32 to index
        %swap3A_396 = tpu.vector_load %arg19[%swap3A_395] {strides = array<i32>} : memref<3600xi32, #tpu.memory_space<vmem>>, vector<16xi32>,
        tpu.vector_store %arg19[%swap3A_395], %select_n3A_394 {strides = array<i32>} : memref<3600xi32, #tpu.memory_space<vmem>>, vector<16xi32>,
        %select_n3A_397 = arith.select %lt3A_386, %broadcast_in_dim3A_9, %get3A_393 : vector<16xi1>, vector<16xf32>
        %swap3A_398 = arith.index_cast %add3A_389 : i32 to index
        %swap3A_399 = tpu.vector_load %arg18[%swap3A_398] {strides = array<i32>} : memref<3600xf32, #tpu.memory_space<vmem>>, vector<16xf32>,
        tpu.vector_store %arg18[%swap3A_398], %select_n3A_397 {strides = array<i32>} : memref<3600xf32, #tpu.memory_space<vmem>>, vector<16xf32>,
        %add3A_400 = arith.constant 16 : i32
        %add3A_401 = vector.broadcast %add3A_400 : i32 to vector<16xi32>
        %add3A_402 = arith.addi %iota3A, %add3A_401 : vector<16xi32>
        %lt3A_403 = vector.broadcast %sub3A_381 : i32 to vector<16xi32>
        %lt3A_404 = arith.cmpi slt, %add3A_402, %lt3A_403 : vector<16xi32>
        %add3A_405 = arith.addi %mul3A_287, %squeeze3A_359 : i32
        %add3A_406 = arith.constant 16 : i32
        %add3A_407 = arith.addi %add3A_405, %add3A_406 : i32
        %get3A_408 = arith.index_cast %add3A_407 : i32 to index
        %get3A_409 = tpu.vector_load %arg19[%get3A_408] {strides = array<i32>} : memref<3600xi32, #tpu.memory_space<vmem>>, vector<16xi32>,
        %get3A_410 = arith.index_cast %add3A_407 : i32 to index
        %get3A_411 = tpu.vector_load %arg18[%get3A_410] {strides = array<i32>} : memref<3600xf32, #tpu.memory_space<vmem>>, vector<16xf32>,
        %select_n3A_412 = arith.select %lt3A_404, %add3A_402, %get3A_409 : vector<16xi1>, vector<16xi32>
        %swap3A_413 = arith.index_cast %add3A_407 : i32 to index
        %swap3A_414 = tpu.vector_load %arg19[%swap3A_413] {strides = array<i32>} : memref<3600xi32, #tpu.memory_space<vmem>>, vector<16xi32>,
        tpu.vector_store %arg19[%swap3A_413], %select_n3A_412 {strides = array<i32>} : memref<3600xi32, #tpu.memory_space<vmem>>, vector<16xi32>,
        %select_n3A_415 = arith.select %lt3A_404, %broadcast_in_dim3A_9, %get3A_411 : vector<16xi1>, vector<16xf32>
        %swap3A_416 = arith.index_cast %add3A_407 : i32 to index
        %swap3A_417 = tpu.vector_load %arg18[%swap3A_416] {strides = array<i32>} : memref<3600xf32, #tpu.memory_space<vmem>>, vector<16xf32>,
        tpu.vector_store %arg18[%swap3A_416], %select_n3A_415 {strides = array<i32>} : memref<3600xf32, #tpu.memory_space<vmem>>, vector<16xf32>,
        %add3A_418 = arith.constant 32 : i32
        %add3A_419 = vector.broadcast %add3A_418 : i32 to vector<16xi32>
        %add3A_420 = arith.addi %iota3A, %add3A_419 : vector<16xi32>
        %lt3A_421 = vector.broadcast %sub3A_381 : i32 to vector<16xi32>
        %lt3A_422 = arith.cmpi slt, %add3A_420, %lt3A_421 : vector<16xi32>
        %add3A_423 = arith.addi %mul3A_287, %squeeze3A_359 : i32
        %add3A_424 = arith.constant 32 : i32
        %add3A_425 = arith.addi %add3A_423, %add3A_424 : i32
        %get3A_426 = arith.index_cast %add3A_425 : i32 to index
        %get3A_427 = tpu.vector_load %arg19[%get3A_426] {strides = array<i32>} : memref<3600xi32, #tpu.memory_space<vmem>>, vector<16xi32>,
        %get3A_428 = arith.index_cast %add3A_425 : i32 to index
        %get3A_429 = tpu.vector_load %arg18[%get3A_428] {strides = array<i32>} : memref<3600xf32, #tpu.memory_space<vmem>>, vector<16xf32>,
        %select_n3A_430 = arith.select %lt3A_422, %add3A_420, %get3A_427 : vector<16xi1>, vector<16xi32>
        %swap3A_431 = arith.index_cast %add3A_425 : i32 to index
        %swap3A_432 = tpu.vector_load %arg19[%swap3A_431] {strides = array<i32>} : memref<3600xi32, #tpu.memory_space<vmem>>, vector<16xi32>,
        tpu.vector_store %arg19[%swap3A_431], %select_n3A_430 {strides = array<i32>} : memref<3600xi32, #tpu.memory_space<vmem>>, vector<16xi32>,
        %select_n3A_433 = arith.select %lt3A_422, %broadcast_in_dim3A_9, %get3A_429 : vector<16xi1>, vector<16xf32>
        %swap3A_434 = arith.index_cast %add3A_425 : i32 to index
        %swap3A_435 = tpu.vector_load %arg18[%swap3A_434] {strides = array<i32>} : memref<3600xf32, #tpu.memory_space<vmem>>, vector<16xf32>,
        tpu.vector_store %arg18[%swap3A_434], %select_n3A_433 {strides = array<i32>} : memref<3600xf32, #tpu.memory_space<vmem>>, vector<16xf32>,
        %add3A_436 = arith.constant 48 : i32
        %add3A_437 = vector.broadcast %add3A_436 : i32 to vector<16xi32>
        %add3A_438 = arith.addi %iota3A, %add3A_437 : vector<16xi32>
        %lt3A_439 = vector.broadcast %sub3A_381 : i32 to vector<16xi32>
        %lt3A_440 = arith.cmpi slt, %add3A_438, %lt3A_439 : vector<16xi32>
        %add3A_441 = arith.addi %mul3A_287, %squeeze3A_359 : i32
        %add3A_442 = arith.constant 48 : i32
        %add3A_443 = arith.addi %add3A_441, %add3A_442 : i32
        %get3A_444 = arith.index_cast %add3A_443 : i32 to index
        %get3A_445 = tpu.vector_load %arg19[%get3A_444] {strides = array<i32>} : memref<3600xi32, #tpu.memory_space<vmem>>, vector<16xi32>,
        %get3A_446 = arith.index_cast %add3A_443 : i32 to index
        %get3A_447 = tpu.vector_load %arg18[%get3A_446] {strides = array<i32>} : memref<3600xf32, #tpu.memory_space<vmem>>, vector<16xf32>,
        %select_n3A_448 = arith.select %lt3A_440, %add3A_438, %get3A_445 : vector<16xi1>, vector<16xi32>
        %swap3A_449 = arith.index_cast %add3A_443 : i32 to index
        %swap3A_450 = tpu.vector_load %arg19[%swap3A_449] {strides = array<i32>} : memref<3600xi32, #tpu.memory_space<vmem>>, vector<16xi32>,
        tpu.vector_store %arg19[%swap3A_449], %select_n3A_448 {strides = array<i32>} : memref<3600xi32, #tpu.memory_space<vmem>>, vector<16xi32>,
        %select_n3A_451 = arith.select %lt3A_440, %broadcast_in_dim3A_9, %get3A_447 : vector<16xi1>, vector<16xf32>
        %swap3A_452 = arith.index_cast %add3A_443 : i32 to index
        %swap3A_453 = tpu.vector_load %arg18[%swap3A_452] {strides = array<i32>} : memref<3600xf32, #tpu.memory_space<vmem>>, vector<16xf32>,
        tpu.vector_store %arg18[%swap3A_452], %select_n3A_451 {strides = array<i32>} : memref<3600xf32, #tpu.memory_space<vmem>>, vector<16xf32>,
        %add3A_454 = arith.constant 64 : i32
        %add3A_455 = vector.broadcast %add3A_454 : i32 to vector<16xi32>
        %add3A_456 = arith.addi %iota3A, %add3A_455 : vector<16xi32>
        %lt3A_457 = vector.broadcast %sub3A_381 : i32 to vector<16xi32>
        %lt3A_458 = arith.cmpi slt, %add3A_456, %lt3A_457 : vector<16xi32>
        %add3A_459 = arith.addi %mul3A_287, %squeeze3A_359 : i32
        %add3A_460 = arith.constant 64 : i32
        %add3A_461 = arith.addi %add3A_459, %add3A_460 : i32
        %get3A_462 = arith.index_cast %add3A_461 : i32 to index
        %get3A_463 = tpu.vector_load %arg19[%get3A_462] {strides = array<i32>} : memref<3600xi32, #tpu.memory_space<vmem>>, vector<16xi32>,
        %get3A_464 = arith.index_cast %add3A_461 : i32 to index
        %get3A_465 = tpu.vector_load %arg18[%get3A_464] {strides = array<i32>} : memref<3600xf32, #tpu.memory_space<vmem>>, vector<16xf32>,
        %select_n3A_466 = arith.select %lt3A_458, %add3A_456, %get3A_463 : vector<16xi1>, vector<16xi32>
        %swap3A_467 = arith.index_cast %add3A_461 : i32 to index
        %swap3A_468 = tpu.vector_load %arg19[%swap3A_467] {strides = array<i32>} : memref<3600xi32, #tpu.memory_space<vmem>>, vector<16xi32>,
        tpu.vector_store %arg19[%swap3A_467], %select_n3A_466 {strides = array<i32>} : memref<3600xi32, #tpu.memory_space<vmem>>, vector<16xi32>,
        %select_n3A_469 = arith.select %lt3A_458, %broadcast_in_dim3A_9, %get3A_465 : vector<16xi1>, vector<16xf32>
        %swap3A_470 = arith.index_cast %add3A_461 : i32 to index
        %swap3A_471 = tpu.vector_load %arg18[%swap3A_470] {strides = array<i32>} : memref<3600xf32, #tpu.memory_space<vmem>>, vector<16xf32>,
        tpu.vector_store %arg18[%swap3A_470], %select_n3A_469 {strides = array<i32>} : memref<3600xf32, #tpu.memory_space<vmem>>, vector<16xf32>,
        %add3A_472 = arith.constant 80 : i32
        %add3A_473 = vector.broadcast %add3A_472 : i32 to vector<16xi32>
        %add3A_474 = arith.addi %iota3A, %add3A_473 : vector<16xi32>
        %lt3A_475 = vector.broadcast %sub3A_381 : i32 to vector<16xi32>
        %lt3A_476 = arith.cmpi slt, %add3A_474, %lt3A_475 : vector<16xi32>
        %add3A_477 = arith.addi %mul3A_287, %squeeze3A_359 : i32
        %add3A_478 = arith.constant 80 : i32
        %add3A_479 = arith.addi %add3A_477, %add3A_478 : i32
        %get3A_480 = arith.index_cast %add3A_479 : i32 to index
        %get3A_481 = tpu.vector_load %arg19[%get3A_480] {strides = array<i32>} : memref<3600xi32, #tpu.memory_space<vmem>>, vector<16xi32>,
        %get3A_482 = arith.index_cast %add3A_479 : i32 to index
        %get3A_483 = tpu.vector_load %arg18[%get3A_482] {strides = array<i32>} : memref<3600xf32, #tpu.memory_space<vmem>>, vector<16xf32>,
        %select_n3A_484 = arith.select %lt3A_476, %add3A_474, %get3A_481 : vector<16xi1>, vector<16xi32>
        %swap3A_485 = arith.index_cast %add3A_479 : i32 to index
        %swap3A_486 = tpu.vector_load %arg19[%swap3A_485] {strides = array<i32>} : memref<3600xi32, #tpu.memory_space<vmem>>, vector<16xi32>,
        tpu.vector_store %arg19[%swap3A_485], %select_n3A_484 {strides = array<i32>} : memref<3600xi32, #tpu.memory_space<vmem>>, vector<16xi32>,
        %select_n3A_487 = arith.select %lt3A_476, %broadcast_in_dim3A_9, %get3A_483 : vector<16xi1>, vector<16xf32>
        %swap3A_488 = arith.index_cast %add3A_479 : i32 to index
        %swap3A_489 = tpu.vector_load %arg18[%swap3A_488] {strides = array<i32>} : memref<3600xf32, #tpu.memory_space<vmem>>, vector<16xf32>,
        tpu.vector_store %arg18[%swap3A_488], %select_n3A_487 {strides = array<i32>} : memref<3600xf32, #tpu.memory_space<vmem>>, vector<16xf32>,
        %add3A_490 = arith.constant 96 : i32
        %add3A_491 = vector.broadcast %add3A_490 : i32 to vector<16xi32>
        %add3A_492 = arith.addi %iota3A, %add3A_491 : vector<16xi32>
        %lt3A_493 = vector.broadcast %sub3A_381 : i32 to vector<16xi32>
        %lt3A_494 = arith.cmpi slt, %add3A_492, %lt3A_493 : vector<16xi32>
        %add3A_495 = arith.addi %mul3A_287, %squeeze3A_359 : i32
        %add3A_496 = arith.constant 96 : i32
        %add3A_497 = arith.addi %add3A_495, %add3A_496 : i32
        %get3A_498 = arith.index_cast %add3A_497 : i32 to index
        %get3A_499 = tpu.vector_load %arg19[%get3A_498] {strides = array<i32>} : memref<3600xi32, #tpu.memory_space<vmem>>, vector<16xi32>,
        %get3A_500 = arith.index_cast %add3A_497 : i32 to index
        %get3A_501 = tpu.vector_load %arg18[%get3A_500] {strides = array<i32>} : memref<3600xf32, #tpu.memory_space<vmem>>, vector<16xf32>,
        %select_n3A_502 = arith.select %lt3A_494, %add3A_492, %get3A_499 : vector<16xi1>, vector<16xi32>
        %swap3A_503 = arith.index_cast %add3A_497 : i32 to index
        %swap3A_504 = tpu.vector_load %arg19[%swap3A_503] {strides = array<i32>} : memref<3600xi32, #tpu.memory_space<vmem>>, vector<16xi32>,
        tpu.vector_store %arg19[%swap3A_503], %select_n3A_502 {strides = array<i32>} : memref<3600xi32, #tpu.memory_space<vmem>>, vector<16xi32>,
        %select_n3A_505 = arith.select %lt3A_494, %broadcast_in_dim3A_9, %get3A_501 : vector<16xi1>, vector<16xf32>
        %swap3A_506 = arith.index_cast %add3A_497 : i32 to index
        %swap3A_507 = tpu.vector_load %arg18[%swap3A_506] {strides = array<i32>} : memref<3600xf32, #tpu.memory_space<vmem>>, vector<16xf32>,
        tpu.vector_store %arg18[%swap3A_506], %select_n3A_505 {strides = array<i32>} : memref<3600xf32, #tpu.memory_space<vmem>>, vector<16xf32>,
      } else {
      }
      %not3A_351 = arith.constant true
      %not3A_352 = arith.xori %and3A_347, %not3A_351 : i1
      %convert_element_type3A_353 = arith.extui %not3A_352 : i1 to i32
      %cond3A_354 = arith.constant 0 : i32
      %cond3A_355 = arith.cmpi ne, %convert_element_type3A_353, %cond3A_354 : i32
      scf.if %cond3A_355 {
        %add3A_357 = arith.addi %mul3A_2, %scan3A_283 : i32
        %mul3A_358 = arith.constant 112 : i32
        %mul3A_359 = arith.muli %scan3A_283, %mul3A_358 : i32
        %mul3A_360 = arith.constant 16384 : i32
        %mul3A_361 = arith.muli %add3A_357, %mul3A_360 : i32
        %add3A_362 = arith.constant 16384 : i32
        %add3A_363 = arith.addi %mul3A_361, %add3A_362 : i32
        %while3A_364 = arith.constant 0 : i32
        %while3A_365 = arith.subi %select_n3A, %while3A_364 : i32
        %while3A_366 = arith.addi %while3A_364, %while3A_365 : i32
        %while3A_367 = arith.constant 1 : i32
        %while3A_368 = arith.divsi %while3A_365, %while3A_367 : i32
        %while3A_369 = arith.muli %while3A_368, %while3A_367 : i32
        %while3A_370 = arith.addi %while3A_364, %while3A_369 : i32
        %while3A_371 = arith.constant 1 : i32
        %while3A_372 = scf.for %while3A_407 = %while3A_364 to %while3A_370 step %while3A_371 iter_args(%while3A_408 = %broadcast_in_dim3A_7) -> (vector<16xf32>)  : i32 {
          %mul3A_409 = arith.constant 16 : i32
          %mul3A_410 = arith.muli %while3A_407, %mul3A_409 : i32
          %get3A_411 = arith.index_cast %mul3A_410 : i32 to index
          %get3A_412 = tpu.vector_load %arg7[%get3A_411] {strides = array<i32>} : memref<272xi32, #tpu.memory_space<vmem>>, vector<16xi32>,
          %mul3A_413 = arith.constant 16 : i32
          %mul3A_414 = arith.muli %while3A_407, %mul3A_413 : i32
          %get3A_415 = arith.index_cast %mul3A_414 : i32 to index
          %get3A_416 = tpu.vector_load %arg8[%get3A_415] {strides = array<i32>} : memref<272xf32, #tpu.memory_space<vmem>>, vector<16xf32>,
          %ge3A = vector.broadcast %mul3A_361 : i32 to vector<16xi32>
          %ge3A_417 = arith.cmpi sge, %get3A_412, %ge3A : vector<16xi32>
          %lt3A_418 = vector.broadcast %add3A_363 : i32 to vector<16xi32>
          %lt3A_419 = arith.cmpi slt, %get3A_412, %lt3A_418 : vector<16xi32>
          %and3A_420 = arith.andi %ge3A_417, %lt3A_419 : vector<16xi1>
          %select_n3A_421 = arith.select %and3A_420, %get3A_416, %broadcast_in_dim3A_7 : vector<16xi1>, vector<16xf32>
          %max3A = arith.maximumf %while3A_408, %select_n3A_421 : vector<16xf32>
          scf.yield %max3A : vector<16xf32>
        }
        %while3A_373 = arith.constant 1 : i32
        %while3A_374 = scf.for %while3A_407 = %while3A_370 to %while3A_366 step %while3A_373 iter_args(%while3A_408 = %while3A_372) -> (vector<16xf32>)  : i32 {
          %mul3A_409 = arith.constant 16 : i32
          %mul3A_410 = arith.muli %while3A_407, %mul3A_409 : i32
          %get3A_411 = arith.index_cast %mul3A_410 : i32 to index
          %get3A_412 = tpu.vector_load %arg7[%get3A_411] {strides = array<i32>} : memref<272xi32, #tpu.memory_space<vmem>>, vector<16xi32>,
          %mul3A_413 = arith.constant 16 : i32
          %mul3A_414 = arith.muli %while3A_407, %mul3A_413 : i32
          %get3A_415 = arith.index_cast %mul3A_414 : i32 to index
          %get3A_416 = tpu.vector_load %arg8[%get3A_415] {strides = array<i32>} : memref<272xf32, #tpu.memory_space<vmem>>, vector<16xf32>,
          %ge3A = vector.broadcast %mul3A_361 : i32 to vector<16xi32>
          %ge3A_417 = arith.cmpi sge, %get3A_412, %ge3A : vector<16xi32>
          %lt3A_418 = vector.broadcast %add3A_363 : i32 to vector<16xi32>
          %lt3A_419 = arith.cmpi slt, %get3A_412, %lt3A_418 : vector<16xi32>
          %and3A_420 = arith.andi %ge3A_417, %lt3A_419 : vector<16xi1>
          %select_n3A_421 = arith.select %and3A_420, %get3A_416, %broadcast_in_dim3A_7 : vector<16xi1>, vector<16xf32>
          %max3A = arith.maximumf %while3A_408, %select_n3A_421 : vector<16xf32>
          scf.yield %max3A : vector<16xf32>
        }
        %reduce_max3A = arith.constant true
        %reduce_max3A_375 = vector.broadcast %reduce_max3A : i1 to vector<16xi1>
        %reduce_max3A_376 = tpu.scan <max>, %while3A_374 masked %reduce_max3A_375 : vector<16xf32>, vector<16xi1> -> vector<16xf32>
        %reduce_max3A_377 = vector.extract %reduce_max3A_376[15] : f32 from vector<16xf32>
        %broadcast_in_dim3A_378 = vector.broadcast %reduce_max3A_377 : f32 to vector<16xf32>
        %broadcast_in_dim3A_379 = arith.constant 1073741824 : i32
        %broadcast_in_dim3A_380 = vector.broadcast %broadcast_in_dim3A_379 : i32 to vector<16xi32>
        %while3A_381 = arith.constant 0 : i32
        %while3A_382 = arith.subi %select_n3A, %while3A_381 : i32
        %while3A_383 = arith.addi %while3A_381, %while3A_382 : i32
        %while3A_384 = arith.constant 1 : i32
        %while3A_385 = arith.divsi %while3A_382, %while3A_384 : i32
        %while3A_386 = arith.muli %while3A_385, %while3A_384 : i32
        %while3A_387 = arith.addi %while3A_381, %while3A_386 : i32
        %while3A_388 = arith.constant 1 : i32
        %while3A_389 = scf.for %while3A_407 = %while3A_381 to %while3A_387 step %while3A_388 iter_args(%while3A_408 = %broadcast_in_dim3A_380) -> (vector<16xi32>)  : i32 {
          %mul3A_409 = arith.constant 16 : i32
          %mul3A_410 = arith.muli %while3A_407, %mul3A_409 : i32
          %get3A_411 = arith.index_cast %mul3A_410 : i32 to index
          %get3A_412 = tpu.vector_load %arg7[%get3A_411] {strides = array<i32>} : memref<272xi32, #tpu.memory_space<vmem>>, vector<16xi32>,
          %mul3A_413 = arith.constant 16 : i32
          %mul3A_414 = arith.muli %while3A_407, %mul3A_413 : i32
          %get3A_415 = arith.index_cast %mul3A_414 : i32 to index
          %get3A_416 = tpu.vector_load %arg8[%get3A_415] {strides = array<i32>} : memref<272xf32, #tpu.memory_space<vmem>>, vector<16xf32>,
          %ge3A = vector.broadcast %mul3A_361 : i32 to vector<16xi32>
          %ge3A_417 = arith.cmpi sge, %get3A_412, %ge3A : vector<16xi32>
          %lt3A_418 = vector.broadcast %add3A_363 : i32 to vector<16xi32>
          %lt3A_419 = arith.cmpi slt, %get3A_412, %lt3A_418 : vector<16xi32>
          %and3A_420 = arith.andi %ge3A_417, %lt3A_419 : vector<16xi1>
          %eq3A_421 = arith.cmpf oeq, %get3A_416, %broadcast_in_dim3A_378 : vector<16xf32>
          %and3A_422 = arith.andi %and3A_420, %eq3A_421 : vector<16xi1>
          %jit3A_423 = arith.constant 1073741824 : i32
          %broadcast_in_dim3A_424 = vector.broadcast %jit3A_423 : i32 to vector<16xi32>
          %select_n3A_425 = arith.select %and3A_422, %get3A_412, %broadcast_in_dim3A_424 : vector<16xi1>, vector<16xi32>
          %min3A_426 = arith.minsi %while3A_408, %select_n3A_425 : vector<16xi32>
          scf.yield %min3A_426 : vector<16xi32>
        }
        %while3A_390 = arith.constant 1 : i32
        %while3A_391 = scf.for %while3A_407 = %while3A_387 to %while3A_383 step %while3A_390 iter_args(%while3A_408 = %while3A_389) -> (vector<16xi32>)  : i32 {
          %mul3A_409 = arith.constant 16 : i32
          %mul3A_410 = arith.muli %while3A_407, %mul3A_409 : i32
          %get3A_411 = arith.index_cast %mul3A_410 : i32 to index
          %get3A_412 = tpu.vector_load %arg7[%get3A_411] {strides = array<i32>} : memref<272xi32, #tpu.memory_space<vmem>>, vector<16xi32>,
          %mul3A_413 = arith.constant 16 : i32
          %mul3A_414 = arith.muli %while3A_407, %mul3A_413 : i32
          %get3A_415 = arith.index_cast %mul3A_414 : i32 to index
          %get3A_416 = tpu.vector_load %arg8[%get3A_415] {strides = array<i32>} : memref<272xf32, #tpu.memory_space<vmem>>, vector<16xf32>,
          %ge3A = vector.broadcast %mul3A_361 : i32 to vector<16xi32>
          %ge3A_417 = arith.cmpi sge, %get3A_412, %ge3A : vector<16xi32>
          %lt3A_418 = vector.broadcast %add3A_363 : i32 to vector<16xi32>
          %lt3A_419 = arith.cmpi slt, %get3A_412, %lt3A_418 : vector<16xi32>
          %and3A_420 = arith.andi %ge3A_417, %lt3A_419 : vector<16xi1>
          %eq3A_421 = arith.cmpf oeq, %get3A_416, %broadcast_in_dim3A_378 : vector<16xf32>
          %and3A_422 = arith.andi %and3A_420, %eq3A_421 : vector<16xi1>
          %jit3A_423 = arith.constant 1073741824 : i32
          %broadcast_in_dim3A_424 = vector.broadcast %jit3A_423 : i32 to vector<16xi32>
          %select_n3A_425 = arith.select %and3A_422, %get3A_412, %broadcast_in_dim3A_424 : vector<16xi1>, vector<16xi32>
          %min3A_426 = arith.minsi %while3A_408, %select_n3A_425 : vector<16xi32>
          scf.yield %min3A_426 : vector<16xi32>
        }
        %reduce_min3A = arith.constant true
        %reduce_min3A_392 = vector.broadcast %reduce_min3A : i1 to vector<16xi1>
        %reduce_min3A_393 = arith.constant -2147483648 : i32
        %reduce_min3A_394 = vector.broadcast %reduce_min3A_393 : i32 to vector<16xi32>
        %reduce_min3A_395 = arith.xori %while3A_391, %reduce_min3A_394 : vector<16xi32>
        %reduce_min3A_396 = tpu.scan <min>, %reduce_min3A_395 masked %reduce_min3A_392 : vector<16xi32>, vector<16xi1> -> vector<16xi32>
        %reduce_min3A_397 = arith.xori %reduce_min3A_396, %reduce_min3A_394 : vector<16xi32>
        %reduce_min3A_398 = vector.extract %reduce_min3A_397[15] : i32 from vector<16xi32>
        %while3A_399 = arith.constant 0 : i32
        %while3A_400 = arith.constant 1073741824 : i32
        %while3A_401:4 = scf.while (%while3A_407 = %while3A_399, %while3A_408 = %while3A_400, %while3A_409 = %reduce_max3A_377, %while3A_410 = %reduce_min3A_398) : (i32, i32, f32, i32) -> (i32, i32, f32, i32) {
          %lt3A_411 = arith.constant 100 : i32
          %lt3A_412 = arith.cmpi slt, %while3A_407, %lt3A_411 : i32
          %gt3A_413 = arith.constant -1.000000e+30 : f32
          %gt3A_414 = arith.cmpf ogt, %while3A_409, %gt3A_413 : f32
          %and3A_415 = arith.andi %lt3A_412, %gt3A_414 : i1
          scf.condition(%and3A_415) %while3A_407, %while3A_408, %while3A_409, %while3A_410 : i32, i32, f32, i32
        } do {
        ^bb0(%while3A_407: i32, %while3A_408: i32, %while3A_409: f32, %while3A_410: i32):
          %and3A_411 = arith.constant 16383 : i32
          %and3A_412 = arith.andi %while3A_410, %and3A_411 : i32
          %add3A_413 = arith.addi %mul3A_359, %while3A_407 : i32
          %get3A_414 = arith.index_cast %add3A_413 : i32 to index
          %get3A_415 = tpu.vector_load %arg19[%get3A_414] {strides = array<i32>} : memref<3600xi32, #tpu.memory_space<vmem>>, vector<16xi32>,
          %broadcast_in_dim3A_416 = vector.broadcast %and3A_412 : i32 to vector<16xi32>
          %iota3A_417 = tpu.iota {dimensions = array<i32: 0>} : vector<16xi32>
          %eq3A_418 = arith.constant 0 : i32
          %eq3A_419 = vector.broadcast %eq3A_418 : i32 to vector<16xi32>
          %eq3A_420 = arith.cmpi eq, %iota3A_417, %eq3A_419 : vector<16xi32>
          %select_n3A_421 = arith.select %eq3A_420, %broadcast_in_dim3A_416, %get3A_415 : vector<16xi1>, vector<16xi32>
          %swap3A_422 = arith.index_cast %add3A_413 : i32 to index
          %swap3A_423 = tpu.vector_load %arg19[%swap3A_422] {strides = array<i32>} : memref<3600xi32, #tpu.memory_space<vmem>>, vector<16xi32>,
          tpu.vector_store %arg19[%swap3A_422], %select_n3A_421 {strides = array<i32>} : memref<3600xi32, #tpu.memory_space<vmem>>, vector<16xi32>,
          %add3A_424 = arith.addi %mul3A_359, %while3A_407 : i32
          %get3A_425 = arith.index_cast %add3A_424 : i32 to index
          %get3A_426 = tpu.vector_load %arg18[%get3A_425] {strides = array<i32>} : memref<3600xf32, #tpu.memory_space<vmem>>, vector<16xf32>,
          %broadcast_in_dim3A_427 = vector.broadcast %while3A_409 : f32 to vector<16xf32>
          %iota3A_428 = tpu.iota {dimensions = array<i32: 0>} : vector<16xi32>
          %eq3A_429 = arith.constant 0 : i32
          %eq3A_430 = vector.broadcast %eq3A_429 : i32 to vector<16xi32>
          %eq3A_431 = arith.cmpi eq, %iota3A_428, %eq3A_430 : vector<16xi32>
          %select_n3A_432 = arith.select %eq3A_431, %broadcast_in_dim3A_427, %get3A_426 : vector<16xi1>, vector<16xf32>
          %swap3A_433 = arith.index_cast %add3A_424 : i32 to index
          %swap3A_434 = tpu.vector_load %arg18[%swap3A_433] {strides = array<i32>} : memref<3600xf32, #tpu.memory_space<vmem>>, vector<16xf32>,
          tpu.vector_store %arg18[%swap3A_433], %select_n3A_432 {strides = array<i32>} : memref<3600xf32, #tpu.memory_space<vmem>>, vector<16xf32>,
          %min3A_435 = arith.minsi %while3A_408, %and3A_412 : i32
          %broadcast_in_dim3A_436 = vector.broadcast %while3A_410 : i32 to vector<16xi32>
          %while3A_437 = arith.constant 0 : i32
          %while3A_438 = arith.constant 0 : i32
          %while3A_439 = arith.subi %select_n3A, %while3A_437 : i32
          %while3A_440 = arith.addi %while3A_437, %while3A_439 : i32
          %while3A_441 = arith.constant 1 : i32
          %while3A_442 = arith.divsi %while3A_439, %while3A_441 : i32
          %while3A_443 = arith.muli %while3A_442, %while3A_441 : i32
          %while3A_444 = arith.addi %while3A_437, %while3A_443 : i32
          %while3A_445 = arith.constant 1 : i32
          %while3A_446 = scf.for %while3A_488 = %while3A_437 to %while3A_444 step %while3A_445 iter_args(%while3A_489 = %while3A_438) -> (i32)  : i32 {
            %mul3A_490 = arith.constant 16 : i32
            %mul3A_491 = arith.muli %while3A_488, %mul3A_490 : i32
            %get3A_492 = arith.index_cast %mul3A_491 : i32 to index
            %get3A_493 = tpu.vector_load %arg7[%get3A_492] {strides = array<i32>} : memref<272xi32, #tpu.memory_space<vmem>>, vector<16xi32>,
            %eq3A_494 = arith.cmpi eq, %get3A_493, %broadcast_in_dim3A_436 : vector<16xi32>
            %mul3A_495 = arith.constant 16 : i32
            %mul3A_496 = arith.muli %while3A_488, %mul3A_495 : i32
            %get3A_497 = arith.index_cast %mul3A_496 : i32 to index
            %get3A_498 = tpu.vector_load %arg8[%get3A_497] {strides = array<i32>} : memref<272xf32, #tpu.memory_space<vmem>>, vector<16xf32>,
            %select_n3A_499 = arith.select %eq3A_494, %broadcast_in_dim3A_7, %get3A_498 : vector<16xi1>, vector<16xf32>
            %mul3A_500 = arith.constant 16 : i32
            %mul3A_501 = arith.muli %while3A_488, %mul3A_500 : i32
            %swap3A_502 = arith.index_cast %mul3A_501 : i32 to index
            %swap3A_503 = tpu.vector_load %arg8[%swap3A_502] {strides = array<i32>} : memref<272xf32, #tpu.memory_space<vmem>>, vector<16xf32>,
            tpu.vector_store %arg8[%swap3A_502], %select_n3A_499 {strides = array<i32>} : memref<272xf32, #tpu.memory_space<vmem>>, vector<16xf32>,
            %while3A_504 = arith.constant 0 : i32
            scf.yield %while3A_504 : i32
          }
          %while3A_447 = arith.constant 1 : i32
          %while3A_448 = scf.for %while3A_488 = %while3A_444 to %while3A_440 step %while3A_447 iter_args(%while3A_489 = %while3A_446) -> (i32)  : i32 {
            %mul3A_490 = arith.constant 16 : i32
            %mul3A_491 = arith.muli %while3A_488, %mul3A_490 : i32
            %get3A_492 = arith.index_cast %mul3A_491 : i32 to index
            %get3A_493 = tpu.vector_load %arg7[%get3A_492] {strides = array<i32>} : memref<272xi32, #tpu.memory_space<vmem>>, vector<16xi32>,
            %eq3A_494 = arith.cmpi eq, %get3A_493, %broadcast_in_dim3A_436 : vector<16xi32>
            %mul3A_495 = arith.constant 16 : i32
            %mul3A_496 = arith.muli %while3A_488, %mul3A_495 : i32
            %get3A_497 = arith.index_cast %mul3A_496 : i32 to index
            %get3A_498 = tpu.vector_load %arg8[%get3A_497] {strides = array<i32>} : memref<272xf32, #tpu.memory_space<vmem>>, vector<16xf32>,
            %select_n3A_499 = arith.select %eq3A_494, %broadcast_in_dim3A_7, %get3A_498 : vector<16xi1>, vector<16xf32>
            %mul3A_500 = arith.constant 16 : i32
            %mul3A_501 = arith.muli %while3A_488, %mul3A_500 : i32
            %swap3A_502 = arith.index_cast %mul3A_501 : i32 to index
            %swap3A_503 = tpu.vector_load %arg8[%swap3A_502] {strides = array<i32>} : memref<272xf32, #tpu.memory_space<vmem>>, vector<16xf32>,
            tpu.vector_store %arg8[%swap3A_502], %select_n3A_499 {strides = array<i32>} : memref<272xf32, #tpu.memory_space<vmem>>, vector<16xf32>,
            %while3A_504 = arith.constant 0 : i32
            scf.yield %while3A_504 : i32
          }
          %while3A_449 = arith.constant 0 : i32
          %while3A_450 = arith.subi %select_n3A, %while3A_449 : i32
          %while3A_451 = arith.addi %while3A_449, %while3A_450 : i32
          %while3A_452 = arith.constant 1 : i32
          %while3A_453 = arith.divsi %while3A_450, %while3A_452 : i32
          %while3A_454 = arith.muli %while3A_453, %while3A_452 : i32
          %while3A_455 = arith.addi %while3A_449, %while3A_454 : i32
          %while3A_456 = arith.constant 1 : i32
          %while3A_457 = scf.for %while3A_488 = %while3A_449 to %while3A_455 step %while3A_456 iter_args(%while3A_489 = %broadcast_in_dim3A_7) -> (vector<16xf32>)  : i32 {
            %mul3A_490 = arith.constant 16 : i32
            %mul3A_491 = arith.muli %while3A_488, %mul3A_490 : i32
            %get3A_492 = arith.index_cast %mul3A_491 : i32 to index
            %get3A_493 = tpu.vector_load %arg7[%get3A_492] {strides = array<i32>} : memref<272xi32, #tpu.memory_space<vmem>>, vector<16xi32>,
            %mul3A_494 = arith.constant 16 : i32
            %mul3A_495 = arith.muli %while3A_488, %mul3A_494 : i32
            %get3A_496 = arith.index_cast %mul3A_495 : i32 to index
            %get3A_497 = tpu.vector_load %arg8[%get3A_496] {strides = array<i32>} : memref<272xf32, #tpu.memory_space<vmem>>, vector<16xf32>,
            %ge3A = vector.broadcast %mul3A_361 : i32 to vector<16xi32>
            %ge3A_498 = arith.cmpi sge, %get3A_493, %ge3A : vector<16xi32>
            %lt3A_499 = vector.broadcast %add3A_363 : i32 to vector<16xi32>
            %lt3A_500 = arith.cmpi slt, %get3A_493, %lt3A_499 : vector<16xi32>
            %and3A_501 = arith.andi %ge3A_498, %lt3A_500 : vector<16xi1>
            %select_n3A_502 = arith.select %and3A_501, %get3A_497, %broadcast_in_dim3A_7 : vector<16xi1>, vector<16xf32>
            %max3A = arith.maximumf %while3A_489, %select_n3A_502 : vector<16xf32>
            scf.yield %max3A : vector<16xf32>
          }
          %while3A_458 = arith.constant 1 : i32
          %while3A_459 = scf.for %while3A_488 = %while3A_455 to %while3A_451 step %while3A_458 iter_args(%while3A_489 = %while3A_457) -> (vector<16xf32>)  : i32 {
            %mul3A_490 = arith.constant 16 : i32
            %mul3A_491 = arith.muli %while3A_488, %mul3A_490 : i32
            %get3A_492 = arith.index_cast %mul3A_491 : i32 to index
            %get3A_493 = tpu.vector_load %arg7[%get3A_492] {strides = array<i32>} : memref<272xi32, #tpu.memory_space<vmem>>, vector<16xi32>,
            %mul3A_494 = arith.constant 16 : i32
            %mul3A_495 = arith.muli %while3A_488, %mul3A_494 : i32
            %get3A_496 = arith.index_cast %mul3A_495 : i32 to index
            %get3A_497 = tpu.vector_load %arg8[%get3A_496] {strides = array<i32>} : memref<272xf32, #tpu.memory_space<vmem>>, vector<16xf32>,
            %ge3A = vector.broadcast %mul3A_361 : i32 to vector<16xi32>
            %ge3A_498 = arith.cmpi sge, %get3A_493, %ge3A : vector<16xi32>
            %lt3A_499 = vector.broadcast %add3A_363 : i32 to vector<16xi32>
            %lt3A_500 = arith.cmpi slt, %get3A_493, %lt3A_499 : vector<16xi32>
            %and3A_501 = arith.andi %ge3A_498, %lt3A_500 : vector<16xi1>
            %select_n3A_502 = arith.select %and3A_501, %get3A_497, %broadcast_in_dim3A_7 : vector<16xi1>, vector<16xf32>
            %max3A = arith.maximumf %while3A_489, %select_n3A_502 : vector<16xf32>
            scf.yield %max3A : vector<16xf32>
          }
          %reduce_max3A_460 = arith.constant true
          %reduce_max3A_461 = vector.broadcast %reduce_max3A_460 : i1 to vector<16xi1>
          %reduce_max3A_462 = tpu.scan <max>, %while3A_459 masked %reduce_max3A_461 : vector<16xf32>, vector<16xi1> -> vector<16xf32>
          %reduce_max3A_463 = vector.extract %reduce_max3A_462[15] : f32 from vector<16xf32>
          %broadcast_in_dim3A_464 = vector.broadcast %reduce_max3A_463 : f32 to vector<16xf32>
          %broadcast_in_dim3A_465 = arith.constant 1073741824 : i32
          %broadcast_in_dim3A_466 = vector.broadcast %broadcast_in_dim3A_465 : i32 to vector<16xi32>
          %while3A_467 = arith.constant 0 : i32
          %while3A_468 = arith.subi %select_n3A, %while3A_467 : i32
          %while3A_469 = arith.addi %while3A_467, %while3A_468 : i32
          %while3A_470 = arith.constant 1 : i32
          %while3A_471 = arith.divsi %while3A_468, %while3A_470 : i32
          %while3A_472 = arith.muli %while3A_471, %while3A_470 : i32
          %while3A_473 = arith.addi %while3A_467, %while3A_472 : i32
          %while3A_474 = arith.constant 1 : i32
          %while3A_475 = scf.for %while3A_488 = %while3A_467 to %while3A_473 step %while3A_474 iter_args(%while3A_489 = %broadcast_in_dim3A_466) -> (vector<16xi32>)  : i32 {
            %mul3A_490 = arith.constant 16 : i32
            %mul3A_491 = arith.muli %while3A_488, %mul3A_490 : i32
            %get3A_492 = arith.index_cast %mul3A_491 : i32 to index
            %get3A_493 = tpu.vector_load %arg7[%get3A_492] {strides = array<i32>} : memref<272xi32, #tpu.memory_space<vmem>>, vector<16xi32>,
            %mul3A_494 = arith.constant 16 : i32
            %mul3A_495 = arith.muli %while3A_488, %mul3A_494 : i32
            %get3A_496 = arith.index_cast %mul3A_495 : i32 to index
            %get3A_497 = tpu.vector_load %arg8[%get3A_496] {strides = array<i32>} : memref<272xf32, #tpu.memory_space<vmem>>, vector<16xf32>,
            %ge3A = vector.broadcast %mul3A_361 : i32 to vector<16xi32>
            %ge3A_498 = arith.cmpi sge, %get3A_493, %ge3A : vector<16xi32>
            %lt3A_499 = vector.broadcast %add3A_363 : i32 to vector<16xi32>
            %lt3A_500 = arith.cmpi slt, %get3A_493, %lt3A_499 : vector<16xi32>
            %and3A_501 = arith.andi %ge3A_498, %lt3A_500 : vector<16xi1>
            %eq3A_502 = arith.cmpf oeq, %get3A_497, %broadcast_in_dim3A_464 : vector<16xf32>
            %and3A_503 = arith.andi %and3A_501, %eq3A_502 : vector<16xi1>
            %jit3A_504 = arith.constant 1073741824 : i32
            %broadcast_in_dim3A_505 = vector.broadcast %jit3A_504 : i32 to vector<16xi32>
            %select_n3A_506 = arith.select %and3A_503, %get3A_493, %broadcast_in_dim3A_505 : vector<16xi1>, vector<16xi32>
            %min3A_507 = arith.minsi %while3A_489, %select_n3A_506 : vector<16xi32>
            scf.yield %min3A_507 : vector<16xi32>
          }
          %while3A_476 = arith.constant 1 : i32
          %while3A_477 = scf.for %while3A_488 = %while3A_473 to %while3A_469 step %while3A_476 iter_args(%while3A_489 = %while3A_475) -> (vector<16xi32>)  : i32 {
            %mul3A_490 = arith.constant 16 : i32
            %mul3A_491 = arith.muli %while3A_488, %mul3A_490 : i32
            %get3A_492 = arith.index_cast %mul3A_491 : i32 to index
            %get3A_493 = tpu.vector_load %arg7[%get3A_492] {strides = array<i32>} : memref<272xi32, #tpu.memory_space<vmem>>, vector<16xi32>,
            %mul3A_494 = arith.constant 16 : i32
            %mul3A_495 = arith.muli %while3A_488, %mul3A_494 : i32
            %get3A_496 = arith.index_cast %mul3A_495 : i32 to index
            %get3A_497 = tpu.vector_load %arg8[%get3A_496] {strides = array<i32>} : memref<272xf32, #tpu.memory_space<vmem>>, vector<16xf32>,
            %ge3A = vector.broadcast %mul3A_361 : i32 to vector<16xi32>
            %ge3A_498 = arith.cmpi sge, %get3A_493, %ge3A : vector<16xi32>
            %lt3A_499 = vector.broadcast %add3A_363 : i32 to vector<16xi32>
            %lt3A_500 = arith.cmpi slt, %get3A_493, %lt3A_499 : vector<16xi32>
            %and3A_501 = arith.andi %ge3A_498, %lt3A_500 : vector<16xi1>
            %eq3A_502 = arith.cmpf oeq, %get3A_497, %broadcast_in_dim3A_464 : vector<16xf32>
            %and3A_503 = arith.andi %and3A_501, %eq3A_502 : vector<16xi1>
            %jit3A_504 = arith.constant 1073741824 : i32
            %broadcast_in_dim3A_505 = vector.broadcast %jit3A_504 : i32 to vector<16xi32>
            %select_n3A_506 = arith.select %and3A_503, %get3A_493, %broadcast_in_dim3A_505 : vector<16xi1>, vector<16xi32>
            %min3A_507 = arith.minsi %while3A_489, %select_n3A_506 : vector<16xi32>
            scf.yield %min3A_507 : vector<16xi32>
          }
          %reduce_min3A_478 = arith.constant true
          %reduce_min3A_479 = vector.broadcast %reduce_min3A_478 : i1 to vector<16xi1>
          %reduce_min3A_480 = arith.constant -2147483648 : i32
          %reduce_min3A_481 = vector.broadcast %reduce_min3A_480 : i32 to vector<16xi32>
          %reduce_min3A_482 = arith.xori %while3A_477, %reduce_min3A_481 : vector<16xi32>
          %reduce_min3A_483 = tpu.scan <min>, %reduce_min3A_482 masked %reduce_min3A_479 : vector<16xi32>, vector<16xi1> -> vector<16xi32>
          %reduce_min3A_484 = arith.xori %reduce_min3A_483, %reduce_min3A_481 : vector<16xi32>
          %reduce_min3A_485 = vector.extract %reduce_min3A_484[15] : i32 from vector<16xi32>
          %add3A_486 = arith.constant 1 : i32
          %add3A_487 = arith.addi %while3A_407, %add3A_486 : i32
          scf.yield %add3A_487, %min3A_435, %reduce_max3A_463, %reduce_min3A_485 : i32, i32, f32, i32
        }
        %lt3A_402 = arith.constant 100 : i32
        %lt3A_403 = arith.cmpi slt, %while3A_401#0, %lt3A_402 : i32
        %convert_element_type3A_404 = arith.extui %lt3A_403 : i1 to i32
        %cond3A_405 = arith.constant 0 : i32
        %cond3A_406 = arith.cmpi ne, %convert_element_type3A_404, %cond3A_405 : i32
        scf.if %cond3A_406 {
          %sub3A_407 = arith.constant 100 : i32
          %sub3A_408 = arith.subi %sub3A_407, %while3A_401#0 : i32
          %ge3A = arith.constant 256 : i32
          %ge3A_409 = arith.cmpi sge, %while3A_401#1, %ge3A : i32
          %convert_element_type3A_410 = arith.extui %ge3A_409 : i1 to i32
          %cond3A_411 = arith.constant 0 : i32
          %cond3A_412 = arith.cmpi ne, %convert_element_type3A_410, %cond3A_411 : i32
          scf.if %cond3A_412 {
            %add3A_418 = arith.constant 15 : i32
            %add3A_419 = arith.addi %sub3A_408, %add3A_418 : i32
            %jit3A_420 = arith.constant 16 : i32
            %div3A_421 = arith.divsi %add3A_419, %jit3A_420 : i32
            %sign3A_422 = arith.constant 0 : i32
            %sign3A_423 = arith.cmpi sgt, %add3A_419, %sign3A_422 : i32
            %sign3A_424 = arith.extui %sign3A_423 : i1 to i32
            %sign3A_425 = arith.constant 0 : i32
            %sign3A_426 = arith.cmpi slt, %add3A_419, %sign3A_425 : i32
            %sign3A_427 = arith.extui %sign3A_426 : i1 to i32
            %sign3A_428 = arith.subi %sign3A_424, %sign3A_427 : i32
            %sign3A_429 = arith.constant 0 : i32
            %sign3A_430 = arith.cmpi sgt, %jit3A_420, %sign3A_429 : i32
            %sign3A_431 = arith.extui %sign3A_430 : i1 to i32
            %sign3A_432 = arith.constant 0 : i32
            %sign3A_433 = arith.cmpi slt, %jit3A_420, %sign3A_432 : i32
            %sign3A_434 = arith.extui %sign3A_433 : i1 to i32
            %sign3A_435 = arith.subi %sign3A_431, %sign3A_434 : i32
            %ne3A_436 = arith.cmpi ne, %sign3A_428, %sign3A_435 : i32
            %rem3A_437 = arith.remsi %add3A_419, %jit3A_420 : i32
            %ne3A_438 = arith.constant 0 : i32
            %ne3A_439 = arith.cmpi ne, %rem3A_437, %ne3A_438 : i32
            %and3A_440 = arith.andi %ne3A_436, %ne3A_439 : i1
            %sub3A_441 = arith.constant 1 : i32
            %sub3A_442 = arith.subi %div3A_421, %sub3A_441 : i32
            %select_n3A_443 = arith.select %and3A_440, %sub3A_442, %div3A_421 : i32
            %while3A_444 = arith.constant 0 : i32
            %while3A_445 = arith.constant 0 : i32
            %while3A_446 = arith.subi %select_n3A_443, %while3A_444 : i32
            %while3A_447 = arith.addi %while3A_444, %while3A_446 : i32
            %while3A_448 = arith.constant 1 : i32
            %while3A_449 = arith.divsi %while3A_446, %while3A_448 : i32
            %while3A_450 = arith.muli %while3A_449, %while3A_448 : i32
            %while3A_451 = arith.addi %while3A_444, %while3A_450 : i32
            %while3A_452 = arith.constant 1 : i32
            %while3A_453 = scf.for %while3A_456 = %while3A_444 to %while3A_451 step %while3A_452 iter_args(%while3A_457 = %while3A_445) -> (i32)  : i32 {
              %mul3A_458 = arith.constant 16 : i32
              %mul3A_459 = arith.muli %while3A_456, %mul3A_458 : i32
              %add3A_460 = vector.broadcast %mul3A_459 : i32 to vector<16xi32>
              %add3A_461 = arith.addi %iota3A, %add3A_460 : vector<16xi32>
              %lt3A_462 = vector.broadcast %sub3A_408 : i32 to vector<16xi32>
              %lt3A_463 = arith.cmpi slt, %add3A_461, %lt3A_462 : vector<16xi32>
              %add3A_464 = arith.addi %mul3A_359, %while3A_401#0 : i32
              %mul3A_465 = arith.constant 16 : i32
              %mul3A_466 = arith.muli %while3A_456, %mul3A_465 : i32
              %add3A_467 = arith.addi %add3A_464, %mul3A_466 : i32
              %get3A_468 = arith.index_cast %add3A_467 : i32 to index
              %get3A_469 = tpu.vector_load %arg19[%get3A_468] {strides = array<i32>} : memref<3600xi32, #tpu.memory_space<vmem>>, vector<16xi32>,
              %get3A_470 = arith.index_cast %add3A_467 : i32 to index
              %get3A_471 = tpu.vector_load %arg18[%get3A_470] {strides = array<i32>} : memref<3600xf32, #tpu.memory_space<vmem>>, vector<16xf32>,
              %select_n3A_472 = arith.select %lt3A_463, %add3A_461, %get3A_469 : vector<16xi1>, vector<16xi32>
              %swap3A_473 = arith.index_cast %add3A_467 : i32 to index
              %swap3A_474 = tpu.vector_load %arg19[%swap3A_473] {strides = array<i32>} : memref<3600xi32, #tpu.memory_space<vmem>>, vector<16xi32>,
              tpu.vector_store %arg19[%swap3A_473], %select_n3A_472 {strides = array<i32>} : memref<3600xi32, #tpu.memory_space<vmem>>, vector<16xi32>,
              %select_n3A_475 = arith.select %lt3A_463, %broadcast_in_dim3A_9, %get3A_471 : vector<16xi1>, vector<16xf32>
              %swap3A_476 = arith.index_cast %add3A_467 : i32 to index
              %swap3A_477 = tpu.vector_load %arg18[%swap3A_476] {strides = array<i32>} : memref<3600xf32, #tpu.memory_space<vmem>>, vector<16xf32>,
              tpu.vector_store %arg18[%swap3A_476], %select_n3A_475 {strides = array<i32>} : memref<3600xf32, #tpu.memory_space<vmem>>, vector<16xf32>,
              %while3A_478 = arith.constant 0 : i32
              scf.yield %while3A_478 : i32
            }
            %while3A_454 = arith.constant 1 : i32
            %while3A_455 = scf.for %while3A_456 = %while3A_451 to %while3A_447 step %while3A_454 iter_args(%while3A_457 = %while3A_453) -> (i32)  : i32 {
              %mul3A_458 = arith.constant 16 : i32
              %mul3A_459 = arith.muli %while3A_456, %mul3A_458 : i32
              %add3A_460 = vector.broadcast %mul3A_459 : i32 to vector<16xi32>
              %add3A_461 = arith.addi %iota3A, %add3A_460 : vector<16xi32>
              %lt3A_462 = vector.broadcast %sub3A_408 : i32 to vector<16xi32>
              %lt3A_463 = arith.cmpi slt, %add3A_461, %lt3A_462 : vector<16xi32>
              %add3A_464 = arith.addi %mul3A_359, %while3A_401#0 : i32
              %mul3A_465 = arith.constant 16 : i32
              %mul3A_466 = arith.muli %while3A_456, %mul3A_465 : i32
              %add3A_467 = arith.addi %add3A_464, %mul3A_466 : i32
              %get3A_468 = arith.index_cast %add3A_467 : i32 to index
              %get3A_469 = tpu.vector_load %arg19[%get3A_468] {strides = array<i32>} : memref<3600xi32, #tpu.memory_space<vmem>>, vector<16xi32>,
              %get3A_470 = arith.index_cast %add3A_467 : i32 to index
              %get3A_471 = tpu.vector_load %arg18[%get3A_470] {strides = array<i32>} : memref<3600xf32, #tpu.memory_space<vmem>>, vector<16xf32>,
              %select_n3A_472 = arith.select %lt3A_463, %add3A_461, %get3A_469 : vector<16xi1>, vector<16xi32>
              %swap3A_473 = arith.index_cast %add3A_467 : i32 to index
              %swap3A_474 = tpu.vector_load %arg19[%swap3A_473] {strides = array<i32>} : memref<3600xi32, #tpu.memory_space<vmem>>, vector<16xi32>,
              tpu.vector_store %arg19[%swap3A_473], %select_n3A_472 {strides = array<i32>} : memref<3600xi32, #tpu.memory_space<vmem>>, vector<16xi32>,
              %select_n3A_475 = arith.select %lt3A_463, %broadcast_in_dim3A_9, %get3A_471 : vector<16xi1>, vector<16xf32>
              %swap3A_476 = arith.index_cast %add3A_467 : i32 to index
              %swap3A_477 = tpu.vector_load %arg18[%swap3A_476] {strides = array<i32>} : memref<3600xf32, #tpu.memory_space<vmem>>, vector<16xf32>,
              tpu.vector_store %arg18[%swap3A_476], %select_n3A_475 {strides = array<i32>} : memref<3600xf32, #tpu.memory_space<vmem>>, vector<16xf32>,
              %while3A_478 = arith.constant 0 : i32
              scf.yield %while3A_478 : i32
            }
          } else {
          }
          %lt3A_413 = arith.constant 256 : i32
          %lt3A_414 = arith.cmpi slt, %while3A_401#1, %lt3A_413 : i32
          %convert_element_type3A_415 = arith.extui %lt3A_414 : i1 to i32
          %cond3A_416 = arith.constant 0 : i32
          %cond3A_417 = arith.cmpi ne, %convert_element_type3A_415, %cond3A_416 : i32
          scf.if %cond3A_417 {
            %scan3A_418 = arith.constant 0 : i32
            %scan3A_419 = arith.constant 0 : i32
            %scan3A_420 = arith.constant 16 : i32
            %scan3A_421 = arith.addi %scan3A_419, %scan3A_420 : i32
            %scan3A_422 = arith.constant 1 : i32
            %scan3A_423 = scf.for %scan3A_482 = %scan3A_419 to %scan3A_421 step %scan3A_422 iter_args(%scan3A_483 = %scan3A_418) -> (i32)  : i32 {
              %mul3A_484 = arith.constant 16 : i32
              %mul3A_485 = arith.muli %scan3A_482, %mul3A_484 : i32
              %swap3A_486 = arith.index_cast %mul3A_485 : i32 to index
              %swap3A_487 = tpu.vector_load %arg16[%swap3A_486] {strides = array<i32>} : memref<272xi32, #tpu.memory_space<vmem>>, vector<16xi32>,
              tpu.vector_store %arg16[%swap3A_486], %broadcast_in_dim3A_3 {strides = array<i32>} : memref<272xi32, #tpu.memory_space<vmem>>, vector<16xi32>,
              %scan3A_488 = arith.constant 0 : i32
              scf.yield %scan3A_488 : i32
            }
            %scan3A_424 = arith.constant 16 : i32
            %while3A_425 = arith.constant 0 : i32
            %while3A_426 = arith.constant 0 : i32
            %while3A_427 = arith.subi %while3A_401#0, %while3A_425 : i32
            %while3A_428 = arith.addi %while3A_425, %while3A_427 : i32
            %while3A_429 = arith.constant 1 : i32
            %while3A_430 = arith.divsi %while3A_427, %while3A_429 : i32
            %while3A_431 = arith.muli %while3A_430, %while3A_429 : i32
            %while3A_432 = arith.addi %while3A_425, %while3A_431 : i32
            %while3A_433 = arith.constant 1 : i32
            %while3A_434 = scf.for %while3A_482 = %while3A_425 to %while3A_432 step %while3A_433 iter_args(%while3A_483 = %while3A_426) -> (i32)  : i32 {
              %add3A_484 = arith.addi %mul3A_359, %while3A_482 : i32
              %get3A_485 = arith.index_cast %add3A_484 : i32 to index
              %get3A_486 = tpu.vector_load %arg19[%get3A_485] {strides = array<i32>} : memref<3600xi32, #tpu.memory_space<vmem>>, vector<16xi32>,
              %slice3A_487 = vector.extract_strided_slice %get3A_486 {offsets = [0], sizes = [1], strides = [1]} : vector<16xi32> to vector<1xi32>
              %squeeze3A_488 = vector.extract %slice3A_487[0] : i32 from vector<1xi32>
              %lt3A_489 = arith.constant 256 : i32
              %lt3A_490 = arith.cmpi slt, %squeeze3A_488, %lt3A_489 : i32
              %convert_element_type3A_491 = arith.extui %lt3A_490 : i1 to i32
              %cond3A_492 = arith.constant 0 : i32
              %cond3A_493 = arith.cmpi ne, %convert_element_type3A_491, %cond3A_492 : i32
              scf.if %cond3A_493 {
                %get3A_495 = arith.index_cast %squeeze3A_488 : i32 to index
                %get3A_496 = tpu.vector_load %arg16[%get3A_495] {strides = array<i32>} : memref<272xi32, #tpu.memory_space<vmem>>, vector<16xi32>,
                %broadcast_in_dim3A_497 = arith.constant 1 : i32
                %broadcast_in_dim3A_498 = vector.broadcast %broadcast_in_dim3A_497 : i32 to vector<16xi32>
                %iota3A_499 = tpu.iota {dimensions = array<i32: 0>} : vector<16xi32>
                %eq3A_500 = arith.constant 0 : i32
                %eq3A_501 = vector.broadcast %eq3A_500 : i32 to vector<16xi32>
                %eq3A_502 = arith.cmpi eq, %iota3A_499, %eq3A_501 : vector<16xi32>
                %select_n3A_503 = arith.select %eq3A_502, %broadcast_in_dim3A_498, %get3A_496 : vector<16xi1>, vector<16xi32>
                %swap3A_504 = arith.index_cast %squeeze3A_488 : i32 to index
                %swap3A_505 = tpu.vector_load %arg16[%swap3A_504] {strides = array<i32>} : memref<272xi32, #tpu.memory_space<vmem>>, vector<16xi32>,
                tpu.vector_store %arg16[%swap3A_504], %select_n3A_503 {strides = array<i32>} : memref<272xi32, #tpu.memory_space<vmem>>, vector<16xi32>,
              } else {
              }
              %while3A_494 = arith.constant 0 : i32
              scf.yield %while3A_494 : i32
            }
            %while3A_435 = arith.constant 1 : i32
            %while3A_436 = scf.for %while3A_482 = %while3A_432 to %while3A_428 step %while3A_435 iter_args(%while3A_483 = %while3A_434) -> (i32)  : i32 {
              %add3A_484 = arith.addi %mul3A_359, %while3A_482 : i32
              %get3A_485 = arith.index_cast %add3A_484 : i32 to index
              %get3A_486 = tpu.vector_load %arg19[%get3A_485] {strides = array<i32>} : memref<3600xi32, #tpu.memory_space<vmem>>, vector<16xi32>,
              %slice3A_487 = vector.extract_strided_slice %get3A_486 {offsets = [0], sizes = [1], strides = [1]} : vector<16xi32> to vector<1xi32>
              %squeeze3A_488 = vector.extract %slice3A_487[0] : i32 from vector<1xi32>
              %lt3A_489 = arith.constant 256 : i32
              %lt3A_490 = arith.cmpi slt, %squeeze3A_488, %lt3A_489 : i32
              %convert_element_type3A_491 = arith.extui %lt3A_490 : i1 to i32
              %cond3A_492 = arith.constant 0 : i32
              %cond3A_493 = arith.cmpi ne, %convert_element_type3A_491, %cond3A_492 : i32
              scf.if %cond3A_493 {
                %get3A_495 = arith.index_cast %squeeze3A_488 : i32 to index
                %get3A_496 = tpu.vector_load %arg16[%get3A_495] {strides = array<i32>} : memref<272xi32, #tpu.memory_space<vmem>>, vector<16xi32>,
                %broadcast_in_dim3A_497 = arith.constant 1 : i32
                %broadcast_in_dim3A_498 = vector.broadcast %broadcast_in_dim3A_497 : i32 to vector<16xi32>
                %iota3A_499 = tpu.iota {dimensions = array<i32: 0>} : vector<16xi32>
                %eq3A_500 = arith.constant 0 : i32
                %eq3A_501 = vector.broadcast %eq3A_500 : i32 to vector<16xi32>
                %eq3A_502 = arith.cmpi eq, %iota3A_499, %eq3A_501 : vector<16xi32>
                %select_n3A_503 = arith.select %eq3A_502, %broadcast_in_dim3A_498, %get3A_496 : vector<16xi1>, vector<16xi32>
                %swap3A_504 = arith.index_cast %squeeze3A_488 : i32 to index
                %swap3A_505 = tpu.vector_load %arg16[%swap3A_504] {strides = array<i32>} : memref<272xi32, #tpu.memory_space<vmem>>, vector<16xi32>,
                tpu.vector_store %arg16[%swap3A_504], %select_n3A_503 {strides = array<i32>} : memref<272xi32, #tpu.memory_space<vmem>>, vector<16xi32>,
              } else {
              }
              %while3A_494 = arith.constant 0 : i32
              scf.yield %while3A_494 : i32
            }
            %scan3A_437 = arith.constant 0 : i32
            %scan3A_438 = arith.constant 0 : i32
            %scan3A_439 = arith.constant 16 : i32
            %scan3A_440 = arith.addi %scan3A_438, %scan3A_439 : i32
            %scan3A_441 = arith.constant 1 : i32
            %scan3A_442 = scf.for %scan3A_482 = %scan3A_438 to %scan3A_440 step %scan3A_441 iter_args(%scan3A_483 = %scan3A_437) -> (i32)  : i32 {
              %mul3A_484 = arith.constant 16 : i32
              %mul3A_485 = arith.muli %scan3A_482, %mul3A_484 : i32
              %get3A_486 = arith.index_cast %mul3A_485 : i32 to index
              %get3A_487 = tpu.vector_load %arg16[%get3A_486] {strides = array<i32>} : memref<272xi32, #tpu.memory_space<vmem>>, vector<16xi32>,
              %eq3A_488 = arith.constant 0 : i32
              %eq3A_489 = vector.broadcast %eq3A_488 : i32 to vector<16xi32>
              %eq3A_490 = arith.cmpi eq, %get3A_487, %eq3A_489 : vector<16xi32>
              %mul3A_491 = arith.constant 16 : i32
              %mul3A_492 = arith.muli %scan3A_482, %mul3A_491 : i32
              %add3A_493 = vector.broadcast %mul3A_492 : i32 to vector<16xi32>
              %add3A_494 = arith.addi %iota3A, %add3A_493 : vector<16xi32>
              %iota3A_495 = tpu.iota {dimensions = array<i32: 0>} : vector<16xi32>
              %masked_sort3A_496 = arith.constant -2147483648 : i32
              %masked_sort3A_497 = vector.broadcast %masked_sort3A_496 : i32 to vector<16xi32>
              %masked_sort3A_498 = arith.xori %iota3A_495, %masked_sort3A_497 : vector<16xi32>
              %masked_sort3A_499, %masked_sort3A_500, %masked_sort3A_501 = tpu.sort %masked_sort3A_498, %add3A_494 masked %eq3A_490 : (vector<16xi32>, vector<16xi32>, vector<16xi1>) -> (vector<16xi1>, vector<16xi32>, vector<16xi32>)
              %masked_sort3A_502 = arith.xori %masked_sort3A_500, %masked_sort3A_497 : vector<16xi32>
              %swap3A_503 = arith.index_cast %scan3A_483 : i32 to index
              %swap3A_504 = tpu.vector_load %arg17[%swap3A_503] {strides = array<i32>} : memref<272xi32, #tpu.memory_space<vmem>>, vector<16xi32>,
              tpu.vector_store %arg17[%swap3A_503], %masked_sort3A_501 {strides = array<i32>} : memref<272xi32, #tpu.memory_space<vmem>>, vector<16xi32>,
              %all_reduce_population_count3A_505 = tpu.all_reduce %eq3A_490 {dim = 0 : i64, kind = #tpu.reduction_kind<sum>} : vector<16xi1> -> vector<16xi32>
              %slice3A_506 = vector.extract_strided_slice %all_reduce_population_count3A_505 {offsets = [0], sizes = [1], strides = [1]} : vector<16xi32> to vector<1xi32>
              %squeeze3A_507 = vector.extract %slice3A_506[0] : i32 from vector<1xi32>
              %add3A_508 = arith.addi %scan3A_483, %squeeze3A_507 : i32
              scf.yield %add3A_508 : i32
            }
            %scan3A_443 = arith.constant 16 : i32
            %add3A_444 = arith.constant 15 : i32
            %add3A_445 = arith.addi %sub3A_408, %add3A_444 : i32
            %jit3A_446 = arith.constant 16 : i32
            %div3A_447 = arith.divsi %add3A_445, %jit3A_446 : i32
            %sign3A_448 = arith.constant 0 : i32
            %sign3A_449 = arith.cmpi sgt, %add3A_445, %sign3A_448 : i32
            %sign3A_450 = arith.extui %sign3A_449 : i1 to i32
            %sign3A_451 = arith.constant 0 : i32
            %sign3A_452 = arith.cmpi slt, %add3A_445, %sign3A_451 : i32
            %sign3A_453 = arith.extui %sign3A_452 : i1 to i32
            %sign3A_454 = arith.subi %sign3A_450, %sign3A_453 : i32
            %sign3A_455 = arith.constant 0 : i32
            %sign3A_456 = arith.cmpi sgt, %jit3A_446, %sign3A_455 : i32
            %sign3A_457 = arith.extui %sign3A_456 : i1 to i32
            %sign3A_458 = arith.constant 0 : i32
            %sign3A_459 = arith.cmpi slt, %jit3A_446, %sign3A_458 : i32
            %sign3A_460 = arith.extui %sign3A_459 : i1 to i32
            %sign3A_461 = arith.subi %sign3A_457, %sign3A_460 : i32
            %ne3A_462 = arith.cmpi ne, %sign3A_454, %sign3A_461 : i32
            %rem3A_463 = arith.remsi %add3A_445, %jit3A_446 : i32
            %ne3A_464 = arith.constant 0 : i32
            %ne3A_465 = arith.cmpi ne, %rem3A_463, %ne3A_464 : i32
            %and3A_466 = arith.andi %ne3A_462, %ne3A_465 : i1
            %sub3A_467 = arith.constant 1 : i32
            %sub3A_468 = arith.subi %div3A_447, %sub3A_467 : i32
            %select_n3A_469 = arith.select %and3A_466, %sub3A_468, %div3A_447 : i32
            %while3A_470 = arith.constant 0 : i32
            %while3A_471 = arith.constant 0 : i32
            %while3A_472 = arith.subi %select_n3A_469, %while3A_470 : i32
            %while3A_473 = arith.addi %while3A_470, %while3A_472 : i32
            %while3A_474 = arith.constant 1 : i32
            %while3A_475 = arith.divsi %while3A_472, %while3A_474 : i32
            %while3A_476 = arith.muli %while3A_475, %while3A_474 : i32
            %while3A_477 = arith.addi %while3A_470, %while3A_476 : i32
            %while3A_478 = arith.constant 1 : i32
            %while3A_479 = scf.for %while3A_482 = %while3A_470 to %while3A_477 step %while3A_478 iter_args(%while3A_483 = %while3A_471) -> (i32)  : i32 {
              %mul3A_484 = arith.constant 16 : i32
              %mul3A_485 = arith.muli %while3A_482, %mul3A_484 : i32
              %add3A_486 = vector.broadcast %mul3A_485 : i32 to vector<16xi32>
              %add3A_487 = arith.addi %iota3A, %add3A_486 : vector<16xi32>
              %lt3A_488 = vector.broadcast %sub3A_408 : i32 to vector<16xi32>
              %lt3A_489 = arith.cmpi slt, %add3A_487, %lt3A_488 : vector<16xi32>
              %add3A_490 = arith.addi %mul3A_359, %while3A_401#0 : i32
              %mul3A_491 = arith.constant 16 : i32
              %mul3A_492 = arith.muli %while3A_482, %mul3A_491 : i32
              %add3A_493 = arith.addi %add3A_490, %mul3A_492 : i32
              %get3A_494 = arith.index_cast %add3A_493 : i32 to index
              %get3A_495 = tpu.vector_load %arg19[%get3A_494] {strides = array<i32>} : memref<3600xi32, #tpu.memory_space<vmem>>, vector<16xi32>,
              %get3A_496 = arith.index_cast %add3A_493 : i32 to index
              %get3A_497 = tpu.vector_load %arg18[%get3A_496] {strides = array<i32>} : memref<3600xf32, #tpu.memory_space<vmem>>, vector<16xf32>,
              %mul3A_498 = arith.constant 16 : i32
              %mul3A_499 = arith.muli %while3A_482, %mul3A_498 : i32
              %get3A_500 = arith.index_cast %mul3A_499 : i32 to index
              %get3A_501 = tpu.vector_load %arg17[%get3A_500] {strides = array<i32>} : memref<272xi32, #tpu.memory_space<vmem>>, vector<16xi32>,
              %select_n3A_502 = arith.select %lt3A_489, %get3A_501, %get3A_495 : vector<16xi1>, vector<16xi32>
              %swap3A_503 = arith.index_cast %add3A_493 : i32 to index
              %swap3A_504 = tpu.vector_load %arg19[%swap3A_503] {strides = array<i32>} : memref<3600xi32, #tpu.memory_space<vmem>>, vector<16xi32>,
              tpu.vector_store %arg19[%swap3A_503], %select_n3A_502 {strides = array<i32>} : memref<3600xi32, #tpu.memory_space<vmem>>, vector<16xi32>,
              %select_n3A_505 = arith.select %lt3A_489, %broadcast_in_dim3A_9, %get3A_497 : vector<16xi1>, vector<16xf32>
              %swap3A_506 = arith.index_cast %add3A_493 : i32 to index
              %swap3A_507 = tpu.vector_load %arg18[%swap3A_506] {strides = array<i32>} : memref<3600xf32, #tpu.memory_space<vmem>>, vector<16xf32>,
              tpu.vector_store %arg18[%swap3A_506], %select_n3A_505 {strides = array<i32>} : memref<3600xf32, #tpu.memory_space<vmem>>, vector<16xf32>,
              %while3A_508 = arith.constant 0 : i32
              scf.yield %while3A_508 : i32
            }
            %while3A_480 = arith.constant 1 : i32
            %while3A_481 = scf.for %while3A_482 = %while3A_477 to %while3A_473 step %while3A_480 iter_args(%while3A_483 = %while3A_479) -> (i32)  : i32 {
              %mul3A_484 = arith.constant 16 : i32
              %mul3A_485 = arith.muli %while3A_482, %mul3A_484 : i32
              %add3A_486 = vector.broadcast %mul3A_485 : i32 to vector<16xi32>
              %add3A_487 = arith.addi %iota3A, %add3A_486 : vector<16xi32>
              %lt3A_488 = vector.broadcast %sub3A_408 : i32 to vector<16xi32>
              %lt3A_489 = arith.cmpi slt, %add3A_487, %lt3A_488 : vector<16xi32>
              %add3A_490 = arith.addi %mul3A_359, %while3A_401#0 : i32
              %mul3A_491 = arith.constant 16 : i32
              %mul3A_492 = arith.muli %while3A_482, %mul3A_491 : i32
              %add3A_493 = arith.addi %add3A_490, %mul3A_492 : i32
              %get3A_494 = arith.index_cast %add3A_493 : i32 to index
              %get3A_495 = tpu.vector_load %arg19[%get3A_494] {strides = array<i32>} : memref<3600xi32, #tpu.memory_space<vmem>>, vector<16xi32>,
              %get3A_496 = arith.index_cast %add3A_493 : i32 to index
              %get3A_497 = tpu.vector_load %arg18[%get3A_496] {strides = array<i32>} : memref<3600xf32, #tpu.memory_space<vmem>>, vector<16xf32>,
              %mul3A_498 = arith.constant 16 : i32
              %mul3A_499 = arith.muli %while3A_482, %mul3A_498 : i32
              %get3A_500 = arith.index_cast %mul3A_499 : i32 to index
              %get3A_501 = tpu.vector_load %arg17[%get3A_500] {strides = array<i32>} : memref<272xi32, #tpu.memory_space<vmem>>, vector<16xi32>,
              %select_n3A_502 = arith.select %lt3A_489, %get3A_501, %get3A_495 : vector<16xi1>, vector<16xi32>
              %swap3A_503 = arith.index_cast %add3A_493 : i32 to index
              %swap3A_504 = tpu.vector_load %arg19[%swap3A_503] {strides = array<i32>} : memref<3600xi32, #tpu.memory_space<vmem>>, vector<16xi32>,
              tpu.vector_store %arg19[%swap3A_503], %select_n3A_502 {strides = array<i32>} : memref<3600xi32, #tpu.memory_space<vmem>>, vector<16xi32>,
              %select_n3A_505 = arith.select %lt3A_489, %broadcast_in_dim3A_9, %get3A_497 : vector<16xi1>, vector<16xf32>
              %swap3A_506 = arith.index_cast %add3A_493 : i32 to index
              %swap3A_507 = tpu.vector_load %arg18[%swap3A_506] {strides = array<i32>} : memref<3600xf32, #tpu.memory_space<vmem>>, vector<16xf32>,
              tpu.vector_store %arg18[%swap3A_506], %select_n3A_505 {strides = array<i32>} : memref<3600xf32, #tpu.memory_space<vmem>>, vector<16xf32>,
              %while3A_508 = arith.constant 0 : i32
              scf.yield %while3A_508 : i32
            }
          } else {
          }
        } else {
        }
      } else {
      }
      %scan3A_356 = arith.constant 0 : i32
      scf.yield %scan3A_356 : i32
    }
    %scan3A_256 = arith.constant 32 : i32
    "tpu.trace_stop"() : () -> ()
    %mul3A_257 = arith.constant 112 : i32
    %mul3A_258 = arith.muli %mul3A_2, %mul3A_257 : i32
    %dma_start3A = arith.constant 0 : i32
    %dma_start3A_259 = tpu.memref_slice %arg18[%dma_start3A] : memref<3600xf32, #tpu.memory_space<vmem>> -> memref<3584xf32, #tpu.memory_space<vmem>>
    %dma_start3A_260 = tpu.memref_slice %arg4[%mul3A_258] : memref<114688xf32, #tpu.memory_space<hbm>> -> memref<3584xf32, #tpu.memory_space<hbm>>
    %dma_start3A_261 = tpu.memref_slice %arg4[%mul3A_258] : memref<114688xf32, #tpu.memory_space<hbm>> -> memref<3584xf32, #tpu.memory_space<hbm>>
    %dma_start3A_262 = arith.constant 0 : i32
    %dma_start3A_263 = tpu.memref_slice %arg18[%dma_start3A_262] : memref<3600xf32, #tpu.memory_space<vmem>> -> memref<3584xf32, #tpu.memory_space<vmem>>
    tpu.enqueue_dma source(%dma_start3A_263 : memref<3584xf32, #tpu.memory_space<vmem>>) target(%dma_start3A_261 : memref<3584xf32, #tpu.memory_space<hbm>>) target_semaphore(%arg20 : memref<!tpu.dma_semaphore, #tpu.memory_space<semaphore_mem>>)
    %dma_wait3A = arith.constant 0 : i32
    %dma_wait3A_264 = tpu.memref_slice %arg18[%dma_wait3A] : memref<3600xf32, #tpu.memory_space<vmem>> -> memref<3584xf32, #tpu.memory_space<vmem>>
    %dma_wait3A_265 = tpu.memref_slice %arg4[%mul3A_258] : memref<114688xf32, #tpu.memory_space<hbm>> -> memref<3584xf32, #tpu.memory_space<hbm>>
    %dma_wait3A_266 = tpu.memref_slice %arg4[%mul3A_258] : memref<114688xf32, #tpu.memory_space<hbm>> -> memref<3584xf32, #tpu.memory_space<hbm>>
    %dma_wait3A_267 = arith.constant 0 : i32
    %dma_wait3A_268 = tpu.memref_slice %arg18[%dma_wait3A_267] : memref<3600xf32, #tpu.memory_space<vmem>> -> memref<3584xf32, #tpu.memory_space<vmem>>
    tpu.wait_dma2 semaphore(%arg20 : memref<!tpu.dma_semaphore, #tpu.memory_space<semaphore_mem>>) src(%dma_wait3A_268 : memref<3584xf32, #tpu.memory_space<vmem>>) dst(%dma_wait3A_266 : memref<3584xf32, #tpu.memory_space<hbm>>)
    %mul3A_269 = arith.constant 112 : i32
    %mul3A_270 = arith.muli %mul3A_2, %mul3A_269 : i32
    %dma_start3A_271 = arith.constant 0 : i32
    %dma_start3A_272 = tpu.memref_slice %arg19[%dma_start3A_271] : memref<3600xi32, #tpu.memory_space<vmem>> -> memref<3584xi32, #tpu.memory_space<vmem>>
    %dma_start3A_273 = tpu.memref_slice %arg5[%mul3A_270] : memref<114688xi32, #tpu.memory_space<hbm>> -> memref<3584xi32, #tpu.memory_space<hbm>>
    %dma_start3A_274 = tpu.memref_slice %arg5[%mul3A_270] : memref<114688xi32, #tpu.memory_space<hbm>> -> memref<3584xi32, #tpu.memory_space<hbm>>
    %dma_start3A_275 = arith.constant 0 : i32
    %dma_start3A_276 = tpu.memref_slice %arg19[%dma_start3A_275] : memref<3600xi32, #tpu.memory_space<vmem>> -> memref<3584xi32, #tpu.memory_space<vmem>>
    tpu.enqueue_dma source(%dma_start3A_276 : memref<3584xi32, #tpu.memory_space<vmem>>) target(%dma_start3A_274 : memref<3584xi32, #tpu.memory_space<hbm>>) target_semaphore(%arg20 : memref<!tpu.dma_semaphore, #tpu.memory_space<semaphore_mem>>)
    %dma_wait3A_277 = arith.constant 0 : i32
    %dma_wait3A_278 = tpu.memref_slice %arg19[%dma_wait3A_277] : memref<3600xi32, #tpu.memory_space<vmem>> -> memref<3584xi32, #tpu.memory_space<vmem>>
    %dma_wait3A_279 = tpu.memref_slice %arg5[%mul3A_270] : memref<114688xi32, #tpu.memory_space<hbm>> -> memref<3584xi32, #tpu.memory_space<hbm>>
    %dma_wait3A_280 = tpu.memref_slice %arg5[%mul3A_270] : memref<114688xi32, #tpu.memory_space<hbm>> -> memref<3584xi32, #tpu.memory_space<hbm>>
    %dma_wait3A_281 = arith.constant 0 : i32
    %dma_wait3A_282 = tpu.memref_slice %arg19[%dma_wait3A_281] : memref<3600xi32, #tpu.memory_space<vmem>> -> memref<3584xi32, #tpu.memory_space<vmem>>
    tpu.wait_dma2 semaphore(%arg20 : memref<!tpu.dma_semaphore, #tpu.memory_space<semaphore_mem>>) src(%dma_wait3A_282 : memref<3584xi32, #tpu.memory_space<vmem>>) dst(%dma_wait3A_280 : memref<3584xi32, #tpu.memory_space<hbm>>)
    return
  }
}

#map = affine_map<(d0, d1) -> (0)>
module attributes {stable_mosaic.version = 14 : i64} {
  func.func @_match_body(%arg0: i32, %arg1: i32, %arg2: memref<8192xi32, #tpu.memory_space<hbm>>, %arg3: memref<131072xi32, #tpu.memory_space<hbm>>, %arg4: memref<8704xi32, #tpu.memory_space<hbm>>, %arg5: memref<65552xi32, #tpu.memory_space<vmem>>, %arg6: memref<1040xi32, #tpu.memory_space<vmem>>, %arg7: memref<1040xi32, #tpu.memory_space<vmem>>, %arg8: memref<4112xi32, #tpu.memory_space<vmem>>, %arg9: memref<4112xi32, #tpu.memory_space<vmem>>, %arg10: memref<272xi32, #tpu.memory_space<vmem>>, %arg11: memref<!tpu.dma_semaphore, #tpu.memory_space<semaphore_mem>>) attributes {dimension_semantics = [#tpu.dimension_semantics<core_parallel>, #tpu.dimension_semantics<subcore_parallel>], iteration_bounds = array<i64: 2, 16>, scalar_prefetch = 0 : i64, scratch_operands = 7 : i64, tpu.core_type = #tpu.core_type<sc_vector_subcore>, window_params = [{transform_indices = #map}, {transform_indices = #map}, {transform_indices = #map}]} {
    %mul3A = arith.constant 2 : i32
    %mul3A_0 = arith.muli %arg1, %mul3A : i32
    %add3A = arith.addi %mul3A_0, %arg0 : i32
    %jit3A = arith.constant 4 : i32
    %div3A = arith.divsi %add3A, %jit3A : i32
    %sign3A = arith.constant 0 : i32
    %sign3A_1 = arith.cmpi sgt, %add3A, %sign3A : i32
    %sign3A_2 = arith.extui %sign3A_1 : i1 to i32
    %sign3A_3 = arith.constant 0 : i32
    %sign3A_4 = arith.cmpi slt, %add3A, %sign3A_3 : i32
    %sign3A_5 = arith.extui %sign3A_4 : i1 to i32
    %sign3A_6 = arith.subi %sign3A_2, %sign3A_5 : i32
    %sign3A_7 = arith.constant 0 : i32
    %sign3A_8 = arith.cmpi sgt, %jit3A, %sign3A_7 : i32
    %sign3A_9 = arith.extui %sign3A_8 : i1 to i32
    %sign3A_10 = arith.constant 0 : i32
    %sign3A_11 = arith.cmpi slt, %jit3A, %sign3A_10 : i32
    %sign3A_12 = arith.extui %sign3A_11 : i1 to i32
    %sign3A_13 = arith.subi %sign3A_9, %sign3A_12 : i32
    %ne3A = arith.cmpi ne, %sign3A_6, %sign3A_13 : i32
    %rem3A = arith.remsi %add3A, %jit3A : i32
    %ne3A_14 = arith.constant 0 : i32
    %ne3A_15 = arith.cmpi ne, %rem3A, %ne3A_14 : i32
    %and3A = arith.andi %ne3A, %ne3A_15 : i1
    %sub3A = arith.constant 1 : i32
    %sub3A_16 = arith.subi %div3A, %sub3A : i32
    %select_n3A = arith.select %and3A, %sub3A_16, %div3A : i32
    %jit3A_17 = arith.constant 4 : i32
    %eq3A = arith.constant 0 : i32
    %eq3A_18 = arith.cmpi eq, %jit3A_17, %eq3A : i32
    %jit3A_19 = arith.constant 1 : i32
    %select_n3A_20 = arith.select %eq3A_18, %jit3A_19, %jit3A_17 : i32
    %rem3A_21 = arith.remsi %add3A, %select_n3A_20 : i32
    %ne3A_22 = arith.constant 0 : i32
    %ne3A_23 = arith.cmpi ne, %rem3A_21, %ne3A_22 : i32
    %lt3A = arith.constant 0 : i32
    %lt3A_24 = arith.cmpi slt, %rem3A_21, %lt3A : i32
    %lt3A_25 = arith.constant 0 : i32
    %lt3A_26 = arith.cmpi slt, %select_n3A_20, %lt3A_25 : i32
    %ne3A_27 = arith.xori %lt3A_24, %lt3A_26 : i1
    %and3A_28 = arith.andi %ne3A_27, %ne3A_23 : i1
    %add3A_29 = arith.addi %rem3A_21, %select_n3A_20 : i32
    %select_n3A_30 = arith.select %and3A_28, %add3A_29, %rem3A_21 : i32
    %iota3A = tpu.iota {dimensions = array<i32: 0>} : vector<16xi32>
    %broadcast_in_dim3A = arith.constant -1 : i32
    %broadcast_in_dim3A_31 = vector.broadcast %broadcast_in_dim3A : i32 to vector<16xi32>
    %mul3A_32 = arith.constant 1024 : i32
    %mul3A_33 = arith.muli %select_n3A, %mul3A_32 : i32
    %dma_start3A = arith.constant 0 : i32
    %dma_start3A_34 = tpu.memref_slice %arg7[%dma_start3A] : memref<1040xi32, #tpu.memory_space<vmem>> -> memref<1024xi32, #tpu.memory_space<vmem>>
    %dma_start3A_35 = tpu.memref_slice %arg2[%mul3A_33] : memref<8192xi32, #tpu.memory_space<hbm>> -> memref<1024xi32, #tpu.memory_space<hbm>>
    %dma_start3A_36 = arith.constant 0 : i32
    %dma_start3A_37 = tpu.memref_slice %arg7[%dma_start3A_36] : memref<1040xi32, #tpu.memory_space<vmem>> -> memref<1024xi32, #tpu.memory_space<vmem>>
    %dma_start3A_38 = tpu.memref_slice %arg2[%mul3A_33] : memref<8192xi32, #tpu.memory_space<hbm>> -> memref<1024xi32, #tpu.memory_space<hbm>>
    tpu.enqueue_dma source(%dma_start3A_38 : memref<1024xi32, #tpu.memory_space<hbm>>) target(%dma_start3A_37 : memref<1024xi32, #tpu.memory_space<vmem>>) target_semaphore(%arg11 : memref<!tpu.dma_semaphore, #tpu.memory_space<semaphore_mem>>)
    %dma_wait3A = arith.constant 0 : i32
    %dma_wait3A_39 = tpu.memref_slice %arg7[%dma_wait3A] : memref<1040xi32, #tpu.memory_space<vmem>> -> memref<1024xi32, #tpu.memory_space<vmem>>
    %dma_wait3A_40 = tpu.memref_slice %arg2[%mul3A_33] : memref<8192xi32, #tpu.memory_space<hbm>> -> memref<1024xi32, #tpu.memory_space<hbm>>
    %dma_wait3A_41 = arith.constant 0 : i32
    %dma_wait3A_42 = tpu.memref_slice %arg7[%dma_wait3A_41] : memref<1040xi32, #tpu.memory_space<vmem>> -> memref<1024xi32, #tpu.memory_space<vmem>>
    %dma_wait3A_43 = tpu.memref_slice %arg2[%mul3A_33] : memref<8192xi32, #tpu.memory_space<hbm>> -> memref<1024xi32, #tpu.memory_space<hbm>>
    tpu.wait_dma2 semaphore(%arg11 : memref<!tpu.dma_semaphore, #tpu.memory_space<semaphore_mem>>) src(%dma_wait3A_43 : memref<1024xi32, #tpu.memory_space<hbm>>) dst(%dma_wait3A_42 : memref<1024xi32, #tpu.memory_space<vmem>>)
    %mul3A_44 = arith.constant 16384 : i32
    %mul3A_45 = arith.muli %select_n3A, %mul3A_44 : i32
    %mul3A_46 = arith.constant 4096 : i32
    %mul3A_47 = arith.muli %select_n3A_30, %mul3A_46 : i32
    %add3A_48 = arith.addi %mul3A_45, %mul3A_47 : i32
    %dma_start3A_49 = arith.constant 0 : i32
    %dma_start3A_50 = tpu.memref_slice %arg8[%dma_start3A_49] : memref<4112xi32, #tpu.memory_space<vmem>> -> memref<4096xi32, #tpu.memory_space<vmem>>
    %dma_start3A_51 = tpu.memref_slice %arg3[%add3A_48] : memref<131072xi32, #tpu.memory_space<hbm>> -> memref<4096xi32, #tpu.memory_space<hbm>>
    %dma_start3A_52 = arith.constant 0 : i32
    %dma_start3A_53 = tpu.memref_slice %arg8[%dma_start3A_52] : memref<4112xi32, #tpu.memory_space<vmem>> -> memref<4096xi32, #tpu.memory_space<vmem>>
    %dma_start3A_54 = tpu.memref_slice %arg3[%add3A_48] : memref<131072xi32, #tpu.memory_space<hbm>> -> memref<4096xi32, #tpu.memory_space<hbm>>
    tpu.enqueue_dma source(%dma_start3A_54 : memref<4096xi32, #tpu.memory_space<hbm>>) target(%dma_start3A_53 : memref<4096xi32, #tpu.memory_space<vmem>>) target_semaphore(%arg11 : memref<!tpu.dma_semaphore, #tpu.memory_space<semaphore_mem>>)
    %dma_wait3A_55 = arith.constant 0 : i32
    %dma_wait3A_56 = tpu.memref_slice %arg8[%dma_wait3A_55] : memref<4112xi32, #tpu.memory_space<vmem>> -> memref<4096xi32, #tpu.memory_space<vmem>>
    %dma_wait3A_57 = tpu.memref_slice %arg3[%add3A_48] : memref<131072xi32, #tpu.memory_space<hbm>> -> memref<4096xi32, #tpu.memory_space<hbm>>
    %dma_wait3A_58 = arith.constant 0 : i32
    %dma_wait3A_59 = tpu.memref_slice %arg8[%dma_wait3A_58] : memref<4112xi32, #tpu.memory_space<vmem>> -> memref<4096xi32, #tpu.memory_space<vmem>>
    %dma_wait3A_60 = tpu.memref_slice %arg3[%add3A_48] : memref<131072xi32, #tpu.memory_space<hbm>> -> memref<4096xi32, #tpu.memory_space<hbm>>
    tpu.wait_dma2 semaphore(%arg11 : memref<!tpu.dma_semaphore, #tpu.memory_space<semaphore_mem>>) src(%dma_wait3A_60 : memref<4096xi32, #tpu.memory_space<hbm>>) dst(%dma_wait3A_59 : memref<4096xi32, #tpu.memory_space<vmem>>)
    %scan3A = arith.constant 0 : i32
    %scan3A_61 = arith.constant 0 : i32
    %scan3A_62 = arith.constant 4096 : i32
    %scan3A_63 = arith.addi %scan3A_61, %scan3A_62 : i32
    %scan3A_64 = arith.constant 8 : i32
    %scan3A_65 = scf.for %scan3A_105 = %scan3A_61 to %scan3A_63 step %scan3A_64 iter_args(%scan3A_106 = %scan3A) -> (i32)  : i32 {
      %mul3A_107 = arith.constant 16 : i32
      %mul3A_108 = arith.muli %scan3A_105, %mul3A_107 : i32
      %swap3A = arith.index_cast %mul3A_108 : i32 to index
      %swap3A_109 = tpu.vector_load %arg5[%swap3A] {strides = array<i32>} : memref<65552xi32, #tpu.memory_space<vmem>>, vector<16xi32>,
      tpu.vector_store %arg5[%swap3A], %broadcast_in_dim3A_31 {strides = array<i32>} : memref<65552xi32, #tpu.memory_space<vmem>>, vector<16xi32>,
      %scan3A_110 = arith.constant 0 : i32
      %scan3A_111 = arith.constant 1 : i32
      %scan3A_112 = arith.addi %scan3A_105, %scan3A_111 : i32
      %mul3A_113 = arith.constant 16 : i32
      %mul3A_114 = arith.muli %scan3A_112, %mul3A_113 : i32
      %swap3A_115 = arith.index_cast %mul3A_114 : i32 to index
      %swap3A_116 = tpu.vector_load %arg5[%swap3A_115] {strides = array<i32>} : memref<65552xi32, #tpu.memory_space<vmem>>, vector<16xi32>,
      tpu.vector_store %arg5[%swap3A_115], %broadcast_in_dim3A_31 {strides = array<i32>} : memref<65552xi32, #tpu.memory_space<vmem>>, vector<16xi32>,
      %scan3A_117 = arith.constant 0 : i32
      %scan3A_118 = arith.constant 2 : i32
      %scan3A_119 = arith.addi %scan3A_105, %scan3A_118 : i32
      %mul3A_120 = arith.constant 16 : i32
      %mul3A_121 = arith.muli %scan3A_119, %mul3A_120 : i32
      %swap3A_122 = arith.index_cast %mul3A_121 : i32 to index
      %swap3A_123 = tpu.vector_load %arg5[%swap3A_122] {strides = array<i32>} : memref<65552xi32, #tpu.memory_space<vmem>>, vector<16xi32>,
      tpu.vector_store %arg5[%swap3A_122], %broadcast_in_dim3A_31 {strides = array<i32>} : memref<65552xi32, #tpu.memory_space<vmem>>, vector<16xi32>,
      %scan3A_124 = arith.constant 0 : i32
      %scan3A_125 = arith.constant 3 : i32
      %scan3A_126 = arith.addi %scan3A_105, %scan3A_125 : i32
      %mul3A_127 = arith.constant 16 : i32
      %mul3A_128 = arith.muli %scan3A_126, %mul3A_127 : i32
      %swap3A_129 = arith.index_cast %mul3A_128 : i32 to index
      %swap3A_130 = tpu.vector_load %arg5[%swap3A_129] {strides = array<i32>} : memref<65552xi32, #tpu.memory_space<vmem>>, vector<16xi32>,
      tpu.vector_store %arg5[%swap3A_129], %broadcast_in_dim3A_31 {strides = array<i32>} : memref<65552xi32, #tpu.memory_space<vmem>>, vector<16xi32>,
      %scan3A_131 = arith.constant 0 : i32
      %scan3A_132 = arith.constant 4 : i32
      %scan3A_133 = arith.addi %scan3A_105, %scan3A_132 : i32
      %mul3A_134 = arith.constant 16 : i32
      %mul3A_135 = arith.muli %scan3A_133, %mul3A_134 : i32
      %swap3A_136 = arith.index_cast %mul3A_135 : i32 to index
      %swap3A_137 = tpu.vector_load %arg5[%swap3A_136] {strides = array<i32>} : memref<65552xi32, #tpu.memory_space<vmem>>, vector<16xi32>,
      tpu.vector_store %arg5[%swap3A_136], %broadcast_in_dim3A_31 {strides = array<i32>} : memref<65552xi32, #tpu.memory_space<vmem>>, vector<16xi32>,
      %scan3A_138 = arith.constant 0 : i32
      %scan3A_139 = arith.constant 5 : i32
      %scan3A_140 = arith.addi %scan3A_105, %scan3A_139 : i32
      %mul3A_141 = arith.constant 16 : i32
      %mul3A_142 = arith.muli %scan3A_140, %mul3A_141 : i32
      %swap3A_143 = arith.index_cast %mul3A_142 : i32 to index
      %swap3A_144 = tpu.vector_load %arg5[%swap3A_143] {strides = array<i32>} : memref<65552xi32, #tpu.memory_space<vmem>>, vector<16xi32>,
      tpu.vector_store %arg5[%swap3A_143], %broadcast_in_dim3A_31 {strides = array<i32>} : memref<65552xi32, #tpu.memory_space<vmem>>, vector<16xi32>,
      %scan3A_145 = arith.constant 0 : i32
      %scan3A_146 = arith.constant 6 : i32
      %scan3A_147 = arith.addi %scan3A_105, %scan3A_146 : i32
      %mul3A_148 = arith.constant 16 : i32
      %mul3A_149 = arith.muli %scan3A_147, %mul3A_148 : i32
      %swap3A_150 = arith.index_cast %mul3A_149 : i32 to index
      %swap3A_151 = tpu.vector_load %arg5[%swap3A_150] {strides = array<i32>} : memref<65552xi32, #tpu.memory_space<vmem>>, vector<16xi32>,
      tpu.vector_store %arg5[%swap3A_150], %broadcast_in_dim3A_31 {strides = array<i32>} : memref<65552xi32, #tpu.memory_space<vmem>>, vector<16xi32>,
      %scan3A_152 = arith.constant 0 : i32
      %scan3A_153 = arith.constant 7 : i32
      %scan3A_154 = arith.addi %scan3A_105, %scan3A_153 : i32
      %mul3A_155 = arith.constant 16 : i32
      %mul3A_156 = arith.muli %scan3A_154, %mul3A_155 : i32
      %swap3A_157 = arith.index_cast %mul3A_156 : i32 to index
      %swap3A_158 = tpu.vector_load %arg5[%swap3A_157] {strides = array<i32>} : memref<65552xi32, #tpu.memory_space<vmem>>, vector<16xi32>,
      tpu.vector_store %arg5[%swap3A_157], %broadcast_in_dim3A_31 {strides = array<i32>} : memref<65552xi32, #tpu.memory_space<vmem>>, vector<16xi32>,
      %scan3A_159 = arith.constant 0 : i32
      scf.yield %scan3A_159 : i32
    }
    %scan3A_66 = arith.constant 4096 : i32
    %scan3A_67 = arith.constant 0 : i32
    %scan3A_68 = arith.constant 0 : i32
    %scan3A_69 = arith.constant 17 : i32
    %scan3A_70 = arith.addi %scan3A_68, %scan3A_69 : i32
    %scan3A_71 = arith.constant 1 : i32
    %scan3A_72 = scf.for %scan3A_105 = %scan3A_68 to %scan3A_70 step %scan3A_71 iter_args(%scan3A_106 = %scan3A_67) -> (i32)  : i32 {
      %mul3A_107 = arith.constant 16 : i32
      %mul3A_108 = arith.muli %scan3A_105, %mul3A_107 : i32
      %swap3A = arith.index_cast %mul3A_108 : i32 to index
      %swap3A_109 = tpu.vector_load %arg10[%swap3A] {strides = array<i32>} : memref<272xi32, #tpu.memory_space<vmem>>, vector<16xi32>,
      tpu.vector_store %arg10[%swap3A], %broadcast_in_dim3A_31 {strides = array<i32>} : memref<272xi32, #tpu.memory_space<vmem>>, vector<16xi32>,
      %scan3A_110 = arith.constant 0 : i32
      scf.yield %scan3A_110 : i32
    }
    %scan3A_73 = arith.constant 17 : i32
    %scan3A_74 = arith.constant 0 : i32
    %scan3A_75 = arith.constant 0 : i32
    %scan3A_76 = arith.constant 1024 : i32
    %scan3A_77 = arith.addi %scan3A_75, %scan3A_76 : i32
    %scan3A_78 = arith.constant 1 : i32
    %scan3A_79 = scf.for %scan3A_105 = %scan3A_75 to %scan3A_77 step %scan3A_78 iter_args(%scan3A_106 = %scan3A_74) -> (i32)  : i32 {
      %get3A = arith.index_cast %scan3A_105 : i32 to index
      %get3A_107 = tpu.vector_load %arg7[%get3A] {strides = array<i32>} : memref<1040xi32, #tpu.memory_space<vmem>>, vector<16xi32>,
      %slice3A = vector.extract_strided_slice %get3A_107 {offsets = [0], sizes = [1], strides = [1]} : vector<16xi32> to vector<1xi32>
      %squeeze3A = vector.extract %slice3A[0] : i32 from vector<1xi32>
      %get3A_108 = arith.index_cast %squeeze3A : i32 to index
      %get3A_109 = tpu.vector_load %arg5[%get3A_108] {strides = array<i32>} : memref<65552xi32, #tpu.memory_space<vmem>>, vector<16xi32>,
      %slice3A_110 = vector.extract_strided_slice %get3A_109 {offsets = [0], sizes = [1], strides = [1]} : vector<16xi32> to vector<1xi32>
      %squeeze3A_111 = vector.extract %slice3A_110[0] : i32 from vector<1xi32>
      %get3A_112 = arith.index_cast %scan3A_105 : i32 to index
      %get3A_113 = tpu.vector_load %arg6[%get3A_112] {strides = array<i32>} : memref<1040xi32, #tpu.memory_space<vmem>>, vector<16xi32>,
      %broadcast_in_dim3A_114 = vector.broadcast %squeeze3A_111 : i32 to vector<16xi32>
      %iota3A_115 = tpu.iota {dimensions = array<i32: 0>} : vector<16xi32>
      %eq3A_116 = arith.constant 0 : i32
      %eq3A_117 = vector.broadcast %eq3A_116 : i32 to vector<16xi32>
      %eq3A_118 = arith.cmpi eq, %iota3A_115, %eq3A_117 : vector<16xi32>
      %select_n3A_119 = arith.select %eq3A_118, %broadcast_in_dim3A_114, %get3A_113 : vector<16xi1>, vector<16xi32>
      %swap3A = arith.index_cast %scan3A_105 : i32 to index
      %swap3A_120 = tpu.vector_load %arg6[%swap3A] {strides = array<i32>} : memref<1040xi32, #tpu.memory_space<vmem>>, vector<16xi32>,
      tpu.vector_store %arg6[%swap3A], %select_n3A_119 {strides = array<i32>} : memref<1040xi32, #tpu.memory_space<vmem>>, vector<16xi32>,
      %get3A_121 = arith.index_cast %squeeze3A : i32 to index
      %get3A_122 = tpu.vector_load %arg5[%get3A_121] {strides = array<i32>} : memref<65552xi32, #tpu.memory_space<vmem>>, vector<16xi32>,
      %broadcast_in_dim3A_123 = vector.broadcast %scan3A_105 : i32 to vector<16xi32>
      %iota3A_124 = tpu.iota {dimensions = array<i32: 0>} : vector<16xi32>
      %eq3A_125 = arith.constant 0 : i32
      %eq3A_126 = vector.broadcast %eq3A_125 : i32 to vector<16xi32>
      %eq3A_127 = arith.cmpi eq, %iota3A_124, %eq3A_126 : vector<16xi32>
      %select_n3A_128 = arith.select %eq3A_127, %broadcast_in_dim3A_123, %get3A_122 : vector<16xi1>, vector<16xi32>
      %swap3A_129 = arith.index_cast %squeeze3A : i32 to index
      %swap3A_130 = tpu.vector_load %arg5[%swap3A_129] {strides = array<i32>} : memref<65552xi32, #tpu.memory_space<vmem>>, vector<16xi32>,
      tpu.vector_store %arg5[%swap3A_129], %select_n3A_128 {strides = array<i32>} : memref<65552xi32, #tpu.memory_space<vmem>>, vector<16xi32>,
      %scan3A_131 = arith.constant 0 : i32
      scf.yield %scan3A_131 : i32
    }
    %scan3A_80 = arith.constant 1024 : i32
    %scan3A_81 = arith.constant 0 : i32
    %scan3A_82 = arith.constant 0 : i32
    %scan3A_83 = arith.constant 256 : i32
    %scan3A_84 = arith.addi %scan3A_82, %scan3A_83 : i32
    %scan3A_85 = arith.constant 1 : i32
    %scan3A_86 = scf.for %scan3A_105 = %scan3A_82 to %scan3A_84 step %scan3A_85 iter_args(%scan3A_106 = %scan3A_81) -> (i32)  : i32 {
      %mul3A_107 = arith.constant 16 : i32
      %mul3A_108 = arith.muli %scan3A_105, %mul3A_107 : i32
      %get3A = arith.index_cast %mul3A_108 : i32 to index
      %get3A_109 = tpu.vector_load %arg8[%get3A] {strides = array<i32>} : memref<4112xi32, #tpu.memory_space<vmem>>, vector<16xi32>,
      %gather3A = tpu.vector_load_idx %arg5[%get3A_109] : memref<65552xi32, #tpu.memory_space<vmem>>[vector<16xi32>], vector<16xi32>,
      %ge3A = arith.constant 0 : i32
      %ge3A_110 = vector.broadcast %ge3A : i32 to vector<16xi32>
      %ge3A_111 = arith.cmpi sge, %gather3A, %ge3A_110 : vector<16xi32>
      %all_reduce_population_count3A = tpu.all_reduce %ge3A_111 {dim = 0 : i64, kind = #tpu.reduction_kind<sum>} : vector<16xi1> -> vector<16xi32>
      %slice3A = vector.extract_strided_slice %all_reduce_population_count3A {offsets = [0], sizes = [1], strides = [1]} : vector<16xi32> to vector<1xi32>
      %squeeze3A = vector.extract %slice3A[0] : i32 from vector<1xi32>
      %gt3A = arith.constant 0 : i32
      %gt3A_112 = arith.cmpi sgt, %squeeze3A, %gt3A : i32
      %convert_element_type3A = arith.extui %gt3A_112 : i1 to i32
      %cond3A = arith.constant 0 : i32
      %cond3A_113 = arith.cmpi ne, %convert_element_type3A, %cond3A : i32
      scf.if %cond3A_113 {
        %mul3A_115 = arith.constant 16 : i32
        %mul3A_116 = arith.muli %scan3A_105, %mul3A_115 : i32
        %add3A_117 = vector.broadcast %mul3A_116 : i32 to vector<16xi32>
        %add3A_118 = arith.addi %iota3A, %add3A_117 : vector<16xi32>
        %iota3A_119 = tpu.iota {dimensions = array<i32: 0>} : vector<16xi32>
        %masked_sort3A = arith.constant -2147483648 : i32
        %masked_sort3A_120 = vector.broadcast %masked_sort3A : i32 to vector<16xi32>
        %masked_sort3A_121 = arith.xori %iota3A_119, %masked_sort3A_120 : vector<16xi32>
        %masked_sort3A_122, %masked_sort3A_123, %masked_sort3A_124 = tpu.sort %masked_sort3A_121, %add3A_118 masked %ge3A_111 : (vector<16xi32>, vector<16xi32>, vector<16xi1>) -> (vector<16xi1>, vector<16xi32>, vector<16xi32>)
        %masked_sort3A_125 = arith.xori %masked_sort3A_123, %masked_sort3A_120 : vector<16xi32>
        %swap3A = arith.index_cast %scan3A_106 : i32 to index
        %swap3A_126 = tpu.vector_load %arg9[%swap3A] {strides = array<i32>} : memref<4112xi32, #tpu.memory_space<vmem>>, vector<16xi32>,
        tpu.vector_store %arg9[%swap3A], %masked_sort3A_124 {strides = array<i32>} : memref<4112xi32, #tpu.memory_space<vmem>>, vector<16xi32>,
      } else {
      }
      %add3A_114 = arith.addi %scan3A_106, %squeeze3A : i32
      scf.yield %add3A_114 : i32
    }
    %scan3A_87 = arith.constant 256 : i32
    %while3A = arith.constant 0 : i32
    %while3A_88 = arith.constant 0 : i32
    %while3A_89 = arith.subi %scan3A_86, %while3A : i32
    %while3A_90 = arith.addi %while3A, %while3A_89 : i32
    %while3A_91 = arith.constant 1 : i32
    %while3A_92 = arith.divsi %while3A_89, %while3A_91 : i32
    %while3A_93 = arith.muli %while3A_92, %while3A_91 : i32
    %while3A_94 = arith.addi %while3A, %while3A_93 : i32
    %while3A_95 = arith.constant 1 : i32
    %while3A_96 = scf.for %while3A_105 = %while3A to %while3A_94 step %while3A_95 iter_args(%while3A_106 = %while3A_88) -> (i32)  : i32 {
      %get3A = arith.index_cast %while3A_105 : i32 to index
      %get3A_107 = tpu.vector_load %arg9[%get3A] {strides = array<i32>} : memref<4112xi32, #tpu.memory_space<vmem>>, vector<16xi32>,
      %slice3A = vector.extract_strided_slice %get3A_107 {offsets = [0], sizes = [1], strides = [1]} : vector<16xi32> to vector<1xi32>
      %squeeze3A = vector.extract %slice3A[0] : i32 from vector<1xi32>
      %get3A_108 = arith.index_cast %squeeze3A : i32 to index
      %get3A_109 = tpu.vector_load %arg8[%get3A_108] {strides = array<i32>} : memref<4112xi32, #tpu.memory_space<vmem>>, vector<16xi32>,
      %slice3A_110 = vector.extract_strided_slice %get3A_109 {offsets = [0], sizes = [1], strides = [1]} : vector<16xi32> to vector<1xi32>
      %squeeze3A_111 = vector.extract %slice3A_110[0] : i32 from vector<1xi32>
      %mul3A_112 = arith.constant 4096 : i32
      %mul3A_113 = arith.muli %select_n3A_30, %mul3A_112 : i32
      %add3A_114 = arith.addi %squeeze3A, %mul3A_113 : i32
      %get3A_115 = arith.index_cast %squeeze3A_111 : i32 to index
      %get3A_116 = tpu.vector_load %arg5[%get3A_115] {strides = array<i32>} : memref<65552xi32, #tpu.memory_space<vmem>>, vector<16xi32>,
      %slice3A_117 = vector.extract_strided_slice %get3A_116 {offsets = [0], sizes = [1], strides = [1]} : vector<16xi32> to vector<1xi32>
      %squeeze3A_118 = vector.extract %slice3A_117[0] : i32 from vector<1xi32>
      %while3A_119:2 = scf.while (%while3A_120 = %squeeze3A_118, %while3A_121 = %while3A_106) : (i32, i32) -> (i32, i32) {
        %ge3A = arith.constant 0 : i32
        %ge3A_122 = arith.cmpi sge, %while3A_120, %ge3A : i32
        scf.condition(%ge3A_122) %while3A_120, %while3A_121 : i32, i32
      } do {
      ^bb0(%while3A_120: i32, %while3A_121: i32):
        %min3A = arith.constant 256 : i32
        %min3A_122 = arith.minsi %while3A_121, %min3A : i32
        %mul3A_123 = arith.constant 16384 : i32
        %mul3A_124 = arith.muli %while3A_120, %mul3A_123 : i32
        %add3A_125 = arith.addi %mul3A_124, %add3A_114 : i32
        %get3A_126 = arith.index_cast %min3A_122 : i32 to index
        %get3A_127 = tpu.vector_load %arg10[%get3A_126] {strides = array<i32>} : memref<272xi32, #tpu.memory_space<vmem>>, vector<16xi32>,
        %broadcast_in_dim3A_128 = vector.broadcast %add3A_125 : i32 to vector<16xi32>
        %iota3A_129 = tpu.iota {dimensions = array<i32: 0>} : vector<16xi32>
        %eq3A_130 = arith.constant 0 : i32
        %eq3A_131 = vector.broadcast %eq3A_130 : i32 to vector<16xi32>
        %eq3A_132 = arith.cmpi eq, %iota3A_129, %eq3A_131 : vector<16xi32>
        %select_n3A_133 = arith.select %eq3A_132, %broadcast_in_dim3A_128, %get3A_127 : vector<16xi1>, vector<16xi32>
        %swap3A = arith.index_cast %min3A_122 : i32 to index
        %swap3A_134 = tpu.vector_load %arg10[%swap3A] {strides = array<i32>} : memref<272xi32, #tpu.memory_space<vmem>>, vector<16xi32>,
        tpu.vector_store %arg10[%swap3A], %select_n3A_133 {strides = array<i32>} : memref<272xi32, #tpu.memory_space<vmem>>, vector<16xi32>,
        %get3A_135 = arith.index_cast %while3A_120 : i32 to index
        %get3A_136 = tpu.vector_load %arg6[%get3A_135] {strides = array<i32>} : memref<1040xi32, #tpu.memory_space<vmem>>, vector<16xi32>,
        %slice3A_137 = vector.extract_strided_slice %get3A_136 {offsets = [0], sizes = [1], strides = [1]} : vector<16xi32> to vector<1xi32>
        %squeeze3A_138 = vector.extract %slice3A_137[0] : i32 from vector<1xi32>
        %add3A_139 = arith.constant 1 : i32
        %add3A_140 = arith.addi %while3A_121, %add3A_139 : i32
        scf.yield %squeeze3A_138, %add3A_140 : i32, i32
      }
      scf.yield %while3A_119#1 : i32
    }
    %while3A_97 = arith.constant 1 : i32
    %while3A_98 = scf.for %while3A_105 = %while3A_94 to %while3A_90 step %while3A_97 iter_args(%while3A_106 = %while3A_96) -> (i32)  : i32 {
      %get3A = arith.index_cast %while3A_105 : i32 to index
      %get3A_107 = tpu.vector_load %arg9[%get3A] {strides = array<i32>} : memref<4112xi32, #tpu.memory_space<vmem>>, vector<16xi32>,
      %slice3A = vector.extract_strided_slice %get3A_107 {offsets = [0], sizes = [1], strides = [1]} : vector<16xi32> to vector<1xi32>
      %squeeze3A = vector.extract %slice3A[0] : i32 from vector<1xi32>
      %get3A_108 = arith.index_cast %squeeze3A : i32 to index
      %get3A_109 = tpu.vector_load %arg8[%get3A_108] {strides = array<i32>} : memref<4112xi32, #tpu.memory_space<vmem>>, vector<16xi32>,
      %slice3A_110 = vector.extract_strided_slice %get3A_109 {offsets = [0], sizes = [1], strides = [1]} : vector<16xi32> to vector<1xi32>
      %squeeze3A_111 = vector.extract %slice3A_110[0] : i32 from vector<1xi32>
      %mul3A_112 = arith.constant 4096 : i32
      %mul3A_113 = arith.muli %select_n3A_30, %mul3A_112 : i32
      %add3A_114 = arith.addi %squeeze3A, %mul3A_113 : i32
      %get3A_115 = arith.index_cast %squeeze3A_111 : i32 to index
      %get3A_116 = tpu.vector_load %arg5[%get3A_115] {strides = array<i32>} : memref<65552xi32, #tpu.memory_space<vmem>>, vector<16xi32>,
      %slice3A_117 = vector.extract_strided_slice %get3A_116 {offsets = [0], sizes = [1], strides = [1]} : vector<16xi32> to vector<1xi32>
      %squeeze3A_118 = vector.extract %slice3A_117[0] : i32 from vector<1xi32>
      %while3A_119:2 = scf.while (%while3A_120 = %squeeze3A_118, %while3A_121 = %while3A_106) : (i32, i32) -> (i32, i32) {
        %ge3A = arith.constant 0 : i32
        %ge3A_122 = arith.cmpi sge, %while3A_120, %ge3A : i32
        scf.condition(%ge3A_122) %while3A_120, %while3A_121 : i32, i32
      } do {
      ^bb0(%while3A_120: i32, %while3A_121: i32):
        %min3A = arith.constant 256 : i32
        %min3A_122 = arith.minsi %while3A_121, %min3A : i32
        %mul3A_123 = arith.constant 16384 : i32
        %mul3A_124 = arith.muli %while3A_120, %mul3A_123 : i32
        %add3A_125 = arith.addi %mul3A_124, %add3A_114 : i32
        %get3A_126 = arith.index_cast %min3A_122 : i32 to index
        %get3A_127 = tpu.vector_load %arg10[%get3A_126] {strides = array<i32>} : memref<272xi32, #tpu.memory_space<vmem>>, vector<16xi32>,
        %broadcast_in_dim3A_128 = vector.broadcast %add3A_125 : i32 to vector<16xi32>
        %iota3A_129 = tpu.iota {dimensions = array<i32: 0>} : vector<16xi32>
        %eq3A_130 = arith.constant 0 : i32
        %eq3A_131 = vector.broadcast %eq3A_130 : i32 to vector<16xi32>
        %eq3A_132 = arith.cmpi eq, %iota3A_129, %eq3A_131 : vector<16xi32>
        %select_n3A_133 = arith.select %eq3A_132, %broadcast_in_dim3A_128, %get3A_127 : vector<16xi1>, vector<16xi32>
        %swap3A = arith.index_cast %min3A_122 : i32 to index
        %swap3A_134 = tpu.vector_load %arg10[%swap3A] {strides = array<i32>} : memref<272xi32, #tpu.memory_space<vmem>>, vector<16xi32>,
        tpu.vector_store %arg10[%swap3A], %select_n3A_133 {strides = array<i32>} : memref<272xi32, #tpu.memory_space<vmem>>, vector<16xi32>,
        %get3A_135 = arith.index_cast %while3A_120 : i32 to index
        %get3A_136 = tpu.vector_load %arg6[%get3A_135] {strides = array<i32>} : memref<1040xi32, #tpu.memory_space<vmem>>, vector<16xi32>,
        %slice3A_137 = vector.extract_strided_slice %get3A_136 {offsets = [0], sizes = [1], strides = [1]} : vector<16xi32> to vector<1xi32>
        %squeeze3A_138 = vector.extract %slice3A_137[0] : i32 from vector<1xi32>
        %add3A_139 = arith.constant 1 : i32
        %add3A_140 = arith.addi %while3A_121, %add3A_139 : i32
        scf.yield %squeeze3A_138, %add3A_140 : i32, i32
      }
      scf.yield %while3A_119#1 : i32
    }
    %mul3A_99 = arith.constant 272 : i32
    %mul3A_100 = arith.muli %add3A, %mul3A_99 : i32
    %dma_start3A_101 = tpu.memref_slice %arg4[%mul3A_100] : memref<8704xi32, #tpu.memory_space<hbm>> -> memref<272xi32, #tpu.memory_space<hbm>>
    %dma_start3A_102 = tpu.memref_slice %arg4[%mul3A_100] : memref<8704xi32, #tpu.memory_space<hbm>> -> memref<272xi32, #tpu.memory_space<hbm>>
    tpu.enqueue_dma source(%arg10 : memref<272xi32, #tpu.memory_space<vmem>>) target(%dma_start3A_102 : memref<272xi32, #tpu.memory_space<hbm>>) target_semaphore(%arg11 : memref<!tpu.dma_semaphore, #tpu.memory_space<semaphore_mem>>)
    %dma_wait3A_103 = tpu.memref_slice %arg4[%mul3A_100] : memref<8704xi32, #tpu.memory_space<hbm>> -> memref<272xi32, #tpu.memory_space<hbm>>
    %dma_wait3A_104 = tpu.memref_slice %arg4[%mul3A_100] : memref<8704xi32, #tpu.memory_space<hbm>> -> memref<272xi32, #tpu.memory_space<hbm>>
    tpu.wait_dma2 semaphore(%arg11 : memref<!tpu.dma_semaphore, #tpu.memory_space<semaphore_mem>>) src(%arg10 : memref<272xi32, #tpu.memory_space<vmem>>) dst(%dma_wait3A_104 : memref<272xi32, #tpu.memory_space<hbm>>)
    return
  }
}

module attributes {stable_mosaic.version = 14 : i64} {
  func.func @_codes_body(%arg0: i32, %arg1: memref<1024x256xf32, #tpu.memory_space<vmem>>, %arg2: memref<256x128xf32, #tpu.memory_space<vmem>>, %arg3: memref<1x128xf32, #tpu.memory_space<vmem>>, %arg4: memref<128x8xf32, #tpu.memory_space<vmem>>, %arg5: memref<1024x8xi32, #tpu.memory_space<vmem>>) attributes {dimension_semantics = [#tpu.dimension_semantics<arbitrary>], iteration_bounds = array<i64: 17>, scalar_prefetch = 0 : i64, scratch_operands = 0 : i64, tpu.core_type = #tpu.core_type<tc>, window_params = [{transform_indices = @transform_0, window_bounds = array<i64: 1024, 256>}, {pipeline_mode = #tpu.pipeline_mode<synchronous>, transform_indices = @transform_1, window_bounds = array<i64: 256, 128>}, {pipeline_mode = #tpu.pipeline_mode<synchronous>, transform_indices = @transform_2, window_bounds = array<i64: 1, 128>}, {pipeline_mode = #tpu.pipeline_mode<synchronous>, transform_indices = @transform_3, window_bounds = array<i64: 128, 8>}, {transform_indices = @transform_4, window_bounds = array<i64: 1024, 8>}]} {
    %get3A = arith.constant 0 : index
    %get3A_0 = arith.constant 0 : index
    %get3A_1 = vector.load %arg1[%get3A, %get3A_0] : memref<1024x256xf32, #tpu.memory_space<vmem>>, vector<1024x256xf32>
    %get3A_2 = arith.constant 0 : index
    %get3A_3 = arith.constant 0 : index
    %get3A_4 = vector.load %arg2[%get3A_2, %get3A_3] : memref<256x128xf32, #tpu.memory_space<vmem>>, vector<256x128xf32>
    %dot_general3A = arith.constant dense<0.000000e+00> : vector<1024x128xf32>
    %dot_general3A_5 = tpu.matmul %get3A_1, %get3A_4, %dot_general3A {dimension_numbers = #tpu.dot_dimension_numbers<[1], [0], [0], [1], [0, 0, 1, 1], [], []>, transpose_lhs_hint = false} : vector<1024x256xf32>, vector<256x128xf32>, vector<1024x128xf32> -> vector<1024x128xf32>
    %get3A_6 = arith.constant 0 : index
    %get3A_7 = arith.constant 0 : index
    %get3A_8 = vector.load %arg3[%get3A_6, %get3A_7] : memref<1x128xf32, #tpu.memory_space<vmem>>, vector<1x128xf32>
    %add3A = vector.broadcast %get3A_8 : vector<1x128xf32> to vector<1024x128xf32>
    %add3A_9 = arith.addf %dot_general3A_5, %add3A : vector<1024x128xf32>
    %gt3A = arith.constant 0.000000e+00 : f32
    %gt3A_10 = vector.broadcast %gt3A : f32 to vector<1024x128xf32>
    %gt3A_11 = arith.cmpf ogt, %add3A_9, %gt3A_10 : vector<1024x128xf32>
    %convert_element_type3A = arith.extui %gt3A_11 : vector<1024x128xi1> to vector<1024x128xi32>
    %convert_element_type3A_12 = arith.sitofp %convert_element_type3A : vector<1024x128xi32> to vector<1024x128xf32>
    %get3A_13 = arith.constant 0 : index
    %get3A_14 = arith.constant 0 : index
    %get3A_15 = vector.load %arg4[%get3A_13, %get3A_14] : memref<128x8xf32, #tpu.memory_space<vmem>>, vector<128x8xf32>
    %dot_general3A_16 = arith.constant dense<0.000000e+00> : vector<1024x8xf32>
    %dot_general3A_17 = tpu.matmul %convert_element_type3A_12, %get3A_15, %dot_general3A_16 {dimension_numbers = #tpu.dot_dimension_numbers<[1], [0], [0], [1], [0, 0, 1, 1], [], []>, transpose_lhs_hint = false} : vector<1024x128xf32>, vector<128x8xf32>, vector<1024x8xf32> -> vector<1024x8xf32>
    %convert_element_type3A_18 = arith.fptosi %dot_general3A_17 : vector<1024x8xf32> to vector<1024x8xi32>
    %swap3A = arith.constant 0 : index
    %swap3A_19 = arith.constant 0 : index
    %swap3A_20 = vector.load %arg5[%swap3A, %swap3A_19] : memref<1024x8xi32, #tpu.memory_space<vmem>>, vector<1024x8xi32>
    tpu.vector_store %arg5[%swap3A, %swap3A_19], %convert_element_type3A_18 {strides = array<i32>} : memref<1024x8xi32, #tpu.memory_space<vmem>>, vector<1024x8xi32>,
    return
  }
  func.func @transform_0(%arg0: i32) -> (i32, i32) {
    %c0_i32 = arith.constant 0 : i32
    %c0_i32_0 = arith.constant 0 : i32
    return %arg0, %c0_i32 : i32, i32
  }
  func.func @transform_1(%arg0: i32) -> (i32, i32) {
    %c0_i32 = arith.constant 0 : i32
    %c0_i32_0 = arith.constant 0 : i32
    %c0_i32_1 = arith.constant 0 : i32
    return %c0_i32, %c0_i32_0 : i32, i32
  }
  func.func @transform_2(%arg0: i32) -> (i32, i32) {
    %c0_i32 = arith.constant 0 : i32
    %c0_i32_0 = arith.constant 0 : i32
    %c0_i32_1 = arith.constant 0 : i32
    return %c0_i32, %c0_i32_0 : i32, i32
  }
  func.func @transform_3(%arg0: i32) -> (i32, i32) {
    %c0_i32 = arith.constant 0 : i32
    %c0_i32_0 = arith.constant 0 : i32
    %c0_i32_1 = arith.constant 0 : i32
    return %c0_i32, %c0_i32_0 : i32, i32
  }
  func.func @transform_4(%arg0: i32) -> (i32, i32) {
    %c0_i32 = arith.constant 0 : i32
    %c0_i32_0 = arith.constant 0 : i32
    return %arg0, %c0_i32 : i32, i32
  }
}

module attributes {stable_mosaic.version = 14 : i64} {
  func.func @_sims_body(%arg0: i32, %arg1: memref<1024x256xf32, #tpu.memory_space<vmem>>, %arg2: memref<1024x256xf32, #tpu.memory_space<vmem>>, %arg3: memref<1024x8x128xf32, #tpu.memory_space<vmem>>) attributes {dimension_semantics = [#tpu.dimension_semantics<arbitrary>], iteration_bounds = array<i64: 16>, scalar_prefetch = 0 : i64, scratch_operands = 0 : i64, tpu.core_type = #tpu.core_type<tc>, window_params = [{pipeline_mode = #tpu.pipeline_mode<synchronous>, transform_indices = @transform_0, window_bounds = array<i64: 1024, 256>}, {transform_indices = @transform_1, window_bounds = array<i64: 1024, 256>}, {transform_indices = @transform_2, window_bounds = array<i64: 1024, 8, 128>}]} {
    %get3A = arith.constant 0 : index
    %get3A_0 = arith.constant 0 : index
    %get3A_1 = vector.load %arg1[%get3A, %get3A_0] : memref<1024x256xf32, #tpu.memory_space<vmem>>, vector<1024x256xf32>
    %get3A_2 = arith.constant 0 : index
    %get3A_3 = arith.constant 0 : index
    %get3A_4 = vector.load %arg2[%get3A_2, %get3A_3] : memref<1024x256xf32, #tpu.memory_space<vmem>>, vector<128x256xf32>
    %dot_general3A = arith.constant dense<0.000000e+00> : vector<1024x128xf32>
    %dot_general3A_5 = tpu.matmul %get3A_1, %get3A_4, %dot_general3A {dimension_numbers = #tpu.dot_dimension_numbers<[1], [1], [0], [0], [0, 0, 1, 0], [], []>, transpose_lhs_hint = false} : vector<1024x256xf32>, vector<128x256xf32>, vector<1024x128xf32> -> vector<1024x128xf32>
    %swap3A = arith.constant 0 : index
    %swap3A_6 = arith.constant 0 : index
    %swap3A_7 = arith.constant 0 : index
    %swap3A_8 = vector.load %arg3[%swap3A, %swap3A_6, %swap3A_7] : memref<1024x8x128xf32, #tpu.memory_space<vmem>>, vector<1024x1x128xf32>
    %swap3A_9 = vector.shape_cast %swap3A_8 : vector<1024x1x128xf32> to vector<1024x128xf32>
    %swap3A_10 = vector.shape_cast %dot_general3A_5 : vector<1024x128xf32> to vector<1024x1x128xf32>
    tpu.vector_store %arg3[%swap3A, %swap3A_6, %swap3A_7], %swap3A_10 {strides = array<i32>} : memref<1024x8x128xf32, #tpu.memory_space<vmem>>, vector<1024x1x128xf32>,
    %get3A_11 = arith.constant 128 : index
    %get3A_12 = arith.constant 0 : index
    %get3A_13 = vector.load %arg2[%get3A_11, %get3A_12] : memref<1024x256xf32, #tpu.memory_space<vmem>>, vector<128x256xf32>
    %dot_general3A_14 = arith.constant dense<0.000000e+00> : vector<1024x128xf32>
    %dot_general3A_15 = tpu.matmul %get3A_1, %get3A_13, %dot_general3A_14 {dimension_numbers = #tpu.dot_dimension_numbers<[1], [1], [0], [0], [0, 0, 1, 0], [], []>, transpose_lhs_hint = false} : vector<1024x256xf32>, vector<128x256xf32>, vector<1024x128xf32> -> vector<1024x128xf32>
    %swap3A_16 = arith.constant 0 : index
    %swap3A_17 = arith.constant 1 : index
    %swap3A_18 = arith.constant 0 : index
    %swap3A_19 = vector.load %arg3[%swap3A_16, %swap3A_17, %swap3A_18] : memref<1024x8x128xf32, #tpu.memory_space<vmem>>, vector<1024x1x128xf32>
    %swap3A_20 = vector.shape_cast %swap3A_19 : vector<1024x1x128xf32> to vector<1024x128xf32>
    %swap3A_21 = vector.shape_cast %dot_general3A_15 : vector<1024x128xf32> to vector<1024x1x128xf32>
    tpu.vector_store %arg3[%swap3A_16, %swap3A_17, %swap3A_18], %swap3A_21 {strides = array<i32>} : memref<1024x8x128xf32, #tpu.memory_space<vmem>>, vector<1024x1x128xf32>,
    %get3A_22 = arith.constant 256 : index
    %get3A_23 = arith.constant 0 : index
    %get3A_24 = vector.load %arg2[%get3A_22, %get3A_23] : memref<1024x256xf32, #tpu.memory_space<vmem>>, vector<128x256xf32>
    %dot_general3A_25 = arith.constant dense<0.000000e+00> : vector<1024x128xf32>
    %dot_general3A_26 = tpu.matmul %get3A_1, %get3A_24, %dot_general3A_25 {dimension_numbers = #tpu.dot_dimension_numbers<[1], [1], [0], [0], [0, 0, 1, 0], [], []>, transpose_lhs_hint = false} : vector<1024x256xf32>, vector<128x256xf32>, vector<1024x128xf32> -> vector<1024x128xf32>
    %swap3A_27 = arith.constant 0 : index
    %swap3A_28 = arith.constant 2 : index
    %swap3A_29 = arith.constant 0 : index
    %swap3A_30 = vector.load %arg3[%swap3A_27, %swap3A_28, %swap3A_29] : memref<1024x8x128xf32, #tpu.memory_space<vmem>>, vector<1024x1x128xf32>
    %swap3A_31 = vector.shape_cast %swap3A_30 : vector<1024x1x128xf32> to vector<1024x128xf32>
    %swap3A_32 = vector.shape_cast %dot_general3A_26 : vector<1024x128xf32> to vector<1024x1x128xf32>
    tpu.vector_store %arg3[%swap3A_27, %swap3A_28, %swap3A_29], %swap3A_32 {strides = array<i32>} : memref<1024x8x128xf32, #tpu.memory_space<vmem>>, vector<1024x1x128xf32>,
    %get3A_33 = arith.constant 384 : index
    %get3A_34 = arith.constant 0 : index
    %get3A_35 = vector.load %arg2[%get3A_33, %get3A_34] : memref<1024x256xf32, #tpu.memory_space<vmem>>, vector<128x256xf32>
    %dot_general3A_36 = arith.constant dense<0.000000e+00> : vector<1024x128xf32>
    %dot_general3A_37 = tpu.matmul %get3A_1, %get3A_35, %dot_general3A_36 {dimension_numbers = #tpu.dot_dimension_numbers<[1], [1], [0], [0], [0, 0, 1, 0], [], []>, transpose_lhs_hint = false} : vector<1024x256xf32>, vector<128x256xf32>, vector<1024x128xf32> -> vector<1024x128xf32>
    %swap3A_38 = arith.constant 0 : index
    %swap3A_39 = arith.constant 3 : index
    %swap3A_40 = arith.constant 0 : index
    %swap3A_41 = vector.load %arg3[%swap3A_38, %swap3A_39, %swap3A_40] : memref<1024x8x128xf32, #tpu.memory_space<vmem>>, vector<1024x1x128xf32>
    %swap3A_42 = vector.shape_cast %swap3A_41 : vector<1024x1x128xf32> to vector<1024x128xf32>
    %swap3A_43 = vector.shape_cast %dot_general3A_37 : vector<1024x128xf32> to vector<1024x1x128xf32>
    tpu.vector_store %arg3[%swap3A_38, %swap3A_39, %swap3A_40], %swap3A_43 {strides = array<i32>} : memref<1024x8x128xf32, #tpu.memory_space<vmem>>, vector<1024x1x128xf32>,
    %get3A_44 = arith.constant 512 : index
    %get3A_45 = arith.constant 0 : index
    %get3A_46 = vector.load %arg2[%get3A_44, %get3A_45] : memref<1024x256xf32, #tpu.memory_space<vmem>>, vector<128x256xf32>
    %dot_general3A_47 = arith.constant dense<0.000000e+00> : vector<1024x128xf32>
    %dot_general3A_48 = tpu.matmul %get3A_1, %get3A_46, %dot_general3A_47 {dimension_numbers = #tpu.dot_dimension_numbers<[1], [1], [0], [0], [0, 0, 1, 0], [], []>, transpose_lhs_hint = false} : vector<1024x256xf32>, vector<128x256xf32>, vector<1024x128xf32> -> vector<1024x128xf32>
    %swap3A_49 = arith.constant 0 : index
    %swap3A_50 = arith.constant 4 : index
    %swap3A_51 = arith.constant 0 : index
    %swap3A_52 = vector.load %arg3[%swap3A_49, %swap3A_50, %swap3A_51] : memref<1024x8x128xf32, #tpu.memory_space<vmem>>, vector<1024x1x128xf32>
    %swap3A_53 = vector.shape_cast %swap3A_52 : vector<1024x1x128xf32> to vector<1024x128xf32>
    %swap3A_54 = vector.shape_cast %dot_general3A_48 : vector<1024x128xf32> to vector<1024x1x128xf32>
    tpu.vector_store %arg3[%swap3A_49, %swap3A_50, %swap3A_51], %swap3A_54 {strides = array<i32>} : memref<1024x8x128xf32, #tpu.memory_space<vmem>>, vector<1024x1x128xf32>,
    %get3A_55 = arith.constant 640 : index
    %get3A_56 = arith.constant 0 : index
    %get3A_57 = vector.load %arg2[%get3A_55, %get3A_56] : memref<1024x256xf32, #tpu.memory_space<vmem>>, vector<128x256xf32>
    %dot_general3A_58 = arith.constant dense<0.000000e+00> : vector<1024x128xf32>
    %dot_general3A_59 = tpu.matmul %get3A_1, %get3A_57, %dot_general3A_58 {dimension_numbers = #tpu.dot_dimension_numbers<[1], [1], [0], [0], [0, 0, 1, 0], [], []>, transpose_lhs_hint = false} : vector<1024x256xf32>, vector<128x256xf32>, vector<1024x128xf32> -> vector<1024x128xf32>
    %swap3A_60 = arith.constant 0 : index
    %swap3A_61 = arith.constant 5 : index
    %swap3A_62 = arith.constant 0 : index
    %swap3A_63 = vector.load %arg3[%swap3A_60, %swap3A_61, %swap3A_62] : memref<1024x8x128xf32, #tpu.memory_space<vmem>>, vector<1024x1x128xf32>
    %swap3A_64 = vector.shape_cast %swap3A_63 : vector<1024x1x128xf32> to vector<1024x128xf32>
    %swap3A_65 = vector.shape_cast %dot_general3A_59 : vector<1024x128xf32> to vector<1024x1x128xf32>
    tpu.vector_store %arg3[%swap3A_60, %swap3A_61, %swap3A_62], %swap3A_65 {strides = array<i32>} : memref<1024x8x128xf32, #tpu.memory_space<vmem>>, vector<1024x1x128xf32>,
    %get3A_66 = arith.constant 768 : index
    %get3A_67 = arith.constant 0 : index
    %get3A_68 = vector.load %arg2[%get3A_66, %get3A_67] : memref<1024x256xf32, #tpu.memory_space<vmem>>, vector<128x256xf32>
    %dot_general3A_69 = arith.constant dense<0.000000e+00> : vector<1024x128xf32>
    %dot_general3A_70 = tpu.matmul %get3A_1, %get3A_68, %dot_general3A_69 {dimension_numbers = #tpu.dot_dimension_numbers<[1], [1], [0], [0], [0, 0, 1, 0], [], []>, transpose_lhs_hint = false} : vector<1024x256xf32>, vector<128x256xf32>, vector<1024x128xf32> -> vector<1024x128xf32>
    %swap3A_71 = arith.constant 0 : index
    %swap3A_72 = arith.constant 6 : index
    %swap3A_73 = arith.constant 0 : index
    %swap3A_74 = vector.load %arg3[%swap3A_71, %swap3A_72, %swap3A_73] : memref<1024x8x128xf32, #tpu.memory_space<vmem>>, vector<1024x1x128xf32>
    %swap3A_75 = vector.shape_cast %swap3A_74 : vector<1024x1x128xf32> to vector<1024x128xf32>
    %swap3A_76 = vector.shape_cast %dot_general3A_70 : vector<1024x128xf32> to vector<1024x1x128xf32>
    tpu.vector_store %arg3[%swap3A_71, %swap3A_72, %swap3A_73], %swap3A_76 {strides = array<i32>} : memref<1024x8x128xf32, #tpu.memory_space<vmem>>, vector<1024x1x128xf32>,
    %get3A_77 = arith.constant 896 : index
    %get3A_78 = arith.constant 0 : index
    %get3A_79 = vector.load %arg2[%get3A_77, %get3A_78] : memref<1024x256xf32, #tpu.memory_space<vmem>>, vector<128x256xf32>
    %dot_general3A_80 = arith.constant dense<0.000000e+00> : vector<1024x128xf32>
    %dot_general3A_81 = tpu.matmul %get3A_1, %get3A_79, %dot_general3A_80 {dimension_numbers = #tpu.dot_dimension_numbers<[1], [1], [0], [0], [0, 0, 1, 0], [], []>, transpose_lhs_hint = false} : vector<1024x256xf32>, vector<128x256xf32>, vector<1024x128xf32> -> vector<1024x128xf32>
    %swap3A_82 = arith.constant 0 : index
    %swap3A_83 = arith.constant 7 : index
    %swap3A_84 = arith.constant 0 : index
    %swap3A_85 = vector.load %arg3[%swap3A_82, %swap3A_83, %swap3A_84] : memref<1024x8x128xf32, #tpu.memory_space<vmem>>, vector<1024x1x128xf32>
    %swap3A_86 = vector.shape_cast %swap3A_85 : vector<1024x1x128xf32> to vector<1024x128xf32>
    %swap3A_87 = vector.shape_cast %dot_general3A_81 : vector<1024x128xf32> to vector<1024x1x128xf32>
    tpu.vector_store %arg3[%swap3A_82, %swap3A_83, %swap3A_84], %swap3A_87 {strides = array<i32>} : memref<1024x8x128xf32, #tpu.memory_space<vmem>>, vector<1024x1x128xf32>,
    return
  }
  func.func @transform_0(%arg0: i32) -> (i32, i32) {
    %c0_i32 = arith.constant 0 : i32
    %c0_i32_0 = arith.constant 0 : i32
    %c0_i32_1 = arith.constant 0 : i32
    return %c0_i32, %c0_i32_0 : i32, i32
  }
  func.func @transform_1(%arg0: i32) -> (i32, i32) {
    %c0_i32 = arith.constant 0 : i32
    %c0_i32_0 = arith.constant 0 : i32
    return %arg0, %c0_i32 : i32, i32
  }
  func.func @transform_2(%arg0: i32) -> (i32, i32, i32) {
    %c0_i32 = arith.constant 0 : i32
    %c0_i32_0 = arith.constant 0 : i32
    %c0_i32_1 = arith.constant 0 : i32
    return %c0_i32, %arg0, %c0_i32_0 : i32, i32, i32
  }
}

</mosaic_0001>

<sc_bundles>
// kernel: kernel.6.cloned.1.call-start
scs
__scs_entry_jumppad:
0x0: {  	(pc) =	sbr.rel $0x88, $3  }
0x1: {  	(tag) =	ssettag $0x0;
	lr =	simm.s32 $0x1  }
0x2: {  	[smem:$0x3F9D] =	sst lr;
	_ =	strace $0xD0000000  }
0x3: {  	_ = 	snop  }
0x4: {  	_ = 	snop  }
0x5: {  	_ = 	snop  }
0x6: {  	_ = 	snop  }
0x7: {  	_ = 	snop  }
__scs_overlays_trampoline_lowered:
0x8: {  	[smem:$0x3FAC] =	sst s0  }
0x9: {  	[smem:$0x3FAD] =	sst s1  }
0xa: {  	[smem:$0x3FAE] =	sst s2  }
0xb: {  	[smem:$0x3FAF] =	sst s3  }
0xc: {  	[smem:$0x3FB0] =	sst s4  }
0xd: {  	[smem:$0x3FB1] =	sst s5  }
0xe: {  	[smem:$0x3FB2] =	sst s6  }
0xf: {  	[smem:$0x3FB3] =	sst s7  }
0x10: {  	[smem:$0x3FB4] =	sst s8  }
0x11: {  	[smem:$0x3FB5] =	sst s9;
	s0 =	simm.s32 @!p0 $0x0  }
0x12: {  	s1 =	sld [smem:$0x3F9B];
	s0 =	simm.s32 @p0 $0x1  }
0x13: {  	[smem:$0x3FB6] =	sst s0;
	s0 =	simm.s32 @!p1 $0x0  }
0x14: {  	s2 =	sld [smem:$0x3F9A];
	s0 =	simm.s32 @p1 $0x1  }
0x15: {  	[smem:$0x3FB7] =	sst s0;
	s0 =	simm.s32 @!p2 $0x0  }
0x16: {  	s3 =	sld [smem:$0x3FDB];
	s0 =	simm.s32 @p2 $0x1  }
0x17: {  	s4 =	simm.s32 $0x1BF5;
	[smem:$0x3FB9] =	sst s0  }
0x18: {  	s0 =	sld [smem:$0x3F9C];
	_ =	swait.ge [sflag:s4], $0x0  }
0x19: {  	s7 =	sld [smem:$0x3F9D]  }
0x1a: {  	s8 =	sadd.s32 $0xFFFFE003, lr  }
0x1b: {  	s9 =	sadd.s32 $0xFFFFFEF7, lr;
	s5 =	simm.s32 $0xFFFFFFFF;
	p2 =	slt.u32 s8, $0xFFFFF086  }
0x1c: {  	p1 =	slt.u32 s9, $0xF7A;
	s5 =	simm.s32 @!p2 $0x0  }
0x1d: {  	s5 =	simm.s32 @p1 $0x1;
	p0 =	seq.s32 s7, s2  }
0x1e: {  	s7 =	smul.u32 @!p0 $0xF7A, s2;
	p2 =	seq.s32 @!p0 s5, $0x0  }
0x1f: {  	s9 =	smul.u32 $0xF7A, s1;
	s8 =	simm.s32 @!p0 $0x1BF5;
	p2 =	por !p2, p0  }
0x20: {  	[sflag:s8] =	ssyncset.s32 @!p0 $0xFFFFF086;
	s6 =	sadd.s32 @!p0 s3, s7;
	s7 =	simm.s32 @!p0 $0x108  }
0x21: {  	s3 =	sadd.s32 s3, s9;
	s6 =	sadd.s32 @!p0 $0x88, s6;
	s7 =	simm.s32 @p2 $0x1082  }
0x22: {  	[simem:s7], [sflag:s8] =	dma.local @!p0 [hbm:s6], $0xF7A  }
0x23: {  	s9 =	sor.u32 $0xD0000000, s2;
	s6 =	simm.s32 $0x108;
	_ =	swait.ge @!p0 [sflag:s8], $0x0  }
0x24: {  	s3 =	sadd.s32 $0x88, s3;
	s6 =	simm.s32 @!p1 $0x1082;
	[sflag:s4] =	ssyncset.s32 $0xFFFFF086  }
0x25: {  	[simem:s6], [sflag:s4] =	dma.local [hbm:s3], $0xF7A  }
0x26: {  	[smem:$0x3F9D] =	sst s1;
	(tag) =	ssettag s2;
	_ =	strace s9  }
0x27: {  	s1 =	sld [smem:$0x3FAD]  }
0x28: {  	s2 =	sld [smem:$0x3FAE]  }
0x29: {  	s4 =	sld [smem:$0x3FB0]  }
0x2a: {  	p0 =	seq.s32 s5, $0x0;
	s5 =	sld [smem:$0x3FB1]  }
0x2b: {  	s6 =	sld [smem:$0x3FB2]  }
0x2c: {  	s7 =	sld [smem:$0x3FB3]  }
0x2d: {  	s3 =	simm.s32 $0x108;
	s8 =	sld [smem:$0x3FB4]  }
0x2e: {  	s3 =	simm.s32 @!p0 $0x1082;
	s9 =	sld [smem:$0x3FB5]  }
0x2f: {  	lr =	sadd.s32 s0, s3;
	s0 =	sld [smem:$0x3FAC]  }
0x30: {  	s3 =	sld [smem:$0x3FAF]  }
0x31: {  	[smem:$0x3FB8] =	sst s10  }
0x32: {  	s10 =	sld [smem:$0x3FB6];
	_ =	sdelay $0x3  }
0x33: {  	p0 =	seq.s32 s10, $0x1;
	s10 =	sld [smem:$0x3FB8];
	_ =	sdelay $0x3  }
0x34: {  	[smem:$0x3FB8] =	sst s10  }
0x35: {  	s10 =	sld [smem:$0x3FB7];
	_ =	sdelay $0x3  }
0x36: {  	p1 =	seq.s32 s10, $0x1;
	s10 =	sld [smem:$0x3FB8];
	_ =	sdelay $0x3  }
0x37: {  	[smem:$0x3FB8] =	sst s10  }
0x38: {  	s10 =	sld [smem:$0x3FB9]  }
0x39: {  	_ = 	snop;
	(pc) =	sbr.ind lr, $3  }
0x3a: {  	_ = 	snop  }
0x3b: {  	_ = 	snop  }
0x3c: {  	p2 =	seq.s32 s10, $0x1;
	s10 =	sld [smem:$0x3FB8]  }
0x3d: {  	_ =	shalt  }
0x3e: {  	_ =	shalt  }
0x3f: {  	_ =	shalt  }
0x40: {  	_ =	shalt  }
0x41: {  	_ =	shalt  }
0x42: {  	_ =	shalt  }
0x43: {  	_ =	shalt  }
0x44: {  	_ =	shalt  }
0x45: {  	_ =	shalt  }
0x46: {  	_ =	shalt  }
0x47: {  	_ =	shalt  }
0x48: {  	_ =	shalt  }
0x49: {  	_ =	shalt  }
0x4a: {  	_ =	shalt  }
0x4b: {  	_ =	shalt  }
0x4c: {  	_ =	shalt  }
0x4d: {  	_ =	shalt  }
0x4e: {  	_ =	shalt  }
0x4f: {  	_ =	shalt  }
0x50: {  	_ =	shalt  }
0x51: {  	_ =	shalt  }
0x52: {  	_ =	shalt  }
0x53: {  	_ =	shalt  }
0x54: {  	_ =	shalt  }
0x55: {  	_ =	shalt  }
0x56: {  	_ =	shalt  }
0x57: {  	_ =	shalt  }
0x58: {  	_ =	shalt  }
0x59: {  	_ =	shalt  }
0x5a: {  	_ =	shalt  }
0x5b: {  	_ =	shalt  }
0x5c: {  	_ =	shalt  }
0x5d: {  	_ =	shalt  }
0x5e: {  	_ =	shalt  }
0x5f: {  	_ =	shalt  }
0x60: {  	_ =	shalt  }
0x61: {  	_ =	shalt  }
0x62: {  	_ =	shalt  }
0x63: {  	_ =	shalt  }
0x64: {  	_ =	shalt  }
0x65: {  	_ =	shalt  }
0x66: {  	_ =	shalt  }
0x67: {  	_ =	shalt  }
0x68: {  	_ =	shalt  }
0x69: {  	_ =	shalt  }
0x6a: {  	_ =	shalt  }
0x6b: {  	_ =	shalt  }
0x6c: {  	_ =	shalt  }
0x6d: {  	_ =	shalt  }
0x6e: {  	_ =	shalt  }
0x6f: {  	_ =	shalt  }
0x70: {  	_ =	shalt  }
0x71: {  	_ =	shalt  }
0x72: {  	_ =	shalt  }
0x73: {  	_ =	shalt  }
0x74: {  	_ =	shalt  }
0x75: {  	_ =	shalt  }
0x76: {  	_ =	shalt  }
0x77: {  	_ =	shalt  }
0x78: {  	_ =	shalt  }
0x79: {  	_ =	shalt  }
0x7a: {  	_ =	shalt  }
0x7b: {  	_ =	shalt  }
0x7c: {  	_ =	shalt  }
0x7d: {  	_ =	shalt  }
0x7e: {  	_ =	shalt  }
0x7f: {  	_ =	shalt  }
0x80: {  	_ =	shalt  }
0x81: {  	_ =	shalt  }
0x82: {  	_ =	shalt  }
0x83: {  	_ =	shalt  }
0x84: {  	_ =	shalt  }
0x85: {  	_ =	shalt  }
0x86: {  	_ =	shalt  }
0x87: {  	_ =	shalt  }
.Lfunc_end0:
.L_simem_size_0:
called_computation_lowered:
.L_overlay_start_0:
0x88: {  	s2 =	sld [smem:$0x3FD9]  }
0x89: {  	s3 =	sld [smem:$0x3FFE];
	_ =	sdelay $0x1  }
0x8a: {  	s1 =	srdreg.scid  }
0x8b: {  	s0 =	sand.u32 $0x1, s1  }
0x8c: {  	s14 =	sshll.u32 s0, $0xA;
	s2 =	sadd.s32 s3, s2  }
0x8d: {  	s2 =	sadd.s32 s2, s14  }
0x8e: {  	[smem:$0x3FC4] =	sst s2  }
0x8f: {  	_ = 	snop  }
0x90: {  	s2 =	sld [smem:$0x3FD0];
	_ =	sdelay $0x2  }
0x91: {  	s15 =	simm.s32 $0xA;
	s4 =	simm.s32 $0x10  }
0x92: {  	[smem:s4], [sflag:s15] =	dma.local [hbm:s2], $0x1  }
0x93: {  	_ =	swait.eq [sflag:s15], $0x1  }
0x94: {  	[sflag:s15] =	ssyncset.done $0x0  }
0x95: {  	s16 =	sld [smem:$0x10];
	[sflag:s15] =	ssyncadd.s32 $0xFFFFFFFF  }
0x96: {  	s17 =	sld [smem:$0x11];
	(tm) =	ssettm $0x1  }
0x97: {  	s18 =	sld [smem:$0x3FFB];
	_ =	sdelay $0x3  }
0x98: {  	_ =	strace s18  }
0x99: {  	s4 =	sld [smem:$0x3FFC];
	_ =	sdelay $0x3  }
0x9a: {  	_ =	strace s4  }
0x9b: {  	s4 =	sld [smem:$0x3FFD];
	_ =	sdelay $0x3  }
0x9c: {  	_ =	strace s4  }
0x9d: {  	_ =	strace $0x8FFFFFFF  }
0x9e: {  	s19 =	sld [smem:$0x3FDB];
	_ =	sdelay $0x1  }
0x9f: {  	s5 =	simm.s32 $_scs_section_size  }
0xa0: {  	s6 =	simm.s32 $_size__tile_overlayer_lowered;
	s7 =	simm.s32 $_tile_overlayer_lowered  }
0xa1: {  	s22 =	simm.s32 $0x1BFF;
	s21 =	sshll.u32 s7, $0x1;
	s4 =	sadd.s32 s5, s19  }
0xa2: {  	s8 =	simm.s32 $0x0;
	s20 =	sshll.u32 s6, $0x1;
	s6 =	sadd.s32 s21, s4  }
0xa3: {  	[timem:s8], [sflag:s22] =	dma.local [hbm:s6], s20  }
0xa4: {  	_ =	swait.ge [sflag:s22], s20  }
0xa5: {  	s5 =	ssub.s32 $0x0, s20;
	[sflag:s22] =	ssyncset.done $0x0  }
0xa6: {  	[sflag:s22] =	ssyncadd.s32 s5;
	_ =	sdelay $0x1  }
0xa7: {  	s23 =	simm.s32 $0x1B8B  }
0xa8: {  	_ =	swait.ge [sflag:s23], $0x1  }
0xa9: {  	[sflag:s23] =	ssyncset.done $0x0  }
0xaa: {  	s25 =	simm.s32 $0x1B8E;
	s24 =	sld [smem:$0x3FFE];
	[sflag:s23] =	ssyncadd.s32 $0xFFFFFFFF  }
0xab: {  	s26 =	simm.s32 $execute0_lowered;
	[smem:$0x3FD2] =	sst s25  }
0xac: {  	s6 =	sshll.u32 s26, $0x1;
	_ =	strace $0x80000046;
	[dreg:$0x1] =	wrdreg $0xFFFFFFFF  }
0xad: {  	s28 =	simm.s32 $_size_execute0_lowered;
	s4 =	sadd.s32 s4, s6;
	[dreg:$0x0] =	wrdreg $0x0  }
0xae: {  	s6 =	sshll.u32 s28, $0x1;
	[dreg:$0x2] =	wrdreg s4  }
0xaf: {  	[dreg:$0x3] =	wrdreg s6  }
0xb0: {  	[dreg:$0x4] =	wrdreg $0xC0  }
0xb1: {  	_ =	task [dreg:s8], $0x5FFFF  }
0xb2: {  	[dreg:$0x1] =	wrdreg $0xFFFFFFFF  }
0xb3: {  	[dreg:$0x0] =	wrdreg $0x60  }
0xb4: {  	[dreg:$0x2] =	wrdreg s16  }
0xb5: {  	[dreg:$0x3] =	wrdreg s24  }
0xb6: {  	[dreg:$0x4] =	wrdreg s17  }
0xb7: {  	[dreg:$0x5] =	wrdreg $0x9  }
0xb8: {  	_ =	task.clear_ibuf [dreg:s8], $0x6FFFF;
	_ =	strace $0x90000046  }
0xb9: {  	s29 =	simm.s32 $0x9;
	_ =	strace $0x80000048  }
0xba: {  	_ =	swait.ge [sflag:s29], $0x1  }
0xbb: {  	[sflag:s29] =	ssyncadd.s32 $0xFFFFFFFF  }
0xbc: {  	_ =	strace $0x90000048  }
0xbd: {  	_ =	sfence  }
0xbe: {  	s30 =	sld [smem:$0x0];
	_ =	sdelay $0x2  }
0xbf: {  	s31 =	sshll.u32 s1, $0xD;
	s1 =	sshrl.u32 s1, $0x2  }
0xc0: {  	s3 =	sand.u32 $0x4000, s31;
	s1 =	sadd.s32 s1, s30  }
0xc1: {  	s0 =	sor.u32 s3, s0;
	s1 =	sshll.u32 s1, $0x11  }
0xc2: {  	s0 =	sor.u32 s1, s0  }
0xc3: {  	s0 =	sadd.s32 $0x8F2B, s0  }
0xc4: {  	[sflag:s0] =	ssyncadd.remote.s32 $0x1  }
0xc5: {  	_ =	sfence.sel $0xFFFF  }
0xc6: {  	[dreg:$0x0] =	wrdreg $0xFFFFFFFF;
	(pc) =	sbr.abs _section_cstart, $3  }
0xc7: {  	[dreg:$0x1] =	wrdreg $0xFFFFFFFF  }
0xc8: {  	_ =	task.clear_ibuf [dreg:s8], $0x2FFFF;
	_ =	strace $0x9FFFFFFF  }
0xc9: {  	(tm) =	ssettm $0x7FFFFFFF  }
tec
execute0_lowered:
.L_overlay_start_1:
0x0: {  	(tag) =	ssettag $0x1  }
0x1: {  	s4 =	rddreg [dreg:$0x0]  }
0x2: {  	s5 =	rddreg [dreg:$0x1]  }
0x3: {  	s1 =	srdreg.scid;
	s0 =	stileid.u32  }
0x4: {  	s6 =	rddreg [dreg:$0x2];
	s12 =	simm.s32 $0x0;
	s7 =	sand.u32 $0x1, s1  }
0x5: {  	s2 =	sshll.u32 s0, $0x1;
	s1 =	rddreg [dreg:$0x3];
	s9 =	sshrl.u32 s0, $0x1  }
0x6: {  	s8 =	sor.u32 s7, s2;
	s2 =	simm.s32 $0x0;
	s10 =	sshll.u32 s9, $0xE  }
0x7: {  	s7 =	ssub.s32 $0x2, s7;
	s9 =	sshll.u32 s9, $0x7;
	s3 =	sshll.u32 s8, $0xC  }
0x8: {  	[smem:$0x7FF] =	sst s2;
	s11 =	sshrl.u32 s7, $0x1;
	s8 =	smul.u32 $0x22, s8  }
.Ltmp0:
0x9: {  	s4 =	sadd.s32 s4, s9;
	s3 =	sand.u32 $0x3000, s3;
	(pc) =	sbr.rel .LBB2_1-.Ltmp0, $4  }
0xa: {  	s9 =	simm.s32 $0x1;
	_ =	strace $0x80000047;
	s10 =	sor.u32 s10, s3  }
0xb: {  	s7 =	ssub.s32 s7, s11;
	s11 =	simm.s32 $0x12A80;
	s10 =	sshrl.u32 s10, $0x3  }
0xc: {  	s6 =	sadd.s32 s6, s8;
	s7 =	smax.u32 s7, $0x1;
	s5 =	sadd.s32 s10, s5  }
0xd: {  	v0 =	vimm.s32 $0xFFFFFFFF;
	vm0 =	vmmov $0x1;
	v1 =	vlaneseq.u32;
	s8 =	simm.s32 $0x10500;
	s10 =	simm.s32 $0x10980;
	s5 =	sadd.s32 $0x2400, s5  }
.LBB2_16:
0xe: {  	s12 =	sadd.s32 $0x1, s12  }
0xf: {  	p0 =	sne.s32 s12, s7  }
.Ltmp1:
0x10: {  	_ = 	snop;
	(pc) =	sbr.rel @!p0 .LBB2_17-.Ltmp1, $4  }
0x11: {  	[hbm4b:s6+s2] =	stream.linear.scatter [tilespmem:s11], [sflag:$0x1], $0x110, $0x38;
	[tilespmem:$0x12C00] =	vst v63  }
0x12: {  	_ =	swait.ge [sflag:s9], $0x110  }
0x13: {  	[sflag:s9] =	ssyncset.done $0x0  }
0x14: {  	[sflag:s9] =	ssyncadd.s32 $0xFFFFFEF0  }
.LBB2_1:
0x15: {  	[tilespmem:s8], [sflag:$0x1] =	stream.linear.gather [hbm4b:s4+s2], $0x400, $0x38;
	[tilespmem:$0x12C00] =	vst v63  }
0x16: {  	_ =	swait.ge [sflag:s9], $0x400  }
0x17: {  	[sflag:s9] =	ssyncset.done $0x0  }
0x18: {  	[sflag:s9] =	ssyncadd.s32 $0xFFFFFC00  }
0x19: {  	[tilespmem:s10], [sflag:$0x1] =	stream.linear.gather [hbm4b:s5+s2], $0x1000, $0x38;
	[tilespmem:$0x12C00] =	vst v63  }
0x1a: {  	_ =	swait.ge [sflag:s9], $0x1000  }
0x1b: {  	[sflag:s9] =	ssyncset.done $0x0  }
0x1c: {  	s13 =	simm.s32 $0x40;
	[sflag:s9] =	ssyncadd.s32 $0xFFFFF000  }
0x1d: {  	[tilespmem:s13+$0xFFFFFFC0] =	vst v0  }
0x1e: {  	[tilespmem:s13+$0x30] =	vst v0  }
0x1f: {  	[tilespmem:s13+$0x20] =	vst v0  }
0x20: {  	[tilespmem:s13+$0x10] =	vst v0  }
0x21: {  	[tilespmem:s13+$0x0] =	vst v0  }
0x22: {  	[tilespmem:s13+$0xFFFFFFF0] =	vst v0  }
0x23: {  	s14 =	simm.s32 $0x0;
	[tilespmem:s13+$0xFFFFFFE0] =	vst v0  }
.LBB2_2:
0x24: {  	s14 =	sadd.s32 $0x8, s14;
	[tilespmem:s13+$0xFFFFFFD0] =	vst v0;
	s13 =	sadd.s32 $0x80, s13  }
0x25: {  	[tilespmem:s13+$0xFFFFFFC0] =	vst v0;
	p0 =	slt.u32 s14, $0xFF8  }
0x26: {  	[tilespmem:s13+$0x30] =	vst v0  }
.Ltmp2:
0x27: {  	[tilespmem:s13+$0x20] =	vst v0;
	(pc) =	sbr.rel @p0 .LBB2_2-.Ltmp2, $4  }
0x28: {  	[tilespmem:s13+$0x10] =	vst v0  }
0x29: {  	[tilespmem:s13+$0x0] =	vst v0  }
0x2a: {  	[tilespmem:s13+$0xFFFFFFF0] =	vst v0  }
0x2b: {  	[tilespmem:s13+$0xFFFFFFE0] =	vst v0  }
0x2c: {  	[tilespmem:s13+$0xFFFFFFD0] =	vst v0  }
0x2d: {  	[tilespmem:$0x12A80] =	vst v0  }
0x2e: {  	[tilespmem:$0x12A90] =	vst v0  }
0x2f: {  	[tilespmem:$0x12AA0] =	vst v0  }
0x30: {  	[tilespmem:$0x12AB0] =	vst v0  }
0x31: {  	[tilespmem:$0x12AC0] =	vst v0  }
0x32: {  	[tilespmem:$0x12AD0] =	vst v0  }
0x33: {  	[tilespmem:$0x12AE0] =	vst v0  }
0x34: {  	[tilespmem:$0x12AF0] =	vst v0  }
0x35: {  	[tilespmem:$0x12B00] =	vst v0  }
0x36: {  	[tilespmem:$0x12B10] =	vst v0  }
0x37: {  	[tilespmem:$0x12B20] =	vst v0  }
0x38: {  	[tilespmem:$0x12B30] =	vst v0  }
0x39: {  	p1 =	por $0x0, $0x0;
	[tilespmem:$0x12B40] =	vst v0  }
.Ltmp3:
0x3a: {  	[tilespmem:$0x12B50] =	vst v0;
	(pc) =	sbr.rel @p1 .LBB2_4-.Ltmp3, $4  }
0x3b: {  	[tilespmem:$0x12B60] =	vst v0  }
0x3c: {  	[tilespmem:$0x12B70] =	vst v0  }
0x3d: {  	s13 =	simm.s32 $0x0;
	s15 =	simm.s32 $0x10500;
	[tilespmem:$0x12B80] =	vst v0  }
0x3e: {  	s14 =	simm.s32 $0x10080;
	p0 =	por $0x0, $0x0;
	v2 =	vld [tilespmem:s15+$0x0];
	s15 =	simm.s32 $0x1  }
0x3f: {  	_ =	sdelay $0x3  }
0x40: {  	(v2sf) =	vpush v2, $0x0;
	_ =	sdelay $0xe  }
0x41: {  	v2 =	vld [tilespmem:s14+$0x0];
	s16 =	spop (v2sf)  }
0x42: {  	v3 =	vld [tilespmem:s16+$0x0];
	_ =	sdelay $0x4  }
0x43: {  	v2 =	vsel vm0, v3, v2  }
0x44: {  	[tilespmem:s14+$0x0] =	vst v2  }
0x45: {  	v2 =	vld [tilespmem:s16+$0x0];
	_ =	sdelay $0x1  }
0x46: {  	p1 =	por $0x0, $0x0  }
.Ltmp4:
0x47: {  	_ = 	snop;
	(pc) =	sbr.rel @p1 .LBB2_6-.Ltmp4, $4  }
0x48: {  	vm1 =	veq.s32 v1, $0x0  }
0x49: {  	v2 =	vsel vm1, s13, v2  }
0x4a: {  	s17 =	simm.s32 $0x10501;
	[tilespmem:s16+$0x0] =	vst v2  }
0x4b: {  	s18 =	simm.s32 $0x2;
	p0 =	por $0x1, $0x1;
	s16 =	simm.s32 $0x10080;
	v2 =	vld [tilespmem:s17+$0x0]  }
.LBB2_7:
0x4c: {  	p1 =	seq.s32 s18, $0x3FF;
	_ =	sdelay $0x3  }
0x4d: {  	(v2sf) =	vpush v2, $0x0;
	_ =	sdelay $0xd  }
0x4e: {  	s16 =	sadd.s32 $0x1, s16  }
0x4f: {  	v2 =	vld [tilespmem:s16+$0x0];
	s19 =	spop (v2sf)  }
0x50: {  	v3 =	vld [tilespmem:s19+$0x0];
	_ =	sdelay $0x4  }
0x51: {  	v2 =	vsel vm0, v3, v2  }
0x52: {  	[tilespmem:s16+$0x0] =	vst v2  }
0x53: {  	v2 =	vld [tilespmem:s19+$0x0];
	_ =	sdelay $0x2  }
.Ltmp5:
0x54: {  	(pc) =	sbr.rel @!p1 .LBB2_7-.Ltmp5, $4  }
0x55: {  	_ = 	snop  }
0x56: {  	v2 =	vsel vm1, s15, v2;
	s15 =	smov.u32 s18  }
0x57: {  	s17 =	sadd.s32 $0x1, s17;
	[tilespmem:s19+$0x0] =	vst v2  }
0x58: {  	s18 =	sadd.s32 $0x1, s18;
	v2 =	vld [tilespmem:s17+$0x0]  }
.LBB2_8:
0x59: {  	_ =	sdelay $0x3  }
0x5a: {  	(v2sf) =	vpush v2, $0x0;
	_ =	sdelay $0xc  }
0x5b: {  	s16 =	sadd.s32 @p0 $0x1, s16  }
0x5c: {  	s14 =	smov.u32 @p0 s16  }
0x5d: {  	v2 =	vld [tilespmem:s14+$0x0];
	s30 =	spop (v2sf)  }
0x5e: {  	v3 =	vld [tilespmem:s30+$0x0];
	_ =	sdelay $0x4  }
0x5f: {  	v2 =	vsel vm0, v3, v2  }
0x60: {  	[tilespmem:s14+$0x0] =	vst v2  }
0x61: {  	v2 =	vld [tilespmem:s30+$0x0];
	_ =	sdelay $0x3  }
0x62: {  	vm1 =	veq.s32 v1, $0x0  }
0x63: {  	v2 =	vsel vm1, s15, v2  }
0x64: {  	s15 =	simm.s32 $0x10980;
	[tilespmem:s30+$0x0] =	vst v2  }
0x65: {  	v2 =	vld [tilespmem:s15+$0x0];
	_ =	sdelay $0x7  }
0x66: {  	v2 =	vld.idx.msk [tilespmem:v2+s2+$0x0], $0xffff;
	_ =	sdelay $0x4  }
0x67: {  	vm1 =	vgt.s32 v2, $0xFFFFFFFF  }
0x68: {  	v3 =	vmpcnt.ones.xlane vm1;
	_ =	sdelay $0x1  }
0x69: {  	(v2sf) =	vpush v3, $0x0;
	_ =	sdelay $0xe  }
0x6a: {  	s31 =	spop (v2sf)  }
0x6b: {  	p1 =	slt.s32 s31, $0x1  }
0x6c: {  	v3 =	vlaneseq.u32 @!p1  }
0x6d: {  	vm1 =	vgt.s32 @!p1 v2, $0xFFFFFFFF;
	v2 =	vor.u32 @!p1 s13, v3;
	v3 =	vor.u32 @!p1 $0x80000000, v3  }
0x6e: {  	(xrf1) =	vsort.ascd.msk.u32 @!p1 vm1, v3, v2;
	_ =	sdelay $0xd  }
0x6f: {  	s16 =	simm.s32 $0x10;
	s14 =	sadd.s32 $0x0, s31;
	_, v2, _ =	vpop @!p1 (xrf1)  }
.LBB2_9:
0x70: {  	[tilespmem:s13+$0x11A00] =	vst @!p1 v2;
	s15 =	sadd.s32 $0x10, s15;
	s17 =	smov.u32 s16;
	s16 =	sadd.s32 $0x10, s16  }
0x71: {  	s13 =	smov.u32 s14;
	v2 =	vld [tilespmem:s15+$0x0];
	p0 =	seq.s32 s16, $0x1000;
	_ =	sdelay $0x7  }
0x72: {  	v2 =	vld.idx.msk [tilespmem:v2+s2+$0x0], $0xffff;
	_ =	sdelay $0x5  }
0x73: {  	vm1 =	vgt.s32 v2, $0xFFFFFFFF  }
0x74: {  	v3 =	vmpcnt.ones.xlane vm1;
	_ =	sdelay $0x1  }
0x75: {  	(v2sf) =	vpush v3, $0x0;
	_ =	sdelay $0xe  }
0x76: {  	s18 =	spop (v2sf)  }
0x77: {  	p1 =	slt.s32 s18, $0x1;
	s14 =	sadd.s32 s14, s18  }
0x78: {  	vm1 =	vgt.s32 @!p1 v2, $0xFFFFFFFF;
	v2 =	vlaneseq.u32 @!p1  }
0x79: {  	v3 =	vor.u32 @!p1 s17, v2;
	v2 =	vor.u32 @!p1 $0x80000000, v2  }
0x7a: {  	(xrf1) =	vsort.ascd.msk.u32 @!p1 vm1, v2, v3;
	_ =	sdelay $0x9  }
.Ltmp6:
0x7b: {  	(pc) =	sbr.rel @!p0 .LBB2_9-.Ltmp6, $2  }
0x7c: {  	_ =	sdelay $0x2  }
0x7d: {  	_, v2, _ =	vpop @!p1 (xrf1)  }
0x7e: {  	p0 =	sgt.s32 s14, $0x0  }
.Ltmp7:
0x7f: {  	_ = 	snop;
	(pc) =	sbr.rel @p0 .LBB2_11-.Ltmp7, $4  }
.Ltmp8:
0x80: {  	_ = 	snop;
	(pc) =	sbr.rel @!p0 .LBB2_16-.Ltmp8, $4  }
0x81: {  	_ = 	snop  }
0x82: {  	_ = 	snop  }
0x83: {  	[tilespmem:s13+$0x11A00] =	vst @!p1 v2;
	s15 =	simm.s32 $0x0;
	s13 =	simm.s32 $0x0  }
0x84: {  	_ = 	snop  }
.LBB2_12:
0x85: {  	s17 =	smov.u32 s15  }
.LBB2_15:
0x86: {  	s13 =	sadd.s32 $0x1, s13  }
0x87: {  	p0 =	sne.s32 s13, s14  }
.Ltmp9:
0x88: {  	_ = 	snop;
	(pc) =	sbr.rel @!p0 .LBB2_16-.Ltmp9, $2  }
0x89: {  	_ =	sdelay $0x2  }
0x8a: {  	s15 =	smov.u32 s17  }
.LBB2_11:
0x8b: {  	v2 =	vld [tilespmem:s13+$0x11A00];
	_ =	sdelay $0x4  }
0x8c: {  	(v2sf) =	vpush v2, $0x0;
	_ =	sdelay $0xe  }
0x8d: {  	s17 =	spop (v2sf)  }
0x8e: {  	v2 =	vld [tilespmem:s17+$0x10980];
	_ =	sdelay $0x4  }
0x8f: {  	(v2sf) =	vpush v2, $0x0;
	_ =	sdelay $0xe  }
0x90: {  	s16 =	spop (v2sf)  }
0x91: {  	v2 =	vld [tilespmem:s16+$0x0];
	_ =	sdelay $0x4  }
0x92: {  	(v2sf) =	vpush v2, $0x0;
	_ =	sdelay $0xe  }
0x93: {  	s16 =	spop (v2sf)  }
0x94: {  	p0 =	slt.s32 s16, $0x0  }
.Ltmp10:
0x95: {  	_ = 	snop;
	(pc) =	sbr.rel @p0 .LBB2_12-.Ltmp10, $1  }
0x96: {  	_ =	sdelay $0x3  }
0x97: {  	s18 =	sadd.s32 s3, s17  }
.LBB2_14:
0x98: {  	p0 =	slt.s32 s15, $0x100  }
0x99: {  	s17 =	sadd.s32 $0x1, s15;
	s15 =	simm.s32 @!p0 $0x100  }
0x9a: {  	v2 =	vld [tilespmem:s15+$0x12A80];
	_ =	sdelay $0x2  }
0x9b: {  	s19 =	sshll.u32 s16, $0xE  }
0x9c: {  	vm1 =	veq.s32 v1, $0x0;
	s19 =	sadd.s32 s19, s18  }
0x9d: {  	v2 =	vsel vm1, s19, v2  }
0x9e: {  	[tilespmem:s15+$0x12A80] =	vst v2  }
0x9f: {  	v2 =	vld [tilespmem:s16+$0x10080];
	_ =	sdelay $0x4  }
0xa0: {  	(v2sf) =	vpush v2, $0x0;
	_ =	sdelay $0xe  }
0xa1: {  	s16 =	spop (v2sf)  }
0xa2: {  	p0 =	sgt.s32 s16, $0xFFFFFFFF  }
.Ltmp11:
0xa3: {  	_ = 	snop;
	(pc) =	sbr.rel @p0 .LBB2_14-.Ltmp11, $2  }
0xa4: {  	_ =	sdelay $0x2  }
0xa5: {  	s15 =	smov.u32 s17  }
.Ltmp12:
0xa6: {  	_ = 	snop;
	(pc) =	sbr.rel .LBB2_15-.Ltmp12, $1  }
0xa7: {  	_ =	sdelay $0x3  }
.LBB2_4:
.Ltmp13:
0xa8: {  	(pc) =	sbr.rel .LBB2_8-.Ltmp13, $2  }
0xa9: {  	_ =	sdelay $0x2  }
0xaa: {  	s16 =	simm.s32 $0x10080;
	s15 =	simm.s32 $0x0  }
.LBB2_6:
.Ltmp14:
0xab: {  	(pc) =	sbr.rel .LBB2_8-.Ltmp14, $2  }
0xac: {  	_ =	sdelay $0x2  }
0xad: {  	s16 =	simm.s32 $0x10080  }
.LBB2_17:
0xae: {  	_ =	sfence.sel $0x180000  }
0xaf: {  	[bflag:$0x0] =	sbarrier.arrive $0xFFFF  }
0xb0: {  	p0 =	sne.s32 s0, $0x0;
	_ =	strace $0x90000047  }
0xb1: {  	s0 =	sadd.s32 @!p0 $0x100000, s1;
	[bflag:$0x2] =	sbarrier.arrive $0xFFFF  }
0xb2: {  	[sflag:s0] =	ssyncadd.tile.s32 @!p0 $0x1;
	_ =	shalt  }
.Lfunc_end2:
_tile_overlayer_lowered:
.L_overlay_start_2:
0xb3: {  	(tag) =	ssettag $0x2  }
0xb4: {  	s0 =	rddreg [dreg:$0x0];
	s2 =	stileid.u32  }
0xb5: {  	s1 =	rddreg [dreg:$0x1];
	p0 =	sne.s32 s2, $0x0  }
0xb6: {  	s3 =	rddreg [dreg:$0x2];
	[bflag:$0x3] =	sbarrier.arrive $0xFFFF;
	s2 =	simm.s32 @!p0 $0x1C02  }
0xb7: {  	[timem:s3], [sflag:s2] =	dma.local @!p0 [hbm:s0], s1  }
0xb8: {  	s0 =	simm.s32 @!p0 $0x2  }
0xb9: {  	_ =	swait.ge @!p0 [sflag:s0], s1  }
0xba: {  	s1 =	ssub.s32 @!p0 $0x0, s1;
	[sflag:s0] =	ssyncset.done @!p0 $0x0  }
0xbb: {  	[sflag:s0] =	ssyncadd.s32 @!p0 s1  }
0xbc: {  	[bflag:$0x3] =	sbarrier.arrive $0xFFFF  }
0xbd: {  	_ =	shalt  }

// kernel: kernel.9.cloned.1.call-start
scs
__scs_entry_jumppad:
0x0: {  	(pc) =	sbr.rel $0x88, $3  }
0x1: {  	(tag) =	ssettag $0x0;
	lr =	simm.s32 $0x1  }
0x2: {  	[smem:$0x3F9D] =	sst lr;
	_ =	strace $0xD0000000  }
0x3: {  	_ = 	snop  }
0x4: {  	_ = 	snop  }
0x5: {  	_ = 	snop  }
0x6: {  	_ = 	snop  }
0x7: {  	_ = 	snop  }
__scs_overlays_trampoline_lowered:
0x8: {  	[smem:$0x3FAC] =	sst s0  }
0x9: {  	[smem:$0x3FAD] =	sst s1  }
0xa: {  	[smem:$0x3FAE] =	sst s2  }
0xb: {  	[smem:$0x3FAF] =	sst s3  }
0xc: {  	[smem:$0x3FB0] =	sst s4  }
0xd: {  	[smem:$0x3FB1] =	sst s5  }
0xe: {  	[smem:$0x3FB2] =	sst s6  }
0xf: {  	[smem:$0x3FB3] =	sst s7  }
0x10: {  	[smem:$0x3FB4] =	sst s8  }
0x11: {  	[smem:$0x3FB5] =	sst s9;
	s0 =	simm.s32 @!p0 $0x0  }
0x12: {  	s1 =	sld [smem:$0x3F9B];
	s0 =	simm.s32 @p0 $0x1  }
0x13: {  	[smem:$0x3FB6] =	sst s0;
	s0 =	simm.s32 @!p1 $0x0  }
0x14: {  	s2 =	sld [smem:$0x3F9A];
	s0 =	simm.s32 @p1 $0x1  }
0x15: {  	[smem:$0x3FB7] =	sst s0;
	s0 =	simm.s32 @!p2 $0x0  }
0x16: {  	s3 =	sld [smem:$0x3FDB];
	s0 =	simm.s32 @p2 $0x1  }
0x17: {  	s4 =	simm.s32 $0x1BF5;
	[smem:$0x3FB9] =	sst s0  }
0x18: {  	s0 =	sld [smem:$0x3F9C];
	_ =	swait.ge [sflag:s4], $0x0  }
0x19: {  	s7 =	sld [smem:$0x3F9D]  }
0x1a: {  	s8 =	sadd.s32 $0xFFFFE003, lr  }
0x1b: {  	s9 =	sadd.s32 $0xFFFFFEF7, lr;
	s5 =	simm.s32 $0xFFFFFFFF;
	p2 =	slt.u32 s8, $0xFFFFF086  }
0x1c: {  	p1 =	slt.u32 s9, $0xF7A;
	s5 =	simm.s32 @!p2 $0x0  }
0x1d: {  	s5 =	simm.s32 @p1 $0x1;
	p0 =	seq.s32 s7, s2  }
0x1e: {  	s7 =	smul.u32 @!p0 $0xF7A, s2;
	p2 =	seq.s32 @!p0 s5, $0x0  }
0x1f: {  	s9 =	smul.u32 $0xF7A, s1;
	s8 =	simm.s32 @!p0 $0x1BF5;
	p2 =	por !p2, p0  }
0x20: {  	[sflag:s8] =	ssyncset.s32 @!p0 $0xFFFFF086;
	s6 =	sadd.s32 @!p0 s3, s7;
	s7 =	simm.s32 @!p0 $0x108  }
0x21: {  	s3 =	sadd.s32 s3, s9;
	s6 =	sadd.s32 @!p0 $0x88, s6;
	s7 =	simm.s32 @p2 $0x1082  }
0x22: {  	[simem:s7], [sflag:s8] =	dma.local @!p0 [hbm:s6], $0xF7A  }
0x23: {  	s9 =	sor.u32 $0xD0000000, s2;
	s6 =	simm.s32 $0x108;
	_ =	swait.ge @!p0 [sflag:s8], $0x0  }
0x24: {  	s3 =	sadd.s32 $0x88, s3;
	s6 =	simm.s32 @!p1 $0x1082;
	[sflag:s4] =	ssyncset.s32 $0xFFFFF086  }
0x25: {  	[simem:s6], [sflag:s4] =	dma.local [hbm:s3], $0xF7A  }
0x26: {  	[smem:$0x3F9D] =	sst s1;
	(tag) =	ssettag s2;
	_ =	strace s9  }
0x27: {  	s1 =	sld [smem:$0x3FAD]  }
0x28: {  	s2 =	sld [smem:$0x3FAE]  }
0x29: {  	s4 =	sld [smem:$0x3FB0]  }
0x2a: {  	p0 =	seq.s32 s5, $0x0;
	s5 =	sld [smem:$0x3FB1]  }
0x2b: {  	s6 =	sld [smem:$0x3FB2]  }
0x2c: {  	s7 =	sld [smem:$0x3FB3]  }
0x2d: {  	s3 =	simm.s32 $0x108;
	s8 =	sld [smem:$0x3FB4]  }
0x2e: {  	s3 =	simm.s32 @!p0 $0x1082;
	s9 =	sld [smem:$0x3FB5]  }
0x2f: {  	lr =	sadd.s32 s0, s3;
	s0 =	sld [smem:$0x3FAC]  }
0x30: {  	s3 =	sld [smem:$0x3FAF]  }
0x31: {  	[smem:$0x3FB8] =	sst s10  }
0x32: {  	s10 =	sld [smem:$0x3FB6];
	_ =	sdelay $0x3  }
0x33: {  	p0 =	seq.s32 s10, $0x1;
	s10 =	sld [smem:$0x3FB8];
	_ =	sdelay $0x3  }
0x34: {  	[smem:$0x3FB8] =	sst s10  }
0x35: {  	s10 =	sld [smem:$0x3FB7];
	_ =	sdelay $0x3  }
0x36: {  	p1 =	seq.s32 s10, $0x1;
	s10 =	sld [smem:$0x3FB8];
	_ =	sdelay $0x3  }
0x37: {  	[smem:$0x3FB8] =	sst s10  }
0x38: {  	s10 =	sld [smem:$0x3FB9]  }
0x39: {  	_ = 	snop;
	(pc) =	sbr.ind lr, $3  }
0x3a: {  	_ = 	snop  }
0x3b: {  	_ = 	snop  }
0x3c: {  	p2 =	seq.s32 s10, $0x1;
	s10 =	sld [smem:$0x3FB8]  }
0x3d: {  	_ =	shalt  }
0x3e: {  	_ =	shalt  }
0x3f: {  	_ =	shalt  }
0x40: {  	_ =	shalt  }
0x41: {  	_ =	shalt  }
0x42: {  	_ =	shalt  }
0x43: {  	_ =	shalt  }
0x44: {  	_ =	shalt  }
0x45: {  	_ =	shalt  }
0x46: {  	_ =	shalt  }
0x47: {  	_ =	shalt  }
0x48: {  	_ =	shalt  }
0x49: {  	_ =	shalt  }
0x4a: {  	_ =	shalt  }
0x4b: {  	_ =	shalt  }
0x4c: {  	_ =	shalt  }
0x4d: {  	_ =	shalt  }
0x4e: {  	_ =	shalt  }
0x4f: {  	_ =	shalt  }
0x50: {  	_ =	shalt  }
0x51: {  	_ =	shalt  }
0x52: {  	_ =	shalt  }
0x53: {  	_ =	shalt  }
0x54: {  	_ =	shalt  }
0x55: {  	_ =	shalt  }
0x56: {  	_ =	shalt  }
0x57: {  	_ =	shalt  }
0x58: {  	_ =	shalt  }
0x59: {  	_ =	shalt  }
0x5a: {  	_ =	shalt  }
0x5b: {  	_ =	shalt  }
0x5c: {  	_ =	shalt  }
0x5d: {  	_ =	shalt  }
0x5e: {  	_ =	shalt  }
0x5f: {  	_ =	shalt  }
0x60: {  	_ =	shalt  }
0x61: {  	_ =	shalt  }
0x62: {  	_ =	shalt  }
0x63: {  	_ =	shalt  }
0x64: {  	_ =	shalt  }
0x65: {  	_ =	shalt  }
0x66: {  	_ =	shalt  }
0x67: {  	_ =	shalt  }
0x68: {  	_ =	shalt  }
0x69: {  	_ =	shalt  }
0x6a: {  	_ =	shalt  }
0x6b: {  	_ =	shalt  }
0x6c: {  	_ =	shalt  }
0x6d: {  	_ =	shalt  }
0x6e: {  	_ =	shalt  }
0x6f: {  	_ =	shalt  }
0x70: {  	_ =	shalt  }
0x71: {  	_ =	shalt  }
0x72: {  	_ =	shalt  }
0x73: {  	_ =	shalt  }
0x74: {  	_ =	shalt  }
0x75: {  	_ =	shalt  }
0x76: {  	_ =	shalt  }
0x77: {  	_ =	shalt  }
0x78: {  	_ =	shalt  }
0x79: {  	_ =	shalt  }
0x7a: {  	_ =	shalt  }
0x7b: {  	_ =	shalt  }
0x7c: {  	_ =	shalt  }
0x7d: {  	_ =	shalt  }
0x7e: {  	_ =	shalt  }
0x7f: {  	_ =	shalt  }
0x80: {  	_ =	shalt  }
0x81: {  	_ =	shalt  }
0x82: {  	_ =	shalt  }
0x83: {  	_ =	shalt  }
0x84: {  	_ =	shalt  }
0x85: {  	_ =	shalt  }
0x86: {  	_ =	shalt  }
0x87: {  	_ =	shalt  }
.Lfunc_end0:
.L_simem_size_0:
called_computation.1_lowered:
.L_overlay_start_0:
0x88: {  	s2 =	sld [smem:$0x3FD9]  }
0x89: {  	s3 =	sld [smem:$0x3FFE];
	_ =	sdelay $0x1  }
0x8a: {  	s1 =	srdreg.scid  }
0x8b: {  	s0 =	sand.u32 $0x1, s1  }
0x8c: {  	s14 =	sshll.u32 s0, $0xA;
	s2 =	sadd.s32 s3, s2  }
0x8d: {  	s2 =	sadd.s32 s2, s14  }
0x8e: {  	[smem:$0x3FC4] =	sst s2  }
0x8f: {  	_ = 	snop  }
0x90: {  	s2 =	sld [smem:$0x3FD0];
	_ =	sdelay $0x2  }
0x91: {  	s15 =	simm.s32 $0xA;
	s4 =	simm.s32 $0x10  }
0x92: {  	[smem:s4], [sflag:s15] =	dma.local [hbm:s2], $0x1  }
0x93: {  	_ =	swait.eq [sflag:s15], $0x1  }
0x94: {  	[sflag:s15] =	ssyncset.done $0x0  }
0x95: {  	[sflag:s15] =	ssyncadd.s32 $0xFFFFFFFF  }
0x96: {  	s16 =	sld [smem:$0x11];
	(tm) =	ssettm $0x1  }
0x97: {  	s17 =	sld [smem:$0x3FFB];
	_ =	sdelay $0x3  }
0x98: {  	_ =	strace s17  }
0x99: {  	s3 =	sld [smem:$0x3FFC];
	_ =	sdelay $0x3  }
0x9a: {  	_ =	strace s3  }
0x9b: {  	s3 =	sld [smem:$0x3FFD];
	_ =	sdelay $0x3  }
0x9c: {  	_ =	strace s3  }
0x9d: {  	_ =	strace $0x8FFFFFFF  }
0x9e: {  	s18 =	sld [smem:$0x3FDB];
	_ =	sdelay $0x1  }
0x9f: {  	s19 =	simm.s32 $_scs_section_size  }
0xa0: {  	s5 =	simm.s32 $_size__tile_overlayer_lowered;
	s6 =	simm.s32 $_tile_overlayer_lowered  }
0xa1: {  	s22 =	simm.s32 $0x1BFF;
	s21 =	sshll.u32 s6, $0x1;
	s3 =	sadd.s32 s19, s18  }
0xa2: {  	s7 =	simm.s32 $0x0;
	s20 =	sshll.u32 s5, $0x1;
	s5 =	sadd.s32 s21, s3  }
0xa3: {  	[timem:s7], [sflag:s22] =	dma.local [hbm:s5], s20  }
0xa4: {  	_ =	swait.ge [sflag:s22], s20  }
0xa5: {  	s4 =	ssub.s32 $0x0, s20;
	[sflag:s22] =	ssyncset.done $0x0  }
0xa6: {  	[sflag:s22] =	ssyncadd.s32 s4;
	_ =	sdelay $0x1  }
0xa7: {  	s23 =	simm.s32 $0x1B8B  }
0xa8: {  	_ =	swait.ge [sflag:s23], $0x1  }
0xa9: {  	[sflag:s23] =	ssyncset.done $0x0  }
0xaa: {  	s25 =	simm.s32 $0x1B8E;
	s24 =	sld [smem:$0x3FFE];
	[sflag:s23] =	ssyncadd.s32 $0xFFFFFFFF  }
0xab: {  	s26 =	simm.s32 $execute0_lowered;
	[smem:$0x3FD2] =	sst s25  }
0xac: {  	s5 =	sshll.u32 s26, $0x1;
	_ =	strace $0x80000049;
	[dreg:$0x1] =	wrdreg $0xFFFFFFFF  }
0xad: {  	s28 =	simm.s32 $_size_execute0_lowered;
	s3 =	sadd.s32 s3, s5;
	[dreg:$0x0] =	wrdreg $0x0  }
0xae: {  	s5 =	sshll.u32 s28, $0x1;
	[dreg:$0x2] =	wrdreg s3  }
0xaf: {  	[dreg:$0x3] =	wrdreg s5  }
0xb0: {  	[dreg:$0x4] =	wrdreg $0xC0  }
0xb1: {  	_ =	task [dreg:s7], $0x5FFFF  }
0xb2: {  	[dreg:$0x1] =	wrdreg $0xFFFFFFFF  }
0xb3: {  	[dreg:$0x0] =	wrdreg $0x60  }
0xb4: {  	[dreg:$0x2] =	wrdreg s16  }
0xb5: {  	[dreg:$0x3] =	wrdreg s24  }
0xb6: {  	[dreg:$0x4] =	wrdreg $0x9  }
0xb7: {  	_ =	task.clear_ibuf [dreg:s7], $0x5FFFF;
	_ =	strace $0x90000049  }
0xb8: {  	s29 =	simm.s32 $0x9;
	_ =	strace $0x80000051  }
0xb9: {  	_ =	swait.ge [sflag:s29], $0x1  }
0xba: {  	[sflag:s29] =	ssyncadd.s32 $0xFFFFFFFF  }
0xbb: {  	_ =	strace $0x90000051  }
0xbc: {  	_ =	sfence  }
0xbd: {  	s30 =	sld [smem:$0x0];
	_ =	sdelay $0x2  }
0xbe: {  	s31 =	sshll.u32 s1, $0xD;
	s1 =	sshrl.u32 s1, $0x2  }
0xbf: {  	s3 =	sand.u32 $0x4000, s31;
	s1 =	sadd.s32 s1, s30  }
0xc0: {  	s0 =	sor.u32 s3, s0;
	s1 =	sshll.u32 s1, $0x11  }
0xc1: {  	s0 =	sor.u32 s1, s0  }
0xc2: {  	s0 =	sadd.s32 $0x8F2B, s0  }
0xc3: {  	[sflag:s0] =	ssyncadd.remote.s32 $0x1  }
0xc4: {  	_ =	sfence.sel $0xFFFF  }
0xc5: {  	[dreg:$0x0] =	wrdreg $0xFFFFFFFF;
	(pc) =	sbr.abs _section_cstart, $3  }
0xc6: {  	[dreg:$0x1] =	wrdreg $0xFFFFFFFF  }
0xc7: {  	_ =	task.clear_ibuf [dreg:s7], $0x2FFFF;
	_ =	strace $0x9FFFFFFF  }
0xc8: {  	(tm) =	ssettm $0x7FFFFFFF  }
0xc9: {  	_ =	shalt  }
tec
execute0_lowered:
.L_overlay_start_1:
0x0: {  	(tag) =	ssettag $0x1  }
0x1: {  	s2 =	simm.s32 $0x0  }
0x2: {  	[smem:$0x7FF] =	sst s2  }
0x3: {  	s0 =	rddreg [dreg:$0x1];
	v0 =	vimm.f32 $-3.000000010e+38;
	_ =	strace $0x8000004A  }
0x4: {  	(xrf0) =	vmax.scan.msk.f32 $0xffff, v0;
	_ =	sdelay $0x5  }
0x5: {  	v0, _, _ =	vpop (xrf0)  }
0x6: {  	(v2sf) =	vpush v0, $0xF;
	_ =	sdelay $0x7  }
0x7: {  	s1 =	srdreg.scid;
	s3 =	stileid.u32;
	s10 =	simm.s32 $0x1  }
0x8: {  	s11 =	simm.s32 $0x10;
	s12 =	simm.s32 $0x2500;
	s13 =	simm.s32 $0x2680  }
0x9: {  	v2 =	vimm.s32 $0xFFFFFFFF;
	s20 =	simm.s32 $0x0;
	s1 =	sand.u32 $0x1, s1;
	s3 =	sshll.u32 s3, $0x1  }
.Ltmp0:
0xa: {  	v3 =	vlaneseq.u32;
	v6 =	vimm.s32 $0x0;
	vm0 =	vmmov $0x1;
	s3 =	sor.u32 s1, s3;
	s1 =	ssub.s32 $0x2, s1;
	(pc) =	sbr.rel .LBB2_1-.Ltmp0, $4  }
0xb: {  	v7 =	vimm.f32 $3.000000010e+38;
	v4 =	vor.u32 $0x80000000, v3;
	v5 =	vmul.u32 $0x80, v3;
	s5 =	smul.u32 $0x1C0, s3;
	s30 =	sshrl.u32 s1, $0x1;
	s6 =	sshll.u32 s3, $0x13  }
0xc: {  	s4 =	sadd.s32 $0x6400, s0;
	v8 =	vmul.u32 $0xFFFFFFFF, v3;
	v9 =	vor.u32 $0x10, v3;
	v10 =	vor.u32 $0x20, v3;
	s1 =	ssub.s32 s1, s30;
	s31 =	sadd.s32 $0x80000, s6  }
0xd: {  	v11 =	vor.u32 $0x30, v3;
	v12 =	vor.u32 $0x40, v3;
	v13 =	vor.u32 $0x50, v3;
	s0 =	sadd.s32 s5, s0;
	s5 =	sshll.u32 s3, $0x5;
	s8 =	smax.u32 s1, $0x1  }
0xe: {  	v14 =	vor.u32 $0x60, v3;
	v1 =	vmov s31;
	s7 =	sadd.s32 $0x206400, s0;
	v0 =	vmov s6;
	s6 =	sadd.s32 $0x2400, s0;
	s17 =	spop (v2sf)  }
.LBB2_97:
0xf: {  	_ =	strace $0x90000050;
	s0 =	simm.s32 $0xB000  }
0x10: {  	[hbm4b:s6+s2] =	stream.linear.scatter [tilespmem:s0], [sflag:$0x1], $0xE00, $0x38;
	[tilespmem:$0xCD00] =	vst v63  }
0x11: {  	s20 =	sadd.s32 $0x1, s20;
	_ =	swait.ge [sflag:s10], $0xE00  }
0x12: {  	p0 =	sne.s32 s20, s8;
	[sflag:s10] =	ssyncset.done $0x0  }
.Ltmp1:
0x13: {  	s31 =	simm.s32 $0xBE80;
	[sflag:s10] =	ssyncadd.s32 $0xFFFFF200;
	(pc) =	sbr.rel @!p0 .LBB2_98-.Ltmp1, $4  }
0x14: {  	[hbm4b:s7+s2] =	stream.linear.scatter [tilespmem:s31], [sflag:$0x1], $0xE00, $0x38;
	[tilespmem:$0xCD00] =	vst v63  }
0x15: {  	_ =	swait.ge [sflag:s10], $0xE00  }
0x16: {  	[sflag:s10] =	ssyncset.done $0x0  }
0x17: {  	[sflag:s10] =	ssyncadd.s32 $0xFFFFF200  }
.LBB2_1:
0x18: {  	_ =	strace $0x8000004B  }
0x19: {  	s0 =	rddreg [dreg:$0x0]  }
0x1a: {  	[tilespmem:s2], [sflag:$0x1] =	stream.linear.gather [hbm4b:s0+s2], $0x2200, $0x200038;
	[tilespmem:$0xCD00] =	vst v63  }
0x1b: {  	_ =	swait.ge [sflag:s10], $0x2200  }
0x1c: {  	[sflag:s10] =	ssyncset.done $0x0  }
0x1d: {  	s31 =	simm.s32 $0x2200;
	[sflag:s10] =	ssyncadd.s32 $0xFFFFDE00  }
0x1e: {  	v15 =	vor.u32 s2, v3;
	_ =	strace $0x9000004B;
	[tilespmem:s31+$0x0] =	vst v2  }
0x1f: {  	s1 =	simm.s32 $0x2210;
	s3 =	simm.s32 $0x2500;
	s0 =	simm.s32 $0x10;
	[tilespmem:s12+$0x0] =	vst v15  }
.LBB2_2:
0x20: {  	[tilespmem:s1+$0x0] =	vst v2;
	v15 =	vor.u32 s0, v3;
	p0 =	sne.s32 s0, $0x100;
	s0 =	sadd.s32 $0x10, s0;
	s3 =	sadd.s32 $0x10, s3  }
.Ltmp2:
0x21: {  	[tilespmem:s3+$0x0] =	vst v15;
	(pc) =	sbr.rel @p0 .LBB2_2-.Ltmp2, $2  }
0x22: {  	_ =	sdelay $0x2  }
0x23: {  	s1 =	sadd.s32 $0x10, s1  }
0x24: {  	_ =	strace $0x8000004C;
	s0 =	simm.s32 $0x20  }
0x25: {  	v15 =	vld [tilespmem:s0+$0xFFFFFFE0];
	_ =	sdelay $0x4  }
0x26: {  	vm1 =	vge.s32 v15, v0;
	vm2 =	vlt.s32 v15, v1  }
0x27: {  	vm1 =	vmand vm1, vm2  }
0x28: {  	(xrf1) =	vsort.ascd.msk.u32 vm1, v4, v15;
	_ =	sdelay $0xc  }
0x29: {  	s1 =	simm.s32 $0x0;
	p0 =	por $0x1, $0x1  }
0x2a: {  	s1 =	simm.s32 @!p0 $0x100;
	_, v15, _ =	vpop (xrf1)  }
0x2b: {  	[tilespmem:s1+$0x2200] =	vst v15  }
0x2c: {  	v15 =	vld [tilespmem:s0+$0xFFFFFFF0]  }
0x2d: {  	v16 =	vmpcnt.ones.xlane vm1;
	_ =	sdelay $0x1  }
0x2e: {  	(v2sf) =	vpush v16, $0x0;
	_ =	sdelay $0x1  }
0x2f: {  	vm1 =	vge.s32 v15, v0;
	vm2 =	vlt.s32 v15, v1  }
0x30: {  	vm1 =	vmand vm1, vm2  }
0x31: {  	(xrf1) =	vsort.ascd.msk.u32 vm1, v4, v15;
	_ =	sdelay $0xa  }
0x32: {  	s29 =	spop (v2sf)  }
0x33: {  	s1 =	sadd.s32 $0x0, s29  }
0x34: {  	p0 =	slt.s32 s1, $0x100;
	s3 =	smov.u32 s1  }
0x35: {  	s3 =	simm.s32 @!p0 $0x100;
	_, v15, _ =	vpop (xrf1)  }
0x36: {  	[tilespmem:s3+$0x2200] =	vst v15  }
0x37: {  	v15 =	vld [tilespmem:s0+$0x0]  }
0x38: {  	v16 =	vmpcnt.ones.xlane vm1;
	_ =	sdelay $0x1  }
0x39: {  	(v2sf) =	vpush v16, $0x0;
	_ =	sdelay $0x1  }
0x3a: {  	vm1 =	vge.s32 v15, v0;
	vm2 =	vlt.s32 v15, v1  }
0x3b: {  	vm1 =	vmand vm1, vm2  }
0x3c: {  	(xrf1) =	vsort.ascd.msk.u32 vm1, v4, v15;
	_ =	sdelay $0xa  }
0x3d: {  	s30 =	spop (v2sf)  }
0x3e: {  	s1 =	sadd.s32 s1, s30  }
0x3f: {  	p0 =	slt.s32 s1, $0x100;
	s3 =	smov.u32 s1  }
0x40: {  	s3 =	simm.s32 @!p0 $0x100;
	_, v15, _ =	vpop (xrf1)  }
0x41: {  	[tilespmem:s3+$0x2200] =	vst v15  }
0x42: {  	v15 =	vld [tilespmem:s0+$0x10]  }
0x43: {  	v16 =	vmpcnt.ones.xlane vm1;
	_ =	sdelay $0x1  }
0x44: {  	(v2sf) =	vpush v16, $0x0;
	_ =	sdelay $0x1  }
0x45: {  	vm1 =	vge.s32 v15, v0;
	vm2 =	vlt.s32 v15, v1  }
0x46: {  	vm1 =	vmand vm1, vm2  }
0x47: {  	v16 =	vmpcnt.ones.xlane vm1;
	(xrf1) =	vsort.ascd.msk.u32 vm1, v4, v15;
	_ =	sdelay $0x1  }
0x48: {  	(v2sf) =	vpush v16, $0x0;
	_ =	sdelay $0x8  }
0x49: {  	s31 =	spop (v2sf)  }
0x4a: {  	s3 =	sadd.s32 s1, s31  }
0x4b: {  	p0 =	slt.s32 s3, $0x100;
	s0 =	smov.u32 s3  }
0x4c: {  	s0 =	simm.s32 @!p0 $0x100;
	_, v15, _ =	vpop (xrf1)  }
0x4d: {  	s21 =	simm.s32 $0x60;
	[tilespmem:s0+$0x2200] =	vst v15  }
0x4e: {  	v15 =	vld [tilespmem:s21+$0xFFFFFFE0]  }
0x4f: {  	s0 =	simm.s32 $0x4;
	s1 =	spop (v2sf)  }
.LBB2_4:
0x50: {  	s0 =	sadd.s32 $0x4, s0;
	s1 =	sadd.s32 s3, s1  }
0x51: {  	p0 =	slt.u32 s0, $0x21C;
	p1 =	slt.s32 s1, $0x100;
	_ =	sdelay $0x1  }
0x52: {  	vm1 =	vge.s32 v15, v0;
	vm2 =	vlt.s32 v15, v1  }
0x53: {  	vm1 =	vmand vm1, vm2  }
0x54: {  	v16 =	vmpcnt.ones.xlane vm1;
	(xrf1) =	vsort.ascd.msk.u32 vm1, v4, v15;
	_ =	sdelay $0x1  }
0x55: {  	(v2sf) =	vpush v16, $0x0;
	_ =	sdelay $0xa  }
0x56: {  	s3 =	smov.u32 s1  }
0x57: {  	s3 =	simm.s32 @!p1 $0x100;
	_, v15, _ =	vpop (xrf1)  }
0x58: {  	[tilespmem:s3+$0x2200] =	vst v15  }
0x59: {  	v15 =	vld [tilespmem:s21+$0xFFFFFFF0]  }
0x5a: {  	s3 =	spop (v2sf)  }
0x5b: {  	s1 =	sadd.s32 s1, s3  }
0x5c: {  	p1 =	slt.s32 s1, $0x100;
	s3 =	smov.u32 s1  }
0x5d: {  	s3 =	simm.s32 @!p1 $0x100  }
0x5e: {  	vm1 =	vge.s32 v15, v0;
	vm2 =	vlt.s32 v15, v1  }
0x5f: {  	vm1 =	vmand vm1, vm2  }
0x60: {  	v16 =	vmpcnt.ones.xlane vm1;
	(xrf1) =	vsort.ascd.msk.u32 vm1, v4, v15;
	_ =	sdelay $0x1  }
0x61: {  	(v2sf) =	vpush v16, $0x0;
	_ =	sdelay $0xb  }
0x62: {  	_, v15, _ =	vpop (xrf1)  }
0x63: {  	[tilespmem:s3+$0x2200] =	vst v15  }
0x64: {  	v15 =	vld [tilespmem:s21+$0x0]  }
0x65: {  	s3 =	spop (v2sf)  }
0x66: {  	s1 =	sadd.s32 s1, s3  }
0x67: {  	p1 =	slt.s32 s1, $0x100;
	s3 =	smov.u32 s1  }
0x68: {  	s3 =	simm.s32 @!p1 $0x100  }
0x69: {  	vm1 =	vge.s32 v15, v0;
	vm2 =	vlt.s32 v15, v1  }
0x6a: {  	vm1 =	vmand vm1, vm2  }
0x6b: {  	v16 =	vmpcnt.ones.xlane vm1;
	(xrf1) =	vsort.ascd.msk.u32 vm1, v4, v15;
	_ =	sdelay $0x1  }
0x6c: {  	(v2sf) =	vpush v16, $0x0;
	_ =	sdelay $0xb  }
0x6d: {  	_, v15, _ =	vpop (xrf1)  }
0x6e: {  	[tilespmem:s3+$0x2200] =	vst v15  }
0x6f: {  	v15 =	vld [tilespmem:s21+$0x10]  }
0x70: {  	s3 =	spop (v2sf)  }
0x71: {  	s3 =	sadd.s32 s1, s3  }
0x72: {  	p1 =	slt.s32 s3, $0x100;
	s1 =	smov.u32 s3  }
0x73: {  	s1 =	simm.s32 @!p1 $0x100  }
0x74: {  	vm1 =	vge.s32 v15, v0;
	vm2 =	vlt.s32 v15, v1  }
0x75: {  	vm1 =	vmand vm1, vm2  }
0x76: {  	v16 =	vmpcnt.ones.xlane vm1;
	(xrf1) =	vsort.ascd.msk.u32 vm1, v4, v15;
	_ =	sdelay $0x1  }
0x77: {  	(v2sf) =	vpush v16, $0x0;
	_ =	sdelay $0xa  }
.Ltmp3:
0x78: {  	(pc) =	sbr.rel @p0 .LBB2_4-.Ltmp3, $4  }
0x79: {  	_, v15, _ =	vpop (xrf1)  }
0x7a: {  	s21 =	sadd.s32 $0x40, s21;
	[tilespmem:s1+$0x2200] =	vst v15  }
0x7b: {  	v15 =	vld [tilespmem:s21+$0xFFFFFFE0]  }
0x7c: {  	s1 =	spop (v2sf)  }
0x7d: {  	_ =	sdelay $0x2  }
0x7e: {  	vm1 =	vge.s32 v15, v0;
	vm2 =	vlt.s32 v15, v1  }
0x7f: {  	vm1 =	vmand vm1, vm2  }
0x80: {  	(xrf1) =	vsort.ascd.msk.u32 vm1, v4, v15;
	_ =	sdelay $0xb  }
0x81: {  	s0 =	sadd.s32 s3, s1  }
0x82: {  	p0 =	slt.s32 s0, $0x100;
	s1 =	smov.u32 s0  }
0x83: {  	s1 =	simm.s32 @!p0 $0x100;
	_, v15, _ =	vpop (xrf1)  }
0x84: {  	[tilespmem:s1+$0x2200] =	vst v15  }
0x85: {  	v15 =	vld [tilespmem:s21+$0xFFFFFFF0]  }
0x86: {  	v16 =	vmpcnt.ones.xlane vm1;
	_ =	sdelay $0x1  }
0x87: {  	(v2sf) =	vpush v16, $0x0;
	_ =	sdelay $0x1  }
0x88: {  	vm1 =	vge.s32 v15, v0;
	vm2 =	vlt.s32 v15, v1  }
0x89: {  	vm1 =	vmand vm1, vm2  }
0x8a: {  	(xrf1) =	vsort.ascd.msk.u32 vm1, v4, v15;
	_ =	sdelay $0xa  }
0x8b: {  	s23 =	spop (v2sf)  }
0x8c: {  	s0 =	sadd.s32 s0, s23  }
0x8d: {  	p0 =	slt.s32 s0, $0x100;
	s1 =	smov.u32 s0  }
0x8e: {  	s1 =	simm.s32 @!p0 $0x100;
	_, v15, _ =	vpop (xrf1)  }
0x8f: {  	[tilespmem:s1+$0x2200] =	vst v15  }
0x90: {  	v15 =	vld [tilespmem:s21+$0x0]  }
0x91: {  	v62 =	vmpcnt.ones.xlane vm1;
	_ =	sdelay $0x1  }
0x92: {  	(v2sf) =	vpush v62, $0x0;
	_ =	sdelay $0x1  }
0x93: {  	vm1 =	vge.s32 v15, v0;
	vm2 =	vlt.s32 v15, v1  }
0x94: {  	vm1 =	vmand vm1, vm2  }
0x95: {  	(xrf1) =	vsort.ascd.msk.u32 vm1, v4, v15;
	_ =	sdelay $0xa  }
0x96: {  	s24 =	spop (v2sf)  }
0x97: {  	s0 =	sadd.s32 s0, s24  }
0x98: {  	p0 =	slt.s32 s0, $0x100;
	s1 =	smov.u32 s0  }
0x99: {  	s1 =	simm.s32 @!p0 $0x100;
	_, v15, _ =	vpop (xrf1)  }
0x9a: {  	[tilespmem:s1+$0x2200] =	vst v15  }
0x9b: {  	v15 =	vld [tilespmem:s21+$0x10];
	_ =	sdelay $0x4  }
0x9c: {  	vm2 =	vge.s32 v15, v0;
	vm3 =	vlt.s32 v15, v1  }
0x9d: {  	v63 =	vmpcnt.ones.xlane vm1;
	vm1 =	vmand vm2, vm3  }
0x9e: {  	v17 =	vmpcnt.ones.xlane vm1  }
0x9f: {  	(v2sf) =	vpush v63, $0x0  }
0xa0: {  	(v2sf) =	vpush v17, $0x0;
	_ =	sdelay $0xd  }
0xa1: {  	s25 =	spop (v2sf);
	(xrf1) =	vsort.ascd.msk.u32 vm1, v4, v15  }
0xa2: {  	s0 =	sadd.s32 s0, s25;
	s26 =	spop (v2sf)  }
0xa3: {  	s23 =	sadd.s32 s0, s26  }
0xa4: {  	p0 =	slt.s32 s23, $0x100;
	s22 =	smov.u32 s23  }
0xa5: {  	s22 =	simm.s32 @!p0 $0x100  }
0xa6: {  	s28 =	sadd.s32 $0xF, s22  }
0xa7: {  	p2 =	slt.s32 s23, $0xFFFFFFF2;
	s29 =	sand.u32 $0xF, s28  }
0xa8: {  	p0 =	slt.s32 s0, $0x100;
	s30 =	sshra.s32 s28, $0x1F;
	p1 =	sne.s32 s29, $0x0  }
0xa9: {  	s0 =	simm.s32 @!p0 $0x100;
	s3 =	sshrl.u32 s30, $0x1C;
	p6 =	por !p2, !p1  }
0xaa: {  	s1 =	sadd.s32 s3, s28;
	s3 =	simm.s32 $0x1;
	p0 =	por !p6, !p6  }
0xab: {  	s31 =	sshra.s32 s1, $0x4;
	s3 =	simm.s32 @!p0 $0x0  }
0xac: {  	s21 =	ssub.s32 s31, s3  }
0xad: {  	p0 =	slt.s32 s21, $0x1  }
.Ltmp4:
0xae: {  	_ = 	snop;
	(pc) =	sbr.rel @p0 .LBB2_12-.Ltmp4, $4  }
0xaf: {  	_, v15, _ =	vpop (xrf1)  }
0xb0: {  	[tilespmem:s0+$0x2200] =	vst v15  }
0xb1: {  	_ =	strace $0x9000004C;
	[tilespmem:s22+$0x2200] =	vst v2  }
0xb2: {  	_ =	strace $0x8000004D  }
0xb3: {  	p2 =	sne.s32 s21, $0x1  }
.Ltmp5:
0xb4: {  	_ = 	snop;
	(pc) =	sbr.rel @!p2 .LBB2_7-.Ltmp5, $3  }
0xb5: {  	_ =	sdelay $0x1  }
0xb6: {  	s1 =	simm.s32 $0x2200;
	s0 =	simm.s32 $0x2500  }
0xb7: {  	s3 =	simm.s32 $0x0;
	p1 =	por $0x0, $0x0;
	v15 =	vld [tilespmem:s1+$0x0];
	s1 =	sadd.s32 $0xFFFFFFFF, s21  }
0xb8: {  	_ =	sdelay $0x3  }
0xb9: {  	p2 =	sne.s32 s1, $0x1;
	v16 =	vshra.s32 v15, $0x7;
	v17 =	vshrl.u32 v15, $0x7  }
.Ltmp6:
0xba: {  	v16 =	vand.u32 $0xFFFFFF80, v16;
	v17 =	vand.u32 $0x7F, v17;
	(pc) =	sbr.rel @!p2 .LBB2_9-.Ltmp6, $4  }
0xbb: {  	vm1 =	vlt.s32 v15, $0x0;
	v16 =	vor.u32 v17, v16;
	v17 =	vor.u32 s3, v3  }
0xbc: {  	v15 =	vsel vm1, v17, v16  }
0xbd: {  	s14 =	simm.s32 $0x2210;
	s24 =	sadd.s32 $0xFFFFFFFF, s1;
	[tilespmem:s0+$0x0] =	vst v15  }
0xbe: {  	p1 =	por $0x1, $0x1;
	s16 =	simm.s32 $0x0;
	s9 =	simm.s32 $0x2500;
	v15 =	vld [tilespmem:s14+$0x0]  }
.LBB2_10:
0xbf: {  	p2 =	sne.s32 s24, $0x1;
	_ =	sdelay $0x3  }
0xc0: {  	v16 =	vshra.s32 v15, $0x7;
	v17 =	vshrl.u32 v15, $0x7  }
.Ltmp7:
0xc1: {  	s16 =	sadd.s32 $0x10, s16;
	v16 =	vand.u32 $0xFFFFFF80, v16;
	v17 =	vand.u32 $0x7F, v17;
	(pc) =	sbr.rel @p2 .LBB2_10-.Ltmp7, $4  }
0xc2: {  	vm1 =	vlt.s32 v15, $0x0;
	v16 =	vor.u32 v17, v16;
	v17 =	vor.u32 s16, v3  }
0xc3: {  	s9 =	sadd.s32 $0x10, s9;
	v15 =	vsel vm1, v17, v16  }
0xc4: {  	s14 =	sadd.s32 $0x10, s14;
	[tilespmem:s9+$0x0] =	vst v15  }
0xc5: {  	s24 =	sadd.s32 $0xFFFFFFFF, s24;
	v15 =	vld [tilespmem:s14+$0x0]  }
.LBB2_11:
0xc6: {  	_ =	sdelay $0x3  }
0xc7: {  	s1 =	sadd.s32 @p1 $0x10, s16;
	v16 =	vshra.s32 v15, $0x7;
	v17 =	vshrl.u32 v15, $0x7  }
0xc8: {  	s3 =	smov.u32 @p1 s1;
	v16 =	vand.u32 $0xFFFFFF80, v16;
	v17 =	vand.u32 $0x7F, v17  }
0xc9: {  	s1 =	sadd.s32 @p1 $0x10, s9;
	v63 =	vor.u32 s3, v3;
	vm1 =	vlt.s32 v15, $0x0;
	v16 =	vor.u32 v17, v16  }
0xca: {  	s0 =	smov.u32 @p1 s1;
	v15 =	vsel vm1, v63, v16  }
0xcb: {  	[tilespmem:s0+$0x0] =	vst v15  }
.LBB2_12:
0xcc: {  	p1 =	slt.s32 s23, $0x1  }
.Ltmp8:
0xcd: {  	_ = 	snop;
	(pc) =	sbr.rel @p1 .LBB2_22-.Ltmp8, $2  }
0xce: {  	_ =	sdelay $0x2  }
0xcf: {  	_ =	strace $0x9000004D  }
0xd0: {  	[tilespmem:s13], [sflag:$0x1] =	stream.indirect.gather [hbm4b:s4+s11], $0x80, s12, s11, $0xb8;
	[tilespmem:$0xCD00] =	vst v63  }
0xd1: {  	p2 =	slt.u32 s23, $0x11  }
0xd2: {  	s0 =	simm.s32 @!p2 $0x10;
	s1 =	simm.s32 @!p2 $0x2510;
	s3 =	simm.s32 @!p2 $0x2E80  }
0xd3: {  	[tilespmem:s3], [sflag:$0x1] =	stream.indirect.gather @!p2 [hbm4b:s4+s0], $0x80, s1, s0, $0xb8;
	[tilespmem:$0xCD00] =	vst v63  }
0xd4: {  	s0 =	simm.s32 @!p2 $0x0  }
0xd5: {  	p1 =	slt.u32 @!p2 s23, $0x21;
	s0 =	simm.s32 @p2 $0x1  }
0xd6: {  	p2 =	por p2, p1;
	[smem:$0x7F8] =	sst s0  }
0xd7: {  	s0 =	simm.s32 @!p2 $0x10;
	s1 =	simm.s32 @!p2 $0x2520;
	s3 =	simm.s32 @!p2 $0x3680  }
0xd8: {  	[tilespmem:s3], [sflag:$0x1] =	stream.indirect.gather @!p2 [hbm4b:s4+s0], $0x80, s1, s0, $0xb8;
	[tilespmem:$0xCD00] =	vst v63  }
0xd9: {  	p1 =	slt.u32 @!p2 s23, $0x31;
	s0 =	simm.s32 @!p2 $0x0  }
0xda: {  	s0 =	simm.s32 @p2 $0x1;
	p2 =	por p2, p1  }
0xdb: {  	[smem:$0x7F9] =	sst s0;
	s0 =	simm.s32 @!p2 $0x10  }
0xdc: {  	s1 =	simm.s32 @!p2 $0x2530;
	s3 =	simm.s32 @!p2 $0x3E80;
	p1 =	slt.u32 @!p2 s23, $0x41  }
0xdd: {  	[tilespmem:s3], [sflag:$0x1] =	stream.indirect.gather @!p2 [hbm4b:s4+s0], $0x80, s1, s0, $0xb8;
	[tilespmem:$0xCD00] =	vst v63  }
0xde: {  	s0 =	simm.s32 @!p2 $0x0;
	p1 =	por p2, p1  }
0xdf: {  	s0 =	simm.s32 @p2 $0x1;
	s1 =	simm.s32 @!p1 $0x2540  }
0xe0: {  	s3 =	simm.s32 @!p1 $0x4680;
	[smem:$0x7FA] =	sst s0;
	s0 =	simm.s32 @!p1 $0x10  }
0xe1: {  	[tilespmem:s3], [sflag:$0x1] =	stream.indirect.gather @!p1 [hbm4b:s4+s0], $0x80, s1, s0, $0xb8;
	[tilespmem:$0xCD00] =	vst v63  }
0xe2: {  	s0 =	simm.s32 @!p1 $0x0  }
0xe3: {  	p2 =	slt.u32 @!p1 s23, $0x51;
	s0 =	simm.s32 @p1 $0x1  }
0xe4: {  	p1 =	por p1, p2;
	[smem:$0x7FB] =	sst s0  }
0xe5: {  	s0 =	simm.s32 @!p1 $0x10;
	s1 =	simm.s32 @!p1 $0x2550;
	s3 =	simm.s32 @!p1 $0x4E80  }
0xe6: {  	[tilespmem:s3], [sflag:$0x1] =	stream.indirect.gather @!p1 [hbm4b:s4+s0], $0x80, s1, s0, $0xb8;
	[tilespmem:$0xCD00] =	vst v63  }
0xe7: {  	p2 =	slt.u32 @!p1 s23, $0x61;
	s0 =	simm.s32 @!p1 $0x0  }
0xe8: {  	p3 =	por p1, p2;
	s0 =	simm.s32 @p1 $0x1  }
0xe9: {  	s1 =	simm.s32 @!p3 $0x2560;
	s3 =	simm.s32 @!p3 $0x5680;
	p2 =	slt.u32 @!p3 s23, $0x71  }
0xea: {  	[smem:$0x7FC] =	sst s0;
	s0 =	simm.s32 @!p3 $0x10;
	p4 =	por p3, p2  }
0xeb: {  	[tilespmem:s3], [sflag:$0x1] =	stream.indirect.gather @!p3 [hbm4b:s4+s0], $0x80, s1, s0, $0xb8;
	[tilespmem:$0xCD00] =	vst v63  }
0xec: {  	s0 =	simm.s32 @!p4 $0x10;
	p2 =	slt.u32 @!p4 s23, $0x81  }
0xed: {  	s1 =	simm.s32 @!p4 $0x2570;
	s3 =	simm.s32 @!p4 $0x5E80;
	p2 =	por p4, p2  }
0xee: {  	[tilespmem:s3], [sflag:$0x1] =	stream.indirect.gather @!p4 [hbm4b:s4+s0], $0x80, s1, s0, $0xb8;
	[tilespmem:$0xCD00] =	vst v63  }
0xef: {  	s0 =	simm.s32 @!p2 $0x10;
	p6 =	slt.u32 @!p2 s23, $0x91  }
0xf0: {  	s1 =	simm.s32 @!p2 $0x2580;
	s3 =	simm.s32 @!p2 $0x6680;
	p1 =	por p2, p6  }
0xf1: {  	[tilespmem:s3], [sflag:$0x1] =	stream.indirect.gather @!p2 [hbm4b:s4+s0], $0x80, s1, s0, $0xb8;
	[tilespmem:$0xCD00] =	vst v63  }
0xf2: {  	p6 =	slt.u32 @!p1 s23, $0xA1  }
0xf3: {  	s0 =	simm.s32 @!p1 $0x10;
	p6 =	por p1, p6  }
.Ltmp9:
0xf4: {  	s1 =	simm.s32 @!p1 $0x2590;
	s3 =	simm.s32 @!p1 $0x6E80;
	(pc) =	sbr.rel @p6 .LBB2_23-.Ltmp9, $4  }
0xf5: {  	[tilespmem:s3], [sflag:$0x1] =	stream.indirect.gather @!p1 [hbm4b:s4+s0], $0x80, s1, s0, $0xb8;
	[tilespmem:$0xCD00] =	vst v63  }
0xf6: {  	s0 =	simm.s32 @!p1 $0x0  }
0xf7: {  	s0 =	simm.s32 @p1 $0x1  }
0xf8: {  	[smem:$0x7FD] =	sst s0  }
0xf9: {  	p5 =	slt.u32 s23, $0xB1  }
0xfa: {  	p1 =	slt.u32 @!p5 s23, $0xC1  }
0xfb: {  	p1 =	por p5, p1  }
.Ltmp10:
0xfc: {  	_ = 	snop;
	(pc) =	sbr.rel @p1 .LBB2_15-.Ltmp10, $4  }
0xfd: {  	s0 =	simm.s32 $0x25A0;
	s1 =	simm.s32 $0x7680  }
0xfe: {  	[tilespmem:s1], [sflag:$0x1] =	stream.indirect.gather [hbm4b:s4+s11], $0x80, s0, s11, $0xb8;
	[tilespmem:$0xCD00] =	vst v63  }
0xff: {  	s0 =	simm.s32 @!p5 $0x10;
	s1 =	simm.s32 @!p5 $0x25B0;
	s3 =	simm.s32 @!p5 $0x7E80  }
0x100: {  	[tilespmem:s3], [sflag:$0x1] =	stream.indirect.gather @!p5 [hbm4b:s4+s0], $0x80, s1, s0, $0xb8;
	[tilespmem:$0xCD00] =	vst v63  }
0x101: {  	s0 =	simm.s32 $0x25C0;
	s1 =	simm.s32 $0x8680;
	p5 =	slt.u32 s23, $0xD1  }
0x102: {  	[tilespmem:s1], [sflag:$0x1] =	stream.indirect.gather [hbm4b:s4+s11], $0x80, s0, s11, $0xb8;
	[tilespmem:$0xCD00] =	vst v63  }
0x103: {  	s0 =	simm.s32 @!p5 $0x10;
	p1 =	slt.u32 @!p5 s23, $0xE1  }
0x104: {  	s1 =	simm.s32 @!p5 $0x25D0;
	s3 =	simm.s32 @!p5 $0x8E80;
	p2 =	por p1, p5  }
0x105: {  	[tilespmem:s3], [sflag:$0x1] =	stream.indirect.gather @!p5 [hbm4b:s4+s0], $0x80, s1, s0, $0xb8;
	[tilespmem:$0xCD00] =	vst v63  }
0x106: {  	s0 =	simm.s32 @!p2 $0x10;
	p3 =	slt.u32 @!p2 s23, $0xF1  }
0x107: {  	s1 =	simm.s32 @!p2 $0x25E0;
	s3 =	simm.s32 @!p2 $0x9680;
	p4 =	por @!p5 p3, p1  }
0x108: {  	[tilespmem:s3], [sflag:$0x1] =	stream.indirect.gather @!p2 [hbm4b:s4+s0], $0x80, s1, s0, $0xb8;
	[tilespmem:$0xCD00] =	vst v63  }
0x109: {  	p3 =	por @!p5 !p3, p1;
	p4 =	por p4, p5  }
0x10a: {  	s0 =	simm.s32 @!p4 $0x10;
	s1 =	simm.s32 @!p4 $0x25F0;
	s3 =	simm.s32 @!p4 $0x9E80  }
0x10b: {  	[tilespmem:s3], [sflag:$0x1] =	stream.indirect.gather @!p4 [hbm4b:s4+s0], $0x80, s1, s0, $0xb8;
	[tilespmem:$0xCD00] =	vst v63  }
0x10c: {  	p6 =	por @!p2 $0x1, $0x1;
	p3 =	por !p3, p5;
	p4 =	por @!p4 $0x1, $0x1  }
0x10d: {  	p1 =	por !p1, p5;
	p2 =	por @!p2 $0x0, $0x0;
	p6 =	por @!p3 p4, p4  }
0x10e: {  	p2 =	por @!p3 p4, p4;
	p3 =	por @!p5 $0x0, $0x0;
	p4 =	por p6, p6  }
0x10f: {  	p4 =	por @!p1 p3, p3;
	p3 =	por @!p5 $0x1, $0x1  }
.Ltmp11:
0x110: {  	p6 =	por @!p1 p3, p3;
	p3 =	por @!p5 $0x0, $0x0;
	(pc) =	sbr.rel .LBB2_17-.Ltmp11, $4  }
0x111: {  	p2 =	por @!p1 p3, p3;
	p3 =	por $0x0, $0x0;
	p1 =	por $0x0, $0x0  }
0x112: {  	p3 =	por @!p5 p4, p4;
	p4 =	por $0x1, $0x1;
	p1 =	por @!p5 p6, p6  }
0x113: {  	p4 =	por @!p5 p6, p6;
	p6 =	por p3, p3;
	p3 =	por $0x0, $0x0  }
0x114: {  	p3 =	por @!p5 p2, p2  }
.LBB2_22:
.Ltmp12:
0x115: {  	(pc) =	sbr.rel .LBB2_46-.Ltmp12, $2  }
0x116: {  	_ =	sdelay $0x2  }
0x117: {  	_ =	strace $0x8000004E  }
.LBB2_23:
0x118: {  	s15 =	sld [smem:$0x7F8];
	_ =	sdelay $0x1  }
0x119: {  	s0 =	simm.s32 @!p2 $0x0;
	s16 =	sld [smem:$0x7F9]  }
0x11a: {  	s0 =	simm.s32 @p2 $0x1;
	p2 =	seq.s32 s15, $0x1  }
0x11b: {  	p6 =	por $0x0, $0x0;
	p1 =	por @!p2 $0x0, $0x0  }
0x11c: {  	s18 =	sld [smem:$0x7FA];
	p6 =	por @!p2 p1, p1;
	p2 =	seq.s32 s16, $0x1  }
0x11d: {  	p5 =	por @!p2 $0x0, $0x0;
	p1 =	por p6, p6  }
0x11e: {  	[smem:$0x7EF] =	sst s0;
	p1 =	por @!p2 p5, p5  }
0x11f: {  	p5 =	por @!p2 $0x1, $0x1;
	p2 =	seq.s32 s18, $0x1;
	s0 =	simm.s32 @!p1 $0x0  }
0x120: {  	s19 =	sld [smem:$0x7F9];
	p2 =	por @!p2 $0x0, $0x0;
	s0 =	simm.s32 @p1 $0x1  }
0x121: {  	[smem:$0x7F0] =	sst s0;
	s0 =	simm.s32 @!p2 $0x0  }
0x122: {  	s24 =	sld [smem:$0x7FA];
	s0 =	simm.s32 @p2 $0x1  }
0x123: {  	[smem:$0x7ED] =	sst s0;
	s0 =	simm.s32 @!p1 $0x0  }
0x124: {  	s0 =	simm.s32 @p1 $0x1;
	s26 =	sld [smem:$0x7ED]  }
0x125: {  	[smem:$0x7F4] =	sst s0  }
0x126: {  	s25 =	sld [smem:$0x7F4]  }
0x127: {  	s28 =	sld [smem:$0x7FA]  }
0x128: {  	s29 =	sld [smem:$0x7FA];
	p2 =	seq.s32 s24, $0x1;
	p1 =	seq.s32 s19, $0x1  }
0x129: {  	p6 =	por @!p1 p5, p5;
	p5 =	seq.s32 s26, $0x1;
	p1 =	seq.s32 s25, $0x1  }
0x12a: {  	s30 =	sld [smem:$0x7FB];
	p1 =	por @!p2 p5, p5  }
0x12b: {  	s1 =	sld [smem:$0x7FA];
	s0 =	simm.s32 @!p1 $0x0  }
0x12c: {  	s14 =	sld [smem:$0x7FB];
	s0 =	simm.s32 @p1 $0x1  }
0x12d: {  	[smem:$0x7F4] =	sst s0  }
0x12e: {  	p1 =	seq.s32 s30, $0x1;
	s31 =	sld [smem:$0x7F4]  }
0x12f: {  	s16 =	sld [smem:$0x7FB];
	p1 =	por @!p1 $0x0, $0x0  }
0x130: {  	s3 =	sld [smem:$0x7F0];
	s0 =	simm.s32 @!p1 $0x0  }
0x131: {  	p2 =	seq.s32 s28, $0x1;
	s0 =	simm.s32 @p1 $0x1;
	p1 =	seq.s32 s31, $0x1  }
0x132: {  	p5 =	por @!p2 $0x1, $0x1;
	[smem:$0x7EE] =	sst s0;
	s0 =	simm.s32 @!p1 $0x0  }
0x133: {  	p2 =	seq.s32 s29, $0x1;
	s15 =	sld [smem:$0x7EE];
	s0 =	simm.s32 @p1 $0x1  }
0x134: {  	p6 =	por @!p2 p5, p5;
	[smem:$0x7F5] =	sst s0  }
0x135: {  	p2 =	seq.s32 s1, $0x1;
	p1 =	seq.s32 s3, $0x1;
	s9 =	sld [smem:$0x7F5]  }
0x136: {  	s24 =	sld [smem:$0x7FB];
	p1 =	por @!p2 p5, p5  }
0x137: {  	s19 =	sld [smem:$0x7FB];
	p5 =	seq.s32 s15, $0x1;
	s0 =	simm.s32 @!p1 $0x0  }
0x138: {  	s0 =	simm.s32 @p1 $0x1;
	p1 =	seq.s32 s14, $0x1;
	p2 =	seq.s32 s9, $0x1  }
0x139: {  	s18 =	sld [smem:$0x7F4];
	p2 =	por @!p1 p5, p5  }
0x13a: {  	[smem:$0x7F0] =	sst s0;
	s0 =	simm.s32 @!p2 $0x0  }
0x13b: {  	s25 =	sld [smem:$0x7F0];
	s0 =	simm.s32 @p2 $0x1;
	p2 =	seq.s32 s16, $0x1  }
0x13c: {  	p1 =	seq.s32 s19, $0x1;
	p5 =	por @!p2 $0x1, $0x1;
	p2 =	seq.s32 s18, $0x1  }
0x13d: {  	p2 =	por @!p1 p5, p5  }
0x13e: {  	[smem:$0x7F5] =	sst s0;
	p1 =	seq.s32 s25, $0x1;
	s0 =	simm.s32 @!p2 $0x0  }
0x13f: {  	s28 =	sld [smem:$0x7F5];
	s0 =	simm.s32 @p2 $0x1;
	p2 =	seq.s32 s24, $0x1  }
0x140: {  	p1 =	por @!p2 p5, p5  }
0x141: {  	[smem:$0x7F4] =	sst s0;
	s0 =	simm.s32 @!p1 $0x0  }
0x142: {  	s0 =	simm.s32 @p1 $0x1;
	p1 =	seq.s32 s28, $0x1  }
0x143: {  	[smem:$0x7F0] =	sst s0;
	s0 =	simm.s32 @!p1 $0x0  }
0x144: {  	s26 =	sld [smem:$0x7FC];
	s0 =	simm.s32 @p1 $0x1  }
0x145: {  	[smem:$0x7F3] =	sst s0  }
0x146: {  	s0 =	sld [smem:$0x7F3];
	_ =	sdelay $0x1  }
0x147: {  	s1 =	sld [smem:$0x7FC];
	p6 =	por @!p2 p5, p5;
	p2 =	seq.s32 s26, $0x1  }
0x148: {  	p5 =	por @!p2 $0x0, $0x0;
	s29 =	sld [smem:$0x7F4];
	p1 =	seq.s32 s0, $0x1  }
0x149: {  	s31 =	sld [smem:$0x7FC];
	p1 =	por @!p2 p5, p5  }
0x14a: {  	s15 =	sld [smem:$0x7FC];
	p5 =	por p2, p2;
	s0 =	simm.s32 @!p1 $0x0  }
0x14b: {  	p2 =	por @!p2 $0x1, $0x1;
	s0 =	simm.s32 @p1 $0x1;
	p1 =	seq.s32 s29, $0x1  }
0x14c: {  	s30 =	sld [smem:$0x7F0];
	p1 =	por @!p5 p2, p2  }
0x14d: {  	[smem:$0x7F3] =	sst s0;
	s0 =	simm.s32 @!p1 $0x0  }
0x14e: {  	p2 =	seq.s32 s31, $0x1;
	s0 =	simm.s32 @p1 $0x1;
	p1 =	por @!p5 $0x1, $0x1  }
0x14f: {  	p2 =	por @!p2 $0x1, $0x1;
	s3 =	sld [smem:$0x7F3];
	p6 =	por @!p5 p1, p1  }
0x150: {  	p1 =	seq.s32 s30, $0x1;
	p5 =	por p3, p3;
	p3 =	seq.s32 s1, $0x1  }
0x151: {  	s14 =	sld [smem:$0x7FC];
	p1 =	por @!p3 p2, p2  }
0x152: {  	[smem:$0x7F4] =	sst s0;
	s0 =	simm.s32 @!p1 $0x0  }
0x153: {  	s9 =	sld [smem:$0x7F5];
	s0 =	simm.s32 @p1 $0x1;
	p1 =	seq.s32 s3, $0x1  }
0x154: {  	[smem:$0x7F0] =	sst s0;
	s0 =	simm.s32 @!p1 $0x0  }
0x155: {  	s0 =	simm.s32 @p1 $0x1  }
0x156: {  	p2 =	seq.s32 s14, $0x1;
	p3 =	seq.s32 s15, $0x1;
	[smem:$0x7F6] =	sst s0  }
0x157: {  	p2 =	por @!p2 $0x1, $0x1;
	p1 =	seq.s32 s9, $0x1;
	s16 =	sld [smem:$0x7F6]  }
0x158: {  	p1 =	por @!p3 p2, p2  }
0x159: {  	s18 =	sld [smem:$0x7F3];
	s0 =	simm.s32 @!p1 $0x0  }
0x15a: {  	s0 =	simm.s32 @p1 $0x1;
	p1 =	por @!p5 $0x0, $0x0;
	p2 =	seq.s32 s16, $0x1  }
0x15b: {  	s19 =	sld [smem:$0x7F4];
	p2 =	por @!p5 p1, p1  }
0x15c: {  	[smem:$0x7F5] =	sst s0;
	s0 =	simm.s32 @!p2 $0x0  }
0x15d: {  	p1 =	seq.s32 s18, $0x1;
	s0 =	simm.s32 @p2 $0x1;
	p2 =	por @!p5 $0x1, $0x1  }
0x15e: {  	s24 =	sld [smem:$0x7F0];
	p3 =	por @!p5 $0x1, $0x1;
	p1 =	por @!p5 p2, p2  }
0x15f: {  	[smem:$0x7F6] =	sst s0;
	p2 =	seq.s32 s19, $0x1;
	s0 =	simm.s32 @!p1 $0x0  }
0x160: {  	s25 =	sld [smem:$0x7F6];
	s0 =	simm.s32 @p1 $0x1;
	p1 =	por @!p5 $0x1, $0x1  }
0x161: {  	p2 =	por @!p5 p1, p1;
	p6 =	por @!p5 p1, p1;
	p1 =	seq.s32 s24, $0x1  }
0x162: {  	s26 =	sld [smem:$0x7F5];
	p1 =	por @!p5 p3, p3  }
0x163: {  	[smem:$0x7F3] =	sst s0;
	s0 =	simm.s32 @!p1 $0x0  }
0x164: {  	s0 =	simm.s32 @p1 $0x1;
	p1 =	seq.s32 s25, $0x1  }
0x165: {  	[smem:$0x7F0] =	sst s0;
	s0 =	simm.s32 @!p1 $0x0  }
0x166: {  	s0 =	simm.s32 @p1 $0x1;
	p1 =	seq.s32 s26, $0x1  }
0x167: {  	p1 =	por @!p5 p3, p3  }
0x168: {  	[smem:$0x7F7] =	sst s0;
	s0 =	simm.s32 @!p1 $0x0  }
0x169: {  	s28 =	sld [smem:$0x7F7];
	s0 =	simm.s32 @p1 $0x1  }
0x16a: {  	[smem:$0x7F5] =	sst s0  }
0x16b: {  	s0 =	sld [smem:$0x7F5]  }
0x16c: {  	s29 =	sld [smem:$0x7F3];
	p1 =	por @!p4 $0x0, $0x0;
	p5 =	seq.s32 s28, $0x1  }
0x16d: {  	p5 =	por @!p4 p1, p1  }
0x16e: {  	s1 =	sld [smem:$0x7EF];
	p3 =	seq.s32 s0, $0x1;
	s0 =	simm.s32 @!p5 $0x0  }
0x16f: {  	p1 =	seq.s32 s29, $0x1;
	s0 =	simm.s32 @p5 $0x1;
	p5 =	por @!p4 $0x1, $0x1  }
0x170: {  	s30 =	sld [smem:$0x7F0];
	p1 =	por @!p4 p5, p5  }
0x171: {  	[smem:$0x7F7] =	sst s0;
	s0 =	simm.s32 @!p1 $0x0  }
0x172: {  	p5 =	por @!p4 $0x1, $0x1;
	s0 =	simm.s32 @p1 $0x1;
	p1 =	por @!p4 $0x1, $0x1  }
0x173: {  	p2 =	por @!p4 p1, p1;
	p6 =	por @!p4 p1, p1;
	p1 =	seq.s32 s30, $0x1  }
0x174: {  	s31 =	sld [smem:$0x7F6];
	p1 =	por @!p4 p5, p5  }
0x175: {  	[smem:$0x7F3] =	sst s0;
	s0 =	simm.s32 @!p1 $0x0  }
0x176: {  	p3 =	por @!p4 p5, p5;
	s3 =	sld [smem:$0x7F7];
	s0 =	simm.s32 @p1 $0x1  }
0x177: {  	p1 =	seq.s32 s31, $0x1;
	[smem:$0x7F0] =	sst s0;
	s0 =	simm.s32 @!p3 $0x0  }
0x178: {  	s9 =	sld [smem:$0x7F3];
	p1 =	por @!p4 p5, p5;
	s0 =	simm.s32 @p3 $0x1  }
0x179: {  	p5 =	seq.s32 s1, $0x1;
	[smem:$0x7F5] =	sst s0;
	s0 =	simm.s32 @!p1 $0x0  }
0x17a: {  	p4 =	por @!p5 $0x1, $0x1;
	s0 =	simm.s32 @p1 $0x1;
	p1 =	seq.s32 s3, $0x1  }
0x17b: {  	p1 =	por @!p5 p4, p4  }
0x17c: {  	[smem:$0x7F6] =	sst s0;
	s0 =	simm.s32 @!p1 $0x0  }
0x17d: {  	s0 =	simm.s32 @p1 $0x1;
	p1 =	seq.s32 s9, $0x1  }
0x17e: {  	s15 =	sld [smem:$0x7F5];
	p1 =	por @!p5 p4, p4  }
0x17f: {  	[smem:$0x7F2] =	sst s0;
	s0 =	simm.s32 @!p1 $0x0  }
0x180: {  	p2 =	por @!p5 p4, p4;
	s0 =	simm.s32 @p1 $0x1  }
0x181: {  	[smem:$0x7F3] =	sst s0;
	s0 =	simm.s32 @!p2 $0x0  }
0x182: {  	s16 =	sld [smem:$0x7F6];
	s0 =	simm.s32 @p2 $0x1;
	p2 =	seq.s32 s15, $0x1  }
0x183: {  	p2 =	por @!p5 p4, p4  }
0x184: {  	[smem:$0x7F4] =	sst s0;
	s0 =	simm.s32 @!p2 $0x0  }
0x185: {  	s0 =	simm.s32 @p2 $0x1;
	p2 =	seq.s32 s16, $0x1  }
0x186: {  	p2 =	por @!p5 p4, p4  }
0x187: {  	[smem:$0x7F5] =	sst s0;
	s0 =	simm.s32 @!p2 $0x0  }
0x188: {  	s19 =	sld [smem:$0x7F7];
	s0 =	simm.s32 @p2 $0x1;
	p2 =	por @!p5 $0x0, $0x0  }
0x189: {  	[smem:$0x7F6] =	sst s0;
	s0 =	simm.s32 @!p2 $0x0  }
0x18a: {  	s14 =	sld [smem:$0x7F0];
	s0 =	simm.s32 @p2 $0x1  }
0x18b: {  	[smem:$0x7F1] =	sst s0  }
0x18c: {  	s24 =	sld [smem:$0x7F1]  }
0x18d: {  	s18 =	sld [smem:$0x7FD]  }
0x18e: {  	p6 =	por @!p5 p4, p4;
	s26 =	sld [smem:$0x7F2];
	p1 =	seq.s32 s14, $0x1  }
0x18f: {  	p1 =	por @!p5 p4, p4;
	p4 =	seq.s32 s19, $0x1;
	p3 =	seq.s32 s24, $0x1  }
0x190: {  	s25 =	sld [smem:$0x7F3];
	p2 =	seq.s32 s18, $0x1;
	p4 =	por @!p5 p3, p3  }
0x191: {  	p5 =	por @!p2 $0x1, $0x1;
	p3 =	seq.s32 s26, $0x1;
	s0 =	simm.s32 @!p4 $0x0  }
0x192: {  	s28 =	sld [smem:$0x7F4];
	p3 =	por @!p2 p5, p5;
	s0 =	simm.s32 @p4 $0x1  }
0x193: {  	[smem:$0x7F7] =	sst s0;
	s0 =	simm.s32 @!p3 $0x0  }
0x194: {  	p4 =	seq.s32 s25, $0x1;
	s0 =	simm.s32 @p3 $0x1;
	p3 =	por @!p2 $0x1, $0x1  }
0x195: {  	p4 =	por @!p2 p3, p3  }
0x196: {  	[smem:$0x7F2] =	sst s0;
	s0 =	simm.s32 @!p4 $0x0  }
0x197: {  	p3 =	seq.s32 s28, $0x1;
	s0 =	simm.s32 @p4 $0x1;
	p4 =	por @!p2 $0x1, $0x1  }
0x198: {  	p3 =	por @!p2 p4, p4  }
0x199: {  	[smem:$0x7F3] =	sst s0;
	s0 =	simm.s32 @!p3 $0x0  }
0x19a: {  	s0 =	simm.s32 @p3 $0x1  }
0x19b: {  	[smem:$0x7F4] =	sst s0  }
0x19c: {  	_ =	strace $0x8000004E  }
0x19d: {  	_ =	swait.ge [sflag:s10], $0x800  }
0x19e: {  	s29 =	sld [smem:$0x7F5];
	_ =	sdelay $0x2  }
0x19f: {  	s30 =	sld [smem:$0x7F6];
	p3 =	seq.s32 s29, $0x1  }
0x1a0: {  	p3 =	por @!p2 p4, p4  }
0x1a1: {  	s31 =	sld [smem:$0x7F7];
	s0 =	simm.s32 @!p3 $0x0  }
0x1a2: {  	p5 =	seq.s32 s30, $0x1;
	s0 =	simm.s32 @p3 $0x1;
	p3 =	sgt.u32 s23, $0x10  }
.Ltmp13:
0x1a3: {  	p6 =	por @!p2 p4, p4;
	p5 =	por @!p2 p4, p4;
	(pc) =	sbr.rel @!p3 .LBB2_24-.Ltmp13, $4  }
0x1a4: {  	p1 =	por @!p2 p4, p4;
	[smem:$0x7F5] =	sst s0;
	s0 =	simm.s32 @!p5 $0x0  }
0x1a5: {  	p4 =	seq.s32 s31, $0x1;
	s0 =	simm.s32 @p5 $0x1;
	p5 =	por @!p2 $0x1, $0x1  }
0x1a6: {  	[sflag:s10] =	ssyncset.done $0x0;
	p4 =	por @!p2 p5, p5  }
0x1a7: {  	[sflag:s10] =	ssyncadd.s32 $0xFFFFF800;
	[smem:$0x7F6] =	sst s0;
	p2 =	por p4, p4  }
.Ltmp14:
0x1a8: {  	(pc) =	sbr.rel @p6 .LBB2_25-.Ltmp14, $4  }
0x1a9: {  	_ = 	snop  }
0x1aa: {  	_ =	swait.ge [sflag:s10], $0x800  }
0x1ab: {  	[sflag:s10] =	ssyncset.done $0x0  }
0x1ac: {  	[sflag:s10] =	ssyncadd.s32 $0xFFFFF800  }
.LBB2_33:
.Ltmp15:
0x1ad: {  	(pc) =	sbr.rel @!p1 .LBB2_26-.Ltmp15, $1  }
0x1ae: {  	_ =	sdelay $0x3  }
.LBB2_34:
0x1af: {  	_ =	swait.ge [sflag:s10], $0x800  }
0x1b0: {  	s0 =	sld [smem:$0x7F4];
	_ =	sdelay $0x2  }
0x1b1: {  	p3 =	seq.s32 s0, $0x1  }
.Ltmp16:
0x1b2: {  	_ = 	snop;
	(pc) =	sbr.rel @p3 .LBB2_35-.Ltmp16, $3  }
0x1b3: {  	_ =	sdelay $0x1  }
0x1b4: {  	[sflag:s10] =	ssyncset.done $0x0  }
0x1b5: {  	[sflag:s10] =	ssyncadd.s32 $0xFFFFF800  }
.LBB2_27:
0x1b6: {  	s0 =	sld [smem:$0x7F5];
	_ =	sdelay $0x2  }
0x1b7: {  	p4 =	seq.s32 s0, $0x1  }
.Ltmp17:
0x1b8: {  	_ = 	snop;
	(pc) =	sbr.rel @!p4 .LBB2_28-.Ltmp17, $1  }
0x1b9: {  	_ =	sdelay $0x3  }
.LBB2_36:
0x1ba: {  	_ =	swait.ge [sflag:s10], $0x800  }
0x1bb: {  	s0 =	sld [smem:$0x7F3];
	_ =	sdelay $0x2  }
0x1bc: {  	p1 =	seq.s32 s0, $0x1  }
.Ltmp18:
0x1bd: {  	_ = 	snop;
	(pc) =	sbr.rel @p1 .LBB2_37-.Ltmp18, $3  }
0x1be: {  	_ =	sdelay $0x1  }
0x1bf: {  	[sflag:s10] =	ssyncset.done $0x0  }
0x1c0: {  	[sflag:s10] =	ssyncadd.s32 $0xFFFFF800  }
.LBB2_29:
0x1c1: {  	s0 =	sld [smem:$0x7F6];
	_ =	sdelay $0x2  }
0x1c2: {  	p1 =	seq.s32 s0, $0x1  }
.Ltmp19:
0x1c3: {  	_ = 	snop;
	(pc) =	sbr.rel @!p1 .LBB2_30-.Ltmp19, $1  }
0x1c4: {  	_ =	sdelay $0x3  }
.LBB2_38:
0x1c5: {  	_ =	swait.ge [sflag:s10], $0x800  }
0x1c6: {  	s0 =	sld [smem:$0x7F2];
	_ =	sdelay $0x2  }
0x1c7: {  	p1 =	seq.s32 s0, $0x1  }
.Ltmp20:
0x1c8: {  	_ = 	snop;
	(pc) =	sbr.rel @p1 .LBB2_39-.Ltmp20, $3  }
0x1c9: {  	_ =	sdelay $0x1  }
0x1ca: {  	[sflag:s10] =	ssyncset.done $0x0  }
0x1cb: {  	[sflag:s10] =	ssyncadd.s32 $0xFFFFF800  }
.LBB2_31:
.Ltmp21:
0x1cc: {  	(pc) =	sbr.rel @!p2 .LBB2_46-.Ltmp21, $4  }
.Ltmp22:
0x1cd: {  	(pc) =	sbr.rel @p2 .LBB2_40-.Ltmp22, $4  }
0x1ce: {  	_ = 	snop  }
0x1cf: {  	_ = 	snop  }
0x1d0: {  	_ = 	snop  }
0x1d1: {  	_ = 	snop  }
.LBB2_15:
0x1d2: {  	p2 =	por @!p5 $0x0, $0x0;
	p6 =	por $0x0, $0x0;
	p4 =	por $0x0, $0x0  }
0x1d3: {  	p1 =	por $0x0, $0x0;
	p3 =	por $0x0, $0x0;
	p6 =	por @!p5 p2, p2  }
0x1d4: {  	p4 =	por @!p5 p2, p2;
	p1 =	por @!p5 p2, p2;
	p3 =	por @!p5 p2, p2  }
.LBB2_17:
0x1d5: {  	_ =	strace $0x8000004E  }
0x1d6: {  	_ =	swait.ge [sflag:s10], $0x800  }
0x1d7: {  	[sflag:s10] =	ssyncset.done $0x0  }
0x1d8: {  	[sflag:s10] =	ssyncadd.s32 $0xFFFFF800  }
0x1d9: {  	_ =	swait.ge [sflag:s10], $0x800  }
0x1da: {  	[sflag:s10] =	ssyncset.done $0x0  }
0x1db: {  	[sflag:s10] =	ssyncadd.s32 $0xFFFFF800  }
0x1dc: {  	_ =	swait.ge [sflag:s10], $0x800  }
0x1dd: {  	[sflag:s10] =	ssyncset.done $0x0  }
0x1de: {  	[sflag:s10] =	ssyncadd.s32 $0xFFFFF800  }
0x1df: {  	_ =	swait.ge [sflag:s10], $0x800  }
0x1e0: {  	[sflag:s10] =	ssyncset.done $0x0  }
0x1e1: {  	[sflag:s10] =	ssyncadd.s32 $0xFFFFF800  }
0x1e2: {  	_ =	swait.ge [sflag:s10], $0x800  }
0x1e3: {  	[sflag:s10] =	ssyncset.done $0x0  }
0x1e4: {  	[sflag:s10] =	ssyncadd.s32 $0xFFFFF800  }
0x1e5: {  	_ =	swait.ge [sflag:s10], $0x800  }
0x1e6: {  	[sflag:s10] =	ssyncset.done $0x0  }
0x1e7: {  	[sflag:s10] =	ssyncadd.s32 $0xFFFFF800  }
0x1e8: {  	_ =	swait.ge [sflag:s10], $0x800  }
0x1e9: {  	[sflag:s10] =	ssyncset.done $0x0  }
0x1ea: {  	[sflag:s10] =	ssyncadd.s32 $0xFFFFF800  }
0x1eb: {  	_ =	swait.ge [sflag:s10], $0x800  }
0x1ec: {  	[sflag:s10] =	ssyncset.done $0x0  }
0x1ed: {  	[sflag:s10] =	ssyncadd.s32 $0xFFFFF800  }
0x1ee: {  	_ =	swait.ge [sflag:s10], $0x800  }
0x1ef: {  	[sflag:s10] =	ssyncset.done $0x0  }
0x1f0: {  	[sflag:s10] =	ssyncadd.s32 $0xFFFFF800  }
0x1f1: {  	p2 =	sgt.u32 s23, $0xB0;
	_ =	swait.ge [sflag:s10], $0x800  }
.Ltmp23:
0x1f2: {  	[sflag:s10] =	ssyncset.done $0x0;
	(pc) =	sbr.rel @!p2 .LBB2_41-.Ltmp23, $4  }
0x1f3: {  	[sflag:s10] =	ssyncadd.s32 $0xFFFFF800  }
0x1f4: {  	_ =	swait.ge [sflag:s10], $0x800  }
0x1f5: {  	[sflag:s10] =	ssyncset.done $0x0  }
0x1f6: {  	[sflag:s10] =	ssyncadd.s32 $0xFFFFF800  }
.Ltmp24:
0x1f7: {  	(pc) =	sbr.rel @p4 .LBB2_42-.Ltmp24, $4  }
0x1f8: {  	_ = 	snop  }
0x1f9: {  	_ =	swait.ge [sflag:s10], $0x800  }
0x1fa: {  	[sflag:s10] =	ssyncset.done $0x0  }
0x1fb: {  	[sflag:s10] =	ssyncadd.s32 $0xFFFFF800  }
.LBB2_19:
.Ltmp25:
0x1fc: {  	(pc) =	sbr.rel @!p1 .LBB2_20-.Ltmp25, $1  }
0x1fd: {  	_ =	sdelay $0x3  }
.LBB2_43:
.Ltmp26:
0x1fe: {  	(pc) =	sbr.rel @p6 .LBB2_44-.Ltmp26, $4  }
0x1ff: {  	_ = 	snop  }
0x200: {  	_ =	swait.ge [sflag:s10], $0x800  }
0x201: {  	[sflag:s10] =	ssyncset.done $0x0  }
0x202: {  	[sflag:s10] =	ssyncadd.s32 $0xFFFFF800  }
.LBB2_21:
.Ltmp27:
0x203: {  	(pc) =	sbr.rel @!p3 .LBB2_46-.Ltmp27, $4  }
.Ltmp28:
0x204: {  	(pc) =	sbr.rel @p3 .LBB2_45-.Ltmp28, $4  }
0x205: {  	_ = 	snop  }
0x206: {  	_ = 	snop  }
0x207: {  	_ = 	snop  }
0x208: {  	_ = 	snop  }
.LBB2_24:
.Ltmp29:
0x209: {  	(pc) =	sbr.rel @!p6 .LBB2_33-.Ltmp29, $1  }
0x20a: {  	_ =	sdelay $0x3  }
.LBB2_25:
.Ltmp30:
0x20b: {  	(pc) =	sbr.rel @p1 .LBB2_34-.Ltmp30, $4  }
0x20c: {  	_ = 	snop  }
0x20d: {  	_ =	swait.ge [sflag:s10], $0x800  }
0x20e: {  	[sflag:s10] =	ssyncset.done $0x0  }
0x20f: {  	[sflag:s10] =	ssyncadd.s32 $0xFFFFF800  }
.LBB2_26:
0x210: {  	s0 =	sld [smem:$0x7F4];
	_ =	sdelay $0x2  }
0x211: {  	p3 =	seq.s32 s0, $0x1  }
.Ltmp31:
0x212: {  	_ = 	snop;
	(pc) =	sbr.rel @!p3 .LBB2_27-.Ltmp31, $1  }
0x213: {  	_ =	sdelay $0x3  }
.LBB2_35:
0x214: {  	_ =	swait.ge [sflag:s10], $0x800  }
0x215: {  	s0 =	sld [smem:$0x7F5];
	_ =	sdelay $0x2  }
0x216: {  	p4 =	seq.s32 s0, $0x1  }
.Ltmp32:
0x217: {  	_ = 	snop;
	(pc) =	sbr.rel @p4 .LBB2_36-.Ltmp32, $3  }
0x218: {  	_ =	sdelay $0x1  }
0x219: {  	[sflag:s10] =	ssyncset.done $0x0  }
0x21a: {  	[sflag:s10] =	ssyncadd.s32 $0xFFFFF800  }
.LBB2_28:
0x21b: {  	s0 =	sld [smem:$0x7F3];
	_ =	sdelay $0x2  }
0x21c: {  	p1 =	seq.s32 s0, $0x1  }
.Ltmp33:
0x21d: {  	_ = 	snop;
	(pc) =	sbr.rel @!p1 .LBB2_29-.Ltmp33, $1  }
0x21e: {  	_ =	sdelay $0x3  }
.LBB2_37:
0x21f: {  	_ =	swait.ge [sflag:s10], $0x800  }
0x220: {  	s0 =	sld [smem:$0x7F6];
	_ =	sdelay $0x2  }
0x221: {  	p1 =	seq.s32 s0, $0x1  }
.Ltmp34:
0x222: {  	_ = 	snop;
	(pc) =	sbr.rel @p1 .LBB2_38-.Ltmp34, $3  }
0x223: {  	_ =	sdelay $0x1  }
0x224: {  	[sflag:s10] =	ssyncset.done $0x0  }
0x225: {  	[sflag:s10] =	ssyncadd.s32 $0xFFFFF800  }
.LBB2_30:
0x226: {  	s0 =	sld [smem:$0x7F2];
	_ =	sdelay $0x2  }
0x227: {  	p1 =	seq.s32 s0, $0x1  }
.Ltmp35:
0x228: {  	_ = 	snop;
	(pc) =	sbr.rel @!p1 .LBB2_31-.Ltmp35, $1  }
0x229: {  	_ =	sdelay $0x3  }
.LBB2_39:
.Ltmp36:
0x22a: {  	(pc) =	sbr.rel @!p2 .LBB2_46-.Ltmp36, $4  }
0x22b: {  	_ = 	snop  }
0x22c: {  	_ =	swait.ge [sflag:s10], $0x800  }
0x22d: {  	[sflag:s10] =	ssyncset.done $0x0  }
0x22e: {  	[sflag:s10] =	ssyncadd.s32 $0xFFFFF800  }
.LBB2_40:
.Ltmp37:
0x22f: {  	(pc) =	sbr.rel .LBB2_46-.Ltmp37, $4  }
0x230: {  	_ = 	snop  }
0x231: {  	_ =	swait.ge [sflag:s10], $0x800  }
0x232: {  	[sflag:s10] =	ssyncset.done $0x0  }
0x233: {  	[sflag:s10] =	ssyncadd.s32 $0xFFFFF800  }
.LBB2_41:
.Ltmp38:
0x234: {  	(pc) =	sbr.rel @!p4 .LBB2_19-.Ltmp38, $1  }
0x235: {  	_ =	sdelay $0x3  }
.LBB2_42:
.Ltmp39:
0x236: {  	(pc) =	sbr.rel @p1 .LBB2_43-.Ltmp39, $4  }
0x237: {  	_ = 	snop  }
0x238: {  	_ =	swait.ge [sflag:s10], $0x800  }
0x239: {  	[sflag:s10] =	ssyncset.done $0x0  }
0x23a: {  	[sflag:s10] =	ssyncadd.s32 $0xFFFFF800  }
.LBB2_20:
.Ltmp40:
0x23b: {  	(pc) =	sbr.rel @!p6 .LBB2_21-.Ltmp40, $1  }
0x23c: {  	_ =	sdelay $0x3  }
.LBB2_44:
.Ltmp41:
0x23d: {  	(pc) =	sbr.rel @!p3 .LBB2_46-.Ltmp41, $4  }
0x23e: {  	_ = 	snop  }
0x23f: {  	_ =	swait.ge [sflag:s10], $0x800  }
0x240: {  	[sflag:s10] =	ssyncset.done $0x0  }
0x241: {  	[sflag:s10] =	ssyncadd.s32 $0xFFFFF800  }
.LBB2_45:
0x242: {  	_ =	swait.ge [sflag:s10], $0x800  }
0x243: {  	[sflag:s10] =	ssyncset.done $0x0  }
0x244: {  	[sflag:s10] =	ssyncadd.s32 $0xFFFFF800  }
.LBB2_46:
0x245: {  	p1 =	sgt.s32 s21, $0x0  }
.Ltmp42:
0x246: {  	_ = 	snop;
	(pc) =	sbr.rel @!p1 .LBB2_49-.Ltmp42, $2  }
0x247: {  	_ =	sdelay $0x2  }
0x248: {  	_ =	strace $0x9000004E  }
0x249: {  	p2 =	seq.s32 s21, $0x1  }
.Ltmp43:
0x24a: {  	_ = 	snop;
	(pc) =	sbr.rel @p2 .LBB2_48-.Ltmp43, $3  }
0x24b: {  	_ =	sdelay $0x1  }
0x24c: {  	s1 =	simm.s32 $0x2200;
	s0 =	simm.s32 $0x2380  }
0x24d: {  	s3 =	simm.s32 $0x0;
	p1 =	por $0x0, $0x0;
	v15 =	vld [tilespmem:s1+$0x0];
	s1 =	sadd.s32 $0xFFFFFFFF, s21  }
0x24e: {  	_ =	sdelay $0x1  }
0x24f: {  	v16 =	vmov s3  }
0x250: {  	v16 =	vshll.u32 v16, $0x7  }
0x251: {  	v16 =	vor.u32 v5, v16;
	v17 =	vand.u32 $0x7F, v15  }
0x252: {  	v16 =	vor.u32 v16, v17;
	_ =	sdelay $0x4  }
0x253: {  	v16 =	vld.idx.msk [tilespmem:v16+s13+$0x0], $0xffff;
	_ =	sdelay $0x1  }
0x254: {  	p2 =	seq.s32 s1, $0x1  }
.Ltmp44:
0x255: {  	_ = 	snop;
	(pc) =	sbr.rel @p2 .LBB2_57-.Ltmp44, $4  }
0x256: {  	vm1 =	vgt.s32 v15, $0xFFFFFFFF  }
0x257: {  	v15 =	vnsel vm1, $0xFF61B1E6, v16  }
0x258: {  	s24 =	simm.s32 $0x2210;
	s25 =	sadd.s32 $0xFFFFFFFF, s1;
	[tilespmem:s0+$0x0] =	vst v15  }
0x259: {  	p1 =	por $0x1, $0x1;
	s16 =	simm.s32 $0x0;
	s9 =	simm.s32 $0x2380;
	v15 =	vld [tilespmem:s24+$0x0]  }
.LBB2_58:
0x25a: {  	p2 =	seq.s32 s25, $0x1  }
0x25b: {  	s16 =	sadd.s32 $0x10, s16  }
0x25c: {  	v16 =	vmov s16  }
0x25d: {  	v16 =	vshll.u32 v16, $0x7  }
0x25e: {  	v16 =	vor.u32 v5, v16;
	v17 =	vand.u32 $0x7F, v15  }
0x25f: {  	v16 =	vor.u32 v16, v17;
	_ =	sdelay $0x4  }
0x260: {  	v16 =	vld.idx.msk [tilespmem:v16+s13+$0x0], $0xffff;
	_ =	sdelay $0x3  }
.Ltmp45:
0x261: {  	(pc) =	sbr.rel @!p2 .LBB2_58-.Ltmp45, $4  }
0x262: {  	vm1 =	vgt.s32 v15, $0xFFFFFFFF  }
0x263: {  	s9 =	sadd.s32 $0x10, s9;
	v15 =	vnsel vm1, $0xFF61B1E6, v16  }
0x264: {  	s24 =	sadd.s32 $0x10, s24;
	[tilespmem:s9+$0x0] =	vst v15  }
0x265: {  	s25 =	sadd.s32 $0xFFFFFFFF, s25;
	v15 =	vld [tilespmem:s24+$0x0]  }
.LBB2_59:
0x266: {  	s1 =	sadd.s32 @p1 $0x10, s16  }
0x267: {  	s3 =	smov.u32 @p1 s1  }
0x268: {  	v16 =	vmov s3  }
0x269: {  	v16 =	vshll.u32 v16, $0x7  }
0x26a: {  	v17 =	vand.u32 $0x7F, v15;
	v16 =	vor.u32 v5, v16  }
0x26b: {  	v16 =	vor.u32 v16, v17;
	_ =	sdelay $0x4  }
0x26c: {  	v16 =	vld.idx.msk [tilespmem:v16+s13+$0x0], $0xffff;
	_ =	sdelay $0x3  }
0x26d: {  	s1 =	sadd.s32 @p1 $0x10, s9;
	vm1 =	vgt.s32 v15, $0xFFFFFFFF  }
0x26e: {  	s0 =	smov.u32 @p1 s1;
	v15 =	vnsel vm1, $0xFF61B1E6, v16  }
0x26f: {  	[tilespmem:s0+$0x0] =	vst v15  }
.LBB2_49:
0x270: {  	p1 =	sgt.s32 s23, $0x0  }
.Ltmp46:
0x271: {  	_ = 	snop;
	(pc) =	sbr.rel @!p1 .LBB2_53-.Ltmp46, $4  }
0x272: {  	[tilespmem:$0xAB80] =	vst v6  }
0x273: {  	[tilespmem:$0xAB90] =	vst v6  }
0x274: {  	[tilespmem:$0xABA0] =	vst v6  }
0x275: {  	_ =	strace $0x8000004F  }
0x276: {  	s3 =	simm.s32 $0x2200  }
0x277: {  	v15 =	vld [tilespmem:s3+$0x0];
	_ =	sdelay $0x4  }
0x278: {  	(v2sf) =	vpush v15, $0x0;
	_ =	sdelay $0xe  }
0x279: {  	s1 =	spop (v2sf)  }
0x27a: {  	s1 =	sshra.s32 s1, $0xE  }
0x27b: {  	s16 =	ssub.s32 s1, s5  }
0x27c: {  	v16 =	vld [tilespmem:s16+$0xAB80];
	_ =	sdelay $0x4  }
0x27d: {  	(v2sf) =	vpush v16, $0x0;
	_ =	sdelay $0xe  }
0x27e: {  	s1 =	spop (v2sf)  }
0x27f: {  	p1 =	slt.s32 s1, $0xF  }
0x280: {  	s9 =	sshll.u32 s16, $0x4;
	s14 =	sadd.s32 $0x1, s1;
	s1 =	simm.s32 @!p1 $0xF  }
0x281: {  	s1 =	sadd.s32 s1, s9  }
0x282: {  	v16 =	vld [tilespmem:s1+$0xA680];
	_ =	sdelay $0x4  }
0x283: {  	v15 =	vsel vm0, v15, v16  }
0x284: {  	s0 =	simm.s32 $0x2380;
	[tilespmem:s1+$0xA680] =	vst v15;
	v15 =	vld [tilespmem:s1+$0xA900]  }
0x285: {  	v16 =	vld [tilespmem:s0+$0x0];
	_ =	sdelay $0x4  }
0x286: {  	v15 =	vsel vm0, v16, v15  }
0x287: {  	[tilespmem:s1+$0xA900] =	vst v15  }
0x288: {  	p1 =	sne.s32 s22, $0x1;
	v15 =	vld [tilespmem:s16+$0xAB80]  }
.Ltmp47:
0x289: {  	_ = 	snop;
	(pc) =	sbr.rel @!p1 .LBB2_52-.Ltmp47, $3  }
0x28a: {  	_ =	sdelay $0x1  }
0x28b: {  	vm1 =	veq.s32 v3, $0x0  }
0x28c: {  	s9 =	sadd.s32 $0xFFFFFFFF, s22;
	v15 =	vsel vm1, s14, v15  }
.LBB2_51:
0x28d: {  	p1 =	sne.s32 s9, $0x1;
	[tilespmem:s16+$0xAB80] =	vst v15;
	s0 =	sadd.s32 $0x1, s0;
	s3 =	sadd.s32 $0x1, s3  }
0x28e: {  	s9 =	sadd.s32 $0xFFFFFFFF, s9;
	v15 =	vld [tilespmem:s3+$0x0];
	_ =	sdelay $0x4  }
0x28f: {  	(v2sf) =	vpush v15, $0x0;
	_ =	sdelay $0xe  }
0x290: {  	s1 =	spop (v2sf)  }
0x291: {  	s1 =	sshra.s32 s1, $0xE  }
0x292: {  	s16 =	ssub.s32 s1, s5  }
0x293: {  	v16 =	vld [tilespmem:s16+$0xAB80];
	_ =	sdelay $0x4  }
0x294: {  	(v2sf) =	vpush v16, $0x0;
	_ =	sdelay $0xe  }
0x295: {  	s1 =	spop (v2sf)  }
0x296: {  	p2 =	slt.s32 s1, $0xF;
	s15 =	smov.u32 s1  }
0x297: {  	s14 =	sshll.u32 s16, $0x4;
	s15 =	simm.s32 @!p2 $0xF  }
0x298: {  	s14 =	sadd.s32 s15, s14  }
0x299: {  	v16 =	vld [tilespmem:s14+$0xA680];
	_ =	sdelay $0x4  }
0x29a: {  	v15 =	vsel vm0, v15, v16  }
0x29b: {  	[tilespmem:s14+$0xA680] =	vst v15;
	v15 =	vld [tilespmem:s14+$0xA900]  }
0x29c: {  	v16 =	vld [tilespmem:s0+$0x0];
	_ =	sdelay $0x4  }
0x29d: {  	v15 =	vsel vm0, v16, v15  }
0x29e: {  	[tilespmem:s14+$0xA900] =	vst v15  }
0x29f: {  	v15 =	vld [tilespmem:s16+$0xAB80]  }
.Ltmp48:
0x2a0: {  	(pc) =	sbr.rel @p1 .LBB2_51-.Ltmp48, $3  }
0x2a1: {  	_ =	sdelay $0x1  }
0x2a2: {  	s1 =	sadd.s32 $0x1, s1  }
0x2a3: {  	v15 =	vsel vm1, s1, v15  }
.LBB2_52:
0x2a4: {  	[tilespmem:s16+$0xAB80] =	vst v15  }
.LBB2_53:
.Ltmp49:
0x2a5: {  	(pc) =	sbr.rel .LBB2_54-.Ltmp49, $4  }
0x2a6: {  	_ = 	snop  }
0x2a7: {  	_ =	strace $0x9000004F  }
0x2a8: {  	s22 =	simm.s32 $0xBE80;
	s23 =	simm.s32 $0xBE81;
	s24 =	simm.s32 $0xB001  }
0x2a9: {  	s25 =	simm.s32 $0x0;
	s26 =	simm.s32 $0x0;
	_ =	strace $0x80000050  }
.LBB2_55:
0x2aa: {  	v17 =	vmpcnt.ones.xlane vm1;
	_ =	sdelay $0x1  }
0x2ab: {  	(xrf1) =	vsort.ascd.msk.u32 vm1, v4, v16;
	(v2sf) =	vpush v17, $0x0  }
0x2ac: {  	(xrf1) =	vsort.ascd.msk.u32 vm1, v4, v15;
	_ =	sdelay $0xc  }
0x2ad: {  	_, v15, _ =	vpop (xrf1)  }
0x2ae: {  	[tilespmem:s0+$0xBE80] =	vst v15;
	_, v15, _ =	vpop (xrf1);
	s1 =	spop (v2sf)  }
0x2af: {  	[tilespmem:s0+$0xB000] =	vst v15;
	s31 =	sadd.s32 s0, s1  }
0x2b0: {  	v15 =	vld [tilespmem:s31+$0xBE80]  }
0x2b1: {  	v54 =	vld [tilespmem:s31+$0xB000]  }
0x2b2: {  	s1 =	ssub.s32 $0x64, s1;
	v55 =	vld [tilespmem:s31+$0xBE90]  }
0x2b3: {  	v18 =	vmov s1;
	v19 =	vld [tilespmem:s31+$0xB010]  }
0x2b4: {  	v20 =	vld [tilespmem:s31+$0xBEA0];
	vm1 =	vgt.s32 v18, v3  }
0x2b5: {  	v21 =	vld [tilespmem:s31+$0xB020];
	v15 =	vsel vm1, v3, v15  }
0x2b6: {  	v56 =	vld [tilespmem:s31+$0xBEB0];
	[tilespmem:s31+$0xBE80] =	vst v15;
	v15 =	vsel vm1, $0xCE6E6B28, v54;
	vm1 =	vgt.s32 v18, v9  }
0x2b7: {  	v57 =	vld [tilespmem:s31+$0xB030];
	[tilespmem:s31+$0xB000] =	vst v15;
	v15 =	vsel vm1, v9, v55  }
0x2b8: {  	v58 =	vld [tilespmem:s31+$0xBEC0];
	[tilespmem:s31+$0xBE90] =	vst v15;
	v15 =	vsel vm1, $0xCE6E6B28, v19;
	vm1 =	vgt.s32 v18, v10  }
0x2b9: {  	v59 =	vld [tilespmem:s31+$0xB040];
	[tilespmem:s31+$0xB010] =	vst v15;
	v15 =	vsel vm1, v10, v20  }
0x2ba: {  	v60 =	vld [tilespmem:s31+$0xBED0];
	[tilespmem:s31+$0xBEA0] =	vst v15;
	v15 =	vsel vm1, $0xCE6E6B28, v21;
	vm1 =	vgt.s32 v18, v11  }
0x2bb: {  	v61 =	vld [tilespmem:s31+$0xB050];
	[tilespmem:s31+$0xB020] =	vst v15;
	v15 =	vsel vm1, v11, v56  }
0x2bc: {  	v62 =	vld [tilespmem:s31+$0xBEE0];
	[tilespmem:s31+$0xBEB0] =	vst v15;
	v15 =	vsel vm1, $0xCE6E6B28, v57;
	vm1 =	vgt.s32 v18, v12  }
0x2bd: {  	v63 =	vld [tilespmem:s31+$0xB060];
	[tilespmem:s31+$0xB030] =	vst v15;
	v15 =	vsel vm1, v12, v58  }
0x2be: {  	[tilespmem:s31+$0xBEC0] =	vst v15;
	v15 =	vsel vm1, $0xCE6E6B28, v59;
	vm1 =	vgt.s32 v18, v13  }
0x2bf: {  	[tilespmem:s31+$0xB040] =	vst v15;
	v15 =	vsel vm1, v13, v60  }
0x2c0: {  	[tilespmem:s31+$0xBED0] =	vst v15;
	v15 =	vsel vm1, $0xCE6E6B28, v61;
	vm1 =	vgt.s32 v18, v14  }
0x2c1: {  	[tilespmem:s31+$0xB050] =	vst v15;
	v15 =	vsel vm1, v14, v62  }
0x2c2: {  	[tilespmem:s31+$0xBEE0] =	vst v15;
	v15 =	vsel vm1, $0xCE6E6B28, v63  }
0x2c3: {  	[tilespmem:s31+$0xB060] =	vst v15  }
.LBB2_96:
0x2c4: {  	s26 =	sadd.s32 $0x1, s26  }
0x2c5: {  	p1 =	sne.s32 s26, $0x20  }
.Ltmp50:
0x2c6: {  	_ = 	snop;
	(pc) =	sbr.rel @!p1 .LBB2_97-.Ltmp50, $3  }
0x2c7: {  	_ =	sdelay $0x1  }
0x2c8: {  	s22 =	sadd.s32 $0x70, s22  }
0x2c9: {  	s23 =	sadd.s32 $0x70, s23;
	s24 =	sadd.s32 $0x70, s24;
	s25 =	sadd.s32 $0x70, s25  }
.LBB2_54:
0x2ca: {  	v17 =	vld [tilespmem:s26+$0xAB80]  }
0x2cb: {  	s0 =	sshll.u32 s26, $0x4  }
0x2cc: {  	v15 =	vld [tilespmem:s0+$0xA680]  }
0x2cd: {  	v16 =	vld [tilespmem:s0+$0xA900];
	_ =	sdelay $0x1  }
0x2ce: {  	v18 =	vbroadcast v17, $0x0;
	_ =	sdelay $0x1  }
0x2cf: {  	vm1 =	vgt.s32 v18, v3  }
0x2d0: {  	(xrf1) =	vsort.dscd.msk.f32 vm1, v16, v15;
	_ =	sdelay $0xc  }
0x2d1: {  	[tilespmem:$0xAC00] =	vst v7  }
0x2d2: {  	[tilespmem:$0xAC80] =	vst v2;
	v15, v16, _ =	vpop (xrf1)  }
0x2d3: {  	[tilespmem:$0xAC01] =	vst v15  }
0x2d4: {  	[tilespmem:$0xAC81] =	vst v16;
	v18 =	vld [tilespmem:$0xAC00]  }
0x2d5: {  	v19 =	vld [tilespmem:$0xAC80];
	_ =	sdelay $0x4  }
0x2d6: {  	vm2 =	veq.f32 v15, v18;
	vm3 =	vne.s32 v16, v19  }
0x2d7: {  	vm2 =	vmand vm2, vm3  }
0x2d8: {  	v16 =	vand.u32 $0x3FFF, v16;
	vm2 =	vmand vm1, vm2  }
0x2d9: {  	vm1 =	vmand vm1, vm3;
	v18 =	vmpcnt.ones.xlane vm2;
	vm2 =	vlt.u32 v16, $0x100  }
0x2da: {  	(v2sf) =	vpush v17, $0x0;
	vm2 =	vmand vm2, vm1  }
0x2db: {  	(v2sf) =	vpush v18, $0x0;
	v17 =	vmpcnt.ones.xlane vm2;
	_ =	sdelay $0x1  }
0x2dc: {  	(v2sf) =	vpush v17, $0x0;
	_ =	sdelay $0xb  }
0x2dd: {  	s31 =	spop (v2sf)  }
0x2de: {  	p1 =	sgt.s32 s31, $0x10;
	s1 =	spop (v2sf)  }
0x2df: {  	p2 =	sgt.s32 @!p1 s1, $0x0  }
0x2e0: {  	s0 =	spop (v2sf);
	p1 =	por p1, p2  }
0x2e1: {  	p2 =	sgt.s32 @!p1 s0, $0x0  }
0x2e2: {  	p1 =	por p1, p2  }
.Ltmp51:
0x2e3: {  	_ = 	snop;
	(pc) =	sbr.rel @!p1 .LBB2_55-.Ltmp51, $2  }
0x2e4: {  	_ =	sdelay $0x2  }
0x2e5: {  	s0 =	smul.u32 $0x70, s26  }
.Ltmp52:
0x2e6: {  	(pc) =	sbr.rel @p0 .LBB2_61-.Ltmp52, $4  }
0x2e7: {  	s1 =	sor.u32 s5, s26  }
0x2e8: {  	s1 =	sshll.u32 s1, $0xE  }
0x2e9: {  	s3 =	sadd.s32 $0x4000, s1  }
0x2ea: {  	p1 =	sne.s32 s21, $0x1;
	v15 =	vmov s1;
	v16 =	vmov s3  }
0x2eb: {  	s9 =	simm.s32 $0x2200  }
0x2ec: {  	v19 =	vld [tilespmem:s9+$0x0]  }
.Ltmp53:
0x2ed: {  	s3 =	simm.s32 $0x2380;
	(pc) =	sbr.rel @!p1 .LBB2_64-.Ltmp53, $2  }
0x2ee: {  	v18 =	vld [tilespmem:s3+$0x0];
	_ =	sdelay $0x2  }
0x2ef: {  	v17 =	vimm.f32 $-3.000000010e+38;
	s14 =	sadd.s32 $0xFFFFFFFF, s21;
	s1 =	simm.s32 $0x2210;
	s15 =	simm.s32 $0x2380;
	vm1 =	vge.s32 v19, v15;
	vm2 =	vlt.s32 v19, v16  }
.LBB2_63:
0x2f0: {  	v19 =	vld [tilespmem:s1+$0x0];
	p2 =	sne.s32 s14, $0x1;
	s14 =	sadd.s32 $0xFFFFFFFF, s14;
	vm1 =	vmand vm1, vm2  }
.Ltmp54:
0x2f1: {  	s15 =	sadd.s32 $0x10, s15;
	v20 =	vnsel vm1, $0xFF61B1E6, v18;
	(pc) =	sbr.rel @p2 .LBB2_63-.Ltmp54, $2  }
0x2f2: {  	v18 =	vld [tilespmem:s15+$0x0];
	v17 =	vmax.f32 v17, v20;
	_ =	sdelay $0x2  }
0x2f3: {  	s1 =	sadd.s32 $0x10, s1;
	vm1 =	vge.s32 v19, v15;
	vm2 =	vlt.s32 v19, v16  }
.LBB2_64:
0x2f4: {  	vm1 =	vmand vm1, vm2  }
0x2f5: {  	v18 =	vnsel vm1, $0xFF61B1E6, v18  }
0x2f6: {  	v17 =	vmax.f32 v17, v18  }
0x2f7: {  	(xrf0) =	vmax.scan.msk.f32 $0xffff, v17;
	_ =	sdelay $0x5  }
0x2f8: {  	v17, _, _ =	vpop (xrf0)  }
0x2f9: {  	(v2sf) =	vpush v17, $0xF;
	_ =	sdelay $0x9  }
0x2fa: {  	v19 =	vld [tilespmem:s9+$0x0]  }
.Ltmp55:
0x2fb: {  	v20 =	vld [tilespmem:s3+$0x0];
	(pc) =	sbr.rel @!p1 .LBB2_66-.Ltmp55, $3  }
0x2fc: {  	_ =	sdelay $0x1  }
0x2fd: {  	v18 =	vbroadcast v17, $0xF  }
0x2fe: {  	s14 =	sadd.s32 $0xFFFFFFFF, s21;
	s15 =	simm.s32 $0x2210;
	vm1 =	vge.s32 v19, v15;
	vm2 =	vlt.s32 v19, v16;
	v17 =	vimm.s32 $0x40000000;
	s9 =	spop (v2sf)  }
.LBB2_65:
0x2ff: {  	v21 =	vld [tilespmem:s15+$0x0];
	p2 =	sne.s32 s14, $0x1;
	s14 =	sadd.s32 $0xFFFFFFFF, s14;
	vm1 =	vmand vm1, vm2;
	vm2 =	veq.f32 v20, v18;
	s3 =	sadd.s32 $0x10, s3  }
.Ltmp56:
0x300: {  	v20 =	vld [tilespmem:s3+$0x0];
	vm1 =	vmand vm1, vm2;
	(pc) =	sbr.rel @p2 .LBB2_65-.Ltmp56, $4  }
0x301: {  	v19 =	vnsel vm1, $0x40000000, v19  }
0x302: {  	vm1 =	vlt.s32 v17, v19  }
0x303: {  	v17 =	vsel vm1, v17, v19  }
0x304: {  	s15 =	sadd.s32 $0x10, s15;
	vm1 =	vge.s32 v21, v15;
	vm2 =	vlt.s32 v21, v16;
	v19 =	vmov v21  }
.LBB2_66:
0x305: {  	vm1 =	vmand vm1, vm2;
	vm2 =	veq.f32 v20, v18  }
.Ltmp57:
0x306: {  	vm1 =	vmand vm1, vm2;
	(pc) =	sbr.rel .LBB2_67-.Ltmp57, $4  }
0x307: {  	v18 =	vnsel vm1, $0x40000000, v19  }
0x308: {  	vm1 =	vlt.s32 v17, v18  }
0x309: {  	v17 =	vsel vm1, v17, v18  }
0x30a: {  	v17 =	vxor.u32 $0x80000000, v17  }
.LBB2_61:
0x30b: {  	v17 =	vimm.s32 $0xC0000000;
	s9 =	smov.u32 s17  }
.LBB2_67:
0x30c: {  	p2 =	sgt.f32 s9, $-1.000000020e+30  }
.Ltmp58:
0x30d: {  	_ = 	snop;
	(pc) =	sbr.rel @!p2 .LBB2_80-.Ltmp58, $2  }
0x30e: {  	_ =	sdelay $0x2  }
0x30f: {  	s31 =	simm.s32 $0x0;
	s3 =	simm.s32 $0x64;
	s15 =	simm.s32 $0x0  }
0x310: {  	(xrf0) =	vmin.scan.msk.u32 $0xffff, v17;
	_ =	sdelay $0x5  }
0x311: {  	v17, _, _ =	vpop (xrf0)  }
0x312: {  	(v2sf) =	vpush v17, $0xF;
	_ =	sdelay $0xa  }
.Ltmp59:
0x313: {  	_ = 	snop;
	(pc) =	sbr.rel .LBB2_69-.Ltmp59, $3  }
0x314: {  	_ =	sdelay $0x1  }
0x315: {  	s15 =	simm.s32 $0x0;
	s16 =	simm.s32 $0x40000000;
	s1 =	simm.s32 $0x1  }
0x316: {  	s18 =	smov.u32 s24;
	s29 =	smov.u32 s23;
	v17 =	vmov s0;
	s14 =	spop (v2sf)  }
.LBB2_99:
0x317: {  	v18 =	vimm.s32 $0xC0000000;
	s9 =	smov.u32 s17  }
.LBB2_77:
0x318: {  	(xrf0) =	vmin.scan.msk.u32 $0xffff, v18;
	_ =	sdelay $0x5  }
0x319: {  	v18, _, _ =	vpop (xrf0)  }
0x31a: {  	(v2sf) =	vpush v18, $0xF;
	_ =	sdelay $0x6  }
0x31b: {  	p2 =	sgt.u32 s30, $0x62  }
0x31c: {  	p4 =	sgt.f32 @!p2 s9, $-1.000000020e+30  }
0x31d: {  	p3 =	slt.s32 s16, s3  }
0x31e: {  	s3 =	smov.u32 @p3 s16;
	p3 =	por p2, !p4  }
.Ltmp60:
0x31f: {  	_ = 	snop;
	(pc) =	sbr.rel @p3 .LBB2_78-.Ltmp60, $3  }
0x320: {  	_ =	sdelay $0x1  }
0x321: {  	s15 =	sadd.s32 $0x1, s30;
	s1 =	sadd.s32 $0x1, s0;
	s29 =	sadd.s32 $0x1, s19  }
0x322: {  	s18 =	sadd.s32 $0x1, s28;
	s16 =	smov.u32 s3;
	s14 =	spop (v2sf)  }
.LBB2_69:
0x323: {  	_ =	sdelay $0x3  }
0x324: {  	v18 =	vld.idx.msk [tilespmem:v17+s15+$0xBE80 ss:$0x1], $0xffff;
	_ =	sdelay $0x3  }
0x325: {  	s3 =	sand.u32 $0x3FFF, s14;
	vm1 =	veq.s32 v3, $0x0  }
0x326: {  	v18 =	vsel vm1, s3, v18  }
0x327: {  	[tilespmem:v17+s15+$0xBE80 ss:$0x1] =	vst.idx.msk $0xffff, v18  }
0x328: {  	v18 =	vld.idx.msk [tilespmem:v17+s15+$0xB000 ss:$0x1], $0xffff;
	_ =	sdelay $0x1  }
.Ltmp61:
0x329: {  	_ = 	snop;
	(pc) =	sbr.rel @p0 .LBB2_99-.Ltmp61, $3  }
0x32a: {  	_ =	sdelay $0x1  }
0x32b: {  	s30 =	smov.u32 s15;
	v18 =	vsel vm1, s9, v18  }
0x32c: {  	s0 =	smov.u32 s1;
	s19 =	smov.u32 s29;
	s28 =	smov.u32 s18;
	[tilespmem:v17+s15+$0xB000 ss:$0x1] =	vst.idx.msk $0xffff, v18  }
.Ltmp62:
0x32d: {  	(pc) =	sbr.rel @!p1 .LBB2_72-.Ltmp62, $3  }
0x32e: {  	_ =	sdelay $0x1  }
0x32f: {  	s1 =	sxor.u32 $0x80000000, s14;
	s14 =	simm.s32 $0x2200;
	s9 =	simm.s32 $0x2380  }
0x330: {  	s15 =	simm.s32 $0x2380;
	s18 =	simm.s32 $0x2200;
	v18 =	vmov s1;
	v19 =	vld [tilespmem:s14+$0x0];
	s1 =	sadd.s32 $0xFFFFFFFF, s21  }
.LBB2_71:
0x331: {  	p2 =	sne.s32 s1, $0x1;
	v20 =	vld [tilespmem:s15+$0x0];
	_ =	sdelay $0x2  }
.Ltmp63:
0x332: {  	(pc) =	sbr.rel @p2 .LBB2_71-.Ltmp63, $4  }
0x333: {  	vm1 =	veq.s32 v19, v18  }
0x334: {  	v19 =	vsel vm1, $0xFF61B1E6, v20  }
0x335: {  	s18 =	sadd.s32 $0x10, s18;
	[tilespmem:s15+$0x0] =	vst v19  }
0x336: {  	s1 =	sadd.s32 $0xFFFFFFFF, s1;
	s15 =	sadd.s32 $0x10, s15;
	v19 =	vld [tilespmem:s18+$0x0]  }
.LBB2_72:
0x337: {  	v20 =	vld [tilespmem:s15+$0x0];
	_ =	sdelay $0x3  }
0x338: {  	vm1 =	veq.s32 v19, v18  }
0x339: {  	v18 =	vsel vm1, $0xFF61B1E6, v20  }
0x33a: {  	[tilespmem:s15+$0x0] =	vst v18  }
0x33b: {  	v20 =	vld [tilespmem:s14+$0x0]  }
.Ltmp64:
0x33c: {  	_ = 	snop;
	(pc) =	sbr.rel @!p1 .LBB2_74-.Ltmp64, $2  }
0x33d: {  	v19 =	vld [tilespmem:s9+$0x0];
	_ =	sdelay $0x2  }
0x33e: {  	s1 =	simm.s32 $0x2210;
	v18 =	vimm.f32 $-3.000000010e+38;
	s14 =	sadd.s32 $0xFFFFFFFF, s21;
	vm1 =	vge.s32 v20, v15;
	vm2 =	vlt.s32 v20, v16  }
.LBB2_73:
0x33f: {  	v20 =	vld [tilespmem:s1+$0x0];
	p2 =	sne.s32 s14, $0x1;
	s14 =	sadd.s32 $0xFFFFFFFF, s14;
	vm1 =	vmand vm1, vm2  }
.Ltmp65:
0x340: {  	s9 =	sadd.s32 $0x10, s9;
	v21 =	vnsel vm1, $0xFF61B1E6, v19;
	(pc) =	sbr.rel @p2 .LBB2_73-.Ltmp65, $2  }
0x341: {  	v19 =	vld [tilespmem:s9+$0x0];
	v18 =	vmax.f32 v18, v21;
	_ =	sdelay $0x2  }
0x342: {  	s1 =	sadd.s32 $0x10, s1;
	vm1 =	vge.s32 v20, v15;
	vm2 =	vlt.s32 v20, v16  }
.LBB2_74:
0x343: {  	vm1 =	vmand vm1, vm2  }
0x344: {  	v19 =	vnsel vm1, $0xFF61B1E6, v19  }
0x345: {  	v18 =	vmax.f32 v18, v19  }
0x346: {  	(xrf0) =	vmax.scan.msk.f32 $0xffff, v18;
	_ =	sdelay $0x5  }
0x347: {  	v18, _, _ =	vpop (xrf0)  }
0x348: {  	(v2sf) =	vpush v18, $0xF;
	_ =	sdelay $0x8  }
0x349: {  	s1 =	simm.s32 $0x2200  }
0x34a: {  	s14 =	simm.s32 $0x2380;
	v20 =	vld [tilespmem:s1+$0x0]  }
.Ltmp66:
0x34b: {  	v21 =	vld [tilespmem:s14+$0x0];
	(pc) =	sbr.rel @!p1 .LBB2_76-.Ltmp66, $3  }
0x34c: {  	_ =	sdelay $0x1  }
0x34d: {  	v19 =	vbroadcast v18, $0xF  }
0x34e: {  	s15 =	sadd.s32 $0xFFFFFFFF, s21;
	s1 =	simm.s32 $0x2210;
	vm1 =	vge.s32 v20, v15;
	vm2 =	vlt.s32 v20, v16;
	v18 =	vimm.s32 $0x40000000;
	s9 =	spop (v2sf)  }
.LBB2_75:
0x34f: {  	v22 =	vld [tilespmem:s1+$0x0];
	p2 =	sne.s32 s15, $0x1;
	s15 =	sadd.s32 $0xFFFFFFFF, s15;
	vm1 =	vmand vm1, vm2;
	vm2 =	veq.f32 v21, v19;
	s14 =	sadd.s32 $0x10, s14  }
.Ltmp67:
0x350: {  	v21 =	vld [tilespmem:s14+$0x0];
	vm1 =	vmand vm1, vm2;
	(pc) =	sbr.rel @p2 .LBB2_75-.Ltmp67, $4  }
0x351: {  	v20 =	vnsel vm1, $0x40000000, v20  }
0x352: {  	vm1 =	vlt.s32 v18, v20  }
0x353: {  	v18 =	vsel vm1, v18, v20  }
0x354: {  	s1 =	sadd.s32 $0x10, s1;
	vm1 =	vge.s32 v22, v15;
	vm2 =	vlt.s32 v22, v16;
	v20 =	vmov v22  }
.LBB2_76:
0x355: {  	vm1 =	vmand vm1, vm2;
	vm2 =	veq.f32 v21, v19  }
.Ltmp68:
0x356: {  	vm1 =	vmand vm1, vm2;
	(pc) =	sbr.rel .LBB2_77-.Ltmp68, $4  }
0x357: {  	v19 =	vnsel vm1, $0x40000000, v20  }
0x358: {  	vm1 =	vlt.s32 v18, v19  }
0x359: {  	v18 =	vsel vm1, v18, v19  }
0x35a: {  	v18 =	vxor.u32 $0x80000000, v18  }
.LBB2_78:
.Ltmp69:
0x35b: {  	(pc) =	sbr.rel @p2 .LBB2_96-.Ltmp69, $1  }
0x35c: {  	_ =	sdelay $0x3  }
0x35d: {  	p1 =	slt.s32 s3, $0x100  }
.Ltmp70:
0x35e: {  	_ = 	snop;
	(pc) =	sbr.rel @p1 .LBB2_86-.Ltmp70, $2  }
0x35f: {  	_ =	sdelay $0x2  }
0x360: {  	s3 =	ssub.s32 $0x63, s30  }
.LBB2_80:
0x361: {  	s1 =	ssub.s32 $0x73, s15  }
0x362: {  	s1 =	sshrl.u32 s1, $0x4  }
0x363: {  	s0 =	sadd.s32 s25, s15;
	p2 =	seq.s32 s1, $0x1  }
.Ltmp71:
0x364: {  	s0 =	sshll.u32 s0, $0x2;
	(pc) =	sbr.rel @p2 .LBB2_81-.Ltmp71, $4  }
0x365: {  	s0 =	sshra.s32 s0, $0x2  }
0x366: {  	s9 =	sadd.s32 $0xBE80, s0  }
0x367: {  	s0 =	sadd.s32 $0xB000, s0;
	v16 =	vld [tilespmem:s9+$0x0]  }
0x368: {  	v15 =	vmov s3;
	p1 =	por $0x0, $0x0;
	s1 =	sadd.s32 $0xFFFFFFFF, s1;
	v17 =	vld [tilespmem:s0+$0x0]  }
0x369: {  	_ = 	snop  }
0x36a: {  	v18 =	vor.u32 s31, v3  }
0x36b: {  	p2 =	seq.s32 s1, $0x1;
	vm1 =	vlt.s32 v18, v15  }
.Ltmp72:
0x36c: {  	v16 =	vsel vm1, v18, v16;
	(pc) =	sbr.rel @p2 .LBB2_83-.Ltmp72, $4  }
0x36d: {  	[tilespmem:s9+$0x0] =	vst v16;
	v16 =	vsel vm1, $0xCE6E6B28, v17  }
0x36e: {  	s9 =	sadd.s32 $0x10, s9;
	[tilespmem:s0+$0x0] =	vst v16  }
0x36f: {  	s0 =	sadd.s32 $0x10, s0;
	v16 =	vld [tilespmem:s9+$0x0]  }
0x370: {  	s1 =	sadd.s32 $0xFFFFFFFF, s1;
	p1 =	por $0x1, $0x1;
	s3 =	simm.s32 $0x0;
	v17 =	vld [tilespmem:s0+$0x0]  }
.LBB2_84:
0x371: {  	p2 =	seq.s32 s1, $0x1;
	s3 =	sadd.s32 $0x10, s3  }
0x372: {  	v18 =	vor.u32 s3, v3  }
0x373: {  	vm1 =	vlt.s32 v18, v15  }
.Ltmp73:
0x374: {  	v16 =	vsel vm1, v18, v16;
	(pc) =	sbr.rel @!p2 .LBB2_84-.Ltmp73, $4  }
0x375: {  	[tilespmem:s9+$0x0] =	vst v16;
	v16 =	vsel vm1, $0xCE6E6B28, v17  }
0x376: {  	s9 =	sadd.s32 $0x10, s9;
	[tilespmem:s0+$0x0] =	vst v16  }
0x377: {  	s0 =	sadd.s32 $0x10, s0;
	v16 =	vld [tilespmem:s9+$0x0]  }
0x378: {  	s1 =	sadd.s32 $0xFFFFFFFF, s1;
	v17 =	vld [tilespmem:s0+$0x0]  }
.LBB2_85:
0x379: {  	s1 =	sadd.s32 @p1 $0x10, s3  }
0x37a: {  	s31 =	smov.u32 @p1 s1  }
.Ltmp74:
0x37b: {  	v18 =	vor.u32 s31, v3;
	(pc) =	sbr.rel .LBB2_96-.Ltmp74, $4  }
0x37c: {  	vm1 =	vlt.s32 v18, v15  }
0x37d: {  	v15 =	vsel vm1, v18, v16  }
0x37e: {  	[tilespmem:s9+$0x0] =	vst v15;
	v15 =	vsel vm1, $0xCE6E6B28, v17  }
0x37f: {  	[tilespmem:s0+$0x0] =	vst v15  }
.LBB2_86:
0x380: {  	[tilespmem:$0xAD00] =	vst v6  }
0x381: {  	[tilespmem:$0xAD10] =	vst v6  }
0x382: {  	[tilespmem:$0xAD20] =	vst v6  }
0x383: {  	[tilespmem:$0xAD30] =	vst v6  }
0x384: {  	[tilespmem:$0xAD40] =	vst v6  }
0x385: {  	[tilespmem:$0xAD50] =	vst v6  }
0x386: {  	[tilespmem:$0xAD60] =	vst v6  }
0x387: {  	[tilespmem:$0xAD70] =	vst v6  }
0x388: {  	[tilespmem:$0xAD80] =	vst v6  }
0x389: {  	[tilespmem:$0xAD90] =	vst v6  }
0x38a: {  	[tilespmem:$0xADA0] =	vst v6  }
0x38b: {  	[tilespmem:$0xADB0] =	vst v6  }
0x38c: {  	[tilespmem:$0xADC0] =	vst v6  }
0x38d: {  	[tilespmem:$0xADD0] =	vst v6  }
0x38e: {  	[tilespmem:$0xADE0] =	vst v6  }
0x38f: {  	[tilespmem:$0xADF0] =	vst v6  }
0x390: {  	v15 =	vld [tilespmem:s22+$0x0];
	_ =	sdelay $0x4  }
0x391: {  	(v2sf) =	vpush v15, $0x0;
	_ =	sdelay $0xe  }
0x392: {  	s14 =	spop (v2sf)  }
0x393: {  	s0 =	sadd.s32 $0xFFFFFFFF, s0;
	p2 =	sgt.s32 s14, $0xFF  }
0x394: {  	p1 =	sne.s32 s0, $0x0;
	v15 =	vld @!p2 [tilespmem:s14+$0xAD00]  }
.Ltmp75:
0x395: {  	_ = 	snop;
	(pc) =	sbr.rel @!p1 .LBB2_88-.Ltmp75, $4  }
0x396: {  	_ = 	snop  }
0x397: {  	v16 =	vlaneseq.u32 @!p2  }
0x398: {  	vm1 =	veq.s32 @!p2 v16, $0x0  }
0x399: {  	s9 =	smov.u32 s22;
	v15 =	vsel @!p2 vm1, $0x1, v15  }
.LBB2_87:
0x39a: {  	s0 =	sadd.s32 $0xFFFFFFFF, s0;
	[tilespmem:s14+$0xAD00] =	vst @!p2 v15;
	s9 =	sadd.s32 $0x1, s9  }
0x39b: {  	v15 =	vld [tilespmem:s9+$0x0];
	p1 =	sne.s32 s0, $0x0;
	_ =	sdelay $0x4  }
0x39c: {  	(v2sf) =	vpush v15, $0x0;
	_ =	sdelay $0xe  }
0x39d: {  	s14 =	spop (v2sf)  }
0x39e: {  	p2 =	sgt.s32 s14, $0xFF  }
0x39f: {  	v15 =	vld @!p2 [tilespmem:s14+$0xAD00];
	v16 =	vlaneseq.u32 @!p2  }
.Ltmp76:
0x3a0: {  	vm1 =	veq.s32 @!p2 v16, $0x0;
	(pc) =	sbr.rel @p1 .LBB2_87-.Ltmp76, $2  }
0x3a1: {  	_ =	sdelay $0x2  }
0x3a2: {  	v15 =	vsel @!p2 vm1, $0x1, v15  }
.LBB2_88:
0x3a3: {  	[tilespmem:s14+$0xAD00] =	vst @!p2 v15;
	s0 =	simm.s32 $0xAD00  }
0x3a4: {  	v15 =	vld [tilespmem:s0+$0x0];
	_ =	sdelay $0x4  }
0x3a5: {  	s0 =	simm.s32 $0x0;
	vm1 =	veq.s32 v15, $0x0  }
0x3a6: {  	v15 =	vor.u32 s0, v3;
	v16 =	vmpcnt.ones.xlane vm1  }
0x3a7: {  	(xrf1) =	vsort.ascd.msk.u32 vm1, v4, v15  }
0x3a8: {  	(v2sf) =	vpush v16, $0x0;
	_ =	sdelay $0xc  }
0x3a9: {  	_, v15, _ =	vpop (xrf1)  }
0x3aa: {  	s16 =	simm.s32 $0xAD10;
	[tilespmem:s0+$0xAE80] =	vst v15  }
0x3ab: {  	s9 =	simm.s32 $0x10;
	s31 =	simm.s32 $0x20;
	v15 =	vld [tilespmem:s16+$0x0];
	s1 =	spop (v2sf)  }
.LBB2_89:
0x3ac: {  	p1 =	sne.s32 s31, $0xF0  }
0x3ad: {  	s0 =	sadd.s32 s0, s1;
	s1 =	smov.u32 s31;
	s31 =	sadd.s32 $0x10, s31  }
0x3ae: {  	_ =	sdelay $0x1  }
0x3af: {  	vm1 =	veq.s32 v15, $0x0;
	v15 =	vor.u32 s9, v3;
	s9 =	smov.u32 s1  }
0x3b0: {  	v16 =	vmpcnt.ones.xlane vm1;
	(xrf1) =	vsort.ascd.msk.u32 vm1, v4, v15;
	_ =	sdelay $0x1  }
0x3b1: {  	(v2sf) =	vpush v16, $0x0;
	_ =	sdelay $0xa  }
.Ltmp77:
0x3b2: {  	(pc) =	sbr.rel @p1 .LBB2_89-.Ltmp77, $4  }
0x3b3: {  	_, v15, _ =	vpop (xrf1)  }
0x3b4: {  	s16 =	sadd.s32 $0x10, s16;
	[tilespmem:s0+$0xAE80] =	vst v15  }
0x3b5: {  	v15 =	vld [tilespmem:s16+$0x0]  }
0x3b6: {  	s1 =	spop (v2sf)  }
0x3b7: {  	_ =	sdelay $0x2  }
0x3b8: {  	vm1 =	veq.s32 v15, $0x0;
	v15 =	vor.u32 s9, v3  }
0x3b9: {  	(xrf1) =	vsort.ascd.msk.u32 vm1, v4, v15  }
0x3ba: {  	v16 =	vmpcnt.ones.xlane vm1;
	_ =	sdelay $0x1  }
0x3bb: {  	(v2sf) =	vpush v16, $0x0;
	_ =	sdelay $0x7  }
0x3bc: {  	s18 =	ssub.s32 $0x72, s30  }
0x3bd: {  	s30 =	sshrl.u32 s18, $0x4  }
0x3be: {  	p2 =	sne.s32 s30, $0x1  }
.Ltmp78:
0x3bf: {  	s0 =	sadd.s32 s0, s1;
	_, v15, _ =	vpop (xrf1);
	(pc) =	sbr.rel @!p2 .LBB2_91-.Ltmp78, $4  }
0x3c0: {  	s29 =	simm.s32 $0xAE80;
	[tilespmem:s0+$0xAE80] =	vst v15  }
0x3c1: {  	v16 =	vld [tilespmem:s29+$0x0]  }
0x3c2: {  	p1 =	por $0x0, $0x0;
	v17 =	vld [tilespmem:s19+$0x0]  }
0x3c3: {  	s1 =	sadd.s32 $0xFFFFFFFF, s30;
	v15 =	vadd.s32 s3, v8;
	s0 =	simm.s32 $0x0;
	v18 =	vld [tilespmem:s28+$0x0];
	s31 =	spop (v2sf)  }
0x3c4: {  	_ = 	snop  }
0x3c5: {  	v19 =	vmov s0  }
0x3c6: {  	vm1 =	vlt.s32 v19, v15  }
0x3c7: {  	p2 =	sne.s32 s1, $0x1;
	v16 =	vsel vm1, v16, v17  }
.Ltmp79:
0x3c8: {  	[tilespmem:s19+$0x0] =	vst v16;
	v16 =	vsel vm1, $0xCE6E6B28, v18;
	(pc) =	sbr.rel @!p2 .LBB2_93-.Ltmp79, $4  }
0x3c9: {  	s3 =	simm.s32 $0xAE90;
	[tilespmem:s28+$0x0] =	vst v16  }
0x3ca: {  	s19 =	sadd.s32 $0x10, s19;
	v16 =	vld [tilespmem:s3+$0x0]  }
0x3cb: {  	s28 =	sadd.s32 $0x10, s28;
	v17 =	vld [tilespmem:s19+$0x0]  }
0x3cc: {  	s14 =	sadd.s32 $0xFFFFFFFF, s1;
	p1 =	por $0x1, $0x1;
	s9 =	simm.s32 $0x0;
	v18 =	vld [tilespmem:s28+$0x0]  }
.LBB2_94:
0x3cd: {  	p2 =	sne.s32 s14, $0x1;
	s9 =	sadd.s32 $0x10, s9  }
0x3ce: {  	v19 =	vmov s9  }
0x3cf: {  	vm1 =	vlt.s32 v19, v15  }
0x3d0: {  	v16 =	vsel vm1, v16, v17  }
.Ltmp80:
0x3d1: {  	[tilespmem:s19+$0x0] =	vst v16;
	v16 =	vsel vm1, $0xCE6E6B28, v18;
	(pc) =	sbr.rel @p2 .LBB2_94-.Ltmp80, $4  }
0x3d2: {  	s3 =	sadd.s32 $0x10, s3;
	[tilespmem:s28+$0x0] =	vst v16  }
0x3d3: {  	s19 =	sadd.s32 $0x10, s19;
	v16 =	vld [tilespmem:s3+$0x0]  }
0x3d4: {  	s28 =	sadd.s32 $0x10, s28;
	v17 =	vld [tilespmem:s19+$0x0]  }
0x3d5: {  	s14 =	sadd.s32 $0xFFFFFFFF, s14;
	v18 =	vld [tilespmem:s28+$0x0]  }
.LBB2_95:
0x3d6: {  	s1 =	sadd.s32 @p1 $0x10, s9  }
0x3d7: {  	s0 =	smov.u32 @p1 s1  }
.Ltmp81:
0x3d8: {  	v19 =	vmov s0;
	(pc) =	sbr.rel .LBB2_96-.Ltmp81, $4  }
0x3d9: {  	vm1 =	vlt.s32 v19, v15  }
0x3da: {  	v15 =	vsel vm1, v16, v17  }
0x3db: {  	[tilespmem:s19+$0x0] =	vst v15;
	v15 =	vsel vm1, $0xCE6E6B28, v18  }
0x3dc: {  	[tilespmem:s28+$0x0] =	vst v15  }
.LBB2_81:
.Ltmp82:
0x3dd: {  	(pc) =	sbr.rel .LBB2_85-.Ltmp82, $2  }
0x3de: {  	_ =	sdelay $0x2  }
0x3df: {  	s3 =	simm.s32 $0x0  }
.LBB2_83:
.Ltmp83:
0x3e0: {  	(pc) =	sbr.rel .LBB2_85-.Ltmp83, $2  }
0x3e1: {  	_ =	sdelay $0x2  }
0x3e2: {  	s3 =	simm.s32 $0x0  }
.LBB2_91:
.Ltmp84:
0x3e3: {  	(pc) =	sbr.rel .LBB2_95-.Ltmp84, $2  }
0x3e4: {  	_ =	sdelay $0x2  }
0x3e5: {  	s9 =	simm.s32 $0x0  }
.LBB2_93:
.Ltmp85:
0x3e6: {  	(pc) =	sbr.rel .LBB2_95-.Ltmp85, $2  }
0x3e7: {  	_ =	sdelay $0x2  }
0x3e8: {  	s9 =	simm.s32 $0x0  }
.LBB2_7:
.Ltmp86:
0x3e9: {  	(pc) =	sbr.rel .LBB2_11-.Ltmp86, $2  }
0x3ea: {  	_ =	sdelay $0x2  }
0x3eb: {  	s16 =	simm.s32 $0x0;
	s9 =	simm.s32 $0x2500  }
.LBB2_48:
.Ltmp87:
0x3ec: {  	(pc) =	sbr.rel .LBB2_59-.Ltmp87, $2  }
0x3ed: {  	_ =	sdelay $0x2  }
0x3ee: {  	s16 =	simm.s32 $0x0;
	s9 =	simm.s32 $0x2380  }
.LBB2_9:
.Ltmp88:
0x3ef: {  	(pc) =	sbr.rel .LBB2_11-.Ltmp88, $2  }
0x3f0: {  	_ =	sdelay $0x2  }
0x3f1: {  	s16 =	simm.s32 $0x0;
	s9 =	simm.s32 $0x2500  }
.LBB2_57:
.Ltmp89:
0x3f2: {  	(pc) =	sbr.rel .LBB2_59-.Ltmp89, $2  }
0x3f3: {  	_ =	sdelay $0x2  }
0x3f4: {  	s16 =	simm.s32 $0x0;
	s9 =	simm.s32 $0x2380  }
.LBB2_98:
0x3f5: {  	_ =	sfence.sel $0x180000  }
0x3f6: {  	[bflag:$0x0] =	sbarrier.arrive $0xFFFF  }
0x3f7: {  	_ =	strace $0x9000004A  }
0x3f8: {  	s0 =	stileid.u32;
	[bflag:$0x2] =	sbarrier.arrive $0xFFFF  }
0x3f9: {  	p0 =	sne.s32 s0, $0x0;
	s0 =	rddreg [dreg:$0x2]  }
0x3fa: {  	s0 =	sadd.s32 @!p0 $0x100000, s0  }
0x3fb: {  	[sflag:s0] =	ssyncadd.tile.s32 @!p0 $0x1;
	_ =	shalt  }
.Lfunc_end2:
_tile_overlayer_lowered:
.L_overlay_start_2:
0x3fc: {  	(tag) =	ssettag $0x2  }
0x3fd: {  	s0 =	rddreg [dreg:$0x0];
	s2 =	stileid.u32  }
0x3fe: {  	s1 =	rddreg [dreg:$0x1];
	p0 =	sne.s32 s2, $0x0  }
0x3ff: {  	s3 =	rddreg [dreg:$0x2];
	[bflag:$0x3] =	sbarrier.arrive $0xFFFF;
	s2 =	simm.s32 @!p0 $0x1C02  }
0x400: {  	[timem:s3], [sflag:s2] =	dma.local @!p0 [hbm:s0], s1  }
0x401: {  	s0 =	simm.s32 @!p0 $0x2  }
0x402: {  	_ =	swait.ge @!p0 [sflag:s0], s1  }
0x403: {  	s1 =	ssub.s32 @!p0 $0x0, s1;
	[sflag:s0] =	ssyncset.done @!p0 $0x0  }
0x404: {  	[sflag:s0] =	ssyncadd.s32 @!p0 s1  }
0x405: {  	[bflag:$0x3] =	sbarrier.arrive $0xFFFF  }
0x406: {  	_ =	shalt  }

</sc_bundles>
